<compile_context>
chip_gen: v7x
topology: tpu7x:2x2x1
jax: 0.10.2.dev20260603
libtpu: 0.0.44.dev20260713+nightly
codegen_flags: <defaults>
</compile_context>

<pallas_src>
import functools

import jax
import jax.numpy as jnp
from jax import lax
from jax.experimental import pallas as pl
from jax.experimental.pallas import tpu as pltpu
from jax.experimental.pallas import tpu_sc as plsc

_N = 10000
_NPAD = 10240
_E = 320000
_F = 128
_H = 128
_OUT = 64
_NC = 2
_NS = 16
_CH = 80
_WPT = 128
_WPH = 64
_EROWS = _NC * _NS * _WPT
_EPAD = _EROWS * _CH
_ROWS_PT = _NPAD // _NS
_MBLK = 128
_CW = 128


def _seg_body(p, src, dst, zeros, out,
              srcs, dsts, rows0, rows1, rows2, acc,
              sg0, sg1, sg2, ss0, ss1, ss2):
    c = lax.axis_index("c")
    s = lax.axis_index("s")
    t = c * _NS + s

    pltpu.sync_copy(zeros, acc.at[pl.ds(s * _ROWS_PT, _ROWS_PT)])
    plsc.subcore_barrier()

    rows = (rows0, rows1, rows2)
    sg = (sg0, sg1, sg2)
    ss = (ss0, ss1, ss2)

    def _gather(g, b):
        return pltpu.async_copy(p.at[srcs.at[g]], rows[b], sg[b])

    def _scatter(g, b):
        return pltpu.async_copy(rows[b], acc.at[dsts.at[g]], ss[b],
                                add=True)

    def _step(g, b, issue_ahead):
        pltpu.make_async_copy(p.at[srcs.at[g]], rows[b], sg[b]).wait()
        _scatter(g, b)
        pltpu.make_async_copy(rows[(b - 1) % 3],
                              acc.at[dsts.at[g - 1]], ss[(b - 1) % 3]).wait()
        if issue_ahead:
            _gather(g + 2, (b + 2) % 3)

    for ph in range(2):
        row0 = t * _WPT + ph * _WPH
        pltpu.sync_copy(src.at[pl.ds(row0, _WPH)], srcs)
        pltpu.sync_copy(dst.at[pl.ds(row0, _WPH)], dsts)

        _gather(0, 0)
        _gather(1, 1)
        pltpu.make_async_copy(p.at[srcs.at[0]], rows0, sg0).wait()
        _scatter(0, 0)
        _gather(2, 2)

        def _triple(i, _):
            g = 3 * i + 1
            _step(g, 1, True)
            _step(g + 1, 2, True)
            _step(g + 2, 0, True)
            return 0

        lax.fori_loop(0, (_WPH - 4) // 3, _triple, 0)

        _step(_WPH - 3, (_WPH - 3) % 3, True)
        _step(_WPH - 2, (_WPH - 2) % 3, False)
        _step(_WPH - 1, (_WPH - 1) % 3, False)
        b = (_WPH - 1) % 3
        pltpu.make_async_copy(rows[b], acc.at[dsts.at[_WPH - 1]],
                              ss[b]).wait()

    plsc.subcore_barrier()
    pltpu.sync_copy(acc.at[pl.ds(s * _ROWS_PT, _ROWS_PT)],
                    out.at[c, pl.ds(s * _ROWS_PT, _ROWS_PT)])


def _cnt_body(dst, ones, zeros, out, dsts, ones_v, acc, ss):
    c = lax.axis_index("c")
    s = lax.axis_index("s")
    t = c * _NS + s

    pltpu.sync_copy(ones, ones_v)
    pltpu.sync_copy(zeros, acc.at[pl.ds(s * _ROWS_PT, _ROWS_PT)])
    pltpu.sync_copy(dst.at[pl.ds(t * _WPT, _WPT)], dsts)
    plsc.subcore_barrier()

    def _grp(i, _):
        for j in range(8):
            pltpu.async_copy(ones_v, acc.at[dsts.at[8 * i + j]], ss,
                             add=True)
        for j in range(8):
            pltpu.make_async_copy(ones_v, acc.at[dsts.at[8 * i + j]],
                                  ss).wait()
        return 0

    lax.fori_loop(0, _WPT // 8, _grp, 0)
    plsc.subcore_barrier()
    pltpu.sync_copy(acc.at[pl.ds(s * _ROWS_PT, _ROWS_PT)],
                    out.at[c, pl.ds(s * _ROWS_PT, _ROWS_PT)])


@functools.cache
def _seg_call():
    mesh = plsc.VectorSubcoreMesh(core_axis_name="c", subcore_axis_name="s",
                                  num_cores=_NC, num_subcores=_NS)
    return pl.kernel(
        _seg_body,
        out_type=jax.ShapeDtypeStruct((_NC, _NPAD, _H), jnp.float32),
        mesh=mesh,
        scratch_types=[
            pltpu.VMEM((_WPH, _CH), jnp.int32),
            pltpu.VMEM((_WPH, _CH), jnp.int32),
            pltpu.VMEM((_CH, _H), jnp.float32),
            pltpu.VMEM((_CH, _H), jnp.float32),
            pltpu.VMEM((_CH, _H), jnp.float32),
            pltpu.VMEM_SHARED((_NPAD, _H), jnp.float32),
            pltpu.SemaphoreType.DMA,
            pltpu.SemaphoreType.DMA,
            pltpu.SemaphoreType.DMA,
            pltpu.SemaphoreType.DMA,
            pltpu.SemaphoreType.DMA,
            pltpu.SemaphoreType.DMA,
        ],
    )


@functools.cache
def _cnt_call():
    mesh = plsc.VectorSubcoreMesh(core_axis_name="c", subcore_axis_name="s",
                                  num_cores=_NC, num_subcores=_NS)
    return pl.kernel(
        _cnt_body,
        out_type=jax.ShapeDtypeStruct((_NC, _NPAD, _CW), jnp.float32),
        mesh=mesh,
        scratch_types=[
            pltpu.VMEM((_WPT, _CH), jnp.int32),
            pltpu.VMEM((_CH, _CW), jnp.float32),
            pltpu.VMEM_SHARED((_NPAD, _CW), jnp.float32),
            pltpu.SemaphoreType.DMA,
        ],
    )


def _mm_p_kernel(h_ref, w_ref, o_ref):
    o_ref[...] = jnp.dot(h_ref[...], w_ref[...],
                         preferred_element_type=jnp.float32)


def _mm_p(h, wl):
    return pl.pallas_call(
        _mm_p_kernel,
        grid=(_NPAD // _MBLK,),
        in_specs=[
            pl.BlockSpec((_MBLK, _H), lambda i: (i, 0)),
            pl.BlockSpec((_H, _H), lambda i: (0, 0)),
        ],
        out_specs=pl.BlockSpec((_MBLK, _H), lambda i: (i, 0)),
        out_shape=jax.ShapeDtypeStruct((_NPAD, _H), jnp.float32),
    )(h, wl)


def _combine_proj_kernel(s0, s1, c0, c1, h, wr, bl, wl_n, h_ref, p_ref):
    cnt = c0[:, 0:1] + c1[:, 0:1]
    inv = 1.0 / jnp.maximum(cnt, 1.0)
    mean = (s0[...] + s1[...]) * inv
    mm = jnp.dot(h[...], wr[...], preferred_element_type=jnp.float32)
    hn = jnp.maximum(mean + mm + bl[...], 0.0)
    h_ref[...] = hn
    p_ref[...] = jnp.dot(hn, wl_n[...], preferred_element_type=jnp.float32)


def _combine_proj(s0, s1, c0, c1, h, wr, bl, wl_n):
    return pl.pallas_call(
        _combine_proj_kernel,
        grid=(_NPAD // _MBLK,),
        in_specs=[
            pl.BlockSpec((_MBLK, _H), lambda i: (i, 0)),
            pl.BlockSpec((_MBLK, _H), lambda i: (i, 0)),
            pl.BlockSpec((_MBLK, _CW), lambda i: (i, 0)),
            pl.BlockSpec((_MBLK, _CW), lambda i: (i, 0)),
            pl.BlockSpec((_MBLK, _H), lambda i: (i, 0)),
            pl.BlockSpec((_H, _H), lambda i: (0, 0)),
            pl.BlockSpec((1, _H), lambda i: (0, 0)),
            pl.BlockSpec((_H, _H), lambda i: (0, 0)),
        ],
        out_specs=[
            pl.BlockSpec((_MBLK, _H), lambda i: (i, 0)),
            pl.BlockSpec((_MBLK, _H), lambda i: (i, 0)),
        ],
        out_shape=[
            jax.ShapeDtypeStruct((_NPAD, _H), jnp.float32),
            jax.ShapeDtypeStruct((_NPAD, _H), jnp.float32),
        ],
    )(s0, s1, c0, c1, h, wr, bl, wl_n)


def _combine_fc_kernel(s0, s1, c0, c1, h, wr, bl, h1, h2,
                       w1, w2, w3, b, o_ref):
    cnt = c0[:, 0:1] + c1[:, 0:1]
    inv = 1.0 / jnp.maximum(cnt, 1.0)
    mean = (s0[...] + s1[...]) * inv
    mm = jnp.dot(h[...], wr[...], preferred_element_type=jnp.float32)
    h3 = jnp.maximum(mean + mm + bl[...], 0.0)
    acc = jnp.dot(h1[...], w1[...], preferred_element_type=jnp.float32)
    acc += jnp.dot(h2[...], w2[...], preferred_element_type=jnp.float32)
    acc += jnp.dot(h3, w3[...], preferred_element_type=jnp.float32)
    o_ref[...] = acc + b[...]


def _combine_fc(s0, s1, c0, c1, h, wr, bl, h1, h2, w1, w2, w3, b):
    return pl.pallas_call(
        _combine_fc_kernel,
        grid=(_NPAD // _MBLK,),
        in_specs=[
            pl.BlockSpec((_MBLK, _H), lambda i: (i, 0)),
            pl.BlockSpec((_MBLK, _H), lambda i: (i, 0)),
            pl.BlockSpec((_MBLK, _CW), lambda i: (i, 0)),
            pl.BlockSpec((_MBLK, _CW), lambda i: (i, 0)),
            pl.BlockSpec((_MBLK, _H), lambda i: (i, 0)),
            pl.BlockSpec((_H, _H), lambda i: (0, 0)),
            pl.BlockSpec((1, _H), lambda i: (0, 0)),
            pl.BlockSpec((_MBLK, _H), lambda i: (i, 0)),
            pl.BlockSpec((_MBLK, _H), lambda i: (i, 0)),
            pl.BlockSpec((_H, _OUT), lambda i: (0, 0)),
            pl.BlockSpec((_H, _OUT), lambda i: (0, 0)),
            pl.BlockSpec((_H, _OUT), lambda i: (0, 0)),
            pl.BlockSpec((1, _OUT), lambda i: (0, 0)),
        ],
        out_specs=pl.BlockSpec((_MBLK, _OUT), lambda i: (i, 0)),
        out_shape=jax.ShapeDtypeStruct((_NPAD, _OUT), jnp.float32),
    )(s0, s1, c0, c1, h, wr, bl, h1, h2, w1, w2, w3, b)


def kernel(x, edge_index, Wl0, bl0, Wr0, Wl1, bl1, Wr1, Wl2, bl2, Wr2,
           W_fc, b_fc):
    fill = _N + jnp.arange(_EPAD - _E, dtype=jnp.int32) % (_NPAD - _N)
    src2d = jnp.concatenate([edge_index[0], fill]).reshape(_EROWS, _CH)
    dst2d = jnp.concatenate([edge_index[1], fill]).reshape(_EROWS, _CH)

    xpad = jnp.pad(x, ((0, _NPAD - _N), (0, 0)))
    zeros_h = jnp.zeros((_ROWS_PT, _H), jnp.float32)
    zeros_c = jnp.zeros((_ROWS_PT, _CW), jnp.float32)
    ones_c = jnp.ones((_CH, _CW), jnp.float32)

    cnt = _cnt_call()(dst2d, ones_c, zeros_c)

    p = _mm_p(xpad, Wl0)
    ssum = _seg_call()(p, src2d, dst2d, zeros_h)
    h1, p = _combine_proj(ssum[0], ssum[1], cnt[0], cnt[1], xpad, Wr0,
                          bl0.reshape(1, _H), Wl1)
    ssum = _seg_call()(p, src2d, dst2d, zeros_h)
    h2, p = _combine_proj(ssum[0], ssum[1], cnt[0], cnt[1], h1, Wr1,
                          bl1.reshape(1, _H), Wl2)
    ssum = _seg_call()(p, src2d, dst2d, zeros_h)
    out = _combine_fc(ssum[0], ssum[1], cnt[0], cnt[1], h2, Wr2,
                      bl2.reshape(1, _H), h1, h2, W_fc[0:_H],
                      W_fc[_H:2 * _H], W_fc[2 * _H:3 * _H],
                      b_fc.reshape(1, _OUT))
    return out[:_N]

# --- scband reference (transcript-rebuilt; emitter-appended) ---
"""Pipeline reference for scband-sage-gnn-87256555585790 (READ-ONLY COPY).

The authoritative reference and input builder live on the scoring server;
editing this copy changes nothing except your own understanding.
"""

import jax, jax.numpy as jnp
import numpy as np

N = 10000
E = 320000
F = 128
H = 128
OUT = 64
DEPTH = 3


def setup_inputs(seed: int = 0) -> dict:
    key = jax.random.key(seed)
    ks = jax.random.split(key, 16)
    inp = {}
    inp['x'] = jax.random.normal(ks[0], (N, F), dtype=jnp.float32)
    inp['edge_index'] = jax.random.randint(ks[1], (2, E), 0, N, dtype=jnp.int32)
    # SAGEConv params: lin_l (aggregated neighbors, with bias), lin_r (root, no bias)
    dims = [F, H, H]
    ki = 2
    for i in range(DEPTH):
        d_in = dims[i]
        s = 1.0 / np.sqrt(d_in)
        inp[f'Wl{i}'] = jax.random.uniform(ks[ki], (d_in, H), dtype=jnp.float32, minval=-s, maxval=s); ki += 1
        inp[f'bl{i}'] = jax.random.uniform(ks[ki], (H,), dtype=jnp.float32, minval=-s, maxval=s); ki += 1
        inp[f'Wr{i}'] = jax.random.uniform(ks[ki], (d_in, H), dtype=jnp.float32, minval=-s, maxval=s); ki += 1
    s = 1.0 / np.sqrt(DEPTH * H)
    inp['W_fc'] = jax.random.uniform(ks[ki], (DEPTH * H, OUT), dtype=jnp.float32, minval=-s, maxval=s); ki += 1
    inp['b_fc'] = jax.random.uniform(ks[ki], (OUT,), dtype=jnp.float32, minval=-s, maxval=s)
    return inp


def _sage_conv(h, src, dst, Wl, bl, Wr):
    # mean aggregation of neighbor messages (src -> dst), then lin_l(agg) + lin_r(root)
    agg = jax.ops.segment_sum(h[src], dst, num_segments=N)
    cnt = jax.ops.segment_sum(jnp.ones((E,), dtype=h.dtype), dst, num_segments=N)
    mean = agg / jnp.maximum(cnt, 1.0)[:, None]
    return mean @ Wl + bl + h @ Wr


def reference(x, edge_index, Wl0, bl0, Wr0, Wl1, bl1, Wr1, Wl2, bl2, Wr2, W_fc, b_fc):
    src = edge_index[0]
    dst = edge_index[1]
    Wls = [Wl0, Wl1, Wl2]
    bls = [bl0, bl1, bl2]
    Wrs = [Wr0, Wr1, Wr2]
    h = x
    intermediates = []
    for i in range(DEPTH):
        h = _sage_conv(h, src, dst, Wls[i], bls[i], Wrs[i])
        h = jax.nn.relu(h)
        # dropout_rate = 0.0 (eval mode) -> identity
        intermediates.append(h)
    # JumpingKnowledge mode='cat'
    jk = jnp.concatenate(intermediates, axis=-1)
    out = jk @ W_fc + b_fc
    return out

if __name__ == "__main__":
    import jax
    _d = setup_inputs()
    print(jax.jit(kernel)(*tuple(_d.values())))

</pallas_src>

<mosaic_0001>
#map = affine_map<(d0, d1) -> (0, 0)>
#map1 = affine_map<(d0, d1) -> (0, 0, 0)>
module attributes {stable_mosaic.version = 14 : i64} {
  func.func @_seg_body(%arg0: i32, %arg1: i32, %arg2: memref<10240x128xf32, #tpu.memory_space<hbm>>, %arg3: memref<4096x80xi32, #tpu.memory_space<hbm>>, %arg4: memref<4096x80xi32, #tpu.memory_space<hbm>>, %arg5: memref<640x128xf32, #tpu.memory_space<hbm>>, %arg6: memref<2x10240x128xf32, #tpu.memory_space<hbm>>, %arg7: memref<64x80xi32, #tpu.memory_space<vmem>>, %arg8: memref<64x80xi32, #tpu.memory_space<vmem>>, %arg9: memref<80x128xf32, #tpu.memory_space<vmem>>, %arg10: memref<80x128xf32, #tpu.memory_space<vmem>>, %arg11: memref<80x128xf32, #tpu.memory_space<vmem>>, %arg12: memref<10240x128xf32, #tpu.memory_space<vmem_shared>>, %arg13: memref<!tpu.dma_semaphore, #tpu.memory_space<semaphore_mem>>, %arg14: memref<!tpu.dma_semaphore, #tpu.memory_space<semaphore_mem>>, %arg15: memref<!tpu.dma_semaphore, #tpu.memory_space<semaphore_mem>>, %arg16: memref<!tpu.dma_semaphore, #tpu.memory_space<semaphore_mem>>, %arg17: memref<!tpu.dma_semaphore, #tpu.memory_space<semaphore_mem>>, %arg18: memref<!tpu.dma_semaphore, #tpu.memory_space<semaphore_mem>>) attributes {dimension_semantics = [#tpu.dimension_semantics<core_parallel>, #tpu.dimension_semantics<subcore_parallel>], iteration_bounds = array<i64: 2, 16>, scalar_prefetch = 0 : i64, scratch_operands = 12 : i64, tpu.core_type = #tpu.core_type<sc_vector_subcore>, window_params = [{transform_indices = #map}, {transform_indices = #map}, {transform_indices = #map}, {transform_indices = #map}, {transform_indices = #map1}]} {
    %mul3A = arith.constant 16 : i32
    %mul3A_0 = arith.muli %arg0, %mul3A : i32
    %add3A = arith.addi %mul3A_0, %arg1 : i32
    %mul3A_1 = arith.constant 640 : i32
    %mul3A_2 = arith.muli %arg1, %mul3A_1 : i32
    "tpu.region"() ({
      %run_scoped3A = tpu.sem_alloc : memref<!tpu.dma_semaphore, #tpu.memory_space<semaphore_mem>>
      %dma_start3A_251 = arith.constant 0 : i32
      %dma_start3A_252 = tpu.memref_slice %arg12[%mul3A_2, %dma_start3A_251] : memref<10240x128xf32, #tpu.memory_space<vmem_shared>> -> memref<640x128xf32, #tpu.memory_space<vmem_shared>>
      tpu.enqueue_dma source(%arg5 : memref<640x128xf32, #tpu.memory_space<hbm>>) target(%dma_start3A_252 : memref<640x128xf32, #tpu.memory_space<vmem_shared>>) target_semaphore(%run_scoped3A : memref<!tpu.dma_semaphore, #tpu.memory_space<semaphore_mem>>)
      %dma_wait3A_253 = arith.constant 0 : i32
      %dma_wait3A_254 = tpu.memref_slice %arg12[%mul3A_2, %dma_wait3A_253] : memref<10240x128xf32, #tpu.memory_space<vmem_shared>> -> memref<640x128xf32, #tpu.memory_space<vmem_shared>>
      tpu.wait_dma2 semaphore(%run_scoped3A : memref<!tpu.dma_semaphore, #tpu.memory_space<semaphore_mem>>) src(%arg5 : memref<640x128xf32, #tpu.memory_space<hbm>>) dst(%dma_wait3A_254 : memref<640x128xf32, #tpu.memory_space<vmem_shared>>)
      tpu.yield
    }) : () -> ()
    %barrier3A = arith.constant 0 : index
    tpu.barrier barrier_id(%barrier3A)
    %mul3A_3 = arith.constant 128 : i32
    %mul3A_4 = arith.muli %add3A, %mul3A_3 : i32
    %add3A_5 = arith.constant 0 : i32
    %add3A_6 = arith.addi %mul3A_4, %add3A_5 : i32
    "tpu.region"() ({
      %run_scoped3A = tpu.sem_alloc : memref<!tpu.dma_semaphore, #tpu.memory_space<semaphore_mem>>
      %dma_start3A_251 = arith.constant 0 : i32
      %dma_start3A_252 = tpu.memref_slice %arg3[%add3A_6, %dma_start3A_251] : memref<4096x80xi32, #tpu.memory_space<hbm>> -> memref<64x80xi32, #tpu.memory_space<hbm>>
      %dma_start3A_253 = arith.constant 0 : i32
      %dma_start3A_254 = tpu.memref_slice %arg3[%add3A_6, %dma_start3A_253] : memref<4096x80xi32, #tpu.memory_space<hbm>> -> memref<64x80xi32, #tpu.memory_space<hbm>>
      tpu.enqueue_dma source(%dma_start3A_254 : memref<64x80xi32, #tpu.memory_space<hbm>>) target(%arg7 : memref<64x80xi32, #tpu.memory_space<vmem>>) target_semaphore(%run_scoped3A : memref<!tpu.dma_semaphore, #tpu.memory_space<semaphore_mem>>)
      %dma_wait3A_255 = arith.constant 0 : i32
      %dma_wait3A_256 = tpu.memref_slice %arg3[%add3A_6, %dma_wait3A_255] : memref<4096x80xi32, #tpu.memory_space<hbm>> -> memref<64x80xi32, #tpu.memory_space<hbm>>
      %dma_wait3A_257 = arith.constant 0 : i32
      %dma_wait3A_258 = tpu.memref_slice %arg3[%add3A_6, %dma_wait3A_257] : memref<4096x80xi32, #tpu.memory_space<hbm>> -> memref<64x80xi32, #tpu.memory_space<hbm>>
      tpu.wait_dma2 semaphore(%run_scoped3A : memref<!tpu.dma_semaphore, #tpu.memory_space<semaphore_mem>>) src(%dma_wait3A_258 : memref<64x80xi32, #tpu.memory_space<hbm>>) dst(%arg7 : memref<64x80xi32, #tpu.memory_space<vmem>>)
      tpu.yield
    }) : () -> ()
    "tpu.region"() ({
      %run_scoped3A = tpu.sem_alloc : memref<!tpu.dma_semaphore, #tpu.memory_space<semaphore_mem>>
      %dma_start3A_251 = arith.constant 0 : i32
      %dma_start3A_252 = tpu.memref_slice %arg4[%add3A_6, %dma_start3A_251] : memref<4096x80xi32, #tpu.memory_space<hbm>> -> memref<64x80xi32, #tpu.memory_space<hbm>>
      %dma_start3A_253 = arith.constant 0 : i32
      %dma_start3A_254 = tpu.memref_slice %arg4[%add3A_6, %dma_start3A_253] : memref<4096x80xi32, #tpu.memory_space<hbm>> -> memref<64x80xi32, #tpu.memory_space<hbm>>
      tpu.enqueue_dma source(%dma_start3A_254 : memref<64x80xi32, #tpu.memory_space<hbm>>) target(%arg8 : memref<64x80xi32, #tpu.memory_space<vmem>>) target_semaphore(%run_scoped3A : memref<!tpu.dma_semaphore, #tpu.memory_space<semaphore_mem>>)
      %dma_wait3A_255 = arith.constant 0 : i32
      %dma_wait3A_256 = tpu.memref_slice %arg4[%add3A_6, %dma_wait3A_255] : memref<4096x80xi32, #tpu.memory_space<hbm>> -> memref<64x80xi32, #tpu.memory_space<hbm>>
      %dma_wait3A_257 = arith.constant 0 : i32
      %dma_wait3A_258 = tpu.memref_slice %arg4[%add3A_6, %dma_wait3A_257] : memref<4096x80xi32, #tpu.memory_space<hbm>> -> memref<64x80xi32, #tpu.memory_space<hbm>>
      tpu.wait_dma2 semaphore(%run_scoped3A : memref<!tpu.dma_semaphore, #tpu.memory_space<semaphore_mem>>) src(%dma_wait3A_258 : memref<64x80xi32, #tpu.memory_space<hbm>>) dst(%arg8 : memref<64x80xi32, #tpu.memory_space<vmem>>)
      tpu.yield
    }) : () -> ()
    %dma_start3A = arith.constant 0 : i32
    %dma_start3A_7 = arith.constant 0 : i32
    %dma_start3A_8 = tpu.memref_slice %arg7[%dma_start3A, %dma_start3A_7] : memref<64x80xi32, #tpu.memory_space<vmem>> -> memref<1x80xi32, #tpu.memory_space<vmem>>
    %dma_start3A_9 = tpu.memref_squeeze %dma_start3A_8 : memref<1x80xi32, #tpu.memory_space<vmem>> -> memref<80xi32, #tpu.memory_space<vmem>>
    %dma_start3A_10 = arith.constant 0 : i32
    %dma_start3A_11 = arith.constant 0 : i32
    %dma_start3A_12 = tpu.memref_slice %arg2[%dma_start3A_10, %dma_start3A_11] : memref<10240x128xf32, #tpu.memory_space<hbm>> -> memref<10240x128xf32, #tpu.memory_space<hbm>>
    tpu.enqueue_indirect_dma source(%dma_start3A_12 : memref<10240x128xf32, #tpu.memory_space<hbm>>) target(%arg9 : memref<80x128xf32, #tpu.memory_space<vmem>>) offsets(%dma_start3A_9 : memref<80xi32, #tpu.memory_space<vmem>>) semaphore(%arg13 : memref<!tpu.dma_semaphore, #tpu.memory_space<semaphore_mem>>)
    %dma_start3A_13 = arith.constant 1 : i32
    %dma_start3A_14 = arith.constant 0 : i32
    %dma_start3A_15 = tpu.memref_slice %arg7[%dma_start3A_13, %dma_start3A_14] : memref<64x80xi32, #tpu.memory_space<vmem>> -> memref<1x80xi32, #tpu.memory_space<vmem>>
    %dma_start3A_16 = tpu.memref_squeeze %dma_start3A_15 : memref<1x80xi32, #tpu.memory_space<vmem>> -> memref<80xi32, #tpu.memory_space<vmem>>
    %dma_start3A_17 = arith.constant 0 : i32
    %dma_start3A_18 = arith.constant 0 : i32
    %dma_start3A_19 = tpu.memref_slice %arg2[%dma_start3A_17, %dma_start3A_18] : memref<10240x128xf32, #tpu.memory_space<hbm>> -> memref<10240x128xf32, #tpu.memory_space<hbm>>
    tpu.enqueue_indirect_dma source(%dma_start3A_19 : memref<10240x128xf32, #tpu.memory_space<hbm>>) target(%arg10 : memref<80x128xf32, #tpu.memory_space<vmem>>) offsets(%dma_start3A_16 : memref<80xi32, #tpu.memory_space<vmem>>) semaphore(%arg14 : memref<!tpu.dma_semaphore, #tpu.memory_space<semaphore_mem>>)
    %dma_wait3A = arith.constant 0 : i32
    %dma_wait3A_20 = arith.constant 0 : i32
    %dma_wait3A_21 = tpu.memref_slice %arg7[%dma_wait3A, %dma_wait3A_20] : memref<64x80xi32, #tpu.memory_space<vmem>> -> memref<1x80xi32, #tpu.memory_space<vmem>>
    %dma_wait3A_22 = tpu.memref_squeeze %dma_wait3A_21 : memref<1x80xi32, #tpu.memory_space<vmem>> -> memref<80xi32, #tpu.memory_space<vmem>>
    %dma_wait3A_23 = arith.constant 0 : i32
    %dma_wait3A_24 = arith.constant 0 : i32
    %dma_wait3A_25 = tpu.memref_slice %arg2[%dma_wait3A_23, %dma_wait3A_24] : memref<10240x128xf32, #tpu.memory_space<hbm>> -> memref<10240x128xf32, #tpu.memory_space<hbm>>
    tpu.wait_indirect_dma semaphore(%arg13 : memref<!tpu.dma_semaphore, #tpu.memory_space<semaphore_mem>>) src(%dma_wait3A_25 : memref<10240x128xf32, #tpu.memory_space<hbm>>) dst(%arg9 : memref<80x128xf32, #tpu.memory_space<vmem>>)
    %dma_start3A_26 = arith.constant 0 : i32
    %dma_start3A_27 = arith.constant 0 : i32
    %dma_start3A_28 = tpu.memref_slice %arg8[%dma_start3A_26, %dma_start3A_27] : memref<64x80xi32, #tpu.memory_space<vmem>> -> memref<1x80xi32, #tpu.memory_space<vmem>>
    %dma_start3A_29 = tpu.memref_squeeze %dma_start3A_28 : memref<1x80xi32, #tpu.memory_space<vmem>> -> memref<80xi32, #tpu.memory_space<vmem>>
    %dma_start3A_30 = arith.constant 0 : i32
    %dma_start3A_31 = arith.constant 0 : i32
    %dma_start3A_32 = tpu.memref_slice %arg12[%dma_start3A_30, %dma_start3A_31] : memref<10240x128xf32, #tpu.memory_space<vmem_shared>> -> memref<10240x128xf32, #tpu.memory_space<vmem_shared>>
    tpu.enqueue_indirect_dma source(%arg9 : memref<80x128xf32, #tpu.memory_space<vmem>>) target(%dma_start3A_32 : memref<10240x128xf32, #tpu.memory_space<vmem_shared>>) offsets(%dma_start3A_29 : memref<80xi32, #tpu.memory_space<vmem>>) semaphore(%arg16 : memref<!tpu.dma_semaphore, #tpu.memory_space<semaphore_mem>>) {add = true}
    %dma_start3A_33 = arith.constant 2 : i32
    %dma_start3A_34 = arith.constant 0 : i32
    %dma_start3A_35 = tpu.memref_slice %arg7[%dma_start3A_33, %dma_start3A_34] : memref<64x80xi32, #tpu.memory_space<vmem>> -> memref<1x80xi32, #tpu.memory_space<vmem>>
    %dma_start3A_36 = tpu.memref_squeeze %dma_start3A_35 : memref<1x80xi32, #tpu.memory_space<vmem>> -> memref<80xi32, #tpu.memory_space<vmem>>
    %dma_start3A_37 = arith.constant 0 : i32
    %dma_start3A_38 = arith.constant 0 : i32
    %dma_start3A_39 = tpu.memref_slice %arg2[%dma_start3A_37, %dma_start3A_38] : memref<10240x128xf32, #tpu.memory_space<hbm>> -> memref<10240x128xf32, #tpu.memory_space<hbm>>
    tpu.enqueue_indirect_dma source(%dma_start3A_39 : memref<10240x128xf32, #tpu.memory_space<hbm>>) target(%arg11 : memref<80x128xf32, #tpu.memory_space<vmem>>) offsets(%dma_start3A_36 : memref<80xi32, #tpu.memory_space<vmem>>) semaphore(%arg15 : memref<!tpu.dma_semaphore, #tpu.memory_space<semaphore_mem>>)
    %scan3A = arith.constant 0 : i32
    %scan3A_40 = arith.constant 0 : i32
    %scan3A_41 = arith.constant 20 : i32
    %scan3A_42 = arith.addi %scan3A_40, %scan3A_41 : i32
    %scan3A_43 = arith.constant 1 : i32
    %scan3A_44 = scf.for %scan3A_251 = %scan3A_40 to %scan3A_42 step %scan3A_43 iter_args(%scan3A_252 = %scan3A) -> (i32)  : i32 {
      %mul3A_253 = arith.constant 3 : i32
      %mul3A_254 = arith.muli %mul3A_253, %scan3A_251 : i32
      %add3A_255 = arith.constant 1 : i32
      %add3A_256 = arith.addi %mul3A_254, %add3A_255 : i32
      %dma_wait3A_257 = arith.constant 0 : i32
      %dma_wait3A_258 = tpu.memref_slice %arg7[%add3A_256, %dma_wait3A_257] : memref<64x80xi32, #tpu.memory_space<vmem>> -> memref<1x80xi32, #tpu.memory_space<vmem>>
      %dma_wait3A_259 = tpu.memref_squeeze %dma_wait3A_258 : memref<1x80xi32, #tpu.memory_space<vmem>> -> memref<80xi32, #tpu.memory_space<vmem>>
      %dma_wait3A_260 = arith.constant 0 : i32
      %dma_wait3A_261 = arith.constant 0 : i32
      %dma_wait3A_262 = tpu.memref_slice %arg2[%dma_wait3A_260, %dma_wait3A_261] : memref<10240x128xf32, #tpu.memory_space<hbm>> -> memref<10240x128xf32, #tpu.memory_space<hbm>>
      tpu.wait_indirect_dma semaphore(%arg14 : memref<!tpu.dma_semaphore, #tpu.memory_space<semaphore_mem>>) src(%dma_wait3A_262 : memref<10240x128xf32, #tpu.memory_space<hbm>>) dst(%arg10 : memref<80x128xf32, #tpu.memory_space<vmem>>)
      %dma_start3A_263 = arith.constant 0 : i32
      %dma_start3A_264 = tpu.memref_slice %arg8[%add3A_256, %dma_start3A_263] : memref<64x80xi32, #tpu.memory_space<vmem>> -> memref<1x80xi32, #tpu.memory_space<vmem>>
      %dma_start3A_265 = tpu.memref_squeeze %dma_start3A_264 : memref<1x80xi32, #tpu.memory_space<vmem>> -> memref<80xi32, #tpu.memory_space<vmem>>
      %dma_start3A_266 = arith.constant 0 : i32
      %dma_start3A_267 = arith.constant 0 : i32
      %dma_start3A_268 = tpu.memref_slice %arg12[%dma_start3A_266, %dma_start3A_267] : memref<10240x128xf32, #tpu.memory_space<vmem_shared>> -> memref<10240x128xf32, #tpu.memory_space<vmem_shared>>
      tpu.enqueue_indirect_dma source(%arg10 : memref<80x128xf32, #tpu.memory_space<vmem>>) target(%dma_start3A_268 : memref<10240x128xf32, #tpu.memory_space<vmem_shared>>) offsets(%dma_start3A_265 : memref<80xi32, #tpu.memory_space<vmem>>) semaphore(%arg17 : memref<!tpu.dma_semaphore, #tpu.memory_space<semaphore_mem>>) {add = true}
      %sub3A = arith.constant 1 : i32
      %sub3A_269 = arith.subi %add3A_256, %sub3A : i32
      %dma_wait3A_270 = arith.constant 0 : i32
      %dma_wait3A_271 = tpu.memref_slice %arg8[%sub3A_269, %dma_wait3A_270] : memref<64x80xi32, #tpu.memory_space<vmem>> -> memref<1x80xi32, #tpu.memory_space<vmem>>
      %dma_wait3A_272 = tpu.memref_squeeze %dma_wait3A_271 : memref<1x80xi32, #tpu.memory_space<vmem>> -> memref<80xi32, #tpu.memory_space<vmem>>
      %dma_wait3A_273 = arith.constant 0 : i32
      %dma_wait3A_274 = arith.constant 0 : i32
      %dma_wait3A_275 = tpu.memref_slice %arg12[%dma_wait3A_273, %dma_wait3A_274] : memref<10240x128xf32, #tpu.memory_space<vmem_shared>> -> memref<10240x128xf32, #tpu.memory_space<vmem_shared>>
      tpu.wait_indirect_dma semaphore(%arg16 : memref<!tpu.dma_semaphore, #tpu.memory_space<semaphore_mem>>) src(%arg9 : memref<80x128xf32, #tpu.memory_space<vmem>>) dst(%dma_wait3A_275 : memref<10240x128xf32, #tpu.memory_space<vmem_shared>>)
      %add3A_276 = arith.constant 2 : i32
      %add3A_277 = arith.addi %add3A_256, %add3A_276 : i32
      %dma_start3A_278 = arith.constant 0 : i32
      %dma_start3A_279 = tpu.memref_slice %arg7[%add3A_277, %dma_start3A_278] : memref<64x80xi32, #tpu.memory_space<vmem>> -> memref<1x80xi32, #tpu.memory_space<vmem>>
      %dma_start3A_280 = tpu.memref_squeeze %dma_start3A_279 : memref<1x80xi32, #tpu.memory_space<vmem>> -> memref<80xi32, #tpu.memory_space<vmem>>
      %dma_start3A_281 = arith.constant 0 : i32
      %dma_start3A_282 = arith.constant 0 : i32
      %dma_start3A_283 = tpu.memref_slice %arg2[%dma_start3A_281, %dma_start3A_282] : memref<10240x128xf32, #tpu.memory_space<hbm>> -> memref<10240x128xf32, #tpu.memory_space<hbm>>
      tpu.enqueue_indirect_dma source(%dma_start3A_283 : memref<10240x128xf32, #tpu.memory_space<hbm>>) target(%arg9 : memref<80x128xf32, #tpu.memory_space<vmem>>) offsets(%dma_start3A_280 : memref<80xi32, #tpu.memory_space<vmem>>) semaphore(%arg13 : memref<!tpu.dma_semaphore, #tpu.memory_space<semaphore_mem>>)
      %add3A_284 = arith.constant 1 : i32
      %add3A_285 = arith.addi %add3A_256, %add3A_284 : i32
      %dma_wait3A_286 = arith.constant 0 : i32
      %dma_wait3A_287 = tpu.memref_slice %arg7[%add3A_285, %dma_wait3A_286] : memref<64x80xi32, #tpu.memory_space<vmem>> -> memref<1x80xi32, #tpu.memory_space<vmem>>
      %dma_wait3A_288 = tpu.memref_squeeze %dma_wait3A_287 : memref<1x80xi32, #tpu.memory_space<vmem>> -> memref<80xi32, #tpu.memory_space<vmem>>
      %dma_wait3A_289 = arith.constant 0 : i32
      %dma_wait3A_290 = arith.constant 0 : i32
      %dma_wait3A_291 = tpu.memref_slice %arg2[%dma_wait3A_289, %dma_wait3A_290] : memref<10240x128xf32, #tpu.memory_space<hbm>> -> memref<10240x128xf32, #tpu.memory_space<hbm>>
      tpu.wait_indirect_dma semaphore(%arg15 : memref<!tpu.dma_semaphore, #tpu.memory_space<semaphore_mem>>) src(%dma_wait3A_291 : memref<10240x128xf32, #tpu.memory_space<hbm>>) dst(%arg11 : memref<80x128xf32, #tpu.memory_space<vmem>>)
      %dma_start3A_292 = arith.constant 0 : i32
      %dma_start3A_293 = tpu.memref_slice %arg8[%add3A_285, %dma_start3A_292] : memref<64x80xi32, #tpu.memory_space<vmem>> -> memref<1x80xi32, #tpu.memory_space<vmem>>
      %dma_start3A_294 = tpu.memref_squeeze %dma_start3A_293 : memref<1x80xi32, #tpu.memory_space<vmem>> -> memref<80xi32, #tpu.memory_space<vmem>>
      %dma_start3A_295 = arith.constant 0 : i32
      %dma_start3A_296 = arith.constant 0 : i32
      %dma_start3A_297 = tpu.memref_slice %arg12[%dma_start3A_295, %dma_start3A_296] : memref<10240x128xf32, #tpu.memory_space<vmem_shared>> -> memref<10240x128xf32, #tpu.memory_space<vmem_shared>>
      tpu.enqueue_indirect_dma source(%arg11 : memref<80x128xf32, #tpu.memory_space<vmem>>) target(%dma_start3A_297 : memref<10240x128xf32, #tpu.memory_space<vmem_shared>>) offsets(%dma_start3A_294 : memref<80xi32, #tpu.memory_space<vmem>>) semaphore(%arg18 : memref<!tpu.dma_semaphore, #tpu.memory_space<semaphore_mem>>) {add = true}
      %sub3A_298 = arith.constant 1 : i32
      %sub3A_299 = arith.subi %add3A_285, %sub3A_298 : i32
      %dma_wait3A_300 = arith.constant 0 : i32
      %dma_wait3A_301 = tpu.memref_slice %arg8[%sub3A_299, %dma_wait3A_300] : memref<64x80xi32, #tpu.memory_space<vmem>> -> memref<1x80xi32, #tpu.memory_space<vmem>>
      %dma_wait3A_302 = tpu.memref_squeeze %dma_wait3A_301 : memref<1x80xi32, #tpu.memory_space<vmem>> -> memref<80xi32, #tpu.memory_space<vmem>>
      %dma_wait3A_303 = arith.constant 0 : i32
      %dma_wait3A_304 = arith.constant 0 : i32
      %dma_wait3A_305 = tpu.memref_slice %arg12[%dma_wait3A_303, %dma_wait3A_304] : memref<10240x128xf32, #tpu.memory_space<vmem_shared>> -> memref<10240x128xf32, #tpu.memory_space<vmem_shared>>
      tpu.wait_indirect_dma semaphore(%arg17 : memref<!tpu.dma_semaphore, #tpu.memory_space<semaphore_mem>>) src(%arg10 : memref<80x128xf32, #tpu.memory_space<vmem>>) dst(%dma_wait3A_305 : memref<10240x128xf32, #tpu.memory_space<vmem_shared>>)
      %add3A_306 = arith.constant 2 : i32
      %add3A_307 = arith.addi %add3A_285, %add3A_306 : i32
      %dma_start3A_308 = arith.constant 0 : i32
      %dma_start3A_309 = tpu.memref_slice %arg7[%add3A_307, %dma_start3A_308] : memref<64x80xi32, #tpu.memory_space<vmem>> -> memref<1x80xi32, #tpu.memory_space<vmem>>
      %dma_start3A_310 = tpu.memref_squeeze %dma_start3A_309 : memref<1x80xi32, #tpu.memory_space<vmem>> -> memref<80xi32, #tpu.memory_space<vmem>>
      %dma_start3A_311 = arith.constant 0 : i32
      %dma_start3A_312 = arith.constant 0 : i32
      %dma_start3A_313 = tpu.memref_slice %arg2[%dma_start3A_311, %dma_start3A_312] : memref<10240x128xf32, #tpu.memory_space<hbm>> -> memref<10240x128xf32, #tpu.memory_space<hbm>>
      tpu.enqueue_indirect_dma source(%dma_start3A_313 : memref<10240x128xf32, #tpu.memory_space<hbm>>) target(%arg10 : memref<80x128xf32, #tpu.memory_space<vmem>>) offsets(%dma_start3A_310 : memref<80xi32, #tpu.memory_space<vmem>>) semaphore(%arg14 : memref<!tpu.dma_semaphore, #tpu.memory_space<semaphore_mem>>)
      %add3A_314 = arith.constant 2 : i32
      %add3A_315 = arith.addi %add3A_256, %add3A_314 : i32
      %dma_wait3A_316 = arith.constant 0 : i32
      %dma_wait3A_317 = tpu.memref_slice %arg7[%add3A_315, %dma_wait3A_316] : memref<64x80xi32, #tpu.memory_space<vmem>> -> memref<1x80xi32, #tpu.memory_space<vmem>>
      %dma_wait3A_318 = tpu.memref_squeeze %dma_wait3A_317 : memref<1x80xi32, #tpu.memory_space<vmem>> -> memref<80xi32, #tpu.memory_space<vmem>>
      %dma_wait3A_319 = arith.constant 0 : i32
      %dma_wait3A_320 = arith.constant 0 : i32
      %dma_wait3A_321 = tpu.memref_slice %arg2[%dma_wait3A_319, %dma_wait3A_320] : memref<10240x128xf32, #tpu.memory_space<hbm>> -> memref<10240x128xf32, #tpu.memory_space<hbm>>
      tpu.wait_indirect_dma semaphore(%arg13 : memref<!tpu.dma_semaphore, #tpu.memory_space<semaphore_mem>>) src(%dma_wait3A_321 : memref<10240x128xf32, #tpu.memory_space<hbm>>) dst(%arg9 : memref<80x128xf32, #tpu.memory_space<vmem>>)
      %dma_start3A_322 = arith.constant 0 : i32
      %dma_start3A_323 = tpu.memref_slice %arg8[%add3A_315, %dma_start3A_322] : memref<64x80xi32, #tpu.memory_space<vmem>> -> memref<1x80xi32, #tpu.memory_space<vmem>>
      %dma_start3A_324 = tpu.memref_squeeze %dma_start3A_323 : memref<1x80xi32, #tpu.memory_space<vmem>> -> memref<80xi32, #tpu.memory_space<vmem>>
      %dma_start3A_325 = arith.constant 0 : i32
      %dma_start3A_326 = arith.constant 0 : i32
      %dma_start3A_327 = tpu.memref_slice %arg12[%dma_start3A_325, %dma_start3A_326] : memref<10240x128xf32, #tpu.memory_space<vmem_shared>> -> memref<10240x128xf32, #tpu.memory_space<vmem_shared>>
      tpu.enqueue_indirect_dma source(%arg9 : memref<80x128xf32, #tpu.memory_space<vmem>>) target(%dma_start3A_327 : memref<10240x128xf32, #tpu.memory_space<vmem_shared>>) offsets(%dma_start3A_324 : memref<80xi32, #tpu.memory_space<vmem>>) semaphore(%arg16 : memref<!tpu.dma_semaphore, #tpu.memory_space<semaphore_mem>>) {add = true}
      %sub3A_328 = arith.constant 1 : i32
      %sub3A_329 = arith.subi %add3A_315, %sub3A_328 : i32
      %dma_wait3A_330 = arith.constant 0 : i32
      %dma_wait3A_331 = tpu.memref_slice %arg8[%sub3A_329, %dma_wait3A_330] : memref<64x80xi32, #tpu.memory_space<vmem>> -> memref<1x80xi32, #tpu.memory_space<vmem>>
      %dma_wait3A_332 = tpu.memref_squeeze %dma_wait3A_331 : memref<1x80xi32, #tpu.memory_space<vmem>> -> memref<80xi32, #tpu.memory_space<vmem>>
      %dma_wait3A_333 = arith.constant 0 : i32
      %dma_wait3A_334 = arith.constant 0 : i32
      %dma_wait3A_335 = tpu.memref_slice %arg12[%dma_wait3A_333, %dma_wait3A_334] : memref<10240x128xf32, #tpu.memory_space<vmem_shared>> -> memref<10240x128xf32, #tpu.memory_space<vmem_shared>>
      tpu.wait_indirect_dma semaphore(%arg18 : memref<!tpu.dma_semaphore, #tpu.memory_space<semaphore_mem>>) src(%arg11 : memref<80x128xf32, #tpu.memory_space<vmem>>) dst(%dma_wait3A_335 : memref<10240x128xf32, #tpu.memory_space<vmem_shared>>)
      %add3A_336 = arith.constant 2 : i32
      %add3A_337 = arith.addi %add3A_315, %add3A_336 : i32
      %dma_start3A_338 = arith.constant 0 : i32
      %dma_start3A_339 = tpu.memref_slice %arg7[%add3A_337, %dma_start3A_338] : memref<64x80xi32, #tpu.memory_space<vmem>> -> memref<1x80xi32, #tpu.memory_space<vmem>>
      %dma_start3A_340 = tpu.memref_squeeze %dma_start3A_339 : memref<1x80xi32, #tpu.memory_space<vmem>> -> memref<80xi32, #tpu.memory_space<vmem>>
      %dma_start3A_341 = arith.constant 0 : i32
      %dma_start3A_342 = arith.constant 0 : i32
      %dma_start3A_343 = tpu.memref_slice %arg2[%dma_start3A_341, %dma_start3A_342] : memref<10240x128xf32, #tpu.memory_space<hbm>> -> memref<10240x128xf32, #tpu.memory_space<hbm>>
      tpu.enqueue_indirect_dma source(%dma_start3A_343 : memref<10240x128xf32, #tpu.memory_space<hbm>>) target(%arg11 : memref<80x128xf32, #tpu.memory_space<vmem>>) offsets(%dma_start3A_340 : memref<80xi32, #tpu.memory_space<vmem>>) semaphore(%arg15 : memref<!tpu.dma_semaphore, #tpu.memory_space<semaphore_mem>>)
      %scan3A_344 = arith.constant 0 : i32
      scf.yield %scan3A_344 : i32
    }
    %scan3A_45 = arith.constant 20 : i32
    %dma_wait3A_46 = arith.constant 61 : i32
    %dma_wait3A_47 = arith.constant 0 : i32
    %dma_wait3A_48 = tpu.memref_slice %arg7[%dma_wait3A_46, %dma_wait3A_47] : memref<64x80xi32, #tpu.memory_space<vmem>> -> memref<1x80xi32, #tpu.memory_space<vmem>>
    %dma_wait3A_49 = tpu.memref_squeeze %dma_wait3A_48 : memref<1x80xi32, #tpu.memory_space<vmem>> -> memref<80xi32, #tpu.memory_space<vmem>>
    %dma_wait3A_50 = arith.constant 0 : i32
    %dma_wait3A_51 = arith.constant 0 : i32
    %dma_wait3A_52 = tpu.memref_slice %arg2[%dma_wait3A_50, %dma_wait3A_51] : memref<10240x128xf32, #tpu.memory_space<hbm>> -> memref<10240x128xf32, #tpu.memory_space<hbm>>
    tpu.wait_indirect_dma semaphore(%arg14 : memref<!tpu.dma_semaphore, #tpu.memory_space<semaphore_mem>>) src(%dma_wait3A_52 : memref<10240x128xf32, #tpu.memory_space<hbm>>) dst(%arg10 : memref<80x128xf32, #tpu.memory_space<vmem>>)
    %dma_start3A_53 = arith.constant 61 : i32
    %dma_start3A_54 = arith.constant 0 : i32
    %dma_start3A_55 = tpu.memref_slice %arg8[%dma_start3A_53, %dma_start3A_54] : memref<64x80xi32, #tpu.memory_space<vmem>> -> memref<1x80xi32, #tpu.memory_space<vmem>>
    %dma_start3A_56 = tpu.memref_squeeze %dma_start3A_55 : memref<1x80xi32, #tpu.memory_space<vmem>> -> memref<80xi32, #tpu.memory_space<vmem>>
    %dma_start3A_57 = arith.constant 0 : i32
    %dma_start3A_58 = arith.constant 0 : i32
    %dma_start3A_59 = tpu.memref_slice %arg12[%dma_start3A_57, %dma_start3A_58] : memref<10240x128xf32, #tpu.memory_space<vmem_shared>> -> memref<10240x128xf32, #tpu.memory_space<vmem_shared>>
    tpu.enqueue_indirect_dma source(%arg10 : memref<80x128xf32, #tpu.memory_space<vmem>>) target(%dma_start3A_59 : memref<10240x128xf32, #tpu.memory_space<vmem_shared>>) offsets(%dma_start3A_56 : memref<80xi32, #tpu.memory_space<vmem>>) semaphore(%arg17 : memref<!tpu.dma_semaphore, #tpu.memory_space<semaphore_mem>>) {add = true}
    %dma_wait3A_60 = arith.constant 60 : i32
    %dma_wait3A_61 = arith.constant 0 : i32
    %dma_wait3A_62 = tpu.memref_slice %arg8[%dma_wait3A_60, %dma_wait3A_61] : memref<64x80xi32, #tpu.memory_space<vmem>> -> memref<1x80xi32, #tpu.memory_space<vmem>>
    %dma_wait3A_63 = tpu.memref_squeeze %dma_wait3A_62 : memref<1x80xi32, #tpu.memory_space<vmem>> -> memref<80xi32, #tpu.memory_space<vmem>>
    %dma_wait3A_64 = arith.constant 0 : i32
    %dma_wait3A_65 = arith.constant 0 : i32
    %dma_wait3A_66 = tpu.memref_slice %arg12[%dma_wait3A_64, %dma_wait3A_65] : memref<10240x128xf32, #tpu.memory_space<vmem_shared>> -> memref<10240x128xf32, #tpu.memory_space<vmem_shared>>
    tpu.wait_indirect_dma semaphore(%arg16 : memref<!tpu.dma_semaphore, #tpu.memory_space<semaphore_mem>>) src(%arg9 : memref<80x128xf32, #tpu.memory_space<vmem>>) dst(%dma_wait3A_66 : memref<10240x128xf32, #tpu.memory_space<vmem_shared>>)
    %dma_start3A_67 = arith.constant 63 : i32
    %dma_start3A_68 = arith.constant 0 : i32
    %dma_start3A_69 = tpu.memref_slice %arg7[%dma_start3A_67, %dma_start3A_68] : memref<64x80xi32, #tpu.memory_space<vmem>> -> memref<1x80xi32, #tpu.memory_space<vmem>>
    %dma_start3A_70 = tpu.memref_squeeze %dma_start3A_69 : memref<1x80xi32, #tpu.memory_space<vmem>> -> memref<80xi32, #tpu.memory_space<vmem>>
    %dma_start3A_71 = arith.constant 0 : i32
    %dma_start3A_72 = arith.constant 0 : i32
    %dma_start3A_73 = tpu.memref_slice %arg2[%dma_start3A_71, %dma_start3A_72] : memref<10240x128xf32, #tpu.memory_space<hbm>> -> memref<10240x128xf32, #tpu.memory_space<hbm>>
    tpu.enqueue_indirect_dma source(%dma_start3A_73 : memref<10240x128xf32, #tpu.memory_space<hbm>>) target(%arg9 : memref<80x128xf32, #tpu.memory_space<vmem>>) offsets(%dma_start3A_70 : memref<80xi32, #tpu.memory_space<vmem>>) semaphore(%arg13 : memref<!tpu.dma_semaphore, #tpu.memory_space<semaphore_mem>>)
    %dma_wait3A_74 = arith.constant 62 : i32
    %dma_wait3A_75 = arith.constant 0 : i32
    %dma_wait3A_76 = tpu.memref_slice %arg7[%dma_wait3A_74, %dma_wait3A_75] : memref<64x80xi32, #tpu.memory_space<vmem>> -> memref<1x80xi32, #tpu.memory_space<vmem>>
    %dma_wait3A_77 = tpu.memref_squeeze %dma_wait3A_76 : memref<1x80xi32, #tpu.memory_space<vmem>> -> memref<80xi32, #tpu.memory_space<vmem>>
    %dma_wait3A_78 = arith.constant 0 : i32
    %dma_wait3A_79 = arith.constant 0 : i32
    %dma_wait3A_80 = tpu.memref_slice %arg2[%dma_wait3A_78, %dma_wait3A_79] : memref<10240x128xf32, #tpu.memory_space<hbm>> -> memref<10240x128xf32, #tpu.memory_space<hbm>>
    tpu.wait_indirect_dma semaphore(%arg15 : memref<!tpu.dma_semaphore, #tpu.memory_space<semaphore_mem>>) src(%dma_wait3A_80 : memref<10240x128xf32, #tpu.memory_space<hbm>>) dst(%arg11 : memref<80x128xf32, #tpu.memory_space<vmem>>)
    %dma_start3A_81 = arith.constant 62 : i32
    %dma_start3A_82 = arith.constant 0 : i32
    %dma_start3A_83 = tpu.memref_slice %arg8[%dma_start3A_81, %dma_start3A_82] : memref<64x80xi32, #tpu.memory_space<vmem>> -> memref<1x80xi32, #tpu.memory_space<vmem>>
    %dma_start3A_84 = tpu.memref_squeeze %dma_start3A_83 : memref<1x80xi32, #tpu.memory_space<vmem>> -> memref<80xi32, #tpu.memory_space<vmem>>
    %dma_start3A_85 = arith.constant 0 : i32
    %dma_start3A_86 = arith.constant 0 : i32
    %dma_start3A_87 = tpu.memref_slice %arg12[%dma_start3A_85, %dma_start3A_86] : memref<10240x128xf32, #tpu.memory_space<vmem_shared>> -> memref<10240x128xf32, #tpu.memory_space<vmem_shared>>
    tpu.enqueue_indirect_dma source(%arg11 : memref<80x128xf32, #tpu.memory_space<vmem>>) target(%dma_start3A_87 : memref<10240x128xf32, #tpu.memory_space<vmem_shared>>) offsets(%dma_start3A_84 : memref<80xi32, #tpu.memory_space<vmem>>) semaphore(%arg18 : memref<!tpu.dma_semaphore, #tpu.memory_space<semaphore_mem>>) {add = true}
    %dma_wait3A_88 = arith.constant 61 : i32
    %dma_wait3A_89 = arith.constant 0 : i32
    %dma_wait3A_90 = tpu.memref_slice %arg8[%dma_wait3A_88, %dma_wait3A_89] : memref<64x80xi32, #tpu.memory_space<vmem>> -> memref<1x80xi32, #tpu.memory_space<vmem>>
    %dma_wait3A_91 = tpu.memref_squeeze %dma_wait3A_90 : memref<1x80xi32, #tpu.memory_space<vmem>> -> memref<80xi32, #tpu.memory_space<vmem>>
    %dma_wait3A_92 = arith.constant 0 : i32
    %dma_wait3A_93 = arith.constant 0 : i32
    %dma_wait3A_94 = tpu.memref_slice %arg12[%dma_wait3A_92, %dma_wait3A_93] : memref<10240x128xf32, #tpu.memory_space<vmem_shared>> -> memref<10240x128xf32, #tpu.memory_space<vmem_shared>>
    tpu.wait_indirect_dma semaphore(%arg17 : memref<!tpu.dma_semaphore, #tpu.memory_space<semaphore_mem>>) src(%arg10 : memref<80x128xf32, #tpu.memory_space<vmem>>) dst(%dma_wait3A_94 : memref<10240x128xf32, #tpu.memory_space<vmem_shared>>)
    %dma_wait3A_95 = arith.constant 63 : i32
    %dma_wait3A_96 = arith.constant 0 : i32
    %dma_wait3A_97 = tpu.memref_slice %arg7[%dma_wait3A_95, %dma_wait3A_96] : memref<64x80xi32, #tpu.memory_space<vmem>> -> memref<1x80xi32, #tpu.memory_space<vmem>>
    %dma_wait3A_98 = tpu.memref_squeeze %dma_wait3A_97 : memref<1x80xi32, #tpu.memory_space<vmem>> -> memref<80xi32, #tpu.memory_space<vmem>>
    %dma_wait3A_99 = arith.constant 0 : i32
    %dma_wait3A_100 = arith.constant 0 : i32
    %dma_wait3A_101 = tpu.memref_slice %arg2[%dma_wait3A_99, %dma_wait3A_100] : memref<10240x128xf32, #tpu.memory_space<hbm>> -> memref<10240x128xf32, #tpu.memory_space<hbm>>
    tpu.wait_indirect_dma semaphore(%arg13 : memref<!tpu.dma_semaphore, #tpu.memory_space<semaphore_mem>>) src(%dma_wait3A_101 : memref<10240x128xf32, #tpu.memory_space<hbm>>) dst(%arg9 : memref<80x128xf32, #tpu.memory_space<vmem>>)
    %dma_start3A_102 = arith.constant 63 : i32
    %dma_start3A_103 = arith.constant 0 : i32
    %dma_start3A_104 = tpu.memref_slice %arg8[%dma_start3A_102, %dma_start3A_103] : memref<64x80xi32, #tpu.memory_space<vmem>> -> memref<1x80xi32, #tpu.memory_space<vmem>>
    %dma_start3A_105 = tpu.memref_squeeze %dma_start3A_104 : memref<1x80xi32, #tpu.memory_space<vmem>> -> memref<80xi32, #tpu.memory_space<vmem>>
    %dma_start3A_106 = arith.constant 0 : i32
    %dma_start3A_107 = arith.constant 0 : i32
    %dma_start3A_108 = tpu.memref_slice %arg12[%dma_start3A_106, %dma_start3A_107] : memref<10240x128xf32, #tpu.memory_space<vmem_shared>> -> memref<10240x128xf32, #tpu.memory_space<vmem_shared>>
    tpu.enqueue_indirect_dma source(%arg9 : memref<80x128xf32, #tpu.memory_space<vmem>>) target(%dma_start3A_108 : memref<10240x128xf32, #tpu.memory_space<vmem_shared>>) offsets(%dma_start3A_105 : memref<80xi32, #tpu.memory_space<vmem>>) semaphore(%arg16 : memref<!tpu.dma_semaphore, #tpu.memory_space<semaphore_mem>>) {add = true}
    %dma_wait3A_109 = arith.constant 62 : i32
    %dma_wait3A_110 = arith.constant 0 : i32
    %dma_wait3A_111 = tpu.memref_slice %arg8[%dma_wait3A_109, %dma_wait3A_110] : memref<64x80xi32, #tpu.memory_space<vmem>> -> memref<1x80xi32, #tpu.memory_space<vmem>>
    %dma_wait3A_112 = tpu.memref_squeeze %dma_wait3A_111 : memref<1x80xi32, #tpu.memory_space<vmem>> -> memref<80xi32, #tpu.memory_space<vmem>>
    %dma_wait3A_113 = arith.constant 0 : i32
    %dma_wait3A_114 = arith.constant 0 : i32
    %dma_wait3A_115 = tpu.memref_slice %arg12[%dma_wait3A_113, %dma_wait3A_114] : memref<10240x128xf32, #tpu.memory_space<vmem_shared>> -> memref<10240x128xf32, #tpu.memory_space<vmem_shared>>
    tpu.wait_indirect_dma semaphore(%arg18 : memref<!tpu.dma_semaphore, #tpu.memory_space<semaphore_mem>>) src(%arg11 : memref<80x128xf32, #tpu.memory_space<vmem>>) dst(%dma_wait3A_115 : memref<10240x128xf32, #tpu.memory_space<vmem_shared>>)
    %dma_wait3A_116 = arith.constant 63 : i32
    %dma_wait3A_117 = arith.constant 0 : i32
    %dma_wait3A_118 = tpu.memref_slice %arg8[%dma_wait3A_116, %dma_wait3A_117] : memref<64x80xi32, #tpu.memory_space<vmem>> -> memref<1x80xi32, #tpu.memory_space<vmem>>
    %dma_wait3A_119 = tpu.memref_squeeze %dma_wait3A_118 : memref<1x80xi32, #tpu.memory_space<vmem>> -> memref<80xi32, #tpu.memory_space<vmem>>
    %dma_wait3A_120 = arith.constant 0 : i32
    %dma_wait3A_121 = arith.constant 0 : i32
    %dma_wait3A_122 = tpu.memref_slice %arg12[%dma_wait3A_120, %dma_wait3A_121] : memref<10240x128xf32, #tpu.memory_space<vmem_shared>> -> memref<10240x128xf32, #tpu.memory_space<vmem_shared>>
    tpu.wait_indirect_dma semaphore(%arg16 : memref<!tpu.dma_semaphore, #tpu.memory_space<semaphore_mem>>) src(%arg9 : memref<80x128xf32, #tpu.memory_space<vmem>>) dst(%dma_wait3A_122 : memref<10240x128xf32, #tpu.memory_space<vmem_shared>>)
    %mul3A_123 = arith.constant 128 : i32
    %mul3A_124 = arith.muli %add3A, %mul3A_123 : i32
    %add3A_125 = arith.constant 64 : i32
    %add3A_126 = arith.addi %mul3A_124, %add3A_125 : i32
    "tpu.region"() ({
      %run_scoped3A = tpu.sem_alloc : memref<!tpu.dma_semaphore, #tpu.memory_space<semaphore_mem>>
      %dma_start3A_251 = arith.constant 0 : i32
      %dma_start3A_252 = tpu.memref_slice %arg3[%add3A_126, %dma_start3A_251] : memref<4096x80xi32, #tpu.memory_space<hbm>> -> memref<64x80xi32, #tpu.memory_space<hbm>>
      %dma_start3A_253 = arith.constant 0 : i32
      %dma_start3A_254 = tpu.memref_slice %arg3[%add3A_126, %dma_start3A_253] : memref<4096x80xi32, #tpu.memory_space<hbm>> -> memref<64x80xi32, #tpu.memory_space<hbm>>
      tpu.enqueue_dma source(%dma_start3A_254 : memref<64x80xi32, #tpu.memory_space<hbm>>) target(%arg7 : memref<64x80xi32, #tpu.memory_space<vmem>>) target_semaphore(%run_scoped3A : memref<!tpu.dma_semaphore, #tpu.memory_space<semaphore_mem>>)
      %dma_wait3A_255 = arith.constant 0 : i32
      %dma_wait3A_256 = tpu.memref_slice %arg3[%add3A_126, %dma_wait3A_255] : memref<4096x80xi32, #tpu.memory_space<hbm>> -> memref<64x80xi32, #tpu.memory_space<hbm>>
      %dma_wait3A_257 = arith.constant 0 : i32
      %dma_wait3A_258 = tpu.memref_slice %arg3[%add3A_126, %dma_wait3A_257] : memref<4096x80xi32, #tpu.memory_space<hbm>> -> memref<64x80xi32, #tpu.memory_space<hbm>>
      tpu.wait_dma2 semaphore(%run_scoped3A : memref<!tpu.dma_semaphore, #tpu.memory_space<semaphore_mem>>) src(%dma_wait3A_258 : memref<64x80xi32, #tpu.memory_space<hbm>>) dst(%arg7 : memref<64x80xi32, #tpu.memory_space<vmem>>)
      tpu.yield
    }) : () -> ()
    "tpu.region"() ({
      %run_scoped3A = tpu.sem_alloc : memref<!tpu.dma_semaphore, #tpu.memory_space<semaphore_mem>>
      %dma_start3A_251 = arith.constant 0 : i32
      %dma_start3A_252 = tpu.memref_slice %arg4[%add3A_126, %dma_start3A_251] : memref<4096x80xi32, #tpu.memory_space<hbm>> -> memref<64x80xi32, #tpu.memory_space<hbm>>
      %dma_start3A_253 = arith.constant 0 : i32
      %dma_start3A_254 = tpu.memref_slice %arg4[%add3A_126, %dma_start3A_253] : memref<4096x80xi32, #tpu.memory_space<hbm>> -> memref<64x80xi32, #tpu.memory_space<hbm>>
      tpu.enqueue_dma source(%dma_start3A_254 : memref<64x80xi32, #tpu.memory_space<hbm>>) target(%arg8 : memref<64x80xi32, #tpu.memory_space<vmem>>) target_semaphore(%run_scoped3A : memref<!tpu.dma_semaphore, #tpu.memory_space<semaphore_mem>>)
      %dma_wait3A_255 = arith.constant 0 : i32
      %dma_wait3A_256 = tpu.memref_slice %arg4[%add3A_126, %dma_wait3A_255] : memref<4096x80xi32, #tpu.memory_space<hbm>> -> memref<64x80xi32, #tpu.memory_space<hbm>>
      %dma_wait3A_257 = arith.constant 0 : i32
      %dma_wait3A_258 = tpu.memref_slice %arg4[%add3A_126, %dma_wait3A_257] : memref<4096x80xi32, #tpu.memory_space<hbm>> -> memref<64x80xi32, #tpu.memory_space<hbm>>
      tpu.wait_dma2 semaphore(%run_scoped3A : memref<!tpu.dma_semaphore, #tpu.memory_space<semaphore_mem>>) src(%dma_wait3A_258 : memref<64x80xi32, #tpu.memory_space<hbm>>) dst(%arg8 : memref<64x80xi32, #tpu.memory_space<vmem>>)
      tpu.yield
    }) : () -> ()
    %dma_start3A_127 = arith.constant 0 : i32
    %dma_start3A_128 = arith.constant 0 : i32
    %dma_start3A_129 = tpu.memref_slice %arg7[%dma_start3A_127, %dma_start3A_128] : memref<64x80xi32, #tpu.memory_space<vmem>> -> memref<1x80xi32, #tpu.memory_space<vmem>>
    %dma_start3A_130 = tpu.memref_squeeze %dma_start3A_129 : memref<1x80xi32, #tpu.memory_space<vmem>> -> memref<80xi32, #tpu.memory_space<vmem>>
    %dma_start3A_131 = arith.constant 0 : i32
    %dma_start3A_132 = arith.constant 0 : i32
    %dma_start3A_133 = tpu.memref_slice %arg2[%dma_start3A_131, %dma_start3A_132] : memref<10240x128xf32, #tpu.memory_space<hbm>> -> memref<10240x128xf32, #tpu.memory_space<hbm>>
    tpu.enqueue_indirect_dma source(%dma_start3A_133 : memref<10240x128xf32, #tpu.memory_space<hbm>>) target(%arg9 : memref<80x128xf32, #tpu.memory_space<vmem>>) offsets(%dma_start3A_130 : memref<80xi32, #tpu.memory_space<vmem>>) semaphore(%arg13 : memref<!tpu.dma_semaphore, #tpu.memory_space<semaphore_mem>>)
    %dma_start3A_134 = arith.constant 1 : i32
    %dma_start3A_135 = arith.constant 0 : i32
    %dma_start3A_136 = tpu.memref_slice %arg7[%dma_start3A_134, %dma_start3A_135] : memref<64x80xi32, #tpu.memory_space<vmem>> -> memref<1x80xi32, #tpu.memory_space<vmem>>
    %dma_start3A_137 = tpu.memref_squeeze %dma_start3A_136 : memref<1x80xi32, #tpu.memory_space<vmem>> -> memref<80xi32, #tpu.memory_space<vmem>>
    %dma_start3A_138 = arith.constant 0 : i32
    %dma_start3A_139 = arith.constant 0 : i32
    %dma_start3A_140 = tpu.memref_slice %arg2[%dma_start3A_138, %dma_start3A_139] : memref<10240x128xf32, #tpu.memory_space<hbm>> -> memref<10240x128xf32, #tpu.memory_space<hbm>>
    tpu.enqueue_indirect_dma source(%dma_start3A_140 : memref<10240x128xf32, #tpu.memory_space<hbm>>) target(%arg10 : memref<80x128xf32, #tpu.memory_space<vmem>>) offsets(%dma_start3A_137 : memref<80xi32, #tpu.memory_space<vmem>>) semaphore(%arg14 : memref<!tpu.dma_semaphore, #tpu.memory_space<semaphore_mem>>)
    %dma_wait3A_141 = arith.constant 0 : i32
    %dma_wait3A_142 = arith.constant 0 : i32
    %dma_wait3A_143 = tpu.memref_slice %arg7[%dma_wait3A_141, %dma_wait3A_142] : memref<64x80xi32, #tpu.memory_space<vmem>> -> memref<1x80xi32, #tpu.memory_space<vmem>>
    %dma_wait3A_144 = tpu.memref_squeeze %dma_wait3A_143 : memref<1x80xi32, #tpu.memory_space<vmem>> -> memref<80xi32, #tpu.memory_space<vmem>>
    %dma_wait3A_145 = arith.constant 0 : i32
    %dma_wait3A_146 = arith.constant 0 : i32
    %dma_wait3A_147 = tpu.memref_slice %arg2[%dma_wait3A_145, %dma_wait3A_146] : memref<10240x128xf32, #tpu.memory_space<hbm>> -> memref<10240x128xf32, #tpu.memory_space<hbm>>
    tpu.wait_indirect_dma semaphore(%arg13 : memref<!tpu.dma_semaphore, #tpu.memory_space<semaphore_mem>>) src(%dma_wait3A_147 : memref<10240x128xf32, #tpu.memory_space<hbm>>) dst(%arg9 : memref<80x128xf32, #tpu.memory_space<vmem>>)
    %dma_start3A_148 = arith.constant 0 : i32
    %dma_start3A_149 = arith.constant 0 : i32
    %dma_start3A_150 = tpu.memref_slice %arg8[%dma_start3A_148, %dma_start3A_149] : memref<64x80xi32, #tpu.memory_space<vmem>> -> memref<1x80xi32, #tpu.memory_space<vmem>>
    %dma_start3A_151 = tpu.memref_squeeze %dma_start3A_150 : memref<1x80xi32, #tpu.memory_space<vmem>> -> memref<80xi32, #tpu.memory_space<vmem>>
    %dma_start3A_152 = arith.constant 0 : i32
    %dma_start3A_153 = arith.constant 0 : i32
    %dma_start3A_154 = tpu.memref_slice %arg12[%dma_start3A_152, %dma_start3A_153] : memref<10240x128xf32, #tpu.memory_space<vmem_shared>> -> memref<10240x128xf32, #tpu.memory_space<vmem_shared>>
    tpu.enqueue_indirect_dma source(%arg9 : memref<80x128xf32, #tpu.memory_space<vmem>>) target(%dma_start3A_154 : memref<10240x128xf32, #tpu.memory_space<vmem_shared>>) offsets(%dma_start3A_151 : memref<80xi32, #tpu.memory_space<vmem>>) semaphore(%arg16 : memref<!tpu.dma_semaphore, #tpu.memory_space<semaphore_mem>>) {add = true}
    %dma_start3A_155 = arith.constant 2 : i32
    %dma_start3A_156 = arith.constant 0 : i32
    %dma_start3A_157 = tpu.memref_slice %arg7[%dma_start3A_155, %dma_start3A_156] : memref<64x80xi32, #tpu.memory_space<vmem>> -> memref<1x80xi32, #tpu.memory_space<vmem>>
    %dma_start3A_158 = tpu.memref_squeeze %dma_start3A_157 : memref<1x80xi32, #tpu.memory_space<vmem>> -> memref<80xi32, #tpu.memory_space<vmem>>
    %dma_start3A_159 = arith.constant 0 : i32
    %dma_start3A_160 = arith.constant 0 : i32
    %dma_start3A_161 = tpu.memref_slice %arg2[%dma_start3A_159, %dma_start3A_160] : memref<10240x128xf32, #tpu.memory_space<hbm>> -> memref<10240x128xf32, #tpu.memory_space<hbm>>
    tpu.enqueue_indirect_dma source(%dma_start3A_161 : memref<10240x128xf32, #tpu.memory_space<hbm>>) target(%arg11 : memref<80x128xf32, #tpu.memory_space<vmem>>) offsets(%dma_start3A_158 : memref<80xi32, #tpu.memory_space<vmem>>) semaphore(%arg15 : memref<!tpu.dma_semaphore, #tpu.memory_space<semaphore_mem>>)
    %scan3A_162 = arith.constant 0 : i32
    %scan3A_163 = arith.constant 0 : i32
    %scan3A_164 = arith.constant 20 : i32
    %scan3A_165 = arith.addi %scan3A_163, %scan3A_164 : i32
    %scan3A_166 = arith.constant 1 : i32
    %scan3A_167 = scf.for %scan3A_251 = %scan3A_163 to %scan3A_165 step %scan3A_166 iter_args(%scan3A_252 = %scan3A_162) -> (i32)  : i32 {
      %mul3A_253 = arith.constant 3 : i32
      %mul3A_254 = arith.muli %mul3A_253, %scan3A_251 : i32
      %add3A_255 = arith.constant 1 : i32
      %add3A_256 = arith.addi %mul3A_254, %add3A_255 : i32
      %dma_wait3A_257 = arith.constant 0 : i32
      %dma_wait3A_258 = tpu.memref_slice %arg7[%add3A_256, %dma_wait3A_257] : memref<64x80xi32, #tpu.memory_space<vmem>> -> memref<1x80xi32, #tpu.memory_space<vmem>>
      %dma_wait3A_259 = tpu.memref_squeeze %dma_wait3A_258 : memref<1x80xi32, #tpu.memory_space<vmem>> -> memref<80xi32, #tpu.memory_space<vmem>>
      %dma_wait3A_260 = arith.constant 0 : i32
      %dma_wait3A_261 = arith.constant 0 : i32
      %dma_wait3A_262 = tpu.memref_slice %arg2[%dma_wait3A_260, %dma_wait3A_261] : memref<10240x128xf32, #tpu.memory_space<hbm>> -> memref<10240x128xf32, #tpu.memory_space<hbm>>
      tpu.wait_indirect_dma semaphore(%arg14 : memref<!tpu.dma_semaphore, #tpu.memory_space<semaphore_mem>>) src(%dma_wait3A_262 : memref<10240x128xf32, #tpu.memory_space<hbm>>) dst(%arg10 : memref<80x128xf32, #tpu.memory_space<vmem>>)
      %dma_start3A_263 = arith.constant 0 : i32
      %dma_start3A_264 = tpu.memref_slice %arg8[%add3A_256, %dma_start3A_263] : memref<64x80xi32, #tpu.memory_space<vmem>> -> memref<1x80xi32, #tpu.memory_space<vmem>>
      %dma_start3A_265 = tpu.memref_squeeze %dma_start3A_264 : memref<1x80xi32, #tpu.memory_space<vmem>> -> memref<80xi32, #tpu.memory_space<vmem>>
      %dma_start3A_266 = arith.constant 0 : i32
      %dma_start3A_267 = arith.constant 0 : i32
      %dma_start3A_268 = tpu.memref_slice %arg12[%dma_start3A_266, %dma_start3A_267] : memref<10240x128xf32, #tpu.memory_space<vmem_shared>> -> memref<10240x128xf32, #tpu.memory_space<vmem_shared>>
      tpu.enqueue_indirect_dma source(%arg10 : memref<80x128xf32, #tpu.memory_space<vmem>>) target(%dma_start3A_268 : memref<10240x128xf32, #tpu.memory_space<vmem_shared>>) offsets(%dma_start3A_265 : memref<80xi32, #tpu.memory_space<vmem>>) semaphore(%arg17 : memref<!tpu.dma_semaphore, #tpu.memory_space<semaphore_mem>>) {add = true}
      %sub3A = arith.constant 1 : i32
      %sub3A_269 = arith.subi %add3A_256, %sub3A : i32
      %dma_wait3A_270 = arith.constant 0 : i32
      %dma_wait3A_271 = tpu.memref_slice %arg8[%sub3A_269, %dma_wait3A_270] : memref<64x80xi32, #tpu.memory_space<vmem>> -> memref<1x80xi32, #tpu.memory_space<vmem>>
      %dma_wait3A_272 = tpu.memref_squeeze %dma_wait3A_271 : memref<1x80xi32, #tpu.memory_space<vmem>> -> memref<80xi32, #tpu.memory_space<vmem>>
      %dma_wait3A_273 = arith.constant 0 : i32
      %dma_wait3A_274 = arith.constant 0 : i32
      %dma_wait3A_275 = tpu.memref_slice %arg12[%dma_wait3A_273, %dma_wait3A_274] : memref<10240x128xf32, #tpu.memory_space<vmem_shared>> -> memref<10240x128xf32, #tpu.memory_space<vmem_shared>>
      tpu.wait_indirect_dma semaphore(%arg16 : memref<!tpu.dma_semaphore, #tpu.memory_space<semaphore_mem>>) src(%arg9 : memref<80x128xf32, #tpu.memory_space<vmem>>) dst(%dma_wait3A_275 : memref<10240x128xf32, #tpu.memory_space<vmem_shared>>)
      %add3A_276 = arith.constant 2 : i32
      %add3A_277 = arith.addi %add3A_256, %add3A_276 : i32
      %dma_start3A_278 = arith.constant 0 : i32
      %dma_start3A_279 = tpu.memref_slice %arg7[%add3A_277, %dma_start3A_278] : memref<64x80xi32, #tpu.memory_space<vmem>> -> memref<1x80xi32, #tpu.memory_space<vmem>>
      %dma_start3A_280 = tpu.memref_squeeze %dma_start3A_279 : memref<1x80xi32, #tpu.memory_space<vmem>> -> memref<80xi32, #tpu.memory_space<vmem>>
      %dma_start3A_281 = arith.constant 0 : i32
      %dma_start3A_282 = arith.constant 0 : i32
      %dma_start3A_283 = tpu.memref_slice %arg2[%dma_start3A_281, %dma_start3A_282] : memref<10240x128xf32, #tpu.memory_space<hbm>> -> memref<10240x128xf32, #tpu.memory_space<hbm>>
      tpu.enqueue_indirect_dma source(%dma_start3A_283 : memref<10240x128xf32, #tpu.memory_space<hbm>>) target(%arg9 : memref<80x128xf32, #tpu.memory_space<vmem>>) offsets(%dma_start3A_280 : memref<80xi32, #tpu.memory_space<vmem>>) semaphore(%arg13 : memref<!tpu.dma_semaphore, #tpu.memory_space<semaphore_mem>>)
      %add3A_284 = arith.constant 1 : i32
      %add3A_285 = arith.addi %add3A_256, %add3A_284 : i32
      %dma_wait3A_286 = arith.constant 0 : i32
      %dma_wait3A_287 = tpu.memref_slice %arg7[%add3A_285, %dma_wait3A_286] : memref<64x80xi32, #tpu.memory_space<vmem>> -> memref<1x80xi32, #tpu.memory_space<vmem>>
      %dma_wait3A_288 = tpu.memref_squeeze %dma_wait3A_287 : memref<1x80xi32, #tpu.memory_space<vmem>> -> memref<80xi32, #tpu.memory_space<vmem>>
      %dma_wait3A_289 = arith.constant 0 : i32
      %dma_wait3A_290 = arith.constant 0 : i32
      %dma_wait3A_291 = tpu.memref_slice %arg2[%dma_wait3A_289, %dma_wait3A_290] : memref<10240x128xf32, #tpu.memory_space<hbm>> -> memref<10240x128xf32, #tpu.memory_space<hbm>>
      tpu.wait_indirect_dma semaphore(%arg15 : memref<!tpu.dma_semaphore, #tpu.memory_space<semaphore_mem>>) src(%dma_wait3A_291 : memref<10240x128xf32, #tpu.memory_space<hbm>>) dst(%arg11 : memref<80x128xf32, #tpu.memory_space<vmem>>)
      %dma_start3A_292 = arith.constant 0 : i32
      %dma_start3A_293 = tpu.memref_slice %arg8[%add3A_285, %dma_start3A_292] : memref<64x80xi32, #tpu.memory_space<vmem>> -> memref<1x80xi32, #tpu.memory_space<vmem>>
      %dma_start3A_294 = tpu.memref_squeeze %dma_start3A_293 : memref<1x80xi32, #tpu.memory_space<vmem>> -> memref<80xi32, #tpu.memory_space<vmem>>
      %dma_start3A_295 = arith.constant 0 : i32
      %dma_start3A_296 = arith.constant 0 : i32
      %dma_start3A_297 = tpu.memref_slice %arg12[%dma_start3A_295, %dma_start3A_296] : memref<10240x128xf32, #tpu.memory_space<vmem_shared>> -> memref<10240x128xf32, #tpu.memory_space<vmem_shared>>
      tpu.enqueue_indirect_dma source(%arg11 : memref<80x128xf32, #tpu.memory_space<vmem>>) target(%dma_start3A_297 : memref<10240x128xf32, #tpu.memory_space<vmem_shared>>) offsets(%dma_start3A_294 : memref<80xi32, #tpu.memory_space<vmem>>) semaphore(%arg18 : memref<!tpu.dma_semaphore, #tpu.memory_space<semaphore_mem>>) {add = true}
      %sub3A_298 = arith.constant 1 : i32
      %sub3A_299 = arith.subi %add3A_285, %sub3A_298 : i32
      %dma_wait3A_300 = arith.constant 0 : i32
      %dma_wait3A_301 = tpu.memref_slice %arg8[%sub3A_299, %dma_wait3A_300] : memref<64x80xi32, #tpu.memory_space<vmem>> -> memref<1x80xi32, #tpu.memory_space<vmem>>
      %dma_wait3A_302 = tpu.memref_squeeze %dma_wait3A_301 : memref<1x80xi32, #tpu.memory_space<vmem>> -> memref<80xi32, #tpu.memory_space<vmem>>
      %dma_wait3A_303 = arith.constant 0 : i32
      %dma_wait3A_304 = arith.constant 0 : i32
      %dma_wait3A_305 = tpu.memref_slice %arg12[%dma_wait3A_303, %dma_wait3A_304] : memref<10240x128xf32, #tpu.memory_space<vmem_shared>> -> memref<10240x128xf32, #tpu.memory_space<vmem_shared>>
      tpu.wait_indirect_dma semaphore(%arg17 : memref<!tpu.dma_semaphore, #tpu.memory_space<semaphore_mem>>) src(%arg10 : memref<80x128xf32, #tpu.memory_space<vmem>>) dst(%dma_wait3A_305 : memref<10240x128xf32, #tpu.memory_space<vmem_shared>>)
      %add3A_306 = arith.constant 2 : i32
      %add3A_307 = arith.addi %add3A_285, %add3A_306 : i32
      %dma_start3A_308 = arith.constant 0 : i32
      %dma_start3A_309 = tpu.memref_slice %arg7[%add3A_307, %dma_start3A_308] : memref<64x80xi32, #tpu.memory_space<vmem>> -> memref<1x80xi32, #tpu.memory_space<vmem>>
      %dma_start3A_310 = tpu.memref_squeeze %dma_start3A_309 : memref<1x80xi32, #tpu.memory_space<vmem>> -> memref<80xi32, #tpu.memory_space<vmem>>
      %dma_start3A_311 = arith.constant 0 : i32
      %dma_start3A_312 = arith.constant 0 : i32
      %dma_start3A_313 = tpu.memref_slice %arg2[%dma_start3A_311, %dma_start3A_312] : memref<10240x128xf32, #tpu.memory_space<hbm>> -> memref<10240x128xf32, #tpu.memory_space<hbm>>
      tpu.enqueue_indirect_dma source(%dma_start3A_313 : memref<10240x128xf32, #tpu.memory_space<hbm>>) target(%arg10 : memref<80x128xf32, #tpu.memory_space<vmem>>) offsets(%dma_start3A_310 : memref<80xi32, #tpu.memory_space<vmem>>) semaphore(%arg14 : memref<!tpu.dma_semaphore, #tpu.memory_space<semaphore_mem>>)
      %add3A_314 = arith.constant 2 : i32
      %add3A_315 = arith.addi %add3A_256, %add3A_314 : i32
      %dma_wait3A_316 = arith.constant 0 : i32
      %dma_wait3A_317 = tpu.memref_slice %arg7[%add3A_315, %dma_wait3A_316] : memref<64x80xi32, #tpu.memory_space<vmem>> -> memref<1x80xi32, #tpu.memory_space<vmem>>
      %dma_wait3A_318 = tpu.memref_squeeze %dma_wait3A_317 : memref<1x80xi32, #tpu.memory_space<vmem>> -> memref<80xi32, #tpu.memory_space<vmem>>
      %dma_wait3A_319 = arith.constant 0 : i32
      %dma_wait3A_320 = arith.constant 0 : i32
      %dma_wait3A_321 = tpu.memref_slice %arg2[%dma_wait3A_319, %dma_wait3A_320] : memref<10240x128xf32, #tpu.memory_space<hbm>> -> memref<10240x128xf32, #tpu.memory_space<hbm>>
      tpu.wait_indirect_dma semaphore(%arg13 : memref<!tpu.dma_semaphore, #tpu.memory_space<semaphore_mem>>) src(%dma_wait3A_321 : memref<10240x128xf32, #tpu.memory_space<hbm>>) dst(%arg9 : memref<80x128xf32, #tpu.memory_space<vmem>>)
      %dma_start3A_322 = arith.constant 0 : i32
      %dma_start3A_323 = tpu.memref_slice %arg8[%add3A_315, %dma_start3A_322] : memref<64x80xi32, #tpu.memory_space<vmem>> -> memref<1x80xi32, #tpu.memory_space<vmem>>
      %dma_start3A_324 = tpu.memref_squeeze %dma_start3A_323 : memref<1x80xi32, #tpu.memory_space<vmem>> -> memref<80xi32, #tpu.memory_space<vmem>>
      %dma_start3A_325 = arith.constant 0 : i32
      %dma_start3A_326 = arith.constant 0 : i32
      %dma_start3A_327 = tpu.memref_slice %arg12[%dma_start3A_325, %dma_start3A_326] : memref<10240x128xf32, #tpu.memory_space<vmem_shared>> -> memref<10240x128xf32, #tpu.memory_space<vmem_shared>>
      tpu.enqueue_indirect_dma source(%arg9 : memref<80x128xf32, #tpu.memory_space<vmem>>) target(%dma_start3A_327 : memref<10240x128xf32, #tpu.memory_space<vmem_shared>>) offsets(%dma_start3A_324 : memref<80xi32, #tpu.memory_space<vmem>>) semaphore(%arg16 : memref<!tpu.dma_semaphore, #tpu.memory_space<semaphore_mem>>) {add = true}
      %sub3A_328 = arith.constant 1 : i32
      %sub3A_329 = arith.subi %add3A_315, %sub3A_328 : i32
      %dma_wait3A_330 = arith.constant 0 : i32
      %dma_wait3A_331 = tpu.memref_slice %arg8[%sub3A_329, %dma_wait3A_330] : memref<64x80xi32, #tpu.memory_space<vmem>> -> memref<1x80xi32, #tpu.memory_space<vmem>>
      %dma_wait3A_332 = tpu.memref_squeeze %dma_wait3A_331 : memref<1x80xi32, #tpu.memory_space<vmem>> -> memref<80xi32, #tpu.memory_space<vmem>>
      %dma_wait3A_333 = arith.constant 0 : i32
      %dma_wait3A_334 = arith.constant 0 : i32
      %dma_wait3A_335 = tpu.memref_slice %arg12[%dma_wait3A_333, %dma_wait3A_334] : memref<10240x128xf32, #tpu.memory_space<vmem_shared>> -> memref<10240x128xf32, #tpu.memory_space<vmem_shared>>
      tpu.wait_indirect_dma semaphore(%arg18 : memref<!tpu.dma_semaphore, #tpu.memory_space<semaphore_mem>>) src(%arg11 : memref<80x128xf32, #tpu.memory_space<vmem>>) dst(%dma_wait3A_335 : memref<10240x128xf32, #tpu.memory_space<vmem_shared>>)
      %add3A_336 = arith.constant 2 : i32
      %add3A_337 = arith.addi %add3A_315, %add3A_336 : i32
      %dma_start3A_338 = arith.constant 0 : i32
      %dma_start3A_339 = tpu.memref_slice %arg7[%add3A_337, %dma_start3A_338] : memref<64x80xi32, #tpu.memory_space<vmem>> -> memref<1x80xi32, #tpu.memory_space<vmem>>
      %dma_start3A_340 = tpu.memref_squeeze %dma_start3A_339 : memref<1x80xi32, #tpu.memory_space<vmem>> -> memref<80xi32, #tpu.memory_space<vmem>>
      %dma_start3A_341 = arith.constant 0 : i32
      %dma_start3A_342 = arith.constant 0 : i32
      %dma_start3A_343 = tpu.memref_slice %arg2[%dma_start3A_341, %dma_start3A_342] : memref<10240x128xf32, #tpu.memory_space<hbm>> -> memref<10240x128xf32, #tpu.memory_space<hbm>>
      tpu.enqueue_indirect_dma source(%dma_start3A_343 : memref<10240x128xf32, #tpu.memory_space<hbm>>) target(%arg11 : memref<80x128xf32, #tpu.memory_space<vmem>>) offsets(%dma_start3A_340 : memref<80xi32, #tpu.memory_space<vmem>>) semaphore(%arg15 : memref<!tpu.dma_semaphore, #tpu.memory_space<semaphore_mem>>)
      %scan3A_344 = arith.constant 0 : i32
      scf.yield %scan3A_344 : i32
    }
    %scan3A_168 = arith.constant 20 : i32
    %dma_wait3A_169 = arith.constant 61 : i32
    %dma_wait3A_170 = arith.constant 0 : i32
    %dma_wait3A_171 = tpu.memref_slice %arg7[%dma_wait3A_169, %dma_wait3A_170] : memref<64x80xi32, #tpu.memory_space<vmem>> -> memref<1x80xi32, #tpu.memory_space<vmem>>
    %dma_wait3A_172 = tpu.memref_squeeze %dma_wait3A_171 : memref<1x80xi32, #tpu.memory_space<vmem>> -> memref<80xi32, #tpu.memory_space<vmem>>
    %dma_wait3A_173 = arith.constant 0 : i32
    %dma_wait3A_174 = arith.constant 0 : i32
    %dma_wait3A_175 = tpu.memref_slice %arg2[%dma_wait3A_173, %dma_wait3A_174] : memref<10240x128xf32, #tpu.memory_space<hbm>> -> memref<10240x128xf32, #tpu.memory_space<hbm>>
    tpu.wait_indirect_dma semaphore(%arg14 : memref<!tpu.dma_semaphore, #tpu.memory_space<semaphore_mem>>) src(%dma_wait3A_175 : memref<10240x128xf32, #tpu.memory_space<hbm>>) dst(%arg10 : memref<80x128xf32, #tpu.memory_space<vmem>>)
    %dma_start3A_176 = arith.constant 61 : i32
    %dma_start3A_177 = arith.constant 0 : i32
    %dma_start3A_178 = tpu.memref_slice %arg8[%dma_start3A_176, %dma_start3A_177] : memref<64x80xi32, #tpu.memory_space<vmem>> -> memref<1x80xi32, #tpu.memory_space<vmem>>
    %dma_start3A_179 = tpu.memref_squeeze %dma_start3A_178 : memref<1x80xi32, #tpu.memory_space<vmem>> -> memref<80xi32, #tpu.memory_space<vmem>>
    %dma_start3A_180 = arith.constant 0 : i32
    %dma_start3A_181 = arith.constant 0 : i32
    %dma_start3A_182 = tpu.memref_slice %arg12[%dma_start3A_180, %dma_start3A_181] : memref<10240x128xf32, #tpu.memory_space<vmem_shared>> -> memref<10240x128xf32, #tpu.memory_space<vmem_shared>>
    tpu.enqueue_indirect_dma source(%arg10 : memref<80x128xf32, #tpu.memory_space<vmem>>) target(%dma_start3A_182 : memref<10240x128xf32, #tpu.memory_space<vmem_shared>>) offsets(%dma_start3A_179 : memref<80xi32, #tpu.memory_space<vmem>>) semaphore(%arg17 : memref<!tpu.dma_semaphore, #tpu.memory_space<semaphore_mem>>) {add = true}
    %dma_wait3A_183 = arith.constant 60 : i32
    %dma_wait3A_184 = arith.constant 0 : i32
    %dma_wait3A_185 = tpu.memref_slice %arg8[%dma_wait3A_183, %dma_wait3A_184] : memref<64x80xi32, #tpu.memory_space<vmem>> -> memref<1x80xi32, #tpu.memory_space<vmem>>
    %dma_wait3A_186 = tpu.memref_squeeze %dma_wait3A_185 : memref<1x80xi32, #tpu.memory_space<vmem>> -> memref<80xi32, #tpu.memory_space<vmem>>
    %dma_wait3A_187 = arith.constant 0 : i32
    %dma_wait3A_188 = arith.constant 0 : i32
    %dma_wait3A_189 = tpu.memref_slice %arg12[%dma_wait3A_187, %dma_wait3A_188] : memref<10240x128xf32, #tpu.memory_space<vmem_shared>> -> memref<10240x128xf32, #tpu.memory_space<vmem_shared>>
    tpu.wait_indirect_dma semaphore(%arg16 : memref<!tpu.dma_semaphore, #tpu.memory_space<semaphore_mem>>) src(%arg9 : memref<80x128xf32, #tpu.memory_space<vmem>>) dst(%dma_wait3A_189 : memref<10240x128xf32, #tpu.memory_space<vmem_shared>>)
    %dma_start3A_190 = arith.constant 63 : i32
    %dma_start3A_191 = arith.constant 0 : i32
    %dma_start3A_192 = tpu.memref_slice %arg7[%dma_start3A_190, %dma_start3A_191] : memref<64x80xi32, #tpu.memory_space<vmem>> -> memref<1x80xi32, #tpu.memory_space<vmem>>
    %dma_start3A_193 = tpu.memref_squeeze %dma_start3A_192 : memref<1x80xi32, #tpu.memory_space<vmem>> -> memref<80xi32, #tpu.memory_space<vmem>>
    %dma_start3A_194 = arith.constant 0 : i32
    %dma_start3A_195 = arith.constant 0 : i32
    %dma_start3A_196 = tpu.memref_slice %arg2[%dma_start3A_194, %dma_start3A_195] : memref<10240x128xf32, #tpu.memory_space<hbm>> -> memref<10240x128xf32, #tpu.memory_space<hbm>>
    tpu.enqueue_indirect_dma source(%dma_start3A_196 : memref<10240x128xf32, #tpu.memory_space<hbm>>) target(%arg9 : memref<80x128xf32, #tpu.memory_space<vmem>>) offsets(%dma_start3A_193 : memref<80xi32, #tpu.memory_space<vmem>>) semaphore(%arg13 : memref<!tpu.dma_semaphore, #tpu.memory_space<semaphore_mem>>)
    %dma_wait3A_197 = arith.constant 62 : i32
    %dma_wait3A_198 = arith.constant 0 : i32
    %dma_wait3A_199 = tpu.memref_slice %arg7[%dma_wait3A_197, %dma_wait3A_198] : memref<64x80xi32, #tpu.memory_space<vmem>> -> memref<1x80xi32, #tpu.memory_space<vmem>>
    %dma_wait3A_200 = tpu.memref_squeeze %dma_wait3A_199 : memref<1x80xi32, #tpu.memory_space<vmem>> -> memref<80xi32, #tpu.memory_space<vmem>>
    %dma_wait3A_201 = arith.constant 0 : i32
    %dma_wait3A_202 = arith.constant 0 : i32
    %dma_wait3A_203 = tpu.memref_slice %arg2[%dma_wait3A_201, %dma_wait3A_202] : memref<10240x128xf32, #tpu.memory_space<hbm>> -> memref<10240x128xf32, #tpu.memory_space<hbm>>
    tpu.wait_indirect_dma semaphore(%arg15 : memref<!tpu.dma_semaphore, #tpu.memory_space<semaphore_mem>>) src(%dma_wait3A_203 : memref<10240x128xf32, #tpu.memory_space<hbm>>) dst(%arg11 : memref<80x128xf32, #tpu.memory_space<vmem>>)
    %dma_start3A_204 = arith.constant 62 : i32
    %dma_start3A_205 = arith.constant 0 : i32
    %dma_start3A_206 = tpu.memref_slice %arg8[%dma_start3A_204, %dma_start3A_205] : memref<64x80xi32, #tpu.memory_space<vmem>> -> memref<1x80xi32, #tpu.memory_space<vmem>>
    %dma_start3A_207 = tpu.memref_squeeze %dma_start3A_206 : memref<1x80xi32, #tpu.memory_space<vmem>> -> memref<80xi32, #tpu.memory_space<vmem>>
    %dma_start3A_208 = arith.constant 0 : i32
    %dma_start3A_209 = arith.constant 0 : i32
    %dma_start3A_210 = tpu.memref_slice %arg12[%dma_start3A_208, %dma_start3A_209] : memref<10240x128xf32, #tpu.memory_space<vmem_shared>> -> memref<10240x128xf32, #tpu.memory_space<vmem_shared>>
    tpu.enqueue_indirect_dma source(%arg11 : memref<80x128xf32, #tpu.memory_space<vmem>>) target(%dma_start3A_210 : memref<10240x128xf32, #tpu.memory_space<vmem_shared>>) offsets(%dma_start3A_207 : memref<80xi32, #tpu.memory_space<vmem>>) semaphore(%arg18 : memref<!tpu.dma_semaphore, #tpu.memory_space<semaphore_mem>>) {add = true}
    %dma_wait3A_211 = arith.constant 61 : i32
    %dma_wait3A_212 = arith.constant 0 : i32
    %dma_wait3A_213 = tpu.memref_slice %arg8[%dma_wait3A_211, %dma_wait3A_212] : memref<64x80xi32, #tpu.memory_space<vmem>> -> memref<1x80xi32, #tpu.memory_space<vmem>>
    %dma_wait3A_214 = tpu.memref_squeeze %dma_wait3A_213 : memref<1x80xi32, #tpu.memory_space<vmem>> -> memref<80xi32, #tpu.memory_space<vmem>>
    %dma_wait3A_215 = arith.constant 0 : i32
    %dma_wait3A_216 = arith.constant 0 : i32
    %dma_wait3A_217 = tpu.memref_slice %arg12[%dma_wait3A_215, %dma_wait3A_216] : memref<10240x128xf32, #tpu.memory_space<vmem_shared>> -> memref<10240x128xf32, #tpu.memory_space<vmem_shared>>
    tpu.wait_indirect_dma semaphore(%arg17 : memref<!tpu.dma_semaphore, #tpu.memory_space<semaphore_mem>>) src(%arg10 : memref<80x128xf32, #tpu.memory_space<vmem>>) dst(%dma_wait3A_217 : memref<10240x128xf32, #tpu.memory_space<vmem_shared>>)
    %dma_wait3A_218 = arith.constant 63 : i32
    %dma_wait3A_219 = arith.constant 0 : i32
    %dma_wait3A_220 = tpu.memref_slice %arg7[%dma_wait3A_218, %dma_wait3A_219] : memref<64x80xi32, #tpu.memory_space<vmem>> -> memref<1x80xi32, #tpu.memory_space<vmem>>
    %dma_wait3A_221 = tpu.memref_squeeze %dma_wait3A_220 : memref<1x80xi32, #tpu.memory_space<vmem>> -> memref<80xi32, #tpu.memory_space<vmem>>
    %dma_wait3A_222 = arith.constant 0 : i32
    %dma_wait3A_223 = arith.constant 0 : i32
    %dma_wait3A_224 = tpu.memref_slice %arg2[%dma_wait3A_222, %dma_wait3A_223] : memref<10240x128xf32, #tpu.memory_space<hbm>> -> memref<10240x128xf32, #tpu.memory_space<hbm>>
    tpu.wait_indirect_dma semaphore(%arg13 : memref<!tpu.dma_semaphore, #tpu.memory_space<semaphore_mem>>) src(%dma_wait3A_224 : memref<10240x128xf32, #tpu.memory_space<hbm>>) dst(%arg9 : memref<80x128xf32, #tpu.memory_space<vmem>>)
    %dma_start3A_225 = arith.constant 63 : i32
    %dma_start3A_226 = arith.constant 0 : i32
    %dma_start3A_227 = tpu.memref_slice %arg8[%dma_start3A_225, %dma_start3A_226] : memref<64x80xi32, #tpu.memory_space<vmem>> -> memref<1x80xi32, #tpu.memory_space<vmem>>
    %dma_start3A_228 = tpu.memref_squeeze %dma_start3A_227 : memref<1x80xi32, #tpu.memory_space<vmem>> -> memref<80xi32, #tpu.memory_space<vmem>>
    %dma_start3A_229 = arith.constant 0 : i32
    %dma_start3A_230 = arith.constant 0 : i32
    %dma_start3A_231 = tpu.memref_slice %arg12[%dma_start3A_229, %dma_start3A_230] : memref<10240x128xf32, #tpu.memory_space<vmem_shared>> -> memref<10240x128xf32, #tpu.memory_space<vmem_shared>>
    tpu.enqueue_indirect_dma source(%arg9 : memref<80x128xf32, #tpu.memory_space<vmem>>) target(%dma_start3A_231 : memref<10240x128xf32, #tpu.memory_space<vmem_shared>>) offsets(%dma_start3A_228 : memref<80xi32, #tpu.memory_space<vmem>>) semaphore(%arg16 : memref<!tpu.dma_semaphore, #tpu.memory_space<semaphore_mem>>) {add = true}
    %dma_wait3A_232 = arith.constant 62 : i32
    %dma_wait3A_233 = arith.constant 0 : i32
    %dma_wait3A_234 = tpu.memref_slice %arg8[%dma_wait3A_232, %dma_wait3A_233] : memref<64x80xi32, #tpu.memory_space<vmem>> -> memref<1x80xi32, #tpu.memory_space<vmem>>
    %dma_wait3A_235 = tpu.memref_squeeze %dma_wait3A_234 : memref<1x80xi32, #tpu.memory_space<vmem>> -> memref<80xi32, #tpu.memory_space<vmem>>
    %dma_wait3A_236 = arith.constant 0 : i32
    %dma_wait3A_237 = arith.constant 0 : i32
    %dma_wait3A_238 = tpu.memref_slice %arg12[%dma_wait3A_236, %dma_wait3A_237] : memref<10240x128xf32, #tpu.memory_space<vmem_shared>> -> memref<10240x128xf32, #tpu.memory_space<vmem_shared>>
    tpu.wait_indirect_dma semaphore(%arg18 : memref<!tpu.dma_semaphore, #tpu.memory_space<semaphore_mem>>) src(%arg11 : memref<80x128xf32, #tpu.memory_space<vmem>>) dst(%dma_wait3A_238 : memref<10240x128xf32, #tpu.memory_space<vmem_shared>>)
    %dma_wait3A_239 = arith.constant 63 : i32
    %dma_wait3A_240 = arith.constant 0 : i32
    %dma_wait3A_241 = tpu.memref_slice %arg8[%dma_wait3A_239, %dma_wait3A_240] : memref<64x80xi32, #tpu.memory_space<vmem>> -> memref<1x80xi32, #tpu.memory_space<vmem>>
    %dma_wait3A_242 = tpu.memref_squeeze %dma_wait3A_241 : memref<1x80xi32, #tpu.memory_space<vmem>> -> memref<80xi32, #tpu.memory_space<vmem>>
    %dma_wait3A_243 = arith.constant 0 : i32
    %dma_wait3A_244 = arith.constant 0 : i32
    %dma_wait3A_245 = tpu.memref_slice %arg12[%dma_wait3A_243, %dma_wait3A_244] : memref<10240x128xf32, #tpu.memory_space<vmem_shared>> -> memref<10240x128xf32, #tpu.memory_space<vmem_shared>>
    tpu.wait_indirect_dma semaphore(%arg16 : memref<!tpu.dma_semaphore, #tpu.memory_space<semaphore_mem>>) src(%arg9 : memref<80x128xf32, #tpu.memory_space<vmem>>) dst(%dma_wait3A_245 : memref<10240x128xf32, #tpu.memory_space<vmem_shared>>)
    %barrier3A_246 = arith.constant 0 : index
    tpu.barrier barrier_id(%barrier3A_246)
    %mul3A_247 = arith.constant 640 : i32
    %mul3A_248 = arith.muli %arg1, %mul3A_247 : i32
    %mul3A_249 = arith.constant 640 : i32
    %mul3A_250 = arith.muli %arg1, %mul3A_249 : i32
    "tpu.region"() ({
      %run_scoped3A = tpu.sem_alloc : memref<!tpu.dma_semaphore, #tpu.memory_space<semaphore_mem>>
      %dma_start3A_251 = arith.constant 0 : i32
      %dma_start3A_252 = tpu.memref_slice %arg6[%arg0, %mul3A_250, %dma_start3A_251] : memref<2x10240x128xf32, #tpu.memory_space<hbm>> -> memref<1x640x128xf32, #tpu.memory_space<hbm>>
      %dma_start3A_253 = tpu.memref_squeeze %dma_start3A_252 : memref<1x640x128xf32, #tpu.memory_space<hbm>> -> memref<640x128xf32, #tpu.memory_space<hbm>>
      %dma_start3A_254 = arith.constant 0 : i32
      %dma_start3A_255 = tpu.memref_slice %arg12[%mul3A_248, %dma_start3A_254] : memref<10240x128xf32, #tpu.memory_space<vmem_shared>> -> memref<640x128xf32, #tpu.memory_space<vmem_shared>>
      tpu.enqueue_dma source(%dma_start3A_255 : memref<640x128xf32, #tpu.memory_space<vmem_shared>>) target(%dma_start3A_253 : memref<640x128xf32, #tpu.memory_space<hbm>>) target_semaphore(%run_scoped3A : memref<!tpu.dma_semaphore, #tpu.memory_space<semaphore_mem>>)
      %dma_wait3A_256 = arith.constant 0 : i32
      %dma_wait3A_257 = tpu.memref_slice %arg6[%arg0, %mul3A_250, %dma_wait3A_256] : memref<2x10240x128xf32, #tpu.memory_space<hbm>> -> memref<1x640x128xf32, #tpu.memory_space<hbm>>
      %dma_wait3A_258 = tpu.memref_squeeze %dma_wait3A_257 : memref<1x640x128xf32, #tpu.memory_space<hbm>> -> memref<640x128xf32, #tpu.memory_space<hbm>>
      %dma_wait3A_259 = arith.constant 0 : i32
      %dma_wait3A_260 = tpu.memref_slice %arg12[%mul3A_248, %dma_wait3A_259] : memref<10240x128xf32, #tpu.memory_space<vmem_shared>> -> memref<640x128xf32, #tpu.memory_space<vmem_shared>>
      tpu.wait_dma2 semaphore(%run_scoped3A : memref<!tpu.dma_semaphore, #tpu.memory_space<semaphore_mem>>) src(%dma_wait3A_260 : memref<640x128xf32, #tpu.memory_space<vmem_shared>>) dst(%dma_wait3A_258 : memref<640x128xf32, #tpu.memory_space<hbm>>)
      tpu.yield
    }) : () -> ()
    return
  }
}

#map = affine_map<(d0, d1) -> (0, 0)>
#map1 = affine_map<(d0, d1) -> (0, 0, 0)>
module attributes {stable_mosaic.version = 14 : i64} {
  func.func @_seg_body(%arg0: i32, %arg1: i32, %arg2: memref<10240x128xf32, #tpu.memory_space<hbm>>, %arg3: memref<4096x80xi32, #tpu.memory_space<hbm>>, %arg4: memref<4096x80xi32, #tpu.memory_space<hbm>>, %arg5: memref<640x128xf32, #tpu.memory_space<hbm>>, %arg6: memref<2x10240x128xf32, #tpu.memory_space<hbm>>, %arg7: memref<64x80xi32, #tpu.memory_space<vmem>>, %arg8: memref<64x80xi32, #tpu.memory_space<vmem>>, %arg9: memref<80x128xf32, #tpu.memory_space<vmem>>, %arg10: memref<80x128xf32, #tpu.memory_space<vmem>>, %arg11: memref<80x128xf32, #tpu.memory_space<vmem>>, %arg12: memref<10240x128xf32, #tpu.memory_space<vmem_shared>>, %arg13: memref<!tpu.dma_semaphore, #tpu.memory_space<semaphore_mem>>, %arg14: memref<!tpu.dma_semaphore, #tpu.memory_space<semaphore_mem>>, %arg15: memref<!tpu.dma_semaphore, #tpu.memory_space<semaphore_mem>>, %arg16: memref<!tpu.dma_semaphore, #tpu.memory_space<semaphore_mem>>, %arg17: memref<!tpu.dma_semaphore, #tpu.memory_space<semaphore_mem>>, %arg18: memref<!tpu.dma_semaphore, #tpu.memory_space<semaphore_mem>>) attributes {dimension_semantics = [#tpu.dimension_semantics<core_parallel>, #tpu.dimension_semantics<subcore_parallel>], iteration_bounds = array<i64: 2, 16>, scalar_prefetch = 0 : i64, scratch_operands = 12 : i64, tpu.core_type = #tpu.core_type<sc_vector_subcore>, window_params = [{transform_indices = #map}, {transform_indices = #map}, {transform_indices = #map}, {transform_indices = #map}, {transform_indices = #map1}]} {
    %mul3A = arith.constant 16 : i32
    %mul3A_0 = arith.muli %arg0, %mul3A : i32
    %add3A = arith.addi %mul3A_0, %arg1 : i32
    %mul3A_1 = arith.constant 640 : i32
    %mul3A_2 = arith.muli %arg1, %mul3A_1 : i32
    "tpu.region"() ({
      %run_scoped3A = tpu.sem_alloc : memref<!tpu.dma_semaphore, #tpu.memory_space<semaphore_mem>>
      %dma_start3A_251 = arith.constant 0 : i32
      %dma_start3A_252 = tpu.memref_slice %arg12[%mul3A_2, %dma_start3A_251] : memref<10240x128xf32, #tpu.memory_space<vmem_shared>> -> memref<640x128xf32, #tpu.memory_space<vmem_shared>>
      tpu.enqueue_dma source(%arg5 : memref<640x128xf32, #tpu.memory_space<hbm>>) target(%dma_start3A_252 : memref<640x128xf32, #tpu.memory_space<vmem_shared>>) target_semaphore(%run_scoped3A : memref<!tpu.dma_semaphore, #tpu.memory_space<semaphore_mem>>)
      %dma_wait3A_253 = arith.constant 0 : i32
      %dma_wait3A_254 = tpu.memref_slice %arg12[%mul3A_2, %dma_wait3A_253] : memref<10240x128xf32, #tpu.memory_space<vmem_shared>> -> memref<640x128xf32, #tpu.memory_space<vmem_shared>>
      tpu.wait_dma2 semaphore(%run_scoped3A : memref<!tpu.dma_semaphore, #tpu.memory_space<semaphore_mem>>) src(%arg5 : memref<640x128xf32, #tpu.memory_space<hbm>>) dst(%dma_wait3A_254 : memref<640x128xf32, #tpu.memory_space<vmem_shared>>)
      tpu.yield
    }) : () -> ()
    %barrier3A = arith.constant 0 : index
    tpu.barrier barrier_id(%barrier3A)
    %mul3A_3 = arith.constant 128 : i32
    %mul3A_4 = arith.muli %add3A, %mul3A_3 : i32
    %add3A_5 = arith.constant 0 : i32
    %add3A_6 = arith.addi %mul3A_4, %add3A_5 : i32
    "tpu.region"() ({
      %run_scoped3A = tpu.sem_alloc : memref<!tpu.dma_semaphore, #tpu.memory_space<semaphore_mem>>
      %dma_start3A_251 = arith.constant 0 : i32
      %dma_start3A_252 = tpu.memref_slice %arg3[%add3A_6, %dma_start3A_251] : memref<4096x80xi32, #tpu.memory_space<hbm>> -> memref<64x80xi32, #tpu.memory_space<hbm>>
      %dma_start3A_253 = arith.constant 0 : i32
      %dma_start3A_254 = tpu.memref_slice %arg3[%add3A_6, %dma_start3A_253] : memref<4096x80xi32, #tpu.memory_space<hbm>> -> memref<64x80xi32, #tpu.memory_space<hbm>>
      tpu.enqueue_dma source(%dma_start3A_254 : memref<64x80xi32, #tpu.memory_space<hbm>>) target(%arg7 : memref<64x80xi32, #tpu.memory_space<vmem>>) target_semaphore(%run_scoped3A : memref<!tpu.dma_semaphore, #tpu.memory_space<semaphore_mem>>)
      %dma_wait3A_255 = arith.constant 0 : i32
      %dma_wait3A_256 = tpu.memref_slice %arg3[%add3A_6, %dma_wait3A_255] : memref<4096x80xi32, #tpu.memory_space<hbm>> -> memref<64x80xi32, #tpu.memory_space<hbm>>
      %dma_wait3A_257 = arith.constant 0 : i32
      %dma_wait3A_258 = tpu.memref_slice %arg3[%add3A_6, %dma_wait3A_257] : memref<4096x80xi32, #tpu.memory_space<hbm>> -> memref<64x80xi32, #tpu.memory_space<hbm>>
      tpu.wait_dma2 semaphore(%run_scoped3A : memref<!tpu.dma_semaphore, #tpu.memory_space<semaphore_mem>>) src(%dma_wait3A_258 : memref<64x80xi32, #tpu.memory_space<hbm>>) dst(%arg7 : memref<64x80xi32, #tpu.memory_space<vmem>>)
      tpu.yield
    }) : () -> ()
    "tpu.region"() ({
      %run_scoped3A = tpu.sem_alloc : memref<!tpu.dma_semaphore, #tpu.memory_space<semaphore_mem>>
      %dma_start3A_251 = arith.constant 0 : i32
      %dma_start3A_252 = tpu.memref_slice %arg4[%add3A_6, %dma_start3A_251] : memref<4096x80xi32, #tpu.memory_space<hbm>> -> memref<64x80xi32, #tpu.memory_space<hbm>>
      %dma_start3A_253 = arith.constant 0 : i32
      %dma_start3A_254 = tpu.memref_slice %arg4[%add3A_6, %dma_start3A_253] : memref<4096x80xi32, #tpu.memory_space<hbm>> -> memref<64x80xi32, #tpu.memory_space<hbm>>
      tpu.enqueue_dma source(%dma_start3A_254 : memref<64x80xi32, #tpu.memory_space<hbm>>) target(%arg8 : memref<64x80xi32, #tpu.memory_space<vmem>>) target_semaphore(%run_scoped3A : memref<!tpu.dma_semaphore, #tpu.memory_space<semaphore_mem>>)
      %dma_wait3A_255 = arith.constant 0 : i32
      %dma_wait3A_256 = tpu.memref_slice %arg4[%add3A_6, %dma_wait3A_255] : memref<4096x80xi32, #tpu.memory_space<hbm>> -> memref<64x80xi32, #tpu.memory_space<hbm>>
      %dma_wait3A_257 = arith.constant 0 : i32
      %dma_wait3A_258 = tpu.memref_slice %arg4[%add3A_6, %dma_wait3A_257] : memref<4096x80xi32, #tpu.memory_space<hbm>> -> memref<64x80xi32, #tpu.memory_space<hbm>>
      tpu.wait_dma2 semaphore(%run_scoped3A : memref<!tpu.dma_semaphore, #tpu.memory_space<semaphore_mem>>) src(%dma_wait3A_258 : memref<64x80xi32, #tpu.memory_space<hbm>>) dst(%arg8 : memref<64x80xi32, #tpu.memory_space<vmem>>)
      tpu.yield
    }) : () -> ()
    %dma_start3A = arith.constant 0 : i32
    %dma_start3A_7 = arith.constant 0 : i32
    %dma_start3A_8 = tpu.memref_slice %arg7[%dma_start3A, %dma_start3A_7] : memref<64x80xi32, #tpu.memory_space<vmem>> -> memref<1x80xi32, #tpu.memory_space<vmem>>
    %dma_start3A_9 = tpu.memref_squeeze %dma_start3A_8 : memref<1x80xi32, #tpu.memory_space<vmem>> -> memref<80xi32, #tpu.memory_space<vmem>>
    %dma_start3A_10 = arith.constant 0 : i32
    %dma_start3A_11 = arith.constant 0 : i32
    %dma_start3A_12 = tpu.memref_slice %arg2[%dma_start3A_10, %dma_start3A_11] : memref<10240x128xf32, #tpu.memory_space<hbm>> -> memref<10240x128xf32, #tpu.memory_space<hbm>>
    tpu.enqueue_indirect_dma source(%dma_start3A_12 : memref<10240x128xf32, #tpu.memory_space<hbm>>) target(%arg9 : memref<80x128xf32, #tpu.memory_space<vmem>>) offsets(%dma_start3A_9 : memref<80xi32, #tpu.memory_space<vmem>>) semaphore(%arg13 : memref<!tpu.dma_semaphore, #tpu.memory_space<semaphore_mem>>)
    %dma_start3A_13 = arith.constant 1 : i32
    %dma_start3A_14 = arith.constant 0 : i32
    %dma_start3A_15 = tpu.memref_slice %arg7[%dma_start3A_13, %dma_start3A_14] : memref<64x80xi32, #tpu.memory_space<vmem>> -> memref<1x80xi32, #tpu.memory_space<vmem>>
    %dma_start3A_16 = tpu.memref_squeeze %dma_start3A_15 : memref<1x80xi32, #tpu.memory_space<vmem>> -> memref<80xi32, #tpu.memory_space<vmem>>
    %dma_start3A_17 = arith.constant 0 : i32
    %dma_start3A_18 = arith.constant 0 : i32
    %dma_start3A_19 = tpu.memref_slice %arg2[%dma_start3A_17, %dma_start3A_18] : memref<10240x128xf32, #tpu.memory_space<hbm>> -> memref<10240x128xf32, #tpu.memory_space<hbm>>
    tpu.enqueue_indirect_dma source(%dma_start3A_19 : memref<10240x128xf32, #tpu.memory_space<hbm>>) target(%arg10 : memref<80x128xf32, #tpu.memory_space<vmem>>) offsets(%dma_start3A_16 : memref<80xi32, #tpu.memory_space<vmem>>) semaphore(%arg14 : memref<!tpu.dma_semaphore, #tpu.memory_space<semaphore_mem>>)
    %dma_wait3A = arith.constant 0 : i32
    %dma_wait3A_20 = arith.constant 0 : i32
    %dma_wait3A_21 = tpu.memref_slice %arg7[%dma_wait3A, %dma_wait3A_20] : memref<64x80xi32, #tpu.memory_space<vmem>> -> memref<1x80xi32, #tpu.memory_space<vmem>>
    %dma_wait3A_22 = tpu.memref_squeeze %dma_wait3A_21 : memref<1x80xi32, #tpu.memory_space<vmem>> -> memref<80xi32, #tpu.memory_space<vmem>>
    %dma_wait3A_23 = arith.constant 0 : i32
    %dma_wait3A_24 = arith.constant 0 : i32
    %dma_wait3A_25 = tpu.memref_slice %arg2[%dma_wait3A_23, %dma_wait3A_24] : memref<10240x128xf32, #tpu.memory_space<hbm>> -> memref<10240x128xf32, #tpu.memory_space<hbm>>
    tpu.wait_indirect_dma semaphore(%arg13 : memref<!tpu.dma_semaphore, #tpu.memory_space<semaphore_mem>>) src(%dma_wait3A_25 : memref<10240x128xf32, #tpu.memory_space<hbm>>) dst(%arg9 : memref<80x128xf32, #tpu.memory_space<vmem>>)
    %dma_start3A_26 = arith.constant 0 : i32
    %dma_start3A_27 = arith.constant 0 : i32
    %dma_start3A_28 = tpu.memref_slice %arg8[%dma_start3A_26, %dma_start3A_27] : memref<64x80xi32, #tpu.memory_space<vmem>> -> memref<1x80xi32, #tpu.memory_space<vmem>>
    %dma_start3A_29 = tpu.memref_squeeze %dma_start3A_28 : memref<1x80xi32, #tpu.memory_space<vmem>> -> memref<80xi32, #tpu.memory_space<vmem>>
    %dma_start3A_30 = arith.constant 0 : i32
    %dma_start3A_31 = arith.constant 0 : i32
    %dma_start3A_32 = tpu.memref_slice %arg12[%dma_start3A_30, %dma_start3A_31] : memref<10240x128xf32, #tpu.memory_space<vmem_shared>> -> memref<10240x128xf32, #tpu.memory_space<vmem_shared>>
    tpu.enqueue_indirect_dma source(%arg9 : memref<80x128xf32, #tpu.memory_space<vmem>>) target(%dma_start3A_32 : memref<10240x128xf32, #tpu.memory_space<vmem_shared>>) offsets(%dma_start3A_29 : memref<80xi32, #tpu.memory_space<vmem>>) semaphore(%arg16 : memref<!tpu.dma_semaphore, #tpu.memory_space<semaphore_mem>>) {add = true}
    %dma_start3A_33 = arith.constant 2 : i32
    %dma_start3A_34 = arith.constant 0 : i32
    %dma_start3A_35 = tpu.memref_slice %arg7[%dma_start3A_33, %dma_start3A_34] : memref<64x80xi32, #tpu.memory_space<vmem>> -> memref<1x80xi32, #tpu.memory_space<vmem>>
    %dma_start3A_36 = tpu.memref_squeeze %dma_start3A_35 : memref<1x80xi32, #tpu.memory_space<vmem>> -> memref<80xi32, #tpu.memory_space<vmem>>
    %dma_start3A_37 = arith.constant 0 : i32
    %dma_start3A_38 = arith.constant 0 : i32
    %dma_start3A_39 = tpu.memref_slice %arg2[%dma_start3A_37, %dma_start3A_38] : memref<10240x128xf32, #tpu.memory_space<hbm>> -> memref<10240x128xf32, #tpu.memory_space<hbm>>
    tpu.enqueue_indirect_dma source(%dma_start3A_39 : memref<10240x128xf32, #tpu.memory_space<hbm>>) target(%arg11 : memref<80x128xf32, #tpu.memory_space<vmem>>) offsets(%dma_start3A_36 : memref<80xi32, #tpu.memory_space<vmem>>) semaphore(%arg15 : memref<!tpu.dma_semaphore, #tpu.memory_space<semaphore_mem>>)
    %scan3A = arith.constant 0 : i32
    %scan3A_40 = arith.constant 0 : i32
    %scan3A_41 = arith.constant 20 : i32
    %scan3A_42 = arith.addi %scan3A_40, %scan3A_41 : i32
    %scan3A_43 = arith.constant 1 : i32
    %scan3A_44 = scf.for %scan3A_251 = %scan3A_40 to %scan3A_42 step %scan3A_43 iter_args(%scan3A_252 = %scan3A) -> (i32)  : i32 {
      %mul3A_253 = arith.constant 3 : i32
      %mul3A_254 = arith.muli %mul3A_253, %scan3A_251 : i32
      %add3A_255 = arith.constant 1 : i32
      %add3A_256 = arith.addi %mul3A_254, %add3A_255 : i32
      %dma_wait3A_257 = arith.constant 0 : i32
      %dma_wait3A_258 = tpu.memref_slice %arg7[%add3A_256, %dma_wait3A_257] : memref<64x80xi32, #tpu.memory_space<vmem>> -> memref<1x80xi32, #tpu.memory_space<vmem>>
      %dma_wait3A_259 = tpu.memref_squeeze %dma_wait3A_258 : memref<1x80xi32, #tpu.memory_space<vmem>> -> memref<80xi32, #tpu.memory_space<vmem>>
      %dma_wait3A_260 = arith.constant 0 : i32
      %dma_wait3A_261 = arith.constant 0 : i32
      %dma_wait3A_262 = tpu.memref_slice %arg2[%dma_wait3A_260, %dma_wait3A_261] : memref<10240x128xf32, #tpu.memory_space<hbm>> -> memref<10240x128xf32, #tpu.memory_space<hbm>>
      tpu.wait_indirect_dma semaphore(%arg14 : memref<!tpu.dma_semaphore, #tpu.memory_space<semaphore_mem>>) src(%dma_wait3A_262 : memref<10240x128xf32, #tpu.memory_space<hbm>>) dst(%arg10 : memref<80x128xf32, #tpu.memory_space<vmem>>)
      %dma_start3A_263 = arith.constant 0 : i32
      %dma_start3A_264 = tpu.memref_slice %arg8[%add3A_256, %dma_start3A_263] : memref<64x80xi32, #tpu.memory_space<vmem>> -> memref<1x80xi32, #tpu.memory_space<vmem>>
      %dma_start3A_265 = tpu.memref_squeeze %dma_start3A_264 : memref<1x80xi32, #tpu.memory_space<vmem>> -> memref<80xi32, #tpu.memory_space<vmem>>
      %dma_start3A_266 = arith.constant 0 : i32
      %dma_start3A_267 = arith.constant 0 : i32
      %dma_start3A_268 = tpu.memref_slice %arg12[%dma_start3A_266, %dma_start3A_267] : memref<10240x128xf32, #tpu.memory_space<vmem_shared>> -> memref<10240x128xf32, #tpu.memory_space<vmem_shared>>
      tpu.enqueue_indirect_dma source(%arg10 : memref<80x128xf32, #tpu.memory_space<vmem>>) target(%dma_start3A_268 : memref<10240x128xf32, #tpu.memory_space<vmem_shared>>) offsets(%dma_start3A_265 : memref<80xi32, #tpu.memory_space<vmem>>) semaphore(%arg17 : memref<!tpu.dma_semaphore, #tpu.memory_space<semaphore_mem>>) {add = true}
      %sub3A = arith.constant 1 : i32
      %sub3A_269 = arith.subi %add3A_256, %sub3A : i32
      %dma_wait3A_270 = arith.constant 0 : i32
      %dma_wait3A_271 = tpu.memref_slice %arg8[%sub3A_269, %dma_wait3A_270] : memref<64x80xi32, #tpu.memory_space<vmem>> -> memref<1x80xi32, #tpu.memory_space<vmem>>
      %dma_wait3A_272 = tpu.memref_squeeze %dma_wait3A_271 : memref<1x80xi32, #tpu.memory_space<vmem>> -> memref<80xi32, #tpu.memory_space<vmem>>
      %dma_wait3A_273 = arith.constant 0 : i32
      %dma_wait3A_274 = arith.constant 0 : i32
      %dma_wait3A_275 = tpu.memref_slice %arg12[%dma_wait3A_273, %dma_wait3A_274] : memref<10240x128xf32, #tpu.memory_space<vmem_shared>> -> memref<10240x128xf32, #tpu.memory_space<vmem_shared>>
      tpu.wait_indirect_dma semaphore(%arg16 : memref<!tpu.dma_semaphore, #tpu.memory_space<semaphore_mem>>) src(%arg9 : memref<80x128xf32, #tpu.memory_space<vmem>>) dst(%dma_wait3A_275 : memref<10240x128xf32, #tpu.memory_space<vmem_shared>>)
      %add3A_276 = arith.constant 2 : i32
      %add3A_277 = arith.addi %add3A_256, %add3A_276 : i32
      %dma_start3A_278 = arith.constant 0 : i32
      %dma_start3A_279 = tpu.memref_slice %arg7[%add3A_277, %dma_start3A_278] : memref<64x80xi32, #tpu.memory_space<vmem>> -> memref<1x80xi32, #tpu.memory_space<vmem>>
      %dma_start3A_280 = tpu.memref_squeeze %dma_start3A_279 : memref<1x80xi32, #tpu.memory_space<vmem>> -> memref<80xi32, #tpu.memory_space<vmem>>
      %dma_start3A_281 = arith.constant 0 : i32
      %dma_start3A_282 = arith.constant 0 : i32
      %dma_start3A_283 = tpu.memref_slice %arg2[%dma_start3A_281, %dma_start3A_282] : memref<10240x128xf32, #tpu.memory_space<hbm>> -> memref<10240x128xf32, #tpu.memory_space<hbm>>
      tpu.enqueue_indirect_dma source(%dma_start3A_283 : memref<10240x128xf32, #tpu.memory_space<hbm>>) target(%arg9 : memref<80x128xf32, #tpu.memory_space<vmem>>) offsets(%dma_start3A_280 : memref<80xi32, #tpu.memory_space<vmem>>) semaphore(%arg13 : memref<!tpu.dma_semaphore, #tpu.memory_space<semaphore_mem>>)
      %add3A_284 = arith.constant 1 : i32
      %add3A_285 = arith.addi %add3A_256, %add3A_284 : i32
      %dma_wait3A_286 = arith.constant 0 : i32
      %dma_wait3A_287 = tpu.memref_slice %arg7[%add3A_285, %dma_wait3A_286] : memref<64x80xi32, #tpu.memory_space<vmem>> -> memref<1x80xi32, #tpu.memory_space<vmem>>
      %dma_wait3A_288 = tpu.memref_squeeze %dma_wait3A_287 : memref<1x80xi32, #tpu.memory_space<vmem>> -> memref<80xi32, #tpu.memory_space<vmem>>
      %dma_wait3A_289 = arith.constant 0 : i32
      %dma_wait3A_290 = arith.constant 0 : i32
      %dma_wait3A_291 = tpu.memref_slice %arg2[%dma_wait3A_289, %dma_wait3A_290] : memref<10240x128xf32, #tpu.memory_space<hbm>> -> memref<10240x128xf32, #tpu.memory_space<hbm>>
      tpu.wait_indirect_dma semaphore(%arg15 : memref<!tpu.dma_semaphore, #tpu.memory_space<semaphore_mem>>) src(%dma_wait3A_291 : memref<10240x128xf32, #tpu.memory_space<hbm>>) dst(%arg11 : memref<80x128xf32, #tpu.memory_space<vmem>>)
      %dma_start3A_292 = arith.constant 0 : i32
      %dma_start3A_293 = tpu.memref_slice %arg8[%add3A_285, %dma_start3A_292] : memref<64x80xi32, #tpu.memory_space<vmem>> -> memref<1x80xi32, #tpu.memory_space<vmem>>
      %dma_start3A_294 = tpu.memref_squeeze %dma_start3A_293 : memref<1x80xi32, #tpu.memory_space<vmem>> -> memref<80xi32, #tpu.memory_space<vmem>>
      %dma_start3A_295 = arith.constant 0 : i32
      %dma_start3A_296 = arith.constant 0 : i32
      %dma_start3A_297 = tpu.memref_slice %arg12[%dma_start3A_295, %dma_start3A_296] : memref<10240x128xf32, #tpu.memory_space<vmem_shared>> -> memref<10240x128xf32, #tpu.memory_space<vmem_shared>>
      tpu.enqueue_indirect_dma source(%arg11 : memref<80x128xf32, #tpu.memory_space<vmem>>) target(%dma_start3A_297 : memref<10240x128xf32, #tpu.memory_space<vmem_shared>>) offsets(%dma_start3A_294 : memref<80xi32, #tpu.memory_space<vmem>>) semaphore(%arg18 : memref<!tpu.dma_semaphore, #tpu.memory_space<semaphore_mem>>) {add = true}
      %sub3A_298 = arith.constant 1 : i32
      %sub3A_299 = arith.subi %add3A_285, %sub3A_298 : i32
      %dma_wait3A_300 = arith.constant 0 : i32
      %dma_wait3A_301 = tpu.memref_slice %arg8[%sub3A_299, %dma_wait3A_300] : memref<64x80xi32, #tpu.memory_space<vmem>> -> memref<1x80xi32, #tpu.memory_space<vmem>>
      %dma_wait3A_302 = tpu.memref_squeeze %dma_wait3A_301 : memref<1x80xi32, #tpu.memory_space<vmem>> -> memref<80xi32, #tpu.memory_space<vmem>>
      %dma_wait3A_303 = arith.constant 0 : i32
      %dma_wait3A_304 = arith.constant 0 : i32
      %dma_wait3A_305 = tpu.memref_slice %arg12[%dma_wait3A_303, %dma_wait3A_304] : memref<10240x128xf32, #tpu.memory_space<vmem_shared>> -> memref<10240x128xf32, #tpu.memory_space<vmem_shared>>
      tpu.wait_indirect_dma semaphore(%arg17 : memref<!tpu.dma_semaphore, #tpu.memory_space<semaphore_mem>>) src(%arg10 : memref<80x128xf32, #tpu.memory_space<vmem>>) dst(%dma_wait3A_305 : memref<10240x128xf32, #tpu.memory_space<vmem_shared>>)
      %add3A_306 = arith.constant 2 : i32
      %add3A_307 = arith.addi %add3A_285, %add3A_306 : i32
      %dma_start3A_308 = arith.constant 0 : i32
      %dma_start3A_309 = tpu.memref_slice %arg7[%add3A_307, %dma_start3A_308] : memref<64x80xi32, #tpu.memory_space<vmem>> -> memref<1x80xi32, #tpu.memory_space<vmem>>
      %dma_start3A_310 = tpu.memref_squeeze %dma_start3A_309 : memref<1x80xi32, #tpu.memory_space<vmem>> -> memref<80xi32, #tpu.memory_space<vmem>>
      %dma_start3A_311 = arith.constant 0 : i32
      %dma_start3A_312 = arith.constant 0 : i32
      %dma_start3A_313 = tpu.memref_slice %arg2[%dma_start3A_311, %dma_start3A_312] : memref<10240x128xf32, #tpu.memory_space<hbm>> -> memref<10240x128xf32, #tpu.memory_space<hbm>>
      tpu.enqueue_indirect_dma source(%dma_start3A_313 : memref<10240x128xf32, #tpu.memory_space<hbm>>) target(%arg10 : memref<80x128xf32, #tpu.memory_space<vmem>>) offsets(%dma_start3A_310 : memref<80xi32, #tpu.memory_space<vmem>>) semaphore(%arg14 : memref<!tpu.dma_semaphore, #tpu.memory_space<semaphore_mem>>)
      %add3A_314 = arith.constant 2 : i32
      %add3A_315 = arith.addi %add3A_256, %add3A_314 : i32
      %dma_wait3A_316 = arith.constant 0 : i32
      %dma_wait3A_317 = tpu.memref_slice %arg7[%add3A_315, %dma_wait3A_316] : memref<64x80xi32, #tpu.memory_space<vmem>> -> memref<1x80xi32, #tpu.memory_space<vmem>>
      %dma_wait3A_318 = tpu.memref_squeeze %dma_wait3A_317 : memref<1x80xi32, #tpu.memory_space<vmem>> -> memref<80xi32, #tpu.memory_space<vmem>>
      %dma_wait3A_319 = arith.constant 0 : i32
      %dma_wait3A_320 = arith.constant 0 : i32
      %dma_wait3A_321 = tpu.memref_slice %arg2[%dma_wait3A_319, %dma_wait3A_320] : memref<10240x128xf32, #tpu.memory_space<hbm>> -> memref<10240x128xf32, #tpu.memory_space<hbm>>
      tpu.wait_indirect_dma semaphore(%arg13 : memref<!tpu.dma_semaphore, #tpu.memory_space<semaphore_mem>>) src(%dma_wait3A_321 : memref<10240x128xf32, #tpu.memory_space<hbm>>) dst(%arg9 : memref<80x128xf32, #tpu.memory_space<vmem>>)
      %dma_start3A_322 = arith.constant 0 : i32
      %dma_start3A_323 = tpu.memref_slice %arg8[%add3A_315, %dma_start3A_322] : memref<64x80xi32, #tpu.memory_space<vmem>> -> memref<1x80xi32, #tpu.memory_space<vmem>>
      %dma_start3A_324 = tpu.memref_squeeze %dma_start3A_323 : memref<1x80xi32, #tpu.memory_space<vmem>> -> memref<80xi32, #tpu.memory_space<vmem>>
      %dma_start3A_325 = arith.constant 0 : i32
      %dma_start3A_326 = arith.constant 0 : i32
      %dma_start3A_327 = tpu.memref_slice %arg12[%dma_start3A_325, %dma_start3A_326] : memref<10240x128xf32, #tpu.memory_space<vmem_shared>> -> memref<10240x128xf32, #tpu.memory_space<vmem_shared>>
      tpu.enqueue_indirect_dma source(%arg9 : memref<80x128xf32, #tpu.memory_space<vmem>>) target(%dma_start3A_327 : memref<10240x128xf32, #tpu.memory_space<vmem_shared>>) offsets(%dma_start3A_324 : memref<80xi32, #tpu.memory_space<vmem>>) semaphore(%arg16 : memref<!tpu.dma_semaphore, #tpu.memory_space<semaphore_mem>>) {add = true}
      %sub3A_328 = arith.constant 1 : i32
      %sub3A_329 = arith.subi %add3A_315, %sub3A_328 : i32
      %dma_wait3A_330 = arith.constant 0 : i32
      %dma_wait3A_331 = tpu.memref_slice %arg8[%sub3A_329, %dma_wait3A_330] : memref<64x80xi32, #tpu.memory_space<vmem>> -> memref<1x80xi32, #tpu.memory_space<vmem>>
      %dma_wait3A_332 = tpu.memref_squeeze %dma_wait3A_331 : memref<1x80xi32, #tpu.memory_space<vmem>> -> memref<80xi32, #tpu.memory_space<vmem>>
      %dma_wait3A_333 = arith.constant 0 : i32
      %dma_wait3A_334 = arith.constant 0 : i32
      %dma_wait3A_335 = tpu.memref_slice %arg12[%dma_wait3A_333, %dma_wait3A_334] : memref<10240x128xf32, #tpu.memory_space<vmem_shared>> -> memref<10240x128xf32, #tpu.memory_space<vmem_shared>>
      tpu.wait_indirect_dma semaphore(%arg18 : memref<!tpu.dma_semaphore, #tpu.memory_space<semaphore_mem>>) src(%arg11 : memref<80x128xf32, #tpu.memory_space<vmem>>) dst(%dma_wait3A_335 : memref<10240x128xf32, #tpu.memory_space<vmem_shared>>)
      %add3A_336 = arith.constant 2 : i32
      %add3A_337 = arith.addi %add3A_315, %add3A_336 : i32
      %dma_start3A_338 = arith.constant 0 : i32
      %dma_start3A_339 = tpu.memref_slice %arg7[%add3A_337, %dma_start3A_338] : memref<64x80xi32, #tpu.memory_space<vmem>> -> memref<1x80xi32, #tpu.memory_space<vmem>>
      %dma_start3A_340 = tpu.memref_squeeze %dma_start3A_339 : memref<1x80xi32, #tpu.memory_space<vmem>> -> memref<80xi32, #tpu.memory_space<vmem>>
      %dma_start3A_341 = arith.constant 0 : i32
      %dma_start3A_342 = arith.constant 0 : i32
      %dma_start3A_343 = tpu.memref_slice %arg2[%dma_start3A_341, %dma_start3A_342] : memref<10240x128xf32, #tpu.memory_space<hbm>> -> memref<10240x128xf32, #tpu.memory_space<hbm>>
      tpu.enqueue_indirect_dma source(%dma_start3A_343 : memref<10240x128xf32, #tpu.memory_space<hbm>>) target(%arg11 : memref<80x128xf32, #tpu.memory_space<vmem>>) offsets(%dma_start3A_340 : memref<80xi32, #tpu.memory_space<vmem>>) semaphore(%arg15 : memref<!tpu.dma_semaphore, #tpu.memory_space<semaphore_mem>>)
      %scan3A_344 = arith.constant 0 : i32
      scf.yield %scan3A_344 : i32
    }
    %scan3A_45 = arith.constant 20 : i32
    %dma_wait3A_46 = arith.constant 61 : i32
    %dma_wait3A_47 = arith.constant 0 : i32
    %dma_wait3A_48 = tpu.memref_slice %arg7[%dma_wait3A_46, %dma_wait3A_47] : memref<64x80xi32, #tpu.memory_space<vmem>> -> memref<1x80xi32, #tpu.memory_space<vmem>>
    %dma_wait3A_49 = tpu.memref_squeeze %dma_wait3A_48 : memref<1x80xi32, #tpu.memory_space<vmem>> -> memref<80xi32, #tpu.memory_space<vmem>>
    %dma_wait3A_50 = arith.constant 0 : i32
    %dma_wait3A_51 = arith.constant 0 : i32
    %dma_wait3A_52 = tpu.memref_slice %arg2[%dma_wait3A_50, %dma_wait3A_51] : memref<10240x128xf32, #tpu.memory_space<hbm>> -> memref<10240x128xf32, #tpu.memory_space<hbm>>
    tpu.wait_indirect_dma semaphore(%arg14 : memref<!tpu.dma_semaphore, #tpu.memory_space<semaphore_mem>>) src(%dma_wait3A_52 : memref<10240x128xf32, #tpu.memory_space<hbm>>) dst(%arg10 : memref<80x128xf32, #tpu.memory_space<vmem>>)
    %dma_start3A_53 = arith.constant 61 : i32
    %dma_start3A_54 = arith.constant 0 : i32
    %dma_start3A_55 = tpu.memref_slice %arg8[%dma_start3A_53, %dma_start3A_54] : memref<64x80xi32, #tpu.memory_space<vmem>> -> memref<1x80xi32, #tpu.memory_space<vmem>>
    %dma_start3A_56 = tpu.memref_squeeze %dma_start3A_55 : memref<1x80xi32, #tpu.memory_space<vmem>> -> memref<80xi32, #tpu.memory_space<vmem>>
    %dma_start3A_57 = arith.constant 0 : i32
    %dma_start3A_58 = arith.constant 0 : i32
    %dma_start3A_59 = tpu.memref_slice %arg12[%dma_start3A_57, %dma_start3A_58] : memref<10240x128xf32, #tpu.memory_space<vmem_shared>> -> memref<10240x128xf32, #tpu.memory_space<vmem_shared>>
    tpu.enqueue_indirect_dma source(%arg10 : memref<80x128xf32, #tpu.memory_space<vmem>>) target(%dma_start3A_59 : memref<10240x128xf32, #tpu.memory_space<vmem_shared>>) offsets(%dma_start3A_56 : memref<80xi32, #tpu.memory_space<vmem>>) semaphore(%arg17 : memref<!tpu.dma_semaphore, #tpu.memory_space<semaphore_mem>>) {add = true}
    %dma_wait3A_60 = arith.constant 60 : i32
    %dma_wait3A_61 = arith.constant 0 : i32
    %dma_wait3A_62 = tpu.memref_slice %arg8[%dma_wait3A_60, %dma_wait3A_61] : memref<64x80xi32, #tpu.memory_space<vmem>> -> memref<1x80xi32, #tpu.memory_space<vmem>>
    %dma_wait3A_63 = tpu.memref_squeeze %dma_wait3A_62 : memref<1x80xi32, #tpu.memory_space<vmem>> -> memref<80xi32, #tpu.memory_space<vmem>>
    %dma_wait3A_64 = arith.constant 0 : i32
    %dma_wait3A_65 = arith.constant 0 : i32
    %dma_wait3A_66 = tpu.memref_slice %arg12[%dma_wait3A_64, %dma_wait3A_65] : memref<10240x128xf32, #tpu.memory_space<vmem_shared>> -> memref<10240x128xf32, #tpu.memory_space<vmem_shared>>
    tpu.wait_indirect_dma semaphore(%arg16 : memref<!tpu.dma_semaphore, #tpu.memory_space<semaphore_mem>>) src(%arg9 : memref<80x128xf32, #tpu.memory_space<vmem>>) dst(%dma_wait3A_66 : memref<10240x128xf32, #tpu.memory_space<vmem_shared>>)
    %dma_start3A_67 = arith.constant 63 : i32
    %dma_start3A_68 = arith.constant 0 : i32
    %dma_start3A_69 = tpu.memref_slice %arg7[%dma_start3A_67, %dma_start3A_68] : memref<64x80xi32, #tpu.memory_space<vmem>> -> memref<1x80xi32, #tpu.memory_space<vmem>>
    %dma_start3A_70 = tpu.memref_squeeze %dma_start3A_69 : memref<1x80xi32, #tpu.memory_space<vmem>> -> memref<80xi32, #tpu.memory_space<vmem>>
    %dma_start3A_71 = arith.constant 0 : i32
    %dma_start3A_72 = arith.constant 0 : i32
    %dma_start3A_73 = tpu.memref_slice %arg2[%dma_start3A_71, %dma_start3A_72] : memref<10240x128xf32, #tpu.memory_space<hbm>> -> memref<10240x128xf32, #tpu.memory_space<hbm>>
    tpu.enqueue_indirect_dma source(%dma_start3A_73 : memref<10240x128xf32, #tpu.memory_space<hbm>>) target(%arg9 : memref<80x128xf32, #tpu.memory_space<vmem>>) offsets(%dma_start3A_70 : memref<80xi32, #tpu.memory_space<vmem>>) semaphore(%arg13 : memref<!tpu.dma_semaphore, #tpu.memory_space<semaphore_mem>>)
    %dma_wait3A_74 = arith.constant 62 : i32
    %dma_wait3A_75 = arith.constant 0 : i32
    %dma_wait3A_76 = tpu.memref_slice %arg7[%dma_wait3A_74, %dma_wait3A_75] : memref<64x80xi32, #tpu.memory_space<vmem>> -> memref<1x80xi32, #tpu.memory_space<vmem>>
    %dma_wait3A_77 = tpu.memref_squeeze %dma_wait3A_76 : memref<1x80xi32, #tpu.memory_space<vmem>> -> memref<80xi32, #tpu.memory_space<vmem>>
    %dma_wait3A_78 = arith.constant 0 : i32
    %dma_wait3A_79 = arith.constant 0 : i32
    %dma_wait3A_80 = tpu.memref_slice %arg2[%dma_wait3A_78, %dma_wait3A_79] : memref<10240x128xf32, #tpu.memory_space<hbm>> -> memref<10240x128xf32, #tpu.memory_space<hbm>>
    tpu.wait_indirect_dma semaphore(%arg15 : memref<!tpu.dma_semaphore, #tpu.memory_space<semaphore_mem>>) src(%dma_wait3A_80 : memref<10240x128xf32, #tpu.memory_space<hbm>>) dst(%arg11 : memref<80x128xf32, #tpu.memory_space<vmem>>)
    %dma_start3A_81 = arith.constant 62 : i32
    %dma_start3A_82 = arith.constant 0 : i32
    %dma_start3A_83 = tpu.memref_slice %arg8[%dma_start3A_81, %dma_start3A_82] : memref<64x80xi32, #tpu.memory_space<vmem>> -> memref<1x80xi32, #tpu.memory_space<vmem>>
    %dma_start3A_84 = tpu.memref_squeeze %dma_start3A_83 : memref<1x80xi32, #tpu.memory_space<vmem>> -> memref<80xi32, #tpu.memory_space<vmem>>
    %dma_start3A_85 = arith.constant 0 : i32
    %dma_start3A_86 = arith.constant 0 : i32
    %dma_start3A_87 = tpu.memref_slice %arg12[%dma_start3A_85, %dma_start3A_86] : memref<10240x128xf32, #tpu.memory_space<vmem_shared>> -> memref<10240x128xf32, #tpu.memory_space<vmem_shared>>
    tpu.enqueue_indirect_dma source(%arg11 : memref<80x128xf32, #tpu.memory_space<vmem>>) target(%dma_start3A_87 : memref<10240x128xf32, #tpu.memory_space<vmem_shared>>) offsets(%dma_start3A_84 : memref<80xi32, #tpu.memory_space<vmem>>) semaphore(%arg18 : memref<!tpu.dma_semaphore, #tpu.memory_space<semaphore_mem>>) {add = true}
    %dma_wait3A_88 = arith.constant 61 : i32
    %dma_wait3A_89 = arith.constant 0 : i32
    %dma_wait3A_90 = tpu.memref_slice %arg8[%dma_wait3A_88, %dma_wait3A_89] : memref<64x80xi32, #tpu.memory_space<vmem>> -> memref<1x80xi32, #tpu.memory_space<vmem>>
    %dma_wait3A_91 = tpu.memref_squeeze %dma_wait3A_90 : memref<1x80xi32, #tpu.memory_space<vmem>> -> memref<80xi32, #tpu.memory_space<vmem>>
    %dma_wait3A_92 = arith.constant 0 : i32
    %dma_wait3A_93 = arith.constant 0 : i32
    %dma_wait3A_94 = tpu.memref_slice %arg12[%dma_wait3A_92, %dma_wait3A_93] : memref<10240x128xf32, #tpu.memory_space<vmem_shared>> -> memref<10240x128xf32, #tpu.memory_space<vmem_shared>>
    tpu.wait_indirect_dma semaphore(%arg17 : memref<!tpu.dma_semaphore, #tpu.memory_space<semaphore_mem>>) src(%arg10 : memref<80x128xf32, #tpu.memory_space<vmem>>) dst(%dma_wait3A_94 : memref<10240x128xf32, #tpu.memory_space<vmem_shared>>)
    %dma_wait3A_95 = arith.constant 63 : i32
    %dma_wait3A_96 = arith.constant 0 : i32
    %dma_wait3A_97 = tpu.memref_slice %arg7[%dma_wait3A_95, %dma_wait3A_96] : memref<64x80xi32, #tpu.memory_space<vmem>> -> memref<1x80xi32, #tpu.memory_space<vmem>>
    %dma_wait3A_98 = tpu.memref_squeeze %dma_wait3A_97 : memref<1x80xi32, #tpu.memory_space<vmem>> -> memref<80xi32, #tpu.memory_space<vmem>>
    %dma_wait3A_99 = arith.constant 0 : i32
    %dma_wait3A_100 = arith.constant 0 : i32
    %dma_wait3A_101 = tpu.memref_slice %arg2[%dma_wait3A_99, %dma_wait3A_100] : memref<10240x128xf32, #tpu.memory_space<hbm>> -> memref<10240x128xf32, #tpu.memory_space<hbm>>
    tpu.wait_indirect_dma semaphore(%arg13 : memref<!tpu.dma_semaphore, #tpu.memory_space<semaphore_mem>>) src(%dma_wait3A_101 : memref<10240x128xf32, #tpu.memory_space<hbm>>) dst(%arg9 : memref<80x128xf32, #tpu.memory_space<vmem>>)
    %dma_start3A_102 = arith.constant 63 : i32
    %dma_start3A_103 = arith.constant 0 : i32
    %dma_start3A_104 = tpu.memref_slice %arg8[%dma_start3A_102, %dma_start3A_103] : memref<64x80xi32, #tpu.memory_space<vmem>> -> memref<1x80xi32, #tpu.memory_space<vmem>>
    %dma_start3A_105 = tpu.memref_squeeze %dma_start3A_104 : memref<1x80xi32, #tpu.memory_space<vmem>> -> memref<80xi32, #tpu.memory_space<vmem>>
    %dma_start3A_106 = arith.constant 0 : i32
    %dma_start3A_107 = arith.constant 0 : i32
    %dma_start3A_108 = tpu.memref_slice %arg12[%dma_start3A_106, %dma_start3A_107] : memref<10240x128xf32, #tpu.memory_space<vmem_shared>> -> memref<10240x128xf32, #tpu.memory_space<vmem_shared>>
    tpu.enqueue_indirect_dma source(%arg9 : memref<80x128xf32, #tpu.memory_space<vmem>>) target(%dma_start3A_108 : memref<10240x128xf32, #tpu.memory_space<vmem_shared>>) offsets(%dma_start3A_105 : memref<80xi32, #tpu.memory_space<vmem>>) semaphore(%arg16 : memref<!tpu.dma_semaphore, #tpu.memory_space<semaphore_mem>>) {add = true}
    %dma_wait3A_109 = arith.constant 62 : i32
    %dma_wait3A_110 = arith.constant 0 : i32
    %dma_wait3A_111 = tpu.memref_slice %arg8[%dma_wait3A_109, %dma_wait3A_110] : memref<64x80xi32, #tpu.memory_space<vmem>> -> memref<1x80xi32, #tpu.memory_space<vmem>>
    %dma_wait3A_112 = tpu.memref_squeeze %dma_wait3A_111 : memref<1x80xi32, #tpu.memory_space<vmem>> -> memref<80xi32, #tpu.memory_space<vmem>>
    %dma_wait3A_113 = arith.constant 0 : i32
    %dma_wait3A_114 = arith.constant 0 : i32
    %dma_wait3A_115 = tpu.memref_slice %arg12[%dma_wait3A_113, %dma_wait3A_114] : memref<10240x128xf32, #tpu.memory_space<vmem_shared>> -> memref<10240x128xf32, #tpu.memory_space<vmem_shared>>
    tpu.wait_indirect_dma semaphore(%arg18 : memref<!tpu.dma_semaphore, #tpu.memory_space<semaphore_mem>>) src(%arg11 : memref<80x128xf32, #tpu.memory_space<vmem>>) dst(%dma_wait3A_115 : memref<10240x128xf32, #tpu.memory_space<vmem_shared>>)
    %dma_wait3A_116 = arith.constant 63 : i32
    %dma_wait3A_117 = arith.constant 0 : i32
    %dma_wait3A_118 = tpu.memref_slice %arg8[%dma_wait3A_116, %dma_wait3A_117] : memref<64x80xi32, #tpu.memory_space<vmem>> -> memref<1x80xi32, #tpu.memory_space<vmem>>
    %dma_wait3A_119 = tpu.memref_squeeze %dma_wait3A_118 : memref<1x80xi32, #tpu.memory_space<vmem>> -> memref<80xi32, #tpu.memory_space<vmem>>
    %dma_wait3A_120 = arith.constant 0 : i32
    %dma_wait3A_121 = arith.constant 0 : i32
    %dma_wait3A_122 = tpu.memref_slice %arg12[%dma_wait3A_120, %dma_wait3A_121] : memref<10240x128xf32, #tpu.memory_space<vmem_shared>> -> memref<10240x128xf32, #tpu.memory_space<vmem_shared>>
    tpu.wait_indirect_dma semaphore(%arg16 : memref<!tpu.dma_semaphore, #tpu.memory_space<semaphore_mem>>) src(%arg9 : memref<80x128xf32, #tpu.memory_space<vmem>>) dst(%dma_wait3A_122 : memref<10240x128xf32, #tpu.memory_space<vmem_shared>>)
    %mul3A_123 = arith.constant 128 : i32
    %mul3A_124 = arith.muli %add3A, %mul3A_123 : i32
    %add3A_125 = arith.constant 64 : i32
    %add3A_126 = arith.addi %mul3A_124, %add3A_125 : i32
    "tpu.region"() ({
      %run_scoped3A = tpu.sem_alloc : memref<!tpu.dma_semaphore, #tpu.memory_space<semaphore_mem>>
      %dma_start3A_251 = arith.constant 0 : i32
      %dma_start3A_252 = tpu.memref_slice %arg3[%add3A_126, %dma_start3A_251] : memref<4096x80xi32, #tpu.memory_space<hbm>> -> memref<64x80xi32, #tpu.memory_space<hbm>>
      %dma_start3A_253 = arith.constant 0 : i32
      %dma_start3A_254 = tpu.memref_slice %arg3[%add3A_126, %dma_start3A_253] : memref<4096x80xi32, #tpu.memory_space<hbm>> -> memref<64x80xi32, #tpu.memory_space<hbm>>
      tpu.enqueue_dma source(%dma_start3A_254 : memref<64x80xi32, #tpu.memory_space<hbm>>) target(%arg7 : memref<64x80xi32, #tpu.memory_space<vmem>>) target_semaphore(%run_scoped3A : memref<!tpu.dma_semaphore, #tpu.memory_space<semaphore_mem>>)
      %dma_wait3A_255 = arith.constant 0 : i32
      %dma_wait3A_256 = tpu.memref_slice %arg3[%add3A_126, %dma_wait3A_255] : memref<4096x80xi32, #tpu.memory_space<hbm>> -> memref<64x80xi32, #tpu.memory_space<hbm>>
      %dma_wait3A_257 = arith.constant 0 : i32
      %dma_wait3A_258 = tpu.memref_slice %arg3[%add3A_126, %dma_wait3A_257] : memref<4096x80xi32, #tpu.memory_space<hbm>> -> memref<64x80xi32, #tpu.memory_space<hbm>>
      tpu.wait_dma2 semaphore(%run_scoped3A : memref<!tpu.dma_semaphore, #tpu.memory_space<semaphore_mem>>) src(%dma_wait3A_258 : memref<64x80xi32, #tpu.memory_space<hbm>>) dst(%arg7 : memref<64x80xi32, #tpu.memory_space<vmem>>)
      tpu.yield
    }) : () -> ()
    "tpu.region"() ({
      %run_scoped3A = tpu.sem_alloc : memref<!tpu.dma_semaphore, #tpu.memory_space<semaphore_mem>>
      %dma_start3A_251 = arith.constant 0 : i32
      %dma_start3A_252 = tpu.memref_slice %arg4[%add3A_126, %dma_start3A_251] : memref<4096x80xi32, #tpu.memory_space<hbm>> -> memref<64x80xi32, #tpu.memory_space<hbm>>
      %dma_start3A_253 = arith.constant 0 : i32
      %dma_start3A_254 = tpu.memref_slice %arg4[%add3A_126, %dma_start3A_253] : memref<4096x80xi32, #tpu.memory_space<hbm>> -> memref<64x80xi32, #tpu.memory_space<hbm>>
      tpu.enqueue_dma source(%dma_start3A_254 : memref<64x80xi32, #tpu.memory_space<hbm>>) target(%arg8 : memref<64x80xi32, #tpu.memory_space<vmem>>) target_semaphore(%run_scoped3A : memref<!tpu.dma_semaphore, #tpu.memory_space<semaphore_mem>>)
      %dma_wait3A_255 = arith.constant 0 : i32
      %dma_wait3A_256 = tpu.memref_slice %arg4[%add3A_126, %dma_wait3A_255] : memref<4096x80xi32, #tpu.memory_space<hbm>> -> memref<64x80xi32, #tpu.memory_space<hbm>>
      %dma_wait3A_257 = arith.constant 0 : i32
      %dma_wait3A_258 = tpu.memref_slice %arg4[%add3A_126, %dma_wait3A_257] : memref<4096x80xi32, #tpu.memory_space<hbm>> -> memref<64x80xi32, #tpu.memory_space<hbm>>
      tpu.wait_dma2 semaphore(%run_scoped3A : memref<!tpu.dma_semaphore, #tpu.memory_space<semaphore_mem>>) src(%dma_wait3A_258 : memref<64x80xi32, #tpu.memory_space<hbm>>) dst(%arg8 : memref<64x80xi32, #tpu.memory_space<vmem>>)
      tpu.yield
    }) : () -> ()
    %dma_start3A_127 = arith.constant 0 : i32
    %dma_start3A_128 = arith.constant 0 : i32
    %dma_start3A_129 = tpu.memref_slice %arg7[%dma_start3A_127, %dma_start3A_128] : memref<64x80xi32, #tpu.memory_space<vmem>> -> memref<1x80xi32, #tpu.memory_space<vmem>>
    %dma_start3A_130 = tpu.memref_squeeze %dma_start3A_129 : memref<1x80xi32, #tpu.memory_space<vmem>> -> memref<80xi32, #tpu.memory_space<vmem>>
    %dma_start3A_131 = arith.constant 0 : i32
    %dma_start3A_132 = arith.constant 0 : i32
    %dma_start3A_133 = tpu.memref_slice %arg2[%dma_start3A_131, %dma_start3A_132] : memref<10240x128xf32, #tpu.memory_space<hbm>> -> memref<10240x128xf32, #tpu.memory_space<hbm>>
    tpu.enqueue_indirect_dma source(%dma_start3A_133 : memref<10240x128xf32, #tpu.memory_space<hbm>>) target(%arg9 : memref<80x128xf32, #tpu.memory_space<vmem>>) offsets(%dma_start3A_130 : memref<80xi32, #tpu.memory_space<vmem>>) semaphore(%arg13 : memref<!tpu.dma_semaphore, #tpu.memory_space<semaphore_mem>>)
    %dma_start3A_134 = arith.constant 1 : i32
    %dma_start3A_135 = arith.constant 0 : i32
    %dma_start3A_136 = tpu.memref_slice %arg7[%dma_start3A_134, %dma_start3A_135] : memref<64x80xi32, #tpu.memory_space<vmem>> -> memref<1x80xi32, #tpu.memory_space<vmem>>
    %dma_start3A_137 = tpu.memref_squeeze %dma_start3A_136 : memref<1x80xi32, #tpu.memory_space<vmem>> -> memref<80xi32, #tpu.memory_space<vmem>>
    %dma_start3A_138 = arith.constant 0 : i32
    %dma_start3A_139 = arith.constant 0 : i32
    %dma_start3A_140 = tpu.memref_slice %arg2[%dma_start3A_138, %dma_start3A_139] : memref<10240x128xf32, #tpu.memory_space<hbm>> -> memref<10240x128xf32, #tpu.memory_space<hbm>>
    tpu.enqueue_indirect_dma source(%dma_start3A_140 : memref<10240x128xf32, #tpu.memory_space<hbm>>) target(%arg10 : memref<80x128xf32, #tpu.memory_space<vmem>>) offsets(%dma_start3A_137 : memref<80xi32, #tpu.memory_space<vmem>>) semaphore(%arg14 : memref<!tpu.dma_semaphore, #tpu.memory_space<semaphore_mem>>)
    %dma_wait3A_141 = arith.constant 0 : i32
    %dma_wait3A_142 = arith.constant 0 : i32
    %dma_wait3A_143 = tpu.memref_slice %arg7[%dma_wait3A_141, %dma_wait3A_142] : memref<64x80xi32, #tpu.memory_space<vmem>> -> memref<1x80xi32, #tpu.memory_space<vmem>>
    %dma_wait3A_144 = tpu.memref_squeeze %dma_wait3A_143 : memref<1x80xi32, #tpu.memory_space<vmem>> -> memref<80xi32, #tpu.memory_space<vmem>>
    %dma_wait3A_145 = arith.constant 0 : i32
    %dma_wait3A_146 = arith.constant 0 : i32
    %dma_wait3A_147 = tpu.memref_slice %arg2[%dma_wait3A_145, %dma_wait3A_146] : memref<10240x128xf32, #tpu.memory_space<hbm>> -> memref<10240x128xf32, #tpu.memory_space<hbm>>
    tpu.wait_indirect_dma semaphore(%arg13 : memref<!tpu.dma_semaphore, #tpu.memory_space<semaphore_mem>>) src(%dma_wait3A_147 : memref<10240x128xf32, #tpu.memory_space<hbm>>) dst(%arg9 : memref<80x128xf32, #tpu.memory_space<vmem>>)
    %dma_start3A_148 = arith.constant 0 : i32
    %dma_start3A_149 = arith.constant 0 : i32
    %dma_start3A_150 = tpu.memref_slice %arg8[%dma_start3A_148, %dma_start3A_149] : memref<64x80xi32, #tpu.memory_space<vmem>> -> memref<1x80xi32, #tpu.memory_space<vmem>>
    %dma_start3A_151 = tpu.memref_squeeze %dma_start3A_150 : memref<1x80xi32, #tpu.memory_space<vmem>> -> memref<80xi32, #tpu.memory_space<vmem>>
    %dma_start3A_152 = arith.constant 0 : i32
    %dma_start3A_153 = arith.constant 0 : i32
    %dma_start3A_154 = tpu.memref_slice %arg12[%dma_start3A_152, %dma_start3A_153] : memref<10240x128xf32, #tpu.memory_space<vmem_shared>> -> memref<10240x128xf32, #tpu.memory_space<vmem_shared>>
    tpu.enqueue_indirect_dma source(%arg9 : memref<80x128xf32, #tpu.memory_space<vmem>>) target(%dma_start3A_154 : memref<10240x128xf32, #tpu.memory_space<vmem_shared>>) offsets(%dma_start3A_151 : memref<80xi32, #tpu.memory_space<vmem>>) semaphore(%arg16 : memref<!tpu.dma_semaphore, #tpu.memory_space<semaphore_mem>>) {add = true}
    %dma_start3A_155 = arith.constant 2 : i32
    %dma_start3A_156 = arith.constant 0 : i32
    %dma_start3A_157 = tpu.memref_slice %arg7[%dma_start3A_155, %dma_start3A_156] : memref<64x80xi32, #tpu.memory_space<vmem>> -> memref<1x80xi32, #tpu.memory_space<vmem>>
    %dma_start3A_158 = tpu.memref_squeeze %dma_start3A_157 : memref<1x80xi32, #tpu.memory_space<vmem>> -> memref<80xi32, #tpu.memory_space<vmem>>
    %dma_start3A_159 = arith.constant 0 : i32
    %dma_start3A_160 = arith.constant 0 : i32
    %dma_start3A_161 = tpu.memref_slice %arg2[%dma_start3A_159, %dma_start3A_160] : memref<10240x128xf32, #tpu.memory_space<hbm>> -> memref<10240x128xf32, #tpu.memory_space<hbm>>
    tpu.enqueue_indirect_dma source(%dma_start3A_161 : memref<10240x128xf32, #tpu.memory_space<hbm>>) target(%arg11 : memref<80x128xf32, #tpu.memory_space<vmem>>) offsets(%dma_start3A_158 : memref<80xi32, #tpu.memory_space<vmem>>) semaphore(%arg15 : memref<!tpu.dma_semaphore, #tpu.memory_space<semaphore_mem>>)
    %scan3A_162 = arith.constant 0 : i32
    %scan3A_163 = arith.constant 0 : i32
    %scan3A_164 = arith.constant 20 : i32
    %scan3A_165 = arith.addi %scan3A_163, %scan3A_164 : i32
    %scan3A_166 = arith.constant 1 : i32
    %scan3A_167 = scf.for %scan3A_251 = %scan3A_163 to %scan3A_165 step %scan3A_166 iter_args(%scan3A_252 = %scan3A_162) -> (i32)  : i32 {
      %mul3A_253 = arith.constant 3 : i32
      %mul3A_254 = arith.muli %mul3A_253, %scan3A_251 : i32
      %add3A_255 = arith.constant 1 : i32
      %add3A_256 = arith.addi %mul3A_254, %add3A_255 : i32
      %dma_wait3A_257 = arith.constant 0 : i32
      %dma_wait3A_258 = tpu.memref_slice %arg7[%add3A_256, %dma_wait3A_257] : memref<64x80xi32, #tpu.memory_space<vmem>> -> memref<1x80xi32, #tpu.memory_space<vmem>>
      %dma_wait3A_259 = tpu.memref_squeeze %dma_wait3A_258 : memref<1x80xi32, #tpu.memory_space<vmem>> -> memref<80xi32, #tpu.memory_space<vmem>>
      %dma_wait3A_260 = arith.constant 0 : i32
      %dma_wait3A_261 = arith.constant 0 : i32
      %dma_wait3A_262 = tpu.memref_slice %arg2[%dma_wait3A_260, %dma_wait3A_261] : memref<10240x128xf32, #tpu.memory_space<hbm>> -> memref<10240x128xf32, #tpu.memory_space<hbm>>
      tpu.wait_indirect_dma semaphore(%arg14 : memref<!tpu.dma_semaphore, #tpu.memory_space<semaphore_mem>>) src(%dma_wait3A_262 : memref<10240x128xf32, #tpu.memory_space<hbm>>) dst(%arg10 : memref<80x128xf32, #tpu.memory_space<vmem>>)
      %dma_start3A_263 = arith.constant 0 : i32
      %dma_start3A_264 = tpu.memref_slice %arg8[%add3A_256, %dma_start3A_263] : memref<64x80xi32, #tpu.memory_space<vmem>> -> memref<1x80xi32, #tpu.memory_space<vmem>>
      %dma_start3A_265 = tpu.memref_squeeze %dma_start3A_264 : memref<1x80xi32, #tpu.memory_space<vmem>> -> memref<80xi32, #tpu.memory_space<vmem>>
      %dma_start3A_266 = arith.constant 0 : i32
      %dma_start3A_267 = arith.constant 0 : i32
      %dma_start3A_268 = tpu.memref_slice %arg12[%dma_start3A_266, %dma_start3A_267] : memref<10240x128xf32, #tpu.memory_space<vmem_shared>> -> memref<10240x128xf32, #tpu.memory_space<vmem_shared>>
      tpu.enqueue_indirect_dma source(%arg10 : memref<80x128xf32, #tpu.memory_space<vmem>>) target(%dma_start3A_268 : memref<10240x128xf32, #tpu.memory_space<vmem_shared>>) offsets(%dma_start3A_265 : memref<80xi32, #tpu.memory_space<vmem>>) semaphore(%arg17 : memref<!tpu.dma_semaphore, #tpu.memory_space<semaphore_mem>>) {add = true}
      %sub3A = arith.constant 1 : i32
      %sub3A_269 = arith.subi %add3A_256, %sub3A : i32
      %dma_wait3A_270 = arith.constant 0 : i32
      %dma_wait3A_271 = tpu.memref_slice %arg8[%sub3A_269, %dma_wait3A_270] : memref<64x80xi32, #tpu.memory_space<vmem>> -> memref<1x80xi32, #tpu.memory_space<vmem>>
      %dma_wait3A_272 = tpu.memref_squeeze %dma_wait3A_271 : memref<1x80xi32, #tpu.memory_space<vmem>> -> memref<80xi32, #tpu.memory_space<vmem>>
      %dma_wait3A_273 = arith.constant 0 : i32
      %dma_wait3A_274 = arith.constant 0 : i32
      %dma_wait3A_275 = tpu.memref_slice %arg12[%dma_wait3A_273, %dma_wait3A_274] : memref<10240x128xf32, #tpu.memory_space<vmem_shared>> -> memref<10240x128xf32, #tpu.memory_space<vmem_shared>>
      tpu.wait_indirect_dma semaphore(%arg16 : memref<!tpu.dma_semaphore, #tpu.memory_space<semaphore_mem>>) src(%arg9 : memref<80x128xf32, #tpu.memory_space<vmem>>) dst(%dma_wait3A_275 : memref<10240x128xf32, #tpu.memory_space<vmem_shared>>)
      %add3A_276 = arith.constant 2 : i32
      %add3A_277 = arith.addi %add3A_256, %add3A_276 : i32
      %dma_start3A_278 = arith.constant 0 : i32
      %dma_start3A_279 = tpu.memref_slice %arg7[%add3A_277, %dma_start3A_278] : memref<64x80xi32, #tpu.memory_space<vmem>> -> memref<1x80xi32, #tpu.memory_space<vmem>>
      %dma_start3A_280 = tpu.memref_squeeze %dma_start3A_279 : memref<1x80xi32, #tpu.memory_space<vmem>> -> memref<80xi32, #tpu.memory_space<vmem>>
      %dma_start3A_281 = arith.constant 0 : i32
      %dma_start3A_282 = arith.constant 0 : i32
      %dma_start3A_283 = tpu.memref_slice %arg2[%dma_start3A_281, %dma_start3A_282] : memref<10240x128xf32, #tpu.memory_space<hbm>> -> memref<10240x128xf32, #tpu.memory_space<hbm>>
      tpu.enqueue_indirect_dma source(%dma_start3A_283 : memref<10240x128xf32, #tpu.memory_space<hbm>>) target(%arg9 : memref<80x128xf32, #tpu.memory_space<vmem>>) offsets(%dma_start3A_280 : memref<80xi32, #tpu.memory_space<vmem>>) semaphore(%arg13 : memref<!tpu.dma_semaphore, #tpu.memory_space<semaphore_mem>>)
      %add3A_284 = arith.constant 1 : i32
      %add3A_285 = arith.addi %add3A_256, %add3A_284 : i32
      %dma_wait3A_286 = arith.constant 0 : i32
      %dma_wait3A_287 = tpu.memref_slice %arg7[%add3A_285, %dma_wait3A_286] : memref<64x80xi32, #tpu.memory_space<vmem>> -> memref<1x80xi32, #tpu.memory_space<vmem>>
      %dma_wait3A_288 = tpu.memref_squeeze %dma_wait3A_287 : memref<1x80xi32, #tpu.memory_space<vmem>> -> memref<80xi32, #tpu.memory_space<vmem>>
      %dma_wait3A_289 = arith.constant 0 : i32
      %dma_wait3A_290 = arith.constant 0 : i32
      %dma_wait3A_291 = tpu.memref_slice %arg2[%dma_wait3A_289, %dma_wait3A_290] : memref<10240x128xf32, #tpu.memory_space<hbm>> -> memref<10240x128xf32, #tpu.memory_space<hbm>>
      tpu.wait_indirect_dma semaphore(%arg15 : memref<!tpu.dma_semaphore, #tpu.memory_space<semaphore_mem>>) src(%dma_wait3A_291 : memref<10240x128xf32, #tpu.memory_space<hbm>>) dst(%arg11 : memref<80x128xf32, #tpu.memory_space<vmem>>)
      %dma_start3A_292 = arith.constant 0 : i32
      %dma_start3A_293 = tpu.memref_slice %arg8[%add3A_285, %dma_start3A_292] : memref<64x80xi32, #tpu.memory_space<vmem>> -> memref<1x80xi32, #tpu.memory_space<vmem>>
      %dma_start3A_294 = tpu.memref_squeeze %dma_start3A_293 : memref<1x80xi32, #tpu.memory_space<vmem>> -> memref<80xi32, #tpu.memory_space<vmem>>
      %dma_start3A_295 = arith.constant 0 : i32
      %dma_start3A_296 = arith.constant 0 : i32
      %dma_start3A_297 = tpu.memref_slice %arg12[%dma_start3A_295, %dma_start3A_296] : memref<10240x128xf32, #tpu.memory_space<vmem_shared>> -> memref<10240x128xf32, #tpu.memory_space<vmem_shared>>
      tpu.enqueue_indirect_dma source(%arg11 : memref<80x128xf32, #tpu.memory_space<vmem>>) target(%dma_start3A_297 : memref<10240x128xf32, #tpu.memory_space<vmem_shared>>) offsets(%dma_start3A_294 : memref<80xi32, #tpu.memory_space<vmem>>) semaphore(%arg18 : memref<!tpu.dma_semaphore, #tpu.memory_space<semaphore_mem>>) {add = true}
      %sub3A_298 = arith.constant 1 : i32
      %sub3A_299 = arith.subi %add3A_285, %sub3A_298 : i32
      %dma_wait3A_300 = arith.constant 0 : i32
      %dma_wait3A_301 = tpu.memref_slice %arg8[%sub3A_299, %dma_wait3A_300] : memref<64x80xi32, #tpu.memory_space<vmem>> -> memref<1x80xi32, #tpu.memory_space<vmem>>
      %dma_wait3A_302 = tpu.memref_squeeze %dma_wait3A_301 : memref<1x80xi32, #tpu.memory_space<vmem>> -> memref<80xi32, #tpu.memory_space<vmem>>
      %dma_wait3A_303 = arith.constant 0 : i32
      %dma_wait3A_304 = arith.constant 0 : i32
      %dma_wait3A_305 = tpu.memref_slice %arg12[%dma_wait3A_303, %dma_wait3A_304] : memref<10240x128xf32, #tpu.memory_space<vmem_shared>> -> memref<10240x128xf32, #tpu.memory_space<vmem_shared>>
      tpu.wait_indirect_dma semaphore(%arg17 : memref<!tpu.dma_semaphore, #tpu.memory_space<semaphore_mem>>) src(%arg10 : memref<80x128xf32, #tpu.memory_space<vmem>>) dst(%dma_wait3A_305 : memref<10240x128xf32, #tpu.memory_space<vmem_shared>>)
      %add3A_306 = arith.constant 2 : i32
      %add3A_307 = arith.addi %add3A_285, %add3A_306 : i32
      %dma_start3A_308 = arith.constant 0 : i32
      %dma_start3A_309 = tpu.memref_slice %arg7[%add3A_307, %dma_start3A_308] : memref<64x80xi32, #tpu.memory_space<vmem>> -> memref<1x80xi32, #tpu.memory_space<vmem>>
      %dma_start3A_310 = tpu.memref_squeeze %dma_start3A_309 : memref<1x80xi32, #tpu.memory_space<vmem>> -> memref<80xi32, #tpu.memory_space<vmem>>
      %dma_start3A_311 = arith.constant 0 : i32
      %dma_start3A_312 = arith.constant 0 : i32
      %dma_start3A_313 = tpu.memref_slice %arg2[%dma_start3A_311, %dma_start3A_312] : memref<10240x128xf32, #tpu.memory_space<hbm>> -> memref<10240x128xf32, #tpu.memory_space<hbm>>
      tpu.enqueue_indirect_dma source(%dma_start3A_313 : memref<10240x128xf32, #tpu.memory_space<hbm>>) target(%arg10 : memref<80x128xf32, #tpu.memory_space<vmem>>) offsets(%dma_start3A_310 : memref<80xi32, #tpu.memory_space<vmem>>) semaphore(%arg14 : memref<!tpu.dma_semaphore, #tpu.memory_space<semaphore_mem>>)
      %add3A_314 = arith.constant 2 : i32
      %add3A_315 = arith.addi %add3A_256, %add3A_314 : i32
      %dma_wait3A_316 = arith.constant 0 : i32
      %dma_wait3A_317 = tpu.memref_slice %arg7[%add3A_315, %dma_wait3A_316] : memref<64x80xi32, #tpu.memory_space<vmem>> -> memref<1x80xi32, #tpu.memory_space<vmem>>
      %dma_wait3A_318 = tpu.memref_squeeze %dma_wait3A_317 : memref<1x80xi32, #tpu.memory_space<vmem>> -> memref<80xi32, #tpu.memory_space<vmem>>
      %dma_wait3A_319 = arith.constant 0 : i32
      %dma_wait3A_320 = arith.constant 0 : i32
      %dma_wait3A_321 = tpu.memref_slice %arg2[%dma_wait3A_319, %dma_wait3A_320] : memref<10240x128xf32, #tpu.memory_space<hbm>> -> memref<10240x128xf32, #tpu.memory_space<hbm>>
      tpu.wait_indirect_dma semaphore(%arg13 : memref<!tpu.dma_semaphore, #tpu.memory_space<semaphore_mem>>) src(%dma_wait3A_321 : memref<10240x128xf32, #tpu.memory_space<hbm>>) dst(%arg9 : memref<80x128xf32, #tpu.memory_space<vmem>>)
      %dma_start3A_322 = arith.constant 0 : i32
      %dma_start3A_323 = tpu.memref_slice %arg8[%add3A_315, %dma_start3A_322] : memref<64x80xi32, #tpu.memory_space<vmem>> -> memref<1x80xi32, #tpu.memory_space<vmem>>
      %dma_start3A_324 = tpu.memref_squeeze %dma_start3A_323 : memref<1x80xi32, #tpu.memory_space<vmem>> -> memref<80xi32, #tpu.memory_space<vmem>>
      %dma_start3A_325 = arith.constant 0 : i32
      %dma_start3A_326 = arith.constant 0 : i32
      %dma_start3A_327 = tpu.memref_slice %arg12[%dma_start3A_325, %dma_start3A_326] : memref<10240x128xf32, #tpu.memory_space<vmem_shared>> -> memref<10240x128xf32, #tpu.memory_space<vmem_shared>>
      tpu.enqueue_indirect_dma source(%arg9 : memref<80x128xf32, #tpu.memory_space<vmem>>) target(%dma_start3A_327 : memref<10240x128xf32, #tpu.memory_space<vmem_shared>>) offsets(%dma_start3A_324 : memref<80xi32, #tpu.memory_space<vmem>>) semaphore(%arg16 : memref<!tpu.dma_semaphore, #tpu.memory_space<semaphore_mem>>) {add = true}
      %sub3A_328 = arith.constant 1 : i32
      %sub3A_329 = arith.subi %add3A_315, %sub3A_328 : i32
      %dma_wait3A_330 = arith.constant 0 : i32
      %dma_wait3A_331 = tpu.memref_slice %arg8[%sub3A_329, %dma_wait3A_330] : memref<64x80xi32, #tpu.memory_space<vmem>> -> memref<1x80xi32, #tpu.memory_space<vmem>>
      %dma_wait3A_332 = tpu.memref_squeeze %dma_wait3A_331 : memref<1x80xi32, #tpu.memory_space<vmem>> -> memref<80xi32, #tpu.memory_space<vmem>>
      %dma_wait3A_333 = arith.constant 0 : i32
      %dma_wait3A_334 = arith.constant 0 : i32
      %dma_wait3A_335 = tpu.memref_slice %arg12[%dma_wait3A_333, %dma_wait3A_334] : memref<10240x128xf32, #tpu.memory_space<vmem_shared>> -> memref<10240x128xf32, #tpu.memory_space<vmem_shared>>
      tpu.wait_indirect_dma semaphore(%arg18 : memref<!tpu.dma_semaphore, #tpu.memory_space<semaphore_mem>>) src(%arg11 : memref<80x128xf32, #tpu.memory_space<vmem>>) dst(%dma_wait3A_335 : memref<10240x128xf32, #tpu.memory_space<vmem_shared>>)
      %add3A_336 = arith.constant 2 : i32
      %add3A_337 = arith.addi %add3A_315, %add3A_336 : i32
      %dma_start3A_338 = arith.constant 0 : i32
      %dma_start3A_339 = tpu.memref_slice %arg7[%add3A_337, %dma_start3A_338] : memref<64x80xi32, #tpu.memory_space<vmem>> -> memref<1x80xi32, #tpu.memory_space<vmem>>
      %dma_start3A_340 = tpu.memref_squeeze %dma_start3A_339 : memref<1x80xi32, #tpu.memory_space<vmem>> -> memref<80xi32, #tpu.memory_space<vmem>>
      %dma_start3A_341 = arith.constant 0 : i32
      %dma_start3A_342 = arith.constant 0 : i32
      %dma_start3A_343 = tpu.memref_slice %arg2[%dma_start3A_341, %dma_start3A_342] : memref<10240x128xf32, #tpu.memory_space<hbm>> -> memref<10240x128xf32, #tpu.memory_space<hbm>>
      tpu.enqueue_indirect_dma source(%dma_start3A_343 : memref<10240x128xf32, #tpu.memory_space<hbm>>) target(%arg11 : memref<80x128xf32, #tpu.memory_space<vmem>>) offsets(%dma_start3A_340 : memref<80xi32, #tpu.memory_space<vmem>>) semaphore(%arg15 : memref<!tpu.dma_semaphore, #tpu.memory_space<semaphore_mem>>)
      %scan3A_344 = arith.constant 0 : i32
      scf.yield %scan3A_344 : i32
    }
    %scan3A_168 = arith.constant 20 : i32
    %dma_wait3A_169 = arith.constant 61 : i32
    %dma_wait3A_170 = arith.constant 0 : i32
    %dma_wait3A_171 = tpu.memref_slice %arg7[%dma_wait3A_169, %dma_wait3A_170] : memref<64x80xi32, #tpu.memory_space<vmem>> -> memref<1x80xi32, #tpu.memory_space<vmem>>
    %dma_wait3A_172 = tpu.memref_squeeze %dma_wait3A_171 : memref<1x80xi32, #tpu.memory_space<vmem>> -> memref<80xi32, #tpu.memory_space<vmem>>
    %dma_wait3A_173 = arith.constant 0 : i32
    %dma_wait3A_174 = arith.constant 0 : i32
    %dma_wait3A_175 = tpu.memref_slice %arg2[%dma_wait3A_173, %dma_wait3A_174] : memref<10240x128xf32, #tpu.memory_space<hbm>> -> memref<10240x128xf32, #tpu.memory_space<hbm>>
    tpu.wait_indirect_dma semaphore(%arg14 : memref<!tpu.dma_semaphore, #tpu.memory_space<semaphore_mem>>) src(%dma_wait3A_175 : memref<10240x128xf32, #tpu.memory_space<hbm>>) dst(%arg10 : memref<80x128xf32, #tpu.memory_space<vmem>>)
    %dma_start3A_176 = arith.constant 61 : i32
    %dma_start3A_177 = arith.constant 0 : i32
    %dma_start3A_178 = tpu.memref_slice %arg8[%dma_start3A_176, %dma_start3A_177] : memref<64x80xi32, #tpu.memory_space<vmem>> -> memref<1x80xi32, #tpu.memory_space<vmem>>
    %dma_start3A_179 = tpu.memref_squeeze %dma_start3A_178 : memref<1x80xi32, #tpu.memory_space<vmem>> -> memref<80xi32, #tpu.memory_space<vmem>>
    %dma_start3A_180 = arith.constant 0 : i32
    %dma_start3A_181 = arith.constant 0 : i32
    %dma_start3A_182 = tpu.memref_slice %arg12[%dma_start3A_180, %dma_start3A_181] : memref<10240x128xf32, #tpu.memory_space<vmem_shared>> -> memref<10240x128xf32, #tpu.memory_space<vmem_shared>>
    tpu.enqueue_indirect_dma source(%arg10 : memref<80x128xf32, #tpu.memory_space<vmem>>) target(%dma_start3A_182 : memref<10240x128xf32, #tpu.memory_space<vmem_shared>>) offsets(%dma_start3A_179 : memref<80xi32, #tpu.memory_space<vmem>>) semaphore(%arg17 : memref<!tpu.dma_semaphore, #tpu.memory_space<semaphore_mem>>) {add = true}
    %dma_wait3A_183 = arith.constant 60 : i32
    %dma_wait3A_184 = arith.constant 0 : i32
    %dma_wait3A_185 = tpu.memref_slice %arg8[%dma_wait3A_183, %dma_wait3A_184] : memref<64x80xi32, #tpu.memory_space<vmem>> -> memref<1x80xi32, #tpu.memory_space<vmem>>
    %dma_wait3A_186 = tpu.memref_squeeze %dma_wait3A_185 : memref<1x80xi32, #tpu.memory_space<vmem>> -> memref<80xi32, #tpu.memory_space<vmem>>
    %dma_wait3A_187 = arith.constant 0 : i32
    %dma_wait3A_188 = arith.constant 0 : i32
    %dma_wait3A_189 = tpu.memref_slice %arg12[%dma_wait3A_187, %dma_wait3A_188] : memref<10240x128xf32, #tpu.memory_space<vmem_shared>> -> memref<10240x128xf32, #tpu.memory_space<vmem_shared>>
    tpu.wait_indirect_dma semaphore(%arg16 : memref<!tpu.dma_semaphore, #tpu.memory_space<semaphore_mem>>) src(%arg9 : memref<80x128xf32, #tpu.memory_space<vmem>>) dst(%dma_wait3A_189 : memref<10240x128xf32, #tpu.memory_space<vmem_shared>>)
    %dma_start3A_190 = arith.constant 63 : i32
    %dma_start3A_191 = arith.constant 0 : i32
    %dma_start3A_192 = tpu.memref_slice %arg7[%dma_start3A_190, %dma_start3A_191] : memref<64x80xi32, #tpu.memory_space<vmem>> -> memref<1x80xi32, #tpu.memory_space<vmem>>
    %dma_start3A_193 = tpu.memref_squeeze %dma_start3A_192 : memref<1x80xi32, #tpu.memory_space<vmem>> -> memref<80xi32, #tpu.memory_space<vmem>>
    %dma_start3A_194 = arith.constant 0 : i32
    %dma_start3A_195 = arith.constant 0 : i32
    %dma_start3A_196 = tpu.memref_slice %arg2[%dma_start3A_194, %dma_start3A_195] : memref<10240x128xf32, #tpu.memory_space<hbm>> -> memref<10240x128xf32, #tpu.memory_space<hbm>>
    tpu.enqueue_indirect_dma source(%dma_start3A_196 : memref<10240x128xf32, #tpu.memory_space<hbm>>) target(%arg9 : memref<80x128xf32, #tpu.memory_space<vmem>>) offsets(%dma_start3A_193 : memref<80xi32, #tpu.memory_space<vmem>>) semaphore(%arg13 : memref<!tpu.dma_semaphore, #tpu.memory_space<semaphore_mem>>)
    %dma_wait3A_197 = arith.constant 62 : i32
    %dma_wait3A_198 = arith.constant 0 : i32
    %dma_wait3A_199 = tpu.memref_slice %arg7[%dma_wait3A_197, %dma_wait3A_198] : memref<64x80xi32, #tpu.memory_space<vmem>> -> memref<1x80xi32, #tpu.memory_space<vmem>>
    %dma_wait3A_200 = tpu.memref_squeeze %dma_wait3A_199 : memref<1x80xi32, #tpu.memory_space<vmem>> -> memref<80xi32, #tpu.memory_space<vmem>>
    %dma_wait3A_201 = arith.constant 0 : i32
    %dma_wait3A_202 = arith.constant 0 : i32
    %dma_wait3A_203 = tpu.memref_slice %arg2[%dma_wait3A_201, %dma_wait3A_202] : memref<10240x128xf32, #tpu.memory_space<hbm>> -> memref<10240x128xf32, #tpu.memory_space<hbm>>
    tpu.wait_indirect_dma semaphore(%arg15 : memref<!tpu.dma_semaphore, #tpu.memory_space<semaphore_mem>>) src(%dma_wait3A_203 : memref<10240x128xf32, #tpu.memory_space<hbm>>) dst(%arg11 : memref<80x128xf32, #tpu.memory_space<vmem>>)
    %dma_start3A_204 = arith.constant 62 : i32
    %dma_start3A_205 = arith.constant 0 : i32
    %dma_start3A_206 = tpu.memref_slice %arg8[%dma_start3A_204, %dma_start3A_205] : memref<64x80xi32, #tpu.memory_space<vmem>> -> memref<1x80xi32, #tpu.memory_space<vmem>>
    %dma_start3A_207 = tpu.memref_squeeze %dma_start3A_206 : memref<1x80xi32, #tpu.memory_space<vmem>> -> memref<80xi32, #tpu.memory_space<vmem>>
    %dma_start3A_208 = arith.constant 0 : i32
    %dma_start3A_209 = arith.constant 0 : i32
    %dma_start3A_210 = tpu.memref_slice %arg12[%dma_start3A_208, %dma_start3A_209] : memref<10240x128xf32, #tpu.memory_space<vmem_shared>> -> memref<10240x128xf32, #tpu.memory_space<vmem_shared>>
    tpu.enqueue_indirect_dma source(%arg11 : memref<80x128xf32, #tpu.memory_space<vmem>>) target(%dma_start3A_210 : memref<10240x128xf32, #tpu.memory_space<vmem_shared>>) offsets(%dma_start3A_207 : memref<80xi32, #tpu.memory_space<vmem>>) semaphore(%arg18 : memref<!tpu.dma_semaphore, #tpu.memory_space<semaphore_mem>>) {add = true}
    %dma_wait3A_211 = arith.constant 61 : i32
    %dma_wait3A_212 = arith.constant 0 : i32
    %dma_wait3A_213 = tpu.memref_slice %arg8[%dma_wait3A_211, %dma_wait3A_212] : memref<64x80xi32, #tpu.memory_space<vmem>> -> memref<1x80xi32, #tpu.memory_space<vmem>>
    %dma_wait3A_214 = tpu.memref_squeeze %dma_wait3A_213 : memref<1x80xi32, #tpu.memory_space<vmem>> -> memref<80xi32, #tpu.memory_space<vmem>>
    %dma_wait3A_215 = arith.constant 0 : i32
    %dma_wait3A_216 = arith.constant 0 : i32
    %dma_wait3A_217 = tpu.memref_slice %arg12[%dma_wait3A_215, %dma_wait3A_216] : memref<10240x128xf32, #tpu.memory_space<vmem_shared>> -> memref<10240x128xf32, #tpu.memory_space<vmem_shared>>
    tpu.wait_indirect_dma semaphore(%arg17 : memref<!tpu.dma_semaphore, #tpu.memory_space<semaphore_mem>>) src(%arg10 : memref<80x128xf32, #tpu.memory_space<vmem>>) dst(%dma_wait3A_217 : memref<10240x128xf32, #tpu.memory_space<vmem_shared>>)
    %dma_wait3A_218 = arith.constant 63 : i32
    %dma_wait3A_219 = arith.constant 0 : i32
    %dma_wait3A_220 = tpu.memref_slice %arg7[%dma_wait3A_218, %dma_wait3A_219] : memref<64x80xi32, #tpu.memory_space<vmem>> -> memref<1x80xi32, #tpu.memory_space<vmem>>
    %dma_wait3A_221 = tpu.memref_squeeze %dma_wait3A_220 : memref<1x80xi32, #tpu.memory_space<vmem>> -> memref<80xi32, #tpu.memory_space<vmem>>
    %dma_wait3A_222 = arith.constant 0 : i32
    %dma_wait3A_223 = arith.constant 0 : i32
    %dma_wait3A_224 = tpu.memref_slice %arg2[%dma_wait3A_222, %dma_wait3A_223] : memref<10240x128xf32, #tpu.memory_space<hbm>> -> memref<10240x128xf32, #tpu.memory_space<hbm>>
    tpu.wait_indirect_dma semaphore(%arg13 : memref<!tpu.dma_semaphore, #tpu.memory_space<semaphore_mem>>) src(%dma_wait3A_224 : memref<10240x128xf32, #tpu.memory_space<hbm>>) dst(%arg9 : memref<80x128xf32, #tpu.memory_space<vmem>>)
    %dma_start3A_225 = arith.constant 63 : i32
    %dma_start3A_226 = arith.constant 0 : i32
    %dma_start3A_227 = tpu.memref_slice %arg8[%dma_start3A_225, %dma_start3A_226] : memref<64x80xi32, #tpu.memory_space<vmem>> -> memref<1x80xi32, #tpu.memory_space<vmem>>
    %dma_start3A_228 = tpu.memref_squeeze %dma_start3A_227 : memref<1x80xi32, #tpu.memory_space<vmem>> -> memref<80xi32, #tpu.memory_space<vmem>>
    %dma_start3A_229 = arith.constant 0 : i32
    %dma_start3A_230 = arith.constant 0 : i32
    %dma_start3A_231 = tpu.memref_slice %arg12[%dma_start3A_229, %dma_start3A_230] : memref<10240x128xf32, #tpu.memory_space<vmem_shared>> -> memref<10240x128xf32, #tpu.memory_space<vmem_shared>>
    tpu.enqueue_indirect_dma source(%arg9 : memref<80x128xf32, #tpu.memory_space<vmem>>) target(%dma_start3A_231 : memref<10240x128xf32, #tpu.memory_space<vmem_shared>>) offsets(%dma_start3A_228 : memref<80xi32, #tpu.memory_space<vmem>>) semaphore(%arg16 : memref<!tpu.dma_semaphore, #tpu.memory_space<semaphore_mem>>) {add = true}
    %dma_wait3A_232 = arith.constant 62 : i32
    %dma_wait3A_233 = arith.constant 0 : i32
    %dma_wait3A_234 = tpu.memref_slice %arg8[%dma_wait3A_232, %dma_wait3A_233] : memref<64x80xi32, #tpu.memory_space<vmem>> -> memref<1x80xi32, #tpu.memory_space<vmem>>
    %dma_wait3A_235 = tpu.memref_squeeze %dma_wait3A_234 : memref<1x80xi32, #tpu.memory_space<vmem>> -> memref<80xi32, #tpu.memory_space<vmem>>
    %dma_wait3A_236 = arith.constant 0 : i32
    %dma_wait3A_237 = arith.constant 0 : i32
    %dma_wait3A_238 = tpu.memref_slice %arg12[%dma_wait3A_236, %dma_wait3A_237] : memref<10240x128xf32, #tpu.memory_space<vmem_shared>> -> memref<10240x128xf32, #tpu.memory_space<vmem_shared>>
    tpu.wait_indirect_dma semaphore(%arg18 : memref<!tpu.dma_semaphore, #tpu.memory_space<semaphore_mem>>) src(%arg11 : memref<80x128xf32, #tpu.memory_space<vmem>>) dst(%dma_wait3A_238 : memref<10240x128xf32, #tpu.memory_space<vmem_shared>>)
    %dma_wait3A_239 = arith.constant 63 : i32
    %dma_wait3A_240 = arith.constant 0 : i32
    %dma_wait3A_241 = tpu.memref_slice %arg8[%dma_wait3A_239, %dma_wait3A_240] : memref<64x80xi32, #tpu.memory_space<vmem>> -> memref<1x80xi32, #tpu.memory_space<vmem>>
    %dma_wait3A_242 = tpu.memref_squeeze %dma_wait3A_241 : memref<1x80xi32, #tpu.memory_space<vmem>> -> memref<80xi32, #tpu.memory_space<vmem>>
    %dma_wait3A_243 = arith.constant 0 : i32
    %dma_wait3A_244 = arith.constant 0 : i32
    %dma_wait3A_245 = tpu.memref_slice %arg12[%dma_wait3A_243, %dma_wait3A_244] : memref<10240x128xf32, #tpu.memory_space<vmem_shared>> -> memref<10240x128xf32, #tpu.memory_space<vmem_shared>>
    tpu.wait_indirect_dma semaphore(%arg16 : memref<!tpu.dma_semaphore, #tpu.memory_space<semaphore_mem>>) src(%arg9 : memref<80x128xf32, #tpu.memory_space<vmem>>) dst(%dma_wait3A_245 : memref<10240x128xf32, #tpu.memory_space<vmem_shared>>)
    %barrier3A_246 = arith.constant 0 : index
    tpu.barrier barrier_id(%barrier3A_246)
    %mul3A_247 = arith.constant 640 : i32
    %mul3A_248 = arith.muli %arg1, %mul3A_247 : i32
    %mul3A_249 = arith.constant 640 : i32
    %mul3A_250 = arith.muli %arg1, %mul3A_249 : i32
    "tpu.region"() ({
      %run_scoped3A = tpu.sem_alloc : memref<!tpu.dma_semaphore, #tpu.memory_space<semaphore_mem>>
      %dma_start3A_251 = arith.constant 0 : i32
      %dma_start3A_252 = tpu.memref_slice %arg6[%arg0, %mul3A_250, %dma_start3A_251] : memref<2x10240x128xf32, #tpu.memory_space<hbm>> -> memref<1x640x128xf32, #tpu.memory_space<hbm>>
      %dma_start3A_253 = tpu.memref_squeeze %dma_start3A_252 : memref<1x640x128xf32, #tpu.memory_space<hbm>> -> memref<640x128xf32, #tpu.memory_space<hbm>>
      %dma_start3A_254 = arith.constant 0 : i32
      %dma_start3A_255 = tpu.memref_slice %arg12[%mul3A_248, %dma_start3A_254] : memref<10240x128xf32, #tpu.memory_space<vmem_shared>> -> memref<640x128xf32, #tpu.memory_space<vmem_shared>>
      tpu.enqueue_dma source(%dma_start3A_255 : memref<640x128xf32, #tpu.memory_space<vmem_shared>>) target(%dma_start3A_253 : memref<640x128xf32, #tpu.memory_space<hbm>>) target_semaphore(%run_scoped3A : memref<!tpu.dma_semaphore, #tpu.memory_space<semaphore_mem>>)
      %dma_wait3A_256 = arith.constant 0 : i32
      %dma_wait3A_257 = tpu.memref_slice %arg6[%arg0, %mul3A_250, %dma_wait3A_256] : memref<2x10240x128xf32, #tpu.memory_space<hbm>> -> memref<1x640x128xf32, #tpu.memory_space<hbm>>
      %dma_wait3A_258 = tpu.memref_squeeze %dma_wait3A_257 : memref<1x640x128xf32, #tpu.memory_space<hbm>> -> memref<640x128xf32, #tpu.memory_space<hbm>>
      %dma_wait3A_259 = arith.constant 0 : i32
      %dma_wait3A_260 = tpu.memref_slice %arg12[%mul3A_248, %dma_wait3A_259] : memref<10240x128xf32, #tpu.memory_space<vmem_shared>> -> memref<640x128xf32, #tpu.memory_space<vmem_shared>>
      tpu.wait_dma2 semaphore(%run_scoped3A : memref<!tpu.dma_semaphore, #tpu.memory_space<semaphore_mem>>) src(%dma_wait3A_260 : memref<640x128xf32, #tpu.memory_space<vmem_shared>>) dst(%dma_wait3A_258 : memref<640x128xf32, #tpu.memory_space<hbm>>)
      tpu.yield
    }) : () -> ()
    return
  }
}

#map = affine_map<(d0, d1) -> (0, 0)>
#map1 = affine_map<(d0, d1) -> (0, 0, 0)>
module attributes {stable_mosaic.version = 14 : i64} {
  func.func @_cnt_body(%arg0: i32, %arg1: i32, %arg2: memref<4096x80xi32, #tpu.memory_space<hbm>>, %arg3: memref<80x128xf32, #tpu.memory_space<hbm>>, %arg4: memref<640x128xf32, #tpu.memory_space<hbm>>, %arg5: memref<2x10240x128xf32, #tpu.memory_space<hbm>>, %arg6: memref<128x80xi32, #tpu.memory_space<vmem>>, %arg7: memref<80x128xf32, #tpu.memory_space<vmem>>, %arg8: memref<10240x128xf32, #tpu.memory_space<vmem_shared>>, %arg9: memref<!tpu.dma_semaphore, #tpu.memory_space<semaphore_mem>>) attributes {dimension_semantics = [#tpu.dimension_semantics<core_parallel>, #tpu.dimension_semantics<subcore_parallel>], iteration_bounds = array<i64: 2, 16>, scalar_prefetch = 0 : i64, scratch_operands = 4 : i64, tpu.core_type = #tpu.core_type<sc_vector_subcore>, window_params = [{transform_indices = #map}, {transform_indices = #map}, {transform_indices = #map}, {transform_indices = #map1}]} {
    %mul3A = arith.constant 16 : i32
    %mul3A_0 = arith.muli %arg0, %mul3A : i32
    %add3A = arith.addi %mul3A_0, %arg1 : i32
    "tpu.region"() ({
      %run_scoped3A = tpu.sem_alloc : memref<!tpu.dma_semaphore, #tpu.memory_space<semaphore_mem>>
      tpu.enqueue_dma source(%arg3 : memref<80x128xf32, #tpu.memory_space<hbm>>) target(%arg7 : memref<80x128xf32, #tpu.memory_space<vmem>>) target_semaphore(%run_scoped3A : memref<!tpu.dma_semaphore, #tpu.memory_space<semaphore_mem>>)
      tpu.wait_dma2 semaphore(%run_scoped3A : memref<!tpu.dma_semaphore, #tpu.memory_space<semaphore_mem>>) src(%arg3 : memref<80x128xf32, #tpu.memory_space<hbm>>) dst(%arg7 : memref<80x128xf32, #tpu.memory_space<vmem>>)
      tpu.yield
    }) : () -> ()
    %mul3A_1 = arith.constant 640 : i32
    %mul3A_2 = arith.muli %arg1, %mul3A_1 : i32
    "tpu.region"() ({
      %run_scoped3A = tpu.sem_alloc : memref<!tpu.dma_semaphore, #tpu.memory_space<semaphore_mem>>
      %dma_start3A = arith.constant 0 : i32
      %dma_start3A_16 = tpu.memref_slice %arg8[%mul3A_2, %dma_start3A] : memref<10240x128xf32, #tpu.memory_space<vmem_shared>> -> memref<640x128xf32, #tpu.memory_space<vmem_shared>>
      tpu.enqueue_dma source(%arg4 : memref<640x128xf32, #tpu.memory_space<hbm>>) target(%dma_start3A_16 : memref<640x128xf32, #tpu.memory_space<vmem_shared>>) target_semaphore(%run_scoped3A : memref<!tpu.dma_semaphore, #tpu.memory_space<semaphore_mem>>)
      %dma_wait3A = arith.constant 0 : i32
      %dma_wait3A_17 = tpu.memref_slice %arg8[%mul3A_2, %dma_wait3A] : memref<10240x128xf32, #tpu.memory_space<vmem_shared>> -> memref<640x128xf32, #tpu.memory_space<vmem_shared>>
      tpu.wait_dma2 semaphore(%run_scoped3A : memref<!tpu.dma_semaphore, #tpu.memory_space<semaphore_mem>>) src(%arg4 : memref<640x128xf32, #tpu.memory_space<hbm>>) dst(%dma_wait3A_17 : memref<640x128xf32, #tpu.memory_space<vmem_shared>>)
      tpu.yield
    }) : () -> ()
    %mul3A_3 = arith.constant 128 : i32
    %mul3A_4 = arith.muli %add3A, %mul3A_3 : i32
    "tpu.region"() ({
      %run_scoped3A = tpu.sem_alloc : memref<!tpu.dma_semaphore, #tpu.memory_space<semaphore_mem>>
      %dma_start3A = arith.constant 0 : i32
      %dma_start3A_16 = tpu.memref_slice %arg2[%mul3A_4, %dma_start3A] : memref<4096x80xi32, #tpu.memory_space<hbm>> -> memref<128x80xi32, #tpu.memory_space<hbm>>
      %dma_start3A_17 = arith.constant 0 : i32
      %dma_start3A_18 = tpu.memref_slice %arg2[%mul3A_4, %dma_start3A_17] : memref<4096x80xi32, #tpu.memory_space<hbm>> -> memref<128x80xi32, #tpu.memory_space<hbm>>
      tpu.enqueue_dma source(%dma_start3A_18 : memref<128x80xi32, #tpu.memory_space<hbm>>) target(%arg6 : memref<128x80xi32, #tpu.memory_space<vmem>>) target_semaphore(%run_scoped3A : memref<!tpu.dma_semaphore, #tpu.memory_space<semaphore_mem>>)
      %dma_wait3A = arith.constant 0 : i32
      %dma_wait3A_19 = tpu.memref_slice %arg2[%mul3A_4, %dma_wait3A] : memref<4096x80xi32, #tpu.memory_space<hbm>> -> memref<128x80xi32, #tpu.memory_space<hbm>>
      %dma_wait3A_20 = arith.constant 0 : i32
      %dma_wait3A_21 = tpu.memref_slice %arg2[%mul3A_4, %dma_wait3A_20] : memref<4096x80xi32, #tpu.memory_space<hbm>> -> memref<128x80xi32, #tpu.memory_space<hbm>>
      tpu.wait_dma2 semaphore(%run_scoped3A : memref<!tpu.dma_semaphore, #tpu.memory_space<semaphore_mem>>) src(%dma_wait3A_21 : memref<128x80xi32, #tpu.memory_space<hbm>>) dst(%arg6 : memref<128x80xi32, #tpu.memory_space<vmem>>)
      tpu.yield
    }) : () -> ()
    %barrier3A = arith.constant 0 : index
    tpu.barrier barrier_id(%barrier3A)
    %scan3A = arith.constant 0 : i32
    %scan3A_5 = arith.constant 0 : i32
    %scan3A_6 = arith.constant 16 : i32
    %scan3A_7 = arith.addi %scan3A_5, %scan3A_6 : i32
    %scan3A_8 = arith.constant 1 : i32
    %scan3A_9 = scf.for %scan3A_16 = %scan3A_5 to %scan3A_7 step %scan3A_8 iter_args(%scan3A_17 = %scan3A) -> (i32)  : i32 {
      %mul3A_18 = arith.constant 8 : i32
      %mul3A_19 = arith.muli %mul3A_18, %scan3A_16 : i32
      %add3A_20 = arith.constant 0 : i32
      %add3A_21 = arith.addi %mul3A_19, %add3A_20 : i32
      %dma_start3A = arith.constant 0 : i32
      %dma_start3A_22 = tpu.memref_slice %arg6[%add3A_21, %dma_start3A] : memref<128x80xi32, #tpu.memory_space<vmem>> -> memref<1x80xi32, #tpu.memory_space<vmem>>
      %dma_start3A_23 = tpu.memref_squeeze %dma_start3A_22 : memref<1x80xi32, #tpu.memory_space<vmem>> -> memref<80xi32, #tpu.memory_space<vmem>>
      %dma_start3A_24 = arith.constant 0 : i32
      %dma_start3A_25 = arith.constant 0 : i32
      %dma_start3A_26 = tpu.memref_slice %arg8[%dma_start3A_24, %dma_start3A_25] : memref<10240x128xf32, #tpu.memory_space<vmem_shared>> -> memref<10240x128xf32, #tpu.memory_space<vmem_shared>>
      tpu.enqueue_indirect_dma source(%arg7 : memref<80x128xf32, #tpu.memory_space<vmem>>) target(%dma_start3A_26 : memref<10240x128xf32, #tpu.memory_space<vmem_shared>>) offsets(%dma_start3A_23 : memref<80xi32, #tpu.memory_space<vmem>>) semaphore(%arg9 : memref<!tpu.dma_semaphore, #tpu.memory_space<semaphore_mem>>) {add = true}
      %mul3A_27 = arith.constant 8 : i32
      %mul3A_28 = arith.muli %mul3A_27, %scan3A_16 : i32
      %add3A_29 = arith.constant 1 : i32
      %add3A_30 = arith.addi %mul3A_28, %add3A_29 : i32
      %dma_start3A_31 = arith.constant 0 : i32
      %dma_start3A_32 = tpu.memref_slice %arg6[%add3A_30, %dma_start3A_31] : memref<128x80xi32, #tpu.memory_space<vmem>> -> memref<1x80xi32, #tpu.memory_space<vmem>>
      %dma_start3A_33 = tpu.memref_squeeze %dma_start3A_32 : memref<1x80xi32, #tpu.memory_space<vmem>> -> memref<80xi32, #tpu.memory_space<vmem>>
      %dma_start3A_34 = arith.constant 0 : i32
      %dma_start3A_35 = arith.constant 0 : i32
      %dma_start3A_36 = tpu.memref_slice %arg8[%dma_start3A_34, %dma_start3A_35] : memref<10240x128xf32, #tpu.memory_space<vmem_shared>> -> memref<10240x128xf32, #tpu.memory_space<vmem_shared>>
      tpu.enqueue_indirect_dma source(%arg7 : memref<80x128xf32, #tpu.memory_space<vmem>>) target(%dma_start3A_36 : memref<10240x128xf32, #tpu.memory_space<vmem_shared>>) offsets(%dma_start3A_33 : memref<80xi32, #tpu.memory_space<vmem>>) semaphore(%arg9 : memref<!tpu.dma_semaphore, #tpu.memory_space<semaphore_mem>>) {add = true}
      %mul3A_37 = arith.constant 8 : i32
      %mul3A_38 = arith.muli %mul3A_37, %scan3A_16 : i32
      %add3A_39 = arith.constant 2 : i32
      %add3A_40 = arith.addi %mul3A_38, %add3A_39 : i32
      %dma_start3A_41 = arith.constant 0 : i32
      %dma_start3A_42 = tpu.memref_slice %arg6[%add3A_40, %dma_start3A_41] : memref<128x80xi32, #tpu.memory_space<vmem>> -> memref<1x80xi32, #tpu.memory_space<vmem>>
      %dma_start3A_43 = tpu.memref_squeeze %dma_start3A_42 : memref<1x80xi32, #tpu.memory_space<vmem>> -> memref<80xi32, #tpu.memory_space<vmem>>
      %dma_start3A_44 = arith.constant 0 : i32
      %dma_start3A_45 = arith.constant 0 : i32
      %dma_start3A_46 = tpu.memref_slice %arg8[%dma_start3A_44, %dma_start3A_45] : memref<10240x128xf32, #tpu.memory_space<vmem_shared>> -> memref<10240x128xf32, #tpu.memory_space<vmem_shared>>
      tpu.enqueue_indirect_dma source(%arg7 : memref<80x128xf32, #tpu.memory_space<vmem>>) target(%dma_start3A_46 : memref<10240x128xf32, #tpu.memory_space<vmem_shared>>) offsets(%dma_start3A_43 : memref<80xi32, #tpu.memory_space<vmem>>) semaphore(%arg9 : memref<!tpu.dma_semaphore, #tpu.memory_space<semaphore_mem>>) {add = true}
      %mul3A_47 = arith.constant 8 : i32
      %mul3A_48 = arith.muli %mul3A_47, %scan3A_16 : i32
      %add3A_49 = arith.constant 3 : i32
      %add3A_50 = arith.addi %mul3A_48, %add3A_49 : i32
      %dma_start3A_51 = arith.constant 0 : i32
      %dma_start3A_52 = tpu.memref_slice %arg6[%add3A_50, %dma_start3A_51] : memref<128x80xi32, #tpu.memory_space<vmem>> -> memref<1x80xi32, #tpu.memory_space<vmem>>
      %dma_start3A_53 = tpu.memref_squeeze %dma_start3A_52 : memref<1x80xi32, #tpu.memory_space<vmem>> -> memref<80xi32, #tpu.memory_space<vmem>>
      %dma_start3A_54 = arith.constant 0 : i32
      %dma_start3A_55 = arith.constant 0 : i32
      %dma_start3A_56 = tpu.memref_slice %arg8[%dma_start3A_54, %dma_start3A_55] : memref<10240x128xf32, #tpu.memory_space<vmem_shared>> -> memref<10240x128xf32, #tpu.memory_space<vmem_shared>>
      tpu.enqueue_indirect_dma source(%arg7 : memref<80x128xf32, #tpu.memory_space<vmem>>) target(%dma_start3A_56 : memref<10240x128xf32, #tpu.memory_space<vmem_shared>>) offsets(%dma_start3A_53 : memref<80xi32, #tpu.memory_space<vmem>>) semaphore(%arg9 : memref<!tpu.dma_semaphore, #tpu.memory_space<semaphore_mem>>) {add = true}
      %mul3A_57 = arith.constant 8 : i32
      %mul3A_58 = arith.muli %mul3A_57, %scan3A_16 : i32
      %add3A_59 = arith.constant 4 : i32
      %add3A_60 = arith.addi %mul3A_58, %add3A_59 : i32
      %dma_start3A_61 = arith.constant 0 : i32
      %dma_start3A_62 = tpu.memref_slice %arg6[%add3A_60, %dma_start3A_61] : memref<128x80xi32, #tpu.memory_space<vmem>> -> memref<1x80xi32, #tpu.memory_space<vmem>>
      %dma_start3A_63 = tpu.memref_squeeze %dma_start3A_62 : memref<1x80xi32, #tpu.memory_space<vmem>> -> memref<80xi32, #tpu.memory_space<vmem>>
      %dma_start3A_64 = arith.constant 0 : i32
      %dma_start3A_65 = arith.constant 0 : i32
      %dma_start3A_66 = tpu.memref_slice %arg8[%dma_start3A_64, %dma_start3A_65] : memref<10240x128xf32, #tpu.memory_space<vmem_shared>> -> memref<10240x128xf32, #tpu.memory_space<vmem_shared>>
      tpu.enqueue_indirect_dma source(%arg7 : memref<80x128xf32, #tpu.memory_space<vmem>>) target(%dma_start3A_66 : memref<10240x128xf32, #tpu.memory_space<vmem_shared>>) offsets(%dma_start3A_63 : memref<80xi32, #tpu.memory_space<vmem>>) semaphore(%arg9 : memref<!tpu.dma_semaphore, #tpu.memory_space<semaphore_mem>>) {add = true}
      %mul3A_67 = arith.constant 8 : i32
      %mul3A_68 = arith.muli %mul3A_67, %scan3A_16 : i32
      %add3A_69 = arith.constant 5 : i32
      %add3A_70 = arith.addi %mul3A_68, %add3A_69 : i32
      %dma_start3A_71 = arith.constant 0 : i32
      %dma_start3A_72 = tpu.memref_slice %arg6[%add3A_70, %dma_start3A_71] : memref<128x80xi32, #tpu.memory_space<vmem>> -> memref<1x80xi32, #tpu.memory_space<vmem>>
      %dma_start3A_73 = tpu.memref_squeeze %dma_start3A_72 : memref<1x80xi32, #tpu.memory_space<vmem>> -> memref<80xi32, #tpu.memory_space<vmem>>
      %dma_start3A_74 = arith.constant 0 : i32
      %dma_start3A_75 = arith.constant 0 : i32
      %dma_start3A_76 = tpu.memref_slice %arg8[%dma_start3A_74, %dma_start3A_75] : memref<10240x128xf32, #tpu.memory_space<vmem_shared>> -> memref<10240x128xf32, #tpu.memory_space<vmem_shared>>
      tpu.enqueue_indirect_dma source(%arg7 : memref<80x128xf32, #tpu.memory_space<vmem>>) target(%dma_start3A_76 : memref<10240x128xf32, #tpu.memory_space<vmem_shared>>) offsets(%dma_start3A_73 : memref<80xi32, #tpu.memory_space<vmem>>) semaphore(%arg9 : memref<!tpu.dma_semaphore, #tpu.memory_space<semaphore_mem>>) {add = true}
      %mul3A_77 = arith.constant 8 : i32
      %mul3A_78 = arith.muli %mul3A_77, %scan3A_16 : i32
      %add3A_79 = arith.constant 6 : i32
      %add3A_80 = arith.addi %mul3A_78, %add3A_79 : i32
      %dma_start3A_81 = arith.constant 0 : i32
      %dma_start3A_82 = tpu.memref_slice %arg6[%add3A_80, %dma_start3A_81] : memref<128x80xi32, #tpu.memory_space<vmem>> -> memref<1x80xi32, #tpu.memory_space<vmem>>
      %dma_start3A_83 = tpu.memref_squeeze %dma_start3A_82 : memref<1x80xi32, #tpu.memory_space<vmem>> -> memref<80xi32, #tpu.memory_space<vmem>>
      %dma_start3A_84 = arith.constant 0 : i32
      %dma_start3A_85 = arith.constant 0 : i32
      %dma_start3A_86 = tpu.memref_slice %arg8[%dma_start3A_84, %dma_start3A_85] : memref<10240x128xf32, #tpu.memory_space<vmem_shared>> -> memref<10240x128xf32, #tpu.memory_space<vmem_shared>>
      tpu.enqueue_indirect_dma source(%arg7 : memref<80x128xf32, #tpu.memory_space<vmem>>) target(%dma_start3A_86 : memref<10240x128xf32, #tpu.memory_space<vmem_shared>>) offsets(%dma_start3A_83 : memref<80xi32, #tpu.memory_space<vmem>>) semaphore(%arg9 : memref<!tpu.dma_semaphore, #tpu.memory_space<semaphore_mem>>) {add = true}
      %mul3A_87 = arith.constant 8 : i32
      %mul3A_88 = arith.muli %mul3A_87, %scan3A_16 : i32
      %add3A_89 = arith.constant 7 : i32
      %add3A_90 = arith.addi %mul3A_88, %add3A_89 : i32
      %dma_start3A_91 = arith.constant 0 : i32
      %dma_start3A_92 = tpu.memref_slice %arg6[%add3A_90, %dma_start3A_91] : memref<128x80xi32, #tpu.memory_space<vmem>> -> memref<1x80xi32, #tpu.memory_space<vmem>>
      %dma_start3A_93 = tpu.memref_squeeze %dma_start3A_92 : memref<1x80xi32, #tpu.memory_space<vmem>> -> memref<80xi32, #tpu.memory_space<vmem>>
      %dma_start3A_94 = arith.constant 0 : i32
      %dma_start3A_95 = arith.constant 0 : i32
      %dma_start3A_96 = tpu.memref_slice %arg8[%dma_start3A_94, %dma_start3A_95] : memref<10240x128xf32, #tpu.memory_space<vmem_shared>> -> memref<10240x128xf32, #tpu.memory_space<vmem_shared>>
      tpu.enqueue_indirect_dma source(%arg7 : memref<80x128xf32, #tpu.memory_space<vmem>>) target(%dma_start3A_96 : memref<10240x128xf32, #tpu.memory_space<vmem_shared>>) offsets(%dma_start3A_93 : memref<80xi32, #tpu.memory_space<vmem>>) semaphore(%arg9 : memref<!tpu.dma_semaphore, #tpu.memory_space<semaphore_mem>>) {add = true}
      %mul3A_97 = arith.constant 8 : i32
      %mul3A_98 = arith.muli %mul3A_97, %scan3A_16 : i32
      %add3A_99 = arith.constant 0 : i32
      %add3A_100 = arith.addi %mul3A_98, %add3A_99 : i32
      %dma_wait3A = arith.constant 0 : i32
      %dma_wait3A_101 = tpu.memref_slice %arg6[%add3A_100, %dma_wait3A] : memref<128x80xi32, #tpu.memory_space<vmem>> -> memref<1x80xi32, #tpu.memory_space<vmem>>
      %dma_wait3A_102 = tpu.memref_squeeze %dma_wait3A_101 : memref<1x80xi32, #tpu.memory_space<vmem>> -> memref<80xi32, #tpu.memory_space<vmem>>
      %dma_wait3A_103 = arith.constant 0 : i32
      %dma_wait3A_104 = arith.constant 0 : i32
      %dma_wait3A_105 = tpu.memref_slice %arg8[%dma_wait3A_103, %dma_wait3A_104] : memref<10240x128xf32, #tpu.memory_space<vmem_shared>> -> memref<10240x128xf32, #tpu.memory_space<vmem_shared>>
      tpu.wait_indirect_dma semaphore(%arg9 : memref<!tpu.dma_semaphore, #tpu.memory_space<semaphore_mem>>) src(%arg7 : memref<80x128xf32, #tpu.memory_space<vmem>>) dst(%dma_wait3A_105 : memref<10240x128xf32, #tpu.memory_space<vmem_shared>>)
      %mul3A_106 = arith.constant 8 : i32
      %mul3A_107 = arith.muli %mul3A_106, %scan3A_16 : i32
      %add3A_108 = arith.constant 1 : i32
      %add3A_109 = arith.addi %mul3A_107, %add3A_108 : i32
      %dma_wait3A_110 = arith.constant 0 : i32
      %dma_wait3A_111 = tpu.memref_slice %arg6[%add3A_109, %dma_wait3A_110] : memref<128x80xi32, #tpu.memory_space<vmem>> -> memref<1x80xi32, #tpu.memory_space<vmem>>
      %dma_wait3A_112 = tpu.memref_squeeze %dma_wait3A_111 : memref<1x80xi32, #tpu.memory_space<vmem>> -> memref<80xi32, #tpu.memory_space<vmem>>
      %dma_wait3A_113 = arith.constant 0 : i32
      %dma_wait3A_114 = arith.constant 0 : i32
      %dma_wait3A_115 = tpu.memref_slice %arg8[%dma_wait3A_113, %dma_wait3A_114] : memref<10240x128xf32, #tpu.memory_space<vmem_shared>> -> memref<10240x128xf32, #tpu.memory_space<vmem_shared>>
      tpu.wait_indirect_dma semaphore(%arg9 : memref<!tpu.dma_semaphore, #tpu.memory_space<semaphore_mem>>) src(%arg7 : memref<80x128xf32, #tpu.memory_space<vmem>>) dst(%dma_wait3A_115 : memref<10240x128xf32, #tpu.memory_space<vmem_shared>>)
      %mul3A_116 = arith.constant 8 : i32
      %mul3A_117 = arith.muli %mul3A_116, %scan3A_16 : i32
      %add3A_118 = arith.constant 2 : i32
      %add3A_119 = arith.addi %mul3A_117, %add3A_118 : i32
      %dma_wait3A_120 = arith.constant 0 : i32
      %dma_wait3A_121 = tpu.memref_slice %arg6[%add3A_119, %dma_wait3A_120] : memref<128x80xi32, #tpu.memory_space<vmem>> -> memref<1x80xi32, #tpu.memory_space<vmem>>
      %dma_wait3A_122 = tpu.memref_squeeze %dma_wait3A_121 : memref<1x80xi32, #tpu.memory_space<vmem>> -> memref<80xi32, #tpu.memory_space<vmem>>
      %dma_wait3A_123 = arith.constant 0 : i32
      %dma_wait3A_124 = arith.constant 0 : i32
      %dma_wait3A_125 = tpu.memref_slice %arg8[%dma_wait3A_123, %dma_wait3A_124] : memref<10240x128xf32, #tpu.memory_space<vmem_shared>> -> memref<10240x128xf32, #tpu.memory_space<vmem_shared>>
      tpu.wait_indirect_dma semaphore(%arg9 : memref<!tpu.dma_semaphore, #tpu.memory_space<semaphore_mem>>) src(%arg7 : memref<80x128xf32, #tpu.memory_space<vmem>>) dst(%dma_wait3A_125 : memref<10240x128xf32, #tpu.memory_space<vmem_shared>>)
      %mul3A_126 = arith.constant 8 : i32
      %mul3A_127 = arith.muli %mul3A_126, %scan3A_16 : i32
      %add3A_128 = arith.constant 3 : i32
      %add3A_129 = arith.addi %mul3A_127, %add3A_128 : i32
      %dma_wait3A_130 = arith.constant 0 : i32
      %dma_wait3A_131 = tpu.memref_slice %arg6[%add3A_129, %dma_wait3A_130] : memref<128x80xi32, #tpu.memory_space<vmem>> -> memref<1x80xi32, #tpu.memory_space<vmem>>
      %dma_wait3A_132 = tpu.memref_squeeze %dma_wait3A_131 : memref<1x80xi32, #tpu.memory_space<vmem>> -> memref<80xi32, #tpu.memory_space<vmem>>
      %dma_wait3A_133 = arith.constant 0 : i32
      %dma_wait3A_134 = arith.constant 0 : i32
      %dma_wait3A_135 = tpu.memref_slice %arg8[%dma_wait3A_133, %dma_wait3A_134] : memref<10240x128xf32, #tpu.memory_space<vmem_shared>> -> memref<10240x128xf32, #tpu.memory_space<vmem_shared>>
      tpu.wait_indirect_dma semaphore(%arg9 : memref<!tpu.dma_semaphore, #tpu.memory_space<semaphore_mem>>) src(%arg7 : memref<80x128xf32, #tpu.memory_space<vmem>>) dst(%dma_wait3A_135 : memref<10240x128xf32, #tpu.memory_space<vmem_shared>>)
      %mul3A_136 = arith.constant 8 : i32
      %mul3A_137 = arith.muli %mul3A_136, %scan3A_16 : i32
      %add3A_138 = arith.constant 4 : i32
      %add3A_139 = arith.addi %mul3A_137, %add3A_138 : i32
      %dma_wait3A_140 = arith.constant 0 : i32
      %dma_wait3A_141 = tpu.memref_slice %arg6[%add3A_139, %dma_wait3A_140] : memref<128x80xi32, #tpu.memory_space<vmem>> -> memref<1x80xi32, #tpu.memory_space<vmem>>
      %dma_wait3A_142 = tpu.memref_squeeze %dma_wait3A_141 : memref<1x80xi32, #tpu.memory_space<vmem>> -> memref<80xi32, #tpu.memory_space<vmem>>
      %dma_wait3A_143 = arith.constant 0 : i32
      %dma_wait3A_144 = arith.constant 0 : i32
      %dma_wait3A_145 = tpu.memref_slice %arg8[%dma_wait3A_143, %dma_wait3A_144] : memref<10240x128xf32, #tpu.memory_space<vmem_shared>> -> memref<10240x128xf32, #tpu.memory_space<vmem_shared>>
      tpu.wait_indirect_dma semaphore(%arg9 : memref<!tpu.dma_semaphore, #tpu.memory_space<semaphore_mem>>) src(%arg7 : memref<80x128xf32, #tpu.memory_space<vmem>>) dst(%dma_wait3A_145 : memref<10240x128xf32, #tpu.memory_space<vmem_shared>>)
      %mul3A_146 = arith.constant 8 : i32
      %mul3A_147 = arith.muli %mul3A_146, %scan3A_16 : i32
      %add3A_148 = arith.constant 5 : i32
      %add3A_149 = arith.addi %mul3A_147, %add3A_148 : i32
      %dma_wait3A_150 = arith.constant 0 : i32
      %dma_wait3A_151 = tpu.memref_slice %arg6[%add3A_149, %dma_wait3A_150] : memref<128x80xi32, #tpu.memory_space<vmem>> -> memref<1x80xi32, #tpu.memory_space<vmem>>
      %dma_wait3A_152 = tpu.memref_squeeze %dma_wait3A_151 : memref<1x80xi32, #tpu.memory_space<vmem>> -> memref<80xi32, #tpu.memory_space<vmem>>
      %dma_wait3A_153 = arith.constant 0 : i32
      %dma_wait3A_154 = arith.constant 0 : i32
      %dma_wait3A_155 = tpu.memref_slice %arg8[%dma_wait3A_153, %dma_wait3A_154] : memref<10240x128xf32, #tpu.memory_space<vmem_shared>> -> memref<10240x128xf32, #tpu.memory_space<vmem_shared>>
      tpu.wait_indirect_dma semaphore(%arg9 : memref<!tpu.dma_semaphore, #tpu.memory_space<semaphore_mem>>) src(%arg7 : memref<80x128xf32, #tpu.memory_space<vmem>>) dst(%dma_wait3A_155 : memref<10240x128xf32, #tpu.memory_space<vmem_shared>>)
      %mul3A_156 = arith.constant 8 : i32
      %mul3A_157 = arith.muli %mul3A_156, %scan3A_16 : i32
      %add3A_158 = arith.constant 6 : i32
      %add3A_159 = arith.addi %mul3A_157, %add3A_158 : i32
      %dma_wait3A_160 = arith.constant 0 : i32
      %dma_wait3A_161 = tpu.memref_slice %arg6[%add3A_159, %dma_wait3A_160] : memref<128x80xi32, #tpu.memory_space<vmem>> -> memref<1x80xi32, #tpu.memory_space<vmem>>
      %dma_wait3A_162 = tpu.memref_squeeze %dma_wait3A_161 : memref<1x80xi32, #tpu.memory_space<vmem>> -> memref<80xi32, #tpu.memory_space<vmem>>
      %dma_wait3A_163 = arith.constant 0 : i32
      %dma_wait3A_164 = arith.constant 0 : i32
      %dma_wait3A_165 = tpu.memref_slice %arg8[%dma_wait3A_163, %dma_wait3A_164] : memref<10240x128xf32, #tpu.memory_space<vmem_shared>> -> memref<10240x128xf32, #tpu.memory_space<vmem_shared>>
      tpu.wait_indirect_dma semaphore(%arg9 : memref<!tpu.dma_semaphore, #tpu.memory_space<semaphore_mem>>) src(%arg7 : memref<80x128xf32, #tpu.memory_space<vmem>>) dst(%dma_wait3A_165 : memref<10240x128xf32, #tpu.memory_space<vmem_shared>>)
      %mul3A_166 = arith.constant 8 : i32
      %mul3A_167 = arith.muli %mul3A_166, %scan3A_16 : i32
      %add3A_168 = arith.constant 7 : i32
      %add3A_169 = arith.addi %mul3A_167, %add3A_168 : i32
      %dma_wait3A_170 = arith.constant 0 : i32
      %dma_wait3A_171 = tpu.memref_slice %arg6[%add3A_169, %dma_wait3A_170] : memref<128x80xi32, #tpu.memory_space<vmem>> -> memref<1x80xi32, #tpu.memory_space<vmem>>
      %dma_wait3A_172 = tpu.memref_squeeze %dma_wait3A_171 : memref<1x80xi32, #tpu.memory_space<vmem>> -> memref<80xi32, #tpu.memory_space<vmem>>
      %dma_wait3A_173 = arith.constant 0 : i32
      %dma_wait3A_174 = arith.constant 0 : i32
      %dma_wait3A_175 = tpu.memref_slice %arg8[%dma_wait3A_173, %dma_wait3A_174] : memref<10240x128xf32, #tpu.memory_space<vmem_shared>> -> memref<10240x128xf32, #tpu.memory_space<vmem_shared>>
      tpu.wait_indirect_dma semaphore(%arg9 : memref<!tpu.dma_semaphore, #tpu.memory_space<semaphore_mem>>) src(%arg7 : memref<80x128xf32, #tpu.memory_space<vmem>>) dst(%dma_wait3A_175 : memref<10240x128xf32, #tpu.memory_space<vmem_shared>>)
      %scan3A_176 = arith.constant 0 : i32
      scf.yield %scan3A_176 : i32
    }
    %scan3A_10 = arith.constant 16 : i32
    %barrier3A_11 = arith.constant 0 : index
    tpu.barrier barrier_id(%barrier3A_11)
    %mul3A_12 = arith.constant 640 : i32
    %mul3A_13 = arith.muli %arg1, %mul3A_12 : i32
    %mul3A_14 = arith.constant 640 : i32
    %mul3A_15 = arith.muli %arg1, %mul3A_14 : i32
    "tpu.region"() ({
      %run_scoped3A = tpu.sem_alloc : memref<!tpu.dma_semaphore, #tpu.memory_space<semaphore_mem>>
      %dma_start3A = arith.constant 0 : i32
      %dma_start3A_16 = tpu.memref_slice %arg5[%arg0, %mul3A_15, %dma_start3A] : memref<2x10240x128xf32, #tpu.memory_space<hbm>> -> memref<1x640x128xf32, #tpu.memory_space<hbm>>
      %dma_start3A_17 = tpu.memref_squeeze %dma_start3A_16 : memref<1x640x128xf32, #tpu.memory_space<hbm>> -> memref<640x128xf32, #tpu.memory_space<hbm>>
      %dma_start3A_18 = arith.constant 0 : i32
      %dma_start3A_19 = tpu.memref_slice %arg8[%mul3A_13, %dma_start3A_18] : memref<10240x128xf32, #tpu.memory_space<vmem_shared>> -> memref<640x128xf32, #tpu.memory_space<vmem_shared>>
      tpu.enqueue_dma source(%dma_start3A_19 : memref<640x128xf32, #tpu.memory_space<vmem_shared>>) target(%dma_start3A_17 : memref<640x128xf32, #tpu.memory_space<hbm>>) target_semaphore(%run_scoped3A : memref<!tpu.dma_semaphore, #tpu.memory_space<semaphore_mem>>)
      %dma_wait3A = arith.constant 0 : i32
      %dma_wait3A_20 = tpu.memref_slice %arg5[%arg0, %mul3A_15, %dma_wait3A] : memref<2x10240x128xf32, #tpu.memory_space<hbm>> -> memref<1x640x128xf32, #tpu.memory_space<hbm>>
      %dma_wait3A_21 = tpu.memref_squeeze %dma_wait3A_20 : memref<1x640x128xf32, #tpu.memory_space<hbm>> -> memref<640x128xf32, #tpu.memory_space<hbm>>
      %dma_wait3A_22 = arith.constant 0 : i32
      %dma_wait3A_23 = tpu.memref_slice %arg8[%mul3A_13, %dma_wait3A_22] : memref<10240x128xf32, #tpu.memory_space<vmem_shared>> -> memref<640x128xf32, #tpu.memory_space<vmem_shared>>
      tpu.wait_dma2 semaphore(%run_scoped3A : memref<!tpu.dma_semaphore, #tpu.memory_space<semaphore_mem>>) src(%dma_wait3A_23 : memref<640x128xf32, #tpu.memory_space<vmem_shared>>) dst(%dma_wait3A_21 : memref<640x128xf32, #tpu.memory_space<hbm>>)
      tpu.yield
    }) : () -> ()
    return
  }
}

#map = affine_map<(d0, d1) -> (0, 0)>
#map1 = affine_map<(d0, d1) -> (0, 0, 0)>
module attributes {stable_mosaic.version = 14 : i64} {
  func.func @_seg_body(%arg0: i32, %arg1: i32, %arg2: memref<10240x128xf32, #tpu.memory_space<hbm>>, %arg3: memref<4096x80xi32, #tpu.memory_space<hbm>>, %arg4: memref<4096x80xi32, #tpu.memory_space<hbm>>, %arg5: memref<640x128xf32, #tpu.memory_space<hbm>>, %arg6: memref<2x10240x128xf32, #tpu.memory_space<hbm>>, %arg7: memref<64x80xi32, #tpu.memory_space<vmem>>, %arg8: memref<64x80xi32, #tpu.memory_space<vmem>>, %arg9: memref<80x128xf32, #tpu.memory_space<vmem>>, %arg10: memref<80x128xf32, #tpu.memory_space<vmem>>, %arg11: memref<80x128xf32, #tpu.memory_space<vmem>>, %arg12: memref<10240x128xf32, #tpu.memory_space<vmem_shared>>, %arg13: memref<!tpu.dma_semaphore, #tpu.memory_space<semaphore_mem>>, %arg14: memref<!tpu.dma_semaphore, #tpu.memory_space<semaphore_mem>>, %arg15: memref<!tpu.dma_semaphore, #tpu.memory_space<semaphore_mem>>, %arg16: memref<!tpu.dma_semaphore, #tpu.memory_space<semaphore_mem>>, %arg17: memref<!tpu.dma_semaphore, #tpu.memory_space<semaphore_mem>>, %arg18: memref<!tpu.dma_semaphore, #tpu.memory_space<semaphore_mem>>) attributes {dimension_semantics = [#tpu.dimension_semantics<core_parallel>, #tpu.dimension_semantics<subcore_parallel>], iteration_bounds = array<i64: 2, 16>, scalar_prefetch = 0 : i64, scratch_operands = 12 : i64, tpu.core_type = #tpu.core_type<sc_vector_subcore>, window_params = [{transform_indices = #map}, {transform_indices = #map}, {transform_indices = #map}, {transform_indices = #map}, {transform_indices = #map1}]} {
    %mul3A = arith.constant 16 : i32
    %mul3A_0 = arith.muli %arg0, %mul3A : i32
    %add3A = arith.addi %mul3A_0, %arg1 : i32
    %mul3A_1 = arith.constant 640 : i32
    %mul3A_2 = arith.muli %arg1, %mul3A_1 : i32
    "tpu.region"() ({
      %run_scoped3A = tpu.sem_alloc : memref<!tpu.dma_semaphore, #tpu.memory_space<semaphore_mem>>
      %dma_start3A_251 = arith.constant 0 : i32
      %dma_start3A_252 = tpu.memref_slice %arg12[%mul3A_2, %dma_start3A_251] : memref<10240x128xf32, #tpu.memory_space<vmem_shared>> -> memref<640x128xf32, #tpu.memory_space<vmem_shared>>
      tpu.enqueue_dma source(%arg5 : memref<640x128xf32, #tpu.memory_space<hbm>>) target(%dma_start3A_252 : memref<640x128xf32, #tpu.memory_space<vmem_shared>>) target_semaphore(%run_scoped3A : memref<!tpu.dma_semaphore, #tpu.memory_space<semaphore_mem>>)
      %dma_wait3A_253 = arith.constant 0 : i32
      %dma_wait3A_254 = tpu.memref_slice %arg12[%mul3A_2, %dma_wait3A_253] : memref<10240x128xf32, #tpu.memory_space<vmem_shared>> -> memref<640x128xf32, #tpu.memory_space<vmem_shared>>
      tpu.wait_dma2 semaphore(%run_scoped3A : memref<!tpu.dma_semaphore, #tpu.memory_space<semaphore_mem>>) src(%arg5 : memref<640x128xf32, #tpu.memory_space<hbm>>) dst(%dma_wait3A_254 : memref<640x128xf32, #tpu.memory_space<vmem_shared>>)
      tpu.yield
    }) : () -> ()
    %barrier3A = arith.constant 0 : index
    tpu.barrier barrier_id(%barrier3A)
    %mul3A_3 = arith.constant 128 : i32
    %mul3A_4 = arith.muli %add3A, %mul3A_3 : i32
    %add3A_5 = arith.constant 0 : i32
    %add3A_6 = arith.addi %mul3A_4, %add3A_5 : i32
    "tpu.region"() ({
      %run_scoped3A = tpu.sem_alloc : memref<!tpu.dma_semaphore, #tpu.memory_space<semaphore_mem>>
      %dma_start3A_251 = arith.constant 0 : i32
      %dma_start3A_252 = tpu.memref_slice %arg3[%add3A_6, %dma_start3A_251] : memref<4096x80xi32, #tpu.memory_space<hbm>> -> memref<64x80xi32, #tpu.memory_space<hbm>>
      %dma_start3A_253 = arith.constant 0 : i32
      %dma_start3A_254 = tpu.memref_slice %arg3[%add3A_6, %dma_start3A_253] : memref<4096x80xi32, #tpu.memory_space<hbm>> -> memref<64x80xi32, #tpu.memory_space<hbm>>
      tpu.enqueue_dma source(%dma_start3A_254 : memref<64x80xi32, #tpu.memory_space<hbm>>) target(%arg7 : memref<64x80xi32, #tpu.memory_space<vmem>>) target_semaphore(%run_scoped3A : memref<!tpu.dma_semaphore, #tpu.memory_space<semaphore_mem>>)
      %dma_wait3A_255 = arith.constant 0 : i32
      %dma_wait3A_256 = tpu.memref_slice %arg3[%add3A_6, %dma_wait3A_255] : memref<4096x80xi32, #tpu.memory_space<hbm>> -> memref<64x80xi32, #tpu.memory_space<hbm>>
      %dma_wait3A_257 = arith.constant 0 : i32
      %dma_wait3A_258 = tpu.memref_slice %arg3[%add3A_6, %dma_wait3A_257] : memref<4096x80xi32, #tpu.memory_space<hbm>> -> memref<64x80xi32, #tpu.memory_space<hbm>>
      tpu.wait_dma2 semaphore(%run_scoped3A : memref<!tpu.dma_semaphore, #tpu.memory_space<semaphore_mem>>) src(%dma_wait3A_258 : memref<64x80xi32, #tpu.memory_space<hbm>>) dst(%arg7 : memref<64x80xi32, #tpu.memory_space<vmem>>)
      tpu.yield
    }) : () -> ()
    "tpu.region"() ({
      %run_scoped3A = tpu.sem_alloc : memref<!tpu.dma_semaphore, #tpu.memory_space<semaphore_mem>>
      %dma_start3A_251 = arith.constant 0 : i32
      %dma_start3A_252 = tpu.memref_slice %arg4[%add3A_6, %dma_start3A_251] : memref<4096x80xi32, #tpu.memory_space<hbm>> -> memref<64x80xi32, #tpu.memory_space<hbm>>
      %dma_start3A_253 = arith.constant 0 : i32
      %dma_start3A_254 = tpu.memref_slice %arg4[%add3A_6, %dma_start3A_253] : memref<4096x80xi32, #tpu.memory_space<hbm>> -> memref<64x80xi32, #tpu.memory_space<hbm>>
      tpu.enqueue_dma source(%dma_start3A_254 : memref<64x80xi32, #tpu.memory_space<hbm>>) target(%arg8 : memref<64x80xi32, #tpu.memory_space<vmem>>) target_semaphore(%run_scoped3A : memref<!tpu.dma_semaphore, #tpu.memory_space<semaphore_mem>>)
      %dma_wait3A_255 = arith.constant 0 : i32
      %dma_wait3A_256 = tpu.memref_slice %arg4[%add3A_6, %dma_wait3A_255] : memref<4096x80xi32, #tpu.memory_space<hbm>> -> memref<64x80xi32, #tpu.memory_space<hbm>>
      %dma_wait3A_257 = arith.constant 0 : i32
      %dma_wait3A_258 = tpu.memref_slice %arg4[%add3A_6, %dma_wait3A_257] : memref<4096x80xi32, #tpu.memory_space<hbm>> -> memref<64x80xi32, #tpu.memory_space<hbm>>
      tpu.wait_dma2 semaphore(%run_scoped3A : memref<!tpu.dma_semaphore, #tpu.memory_space<semaphore_mem>>) src(%dma_wait3A_258 : memref<64x80xi32, #tpu.memory_space<hbm>>) dst(%arg8 : memref<64x80xi32, #tpu.memory_space<vmem>>)
      tpu.yield
    }) : () -> ()
    %dma_start3A = arith.constant 0 : i32
    %dma_start3A_7 = arith.constant 0 : i32
    %dma_start3A_8 = tpu.memref_slice %arg7[%dma_start3A, %dma_start3A_7] : memref<64x80xi32, #tpu.memory_space<vmem>> -> memref<1x80xi32, #tpu.memory_space<vmem>>
    %dma_start3A_9 = tpu.memref_squeeze %dma_start3A_8 : memref<1x80xi32, #tpu.memory_space<vmem>> -> memref<80xi32, #tpu.memory_space<vmem>>
    %dma_start3A_10 = arith.constant 0 : i32
    %dma_start3A_11 = arith.constant 0 : i32
    %dma_start3A_12 = tpu.memref_slice %arg2[%dma_start3A_10, %dma_start3A_11] : memref<10240x128xf32, #tpu.memory_space<hbm>> -> memref<10240x128xf32, #tpu.memory_space<hbm>>
    tpu.enqueue_indirect_dma source(%dma_start3A_12 : memref<10240x128xf32, #tpu.memory_space<hbm>>) target(%arg9 : memref<80x128xf32, #tpu.memory_space<vmem>>) offsets(%dma_start3A_9 : memref<80xi32, #tpu.memory_space<vmem>>) semaphore(%arg13 : memref<!tpu.dma_semaphore, #tpu.memory_space<semaphore_mem>>)
    %dma_start3A_13 = arith.constant 1 : i32
    %dma_start3A_14 = arith.constant 0 : i32
    %dma_start3A_15 = tpu.memref_slice %arg7[%dma_start3A_13, %dma_start3A_14] : memref<64x80xi32, #tpu.memory_space<vmem>> -> memref<1x80xi32, #tpu.memory_space<vmem>>
    %dma_start3A_16 = tpu.memref_squeeze %dma_start3A_15 : memref<1x80xi32, #tpu.memory_space<vmem>> -> memref<80xi32, #tpu.memory_space<vmem>>
    %dma_start3A_17 = arith.constant 0 : i32
    %dma_start3A_18 = arith.constant 0 : i32
    %dma_start3A_19 = tpu.memref_slice %arg2[%dma_start3A_17, %dma_start3A_18] : memref<10240x128xf32, #tpu.memory_space<hbm>> -> memref<10240x128xf32, #tpu.memory_space<hbm>>
    tpu.enqueue_indirect_dma source(%dma_start3A_19 : memref<10240x128xf32, #tpu.memory_space<hbm>>) target(%arg10 : memref<80x128xf32, #tpu.memory_space<vmem>>) offsets(%dma_start3A_16 : memref<80xi32, #tpu.memory_space<vmem>>) semaphore(%arg14 : memref<!tpu.dma_semaphore, #tpu.memory_space<semaphore_mem>>)
    %dma_wait3A = arith.constant 0 : i32
    %dma_wait3A_20 = arith.constant 0 : i32
    %dma_wait3A_21 = tpu.memref_slice %arg7[%dma_wait3A, %dma_wait3A_20] : memref<64x80xi32, #tpu.memory_space<vmem>> -> memref<1x80xi32, #tpu.memory_space<vmem>>
    %dma_wait3A_22 = tpu.memref_squeeze %dma_wait3A_21 : memref<1x80xi32, #tpu.memory_space<vmem>> -> memref<80xi32, #tpu.memory_space<vmem>>
    %dma_wait3A_23 = arith.constant 0 : i32
    %dma_wait3A_24 = arith.constant 0 : i32
    %dma_wait3A_25 = tpu.memref_slice %arg2[%dma_wait3A_23, %dma_wait3A_24] : memref<10240x128xf32, #tpu.memory_space<hbm>> -> memref<10240x128xf32, #tpu.memory_space<hbm>>
    tpu.wait_indirect_dma semaphore(%arg13 : memref<!tpu.dma_semaphore, #tpu.memory_space<semaphore_mem>>) src(%dma_wait3A_25 : memref<10240x128xf32, #tpu.memory_space<hbm>>) dst(%arg9 : memref<80x128xf32, #tpu.memory_space<vmem>>)
    %dma_start3A_26 = arith.constant 0 : i32
    %dma_start3A_27 = arith.constant 0 : i32
    %dma_start3A_28 = tpu.memref_slice %arg8[%dma_start3A_26, %dma_start3A_27] : memref<64x80xi32, #tpu.memory_space<vmem>> -> memref<1x80xi32, #tpu.memory_space<vmem>>
    %dma_start3A_29 = tpu.memref_squeeze %dma_start3A_28 : memref<1x80xi32, #tpu.memory_space<vmem>> -> memref<80xi32, #tpu.memory_space<vmem>>
    %dma_start3A_30 = arith.constant 0 : i32
    %dma_start3A_31 = arith.constant 0 : i32
    %dma_start3A_32 = tpu.memref_slice %arg12[%dma_start3A_30, %dma_start3A_31] : memref<10240x128xf32, #tpu.memory_space<vmem_shared>> -> memref<10240x128xf32, #tpu.memory_space<vmem_shared>>
    tpu.enqueue_indirect_dma source(%arg9 : memref<80x128xf32, #tpu.memory_space<vmem>>) target(%dma_start3A_32 : memref<10240x128xf32, #tpu.memory_space<vmem_shared>>) offsets(%dma_start3A_29 : memref<80xi32, #tpu.memory_space<vmem>>) semaphore(%arg16 : memref<!tpu.dma_semaphore, #tpu.memory_space<semaphore_mem>>) {add = true}
    %dma_start3A_33 = arith.constant 2 : i32
    %dma_start3A_34 = arith.constant 0 : i32
    %dma_start3A_35 = tpu.memref_slice %arg7[%dma_start3A_33, %dma_start3A_34] : memref<64x80xi32, #tpu.memory_space<vmem>> -> memref<1x80xi32, #tpu.memory_space<vmem>>
    %dma_start3A_36 = tpu.memref_squeeze %dma_start3A_35 : memref<1x80xi32, #tpu.memory_space<vmem>> -> memref<80xi32, #tpu.memory_space<vmem>>
    %dma_start3A_37 = arith.constant 0 : i32
    %dma_start3A_38 = arith.constant 0 : i32
    %dma_start3A_39 = tpu.memref_slice %arg2[%dma_start3A_37, %dma_start3A_38] : memref<10240x128xf32, #tpu.memory_space<hbm>> -> memref<10240x128xf32, #tpu.memory_space<hbm>>
    tpu.enqueue_indirect_dma source(%dma_start3A_39 : memref<10240x128xf32, #tpu.memory_space<hbm>>) target(%arg11 : memref<80x128xf32, #tpu.memory_space<vmem>>) offsets(%dma_start3A_36 : memref<80xi32, #tpu.memory_space<vmem>>) semaphore(%arg15 : memref<!tpu.dma_semaphore, #tpu.memory_space<semaphore_mem>>)
    %scan3A = arith.constant 0 : i32
    %scan3A_40 = arith.constant 0 : i32
    %scan3A_41 = arith.constant 20 : i32
    %scan3A_42 = arith.addi %scan3A_40, %scan3A_41 : i32
    %scan3A_43 = arith.constant 1 : i32
    %scan3A_44 = scf.for %scan3A_251 = %scan3A_40 to %scan3A_42 step %scan3A_43 iter_args(%scan3A_252 = %scan3A) -> (i32)  : i32 {
      %mul3A_253 = arith.constant 3 : i32
      %mul3A_254 = arith.muli %mul3A_253, %scan3A_251 : i32
      %add3A_255 = arith.constant 1 : i32
      %add3A_256 = arith.addi %mul3A_254, %add3A_255 : i32
      %dma_wait3A_257 = arith.constant 0 : i32
      %dma_wait3A_258 = tpu.memref_slice %arg7[%add3A_256, %dma_wait3A_257] : memref<64x80xi32, #tpu.memory_space<vmem>> -> memref<1x80xi32, #tpu.memory_space<vmem>>
      %dma_wait3A_259 = tpu.memref_squeeze %dma_wait3A_258 : memref<1x80xi32, #tpu.memory_space<vmem>> -> memref<80xi32, #tpu.memory_space<vmem>>
      %dma_wait3A_260 = arith.constant 0 : i32
      %dma_wait3A_261 = arith.constant 0 : i32
      %dma_wait3A_262 = tpu.memref_slice %arg2[%dma_wait3A_260, %dma_wait3A_261] : memref<10240x128xf32, #tpu.memory_space<hbm>> -> memref<10240x128xf32, #tpu.memory_space<hbm>>
      tpu.wait_indirect_dma semaphore(%arg14 : memref<!tpu.dma_semaphore, #tpu.memory_space<semaphore_mem>>) src(%dma_wait3A_262 : memref<10240x128xf32, #tpu.memory_space<hbm>>) dst(%arg10 : memref<80x128xf32, #tpu.memory_space<vmem>>)
      %dma_start3A_263 = arith.constant 0 : i32
      %dma_start3A_264 = tpu.memref_slice %arg8[%add3A_256, %dma_start3A_263] : memref<64x80xi32, #tpu.memory_space<vmem>> -> memref<1x80xi32, #tpu.memory_space<vmem>>
      %dma_start3A_265 = tpu.memref_squeeze %dma_start3A_264 : memref<1x80xi32, #tpu.memory_space<vmem>> -> memref<80xi32, #tpu.memory_space<vmem>>
      %dma_start3A_266 = arith.constant 0 : i32
      %dma_start3A_267 = arith.constant 0 : i32
      %dma_start3A_268 = tpu.memref_slice %arg12[%dma_start3A_266, %dma_start3A_267] : memref<10240x128xf32, #tpu.memory_space<vmem_shared>> -> memref<10240x128xf32, #tpu.memory_space<vmem_shared>>
      tpu.enqueue_indirect_dma source(%arg10 : memref<80x128xf32, #tpu.memory_space<vmem>>) target(%dma_start3A_268 : memref<10240x128xf32, #tpu.memory_space<vmem_shared>>) offsets(%dma_start3A_265 : memref<80xi32, #tpu.memory_space<vmem>>) semaphore(%arg17 : memref<!tpu.dma_semaphore, #tpu.memory_space<semaphore_mem>>) {add = true}
      %sub3A = arith.constant 1 : i32
      %sub3A_269 = arith.subi %add3A_256, %sub3A : i32
      %dma_wait3A_270 = arith.constant 0 : i32
      %dma_wait3A_271 = tpu.memref_slice %arg8[%sub3A_269, %dma_wait3A_270] : memref<64x80xi32, #tpu.memory_space<vmem>> -> memref<1x80xi32, #tpu.memory_space<vmem>>
      %dma_wait3A_272 = tpu.memref_squeeze %dma_wait3A_271 : memref<1x80xi32, #tpu.memory_space<vmem>> -> memref<80xi32, #tpu.memory_space<vmem>>
      %dma_wait3A_273 = arith.constant 0 : i32
      %dma_wait3A_274 = arith.constant 0 : i32
      %dma_wait3A_275 = tpu.memref_slice %arg12[%dma_wait3A_273, %dma_wait3A_274] : memref<10240x128xf32, #tpu.memory_space<vmem_shared>> -> memref<10240x128xf32, #tpu.memory_space<vmem_shared>>
      tpu.wait_indirect_dma semaphore(%arg16 : memref<!tpu.dma_semaphore, #tpu.memory_space<semaphore_mem>>) src(%arg9 : memref<80x128xf32, #tpu.memory_space<vmem>>) dst(%dma_wait3A_275 : memref<10240x128xf32, #tpu.memory_space<vmem_shared>>)
      %add3A_276 = arith.constant 2 : i32
      %add3A_277 = arith.addi %add3A_256, %add3A_276 : i32
      %dma_start3A_278 = arith.constant 0 : i32
      %dma_start3A_279 = tpu.memref_slice %arg7[%add3A_277, %dma_start3A_278] : memref<64x80xi32, #tpu.memory_space<vmem>> -> memref<1x80xi32, #tpu.memory_space<vmem>>
      %dma_start3A_280 = tpu.memref_squeeze %dma_start3A_279 : memref<1x80xi32, #tpu.memory_space<vmem>> -> memref<80xi32, #tpu.memory_space<vmem>>
      %dma_start3A_281 = arith.constant 0 : i32
      %dma_start3A_282 = arith.constant 0 : i32
      %dma_start3A_283 = tpu.memref_slice %arg2[%dma_start3A_281, %dma_start3A_282] : memref<10240x128xf32, #tpu.memory_space<hbm>> -> memref<10240x128xf32, #tpu.memory_space<hbm>>
      tpu.enqueue_indirect_dma source(%dma_start3A_283 : memref<10240x128xf32, #tpu.memory_space<hbm>>) target(%arg9 : memref<80x128xf32, #tpu.memory_space<vmem>>) offsets(%dma_start3A_280 : memref<80xi32, #tpu.memory_space<vmem>>) semaphore(%arg13 : memref<!tpu.dma_semaphore, #tpu.memory_space<semaphore_mem>>)
      %add3A_284 = arith.constant 1 : i32
      %add3A_285 = arith.addi %add3A_256, %add3A_284 : i32
      %dma_wait3A_286 = arith.constant 0 : i32
      %dma_wait3A_287 = tpu.memref_slice %arg7[%add3A_285, %dma_wait3A_286] : memref<64x80xi32, #tpu.memory_space<vmem>> -> memref<1x80xi32, #tpu.memory_space<vmem>>
      %dma_wait3A_288 = tpu.memref_squeeze %dma_wait3A_287 : memref<1x80xi32, #tpu.memory_space<vmem>> -> memref<80xi32, #tpu.memory_space<vmem>>
      %dma_wait3A_289 = arith.constant 0 : i32
      %dma_wait3A_290 = arith.constant 0 : i32
      %dma_wait3A_291 = tpu.memref_slice %arg2[%dma_wait3A_289, %dma_wait3A_290] : memref<10240x128xf32, #tpu.memory_space<hbm>> -> memref<10240x128xf32, #tpu.memory_space<hbm>>
      tpu.wait_indirect_dma semaphore(%arg15 : memref<!tpu.dma_semaphore, #tpu.memory_space<semaphore_mem>>) src(%dma_wait3A_291 : memref<10240x128xf32, #tpu.memory_space<hbm>>) dst(%arg11 : memref<80x128xf32, #tpu.memory_space<vmem>>)
      %dma_start3A_292 = arith.constant 0 : i32
      %dma_start3A_293 = tpu.memref_slice %arg8[%add3A_285, %dma_start3A_292] : memref<64x80xi32, #tpu.memory_space<vmem>> -> memref<1x80xi32, #tpu.memory_space<vmem>>
      %dma_start3A_294 = tpu.memref_squeeze %dma_start3A_293 : memref<1x80xi32, #tpu.memory_space<vmem>> -> memref<80xi32, #tpu.memory_space<vmem>>
      %dma_start3A_295 = arith.constant 0 : i32
      %dma_start3A_296 = arith.constant 0 : i32
      %dma_start3A_297 = tpu.memref_slice %arg12[%dma_start3A_295, %dma_start3A_296] : memref<10240x128xf32, #tpu.memory_space<vmem_shared>> -> memref<10240x128xf32, #tpu.memory_space<vmem_shared>>
      tpu.enqueue_indirect_dma source(%arg11 : memref<80x128xf32, #tpu.memory_space<vmem>>) target(%dma_start3A_297 : memref<10240x128xf32, #tpu.memory_space<vmem_shared>>) offsets(%dma_start3A_294 : memref<80xi32, #tpu.memory_space<vmem>>) semaphore(%arg18 : memref<!tpu.dma_semaphore, #tpu.memory_space<semaphore_mem>>) {add = true}
      %sub3A_298 = arith.constant 1 : i32
      %sub3A_299 = arith.subi %add3A_285, %sub3A_298 : i32
      %dma_wait3A_300 = arith.constant 0 : i32
      %dma_wait3A_301 = tpu.memref_slice %arg8[%sub3A_299, %dma_wait3A_300] : memref<64x80xi32, #tpu.memory_space<vmem>> -> memref<1x80xi32, #tpu.memory_space<vmem>>
      %dma_wait3A_302 = tpu.memref_squeeze %dma_wait3A_301 : memref<1x80xi32, #tpu.memory_space<vmem>> -> memref<80xi32, #tpu.memory_space<vmem>>
      %dma_wait3A_303 = arith.constant 0 : i32
      %dma_wait3A_304 = arith.constant 0 : i32
      %dma_wait3A_305 = tpu.memref_slice %arg12[%dma_wait3A_303, %dma_wait3A_304] : memref<10240x128xf32, #tpu.memory_space<vmem_shared>> -> memref<10240x128xf32, #tpu.memory_space<vmem_shared>>
      tpu.wait_indirect_dma semaphore(%arg17 : memref<!tpu.dma_semaphore, #tpu.memory_space<semaphore_mem>>) src(%arg10 : memref<80x128xf32, #tpu.memory_space<vmem>>) dst(%dma_wait3A_305 : memref<10240x128xf32, #tpu.memory_space<vmem_shared>>)
      %add3A_306 = arith.constant 2 : i32
      %add3A_307 = arith.addi %add3A_285, %add3A_306 : i32
      %dma_start3A_308 = arith.constant 0 : i32
      %dma_start3A_309 = tpu.memref_slice %arg7[%add3A_307, %dma_start3A_308] : memref<64x80xi32, #tpu.memory_space<vmem>> -> memref<1x80xi32, #tpu.memory_space<vmem>>
      %dma_start3A_310 = tpu.memref_squeeze %dma_start3A_309 : memref<1x80xi32, #tpu.memory_space<vmem>> -> memref<80xi32, #tpu.memory_space<vmem>>
      %dma_start3A_311 = arith.constant 0 : i32
      %dma_start3A_312 = arith.constant 0 : i32
      %dma_start3A_313 = tpu.memref_slice %arg2[%dma_start3A_311, %dma_start3A_312] : memref<10240x128xf32, #tpu.memory_space<hbm>> -> memref<10240x128xf32, #tpu.memory_space<hbm>>
      tpu.enqueue_indirect_dma source(%dma_start3A_313 : memref<10240x128xf32, #tpu.memory_space<hbm>>) target(%arg10 : memref<80x128xf32, #tpu.memory_space<vmem>>) offsets(%dma_start3A_310 : memref<80xi32, #tpu.memory_space<vmem>>) semaphore(%arg14 : memref<!tpu.dma_semaphore, #tpu.memory_space<semaphore_mem>>)
      %add3A_314 = arith.constant 2 : i32
      %add3A_315 = arith.addi %add3A_256, %add3A_314 : i32
      %dma_wait3A_316 = arith.constant 0 : i32
      %dma_wait3A_317 = tpu.memref_slice %arg7[%add3A_315, %dma_wait3A_316] : memref<64x80xi32, #tpu.memory_space<vmem>> -> memref<1x80xi32, #tpu.memory_space<vmem>>
      %dma_wait3A_318 = tpu.memref_squeeze %dma_wait3A_317 : memref<1x80xi32, #tpu.memory_space<vmem>> -> memref<80xi32, #tpu.memory_space<vmem>>
      %dma_wait3A_319 = arith.constant 0 : i32
      %dma_wait3A_320 = arith.constant 0 : i32
      %dma_wait3A_321 = tpu.memref_slice %arg2[%dma_wait3A_319, %dma_wait3A_320] : memref<10240x128xf32, #tpu.memory_space<hbm>> -> memref<10240x128xf32, #tpu.memory_space<hbm>>
      tpu.wait_indirect_dma semaphore(%arg13 : memref<!tpu.dma_semaphore, #tpu.memory_space<semaphore_mem>>) src(%dma_wait3A_321 : memref<10240x128xf32, #tpu.memory_space<hbm>>) dst(%arg9 : memref<80x128xf32, #tpu.memory_space<vmem>>)
      %dma_start3A_322 = arith.constant 0 : i32
      %dma_start3A_323 = tpu.memref_slice %arg8[%add3A_315, %dma_start3A_322] : memref<64x80xi32, #tpu.memory_space<vmem>> -> memref<1x80xi32, #tpu.memory_space<vmem>>
      %dma_start3A_324 = tpu.memref_squeeze %dma_start3A_323 : memref<1x80xi32, #tpu.memory_space<vmem>> -> memref<80xi32, #tpu.memory_space<vmem>>
      %dma_start3A_325 = arith.constant 0 : i32
      %dma_start3A_326 = arith.constant 0 : i32
      %dma_start3A_327 = tpu.memref_slice %arg12[%dma_start3A_325, %dma_start3A_326] : memref<10240x128xf32, #tpu.memory_space<vmem_shared>> -> memref<10240x128xf32, #tpu.memory_space<vmem_shared>>
      tpu.enqueue_indirect_dma source(%arg9 : memref<80x128xf32, #tpu.memory_space<vmem>>) target(%dma_start3A_327 : memref<10240x128xf32, #tpu.memory_space<vmem_shared>>) offsets(%dma_start3A_324 : memref<80xi32, #tpu.memory_space<vmem>>) semaphore(%arg16 : memref<!tpu.dma_semaphore, #tpu.memory_space<semaphore_mem>>) {add = true}
      %sub3A_328 = arith.constant 1 : i32
      %sub3A_329 = arith.subi %add3A_315, %sub3A_328 : i32
      %dma_wait3A_330 = arith.constant 0 : i32
      %dma_wait3A_331 = tpu.memref_slice %arg8[%sub3A_329, %dma_wait3A_330] : memref<64x80xi32, #tpu.memory_space<vmem>> -> memref<1x80xi32, #tpu.memory_space<vmem>>
      %dma_wait3A_332 = tpu.memref_squeeze %dma_wait3A_331 : memref<1x80xi32, #tpu.memory_space<vmem>> -> memref<80xi32, #tpu.memory_space<vmem>>
      %dma_wait3A_333 = arith.constant 0 : i32
      %dma_wait3A_334 = arith.constant 0 : i32
      %dma_wait3A_335 = tpu.memref_slice %arg12[%dma_wait3A_333, %dma_wait3A_334] : memref<10240x128xf32, #tpu.memory_space<vmem_shared>> -> memref<10240x128xf32, #tpu.memory_space<vmem_shared>>
      tpu.wait_indirect_dma semaphore(%arg18 : memref<!tpu.dma_semaphore, #tpu.memory_space<semaphore_mem>>) src(%arg11 : memref<80x128xf32, #tpu.memory_space<vmem>>) dst(%dma_wait3A_335 : memref<10240x128xf32, #tpu.memory_space<vmem_shared>>)
      %add3A_336 = arith.constant 2 : i32
      %add3A_337 = arith.addi %add3A_315, %add3A_336 : i32
      %dma_start3A_338 = arith.constant 0 : i32
      %dma_start3A_339 = tpu.memref_slice %arg7[%add3A_337, %dma_start3A_338] : memref<64x80xi32, #tpu.memory_space<vmem>> -> memref<1x80xi32, #tpu.memory_space<vmem>>
      %dma_start3A_340 = tpu.memref_squeeze %dma_start3A_339 : memref<1x80xi32, #tpu.memory_space<vmem>> -> memref<80xi32, #tpu.memory_space<vmem>>
      %dma_start3A_341 = arith.constant 0 : i32
      %dma_start3A_342 = arith.constant 0 : i32
      %dma_start3A_343 = tpu.memref_slice %arg2[%dma_start3A_341, %dma_start3A_342] : memref<10240x128xf32, #tpu.memory_space<hbm>> -> memref<10240x128xf32, #tpu.memory_space<hbm>>
      tpu.enqueue_indirect_dma source(%dma_start3A_343 : memref<10240x128xf32, #tpu.memory_space<hbm>>) target(%arg11 : memref<80x128xf32, #tpu.memory_space<vmem>>) offsets(%dma_start3A_340 : memref<80xi32, #tpu.memory_space<vmem>>) semaphore(%arg15 : memref<!tpu.dma_semaphore, #tpu.memory_space<semaphore_mem>>)
      %scan3A_344 = arith.constant 0 : i32
      scf.yield %scan3A_344 : i32
    }
    %scan3A_45 = arith.constant 20 : i32
    %dma_wait3A_46 = arith.constant 61 : i32
    %dma_wait3A_47 = arith.constant 0 : i32
    %dma_wait3A_48 = tpu.memref_slice %arg7[%dma_wait3A_46, %dma_wait3A_47] : memref<64x80xi32, #tpu.memory_space<vmem>> -> memref<1x80xi32, #tpu.memory_space<vmem>>
    %dma_wait3A_49 = tpu.memref_squeeze %dma_wait3A_48 : memref<1x80xi32, #tpu.memory_space<vmem>> -> memref<80xi32, #tpu.memory_space<vmem>>
    %dma_wait3A_50 = arith.constant 0 : i32
    %dma_wait3A_51 = arith.constant 0 : i32
    %dma_wait3A_52 = tpu.memref_slice %arg2[%dma_wait3A_50, %dma_wait3A_51] : memref<10240x128xf32, #tpu.memory_space<hbm>> -> memref<10240x128xf32, #tpu.memory_space<hbm>>
    tpu.wait_indirect_dma semaphore(%arg14 : memref<!tpu.dma_semaphore, #tpu.memory_space<semaphore_mem>>) src(%dma_wait3A_52 : memref<10240x128xf32, #tpu.memory_space<hbm>>) dst(%arg10 : memref<80x128xf32, #tpu.memory_space<vmem>>)
    %dma_start3A_53 = arith.constant 61 : i32
    %dma_start3A_54 = arith.constant 0 : i32
    %dma_start3A_55 = tpu.memref_slice %arg8[%dma_start3A_53, %dma_start3A_54] : memref<64x80xi32, #tpu.memory_space<vmem>> -> memref<1x80xi32, #tpu.memory_space<vmem>>
    %dma_start3A_56 = tpu.memref_squeeze %dma_start3A_55 : memref<1x80xi32, #tpu.memory_space<vmem>> -> memref<80xi32, #tpu.memory_space<vmem>>
    %dma_start3A_57 = arith.constant 0 : i32
    %dma_start3A_58 = arith.constant 0 : i32
    %dma_start3A_59 = tpu.memref_slice %arg12[%dma_start3A_57, %dma_start3A_58] : memref<10240x128xf32, #tpu.memory_space<vmem_shared>> -> memref<10240x128xf32, #tpu.memory_space<vmem_shared>>
    tpu.enqueue_indirect_dma source(%arg10 : memref<80x128xf32, #tpu.memory_space<vmem>>) target(%dma_start3A_59 : memref<10240x128xf32, #tpu.memory_space<vmem_shared>>) offsets(%dma_start3A_56 : memref<80xi32, #tpu.memory_space<vmem>>) semaphore(%arg17 : memref<!tpu.dma_semaphore, #tpu.memory_space<semaphore_mem>>) {add = true}
    %dma_wait3A_60 = arith.constant 60 : i32
    %dma_wait3A_61 = arith.constant 0 : i32
    %dma_wait3A_62 = tpu.memref_slice %arg8[%dma_wait3A_60, %dma_wait3A_61] : memref<64x80xi32, #tpu.memory_space<vmem>> -> memref<1x80xi32, #tpu.memory_space<vmem>>
    %dma_wait3A_63 = tpu.memref_squeeze %dma_wait3A_62 : memref<1x80xi32, #tpu.memory_space<vmem>> -> memref<80xi32, #tpu.memory_space<vmem>>
    %dma_wait3A_64 = arith.constant 0 : i32
    %dma_wait3A_65 = arith.constant 0 : i32
    %dma_wait3A_66 = tpu.memref_slice %arg12[%dma_wait3A_64, %dma_wait3A_65] : memref<10240x128xf32, #tpu.memory_space<vmem_shared>> -> memref<10240x128xf32, #tpu.memory_space<vmem_shared>>
    tpu.wait_indirect_dma semaphore(%arg16 : memref<!tpu.dma_semaphore, #tpu.memory_space<semaphore_mem>>) src(%arg9 : memref<80x128xf32, #tpu.memory_space<vmem>>) dst(%dma_wait3A_66 : memref<10240x128xf32, #tpu.memory_space<vmem_shared>>)
    %dma_start3A_67 = arith.constant 63 : i32
    %dma_start3A_68 = arith.constant 0 : i32
    %dma_start3A_69 = tpu.memref_slice %arg7[%dma_start3A_67, %dma_start3A_68] : memref<64x80xi32, #tpu.memory_space<vmem>> -> memref<1x80xi32, #tpu.memory_space<vmem>>
    %dma_start3A_70 = tpu.memref_squeeze %dma_start3A_69 : memref<1x80xi32, #tpu.memory_space<vmem>> -> memref<80xi32, #tpu.memory_space<vmem>>
    %dma_start3A_71 = arith.constant 0 : i32
    %dma_start3A_72 = arith.constant 0 : i32
    %dma_start3A_73 = tpu.memref_slice %arg2[%dma_start3A_71, %dma_start3A_72] : memref<10240x128xf32, #tpu.memory_space<hbm>> -> memref<10240x128xf32, #tpu.memory_space<hbm>>
    tpu.enqueue_indirect_dma source(%dma_start3A_73 : memref<10240x128xf32, #tpu.memory_space<hbm>>) target(%arg9 : memref<80x128xf32, #tpu.memory_space<vmem>>) offsets(%dma_start3A_70 : memref<80xi32, #tpu.memory_space<vmem>>) semaphore(%arg13 : memref<!tpu.dma_semaphore, #tpu.memory_space<semaphore_mem>>)
    %dma_wait3A_74 = arith.constant 62 : i32
    %dma_wait3A_75 = arith.constant 0 : i32
    %dma_wait3A_76 = tpu.memref_slice %arg7[%dma_wait3A_74, %dma_wait3A_75] : memref<64x80xi32, #tpu.memory_space<vmem>> -> memref<1x80xi32, #tpu.memory_space<vmem>>
    %dma_wait3A_77 = tpu.memref_squeeze %dma_wait3A_76 : memref<1x80xi32, #tpu.memory_space<vmem>> -> memref<80xi32, #tpu.memory_space<vmem>>
    %dma_wait3A_78 = arith.constant 0 : i32
    %dma_wait3A_79 = arith.constant 0 : i32
    %dma_wait3A_80 = tpu.memref_slice %arg2[%dma_wait3A_78, %dma_wait3A_79] : memref<10240x128xf32, #tpu.memory_space<hbm>> -> memref<10240x128xf32, #tpu.memory_space<hbm>>
    tpu.wait_indirect_dma semaphore(%arg15 : memref<!tpu.dma_semaphore, #tpu.memory_space<semaphore_mem>>) src(%dma_wait3A_80 : memref<10240x128xf32, #tpu.memory_space<hbm>>) dst(%arg11 : memref<80x128xf32, #tpu.memory_space<vmem>>)
    %dma_start3A_81 = arith.constant 62 : i32
    %dma_start3A_82 = arith.constant 0 : i32
    %dma_start3A_83 = tpu.memref_slice %arg8[%dma_start3A_81, %dma_start3A_82] : memref<64x80xi32, #tpu.memory_space<vmem>> -> memref<1x80xi32, #tpu.memory_space<vmem>>
    %dma_start3A_84 = tpu.memref_squeeze %dma_start3A_83 : memref<1x80xi32, #tpu.memory_space<vmem>> -> memref<80xi32, #tpu.memory_space<vmem>>
    %dma_start3A_85 = arith.constant 0 : i32
    %dma_start3A_86 = arith.constant 0 : i32
    %dma_start3A_87 = tpu.memref_slice %arg12[%dma_start3A_85, %dma_start3A_86] : memref<10240x128xf32, #tpu.memory_space<vmem_shared>> -> memref<10240x128xf32, #tpu.memory_space<vmem_shared>>
    tpu.enqueue_indirect_dma source(%arg11 : memref<80x128xf32, #tpu.memory_space<vmem>>) target(%dma_start3A_87 : memref<10240x128xf32, #tpu.memory_space<vmem_shared>>) offsets(%dma_start3A_84 : memref<80xi32, #tpu.memory_space<vmem>>) semaphore(%arg18 : memref<!tpu.dma_semaphore, #tpu.memory_space<semaphore_mem>>) {add = true}
    %dma_wait3A_88 = arith.constant 61 : i32
    %dma_wait3A_89 = arith.constant 0 : i32
    %dma_wait3A_90 = tpu.memref_slice %arg8[%dma_wait3A_88, %dma_wait3A_89] : memref<64x80xi32, #tpu.memory_space<vmem>> -> memref<1x80xi32, #tpu.memory_space<vmem>>
    %dma_wait3A_91 = tpu.memref_squeeze %dma_wait3A_90 : memref<1x80xi32, #tpu.memory_space<vmem>> -> memref<80xi32, #tpu.memory_space<vmem>>
    %dma_wait3A_92 = arith.constant 0 : i32
    %dma_wait3A_93 = arith.constant 0 : i32
    %dma_wait3A_94 = tpu.memref_slice %arg12[%dma_wait3A_92, %dma_wait3A_93] : memref<10240x128xf32, #tpu.memory_space<vmem_shared>> -> memref<10240x128xf32, #tpu.memory_space<vmem_shared>>
    tpu.wait_indirect_dma semaphore(%arg17 : memref<!tpu.dma_semaphore, #tpu.memory_space<semaphore_mem>>) src(%arg10 : memref<80x128xf32, #tpu.memory_space<vmem>>) dst(%dma_wait3A_94 : memref<10240x128xf32, #tpu.memory_space<vmem_shared>>)
    %dma_wait3A_95 = arith.constant 63 : i32
    %dma_wait3A_96 = arith.constant 0 : i32
    %dma_wait3A_97 = tpu.memref_slice %arg7[%dma_wait3A_95, %dma_wait3A_96] : memref<64x80xi32, #tpu.memory_space<vmem>> -> memref<1x80xi32, #tpu.memory_space<vmem>>
    %dma_wait3A_98 = tpu.memref_squeeze %dma_wait3A_97 : memref<1x80xi32, #tpu.memory_space<vmem>> -> memref<80xi32, #tpu.memory_space<vmem>>
    %dma_wait3A_99 = arith.constant 0 : i32
    %dma_wait3A_100 = arith.constant 0 : i32
    %dma_wait3A_101 = tpu.memref_slice %arg2[%dma_wait3A_99, %dma_wait3A_100] : memref<10240x128xf32, #tpu.memory_space<hbm>> -> memref<10240x128xf32, #tpu.memory_space<hbm>>
    tpu.wait_indirect_dma semaphore(%arg13 : memref<!tpu.dma_semaphore, #tpu.memory_space<semaphore_mem>>) src(%dma_wait3A_101 : memref<10240x128xf32, #tpu.memory_space<hbm>>) dst(%arg9 : memref<80x128xf32, #tpu.memory_space<vmem>>)
    %dma_start3A_102 = arith.constant 63 : i32
    %dma_start3A_103 = arith.constant 0 : i32
    %dma_start3A_104 = tpu.memref_slice %arg8[%dma_start3A_102, %dma_start3A_103] : memref<64x80xi32, #tpu.memory_space<vmem>> -> memref<1x80xi32, #tpu.memory_space<vmem>>
    %dma_start3A_105 = tpu.memref_squeeze %dma_start3A_104 : memref<1x80xi32, #tpu.memory_space<vmem>> -> memref<80xi32, #tpu.memory_space<vmem>>
    %dma_start3A_106 = arith.constant 0 : i32
    %dma_start3A_107 = arith.constant 0 : i32
    %dma_start3A_108 = tpu.memref_slice %arg12[%dma_start3A_106, %dma_start3A_107] : memref<10240x128xf32, #tpu.memory_space<vmem_shared>> -> memref<10240x128xf32, #tpu.memory_space<vmem_shared>>
    tpu.enqueue_indirect_dma source(%arg9 : memref<80x128xf32, #tpu.memory_space<vmem>>) target(%dma_start3A_108 : memref<10240x128xf32, #tpu.memory_space<vmem_shared>>) offsets(%dma_start3A_105 : memref<80xi32, #tpu.memory_space<vmem>>) semaphore(%arg16 : memref<!tpu.dma_semaphore, #tpu.memory_space<semaphore_mem>>) {add = true}
    %dma_wait3A_109 = arith.constant 62 : i32
    %dma_wait3A_110 = arith.constant 0 : i32
    %dma_wait3A_111 = tpu.memref_slice %arg8[%dma_wait3A_109, %dma_wait3A_110] : memref<64x80xi32, #tpu.memory_space<vmem>> -> memref<1x80xi32, #tpu.memory_space<vmem>>
    %dma_wait3A_112 = tpu.memref_squeeze %dma_wait3A_111 : memref<1x80xi32, #tpu.memory_space<vmem>> -> memref<80xi32, #tpu.memory_space<vmem>>
    %dma_wait3A_113 = arith.constant 0 : i32
    %dma_wait3A_114 = arith.constant 0 : i32
    %dma_wait3A_115 = tpu.memref_slice %arg12[%dma_wait3A_113, %dma_wait3A_114] : memref<10240x128xf32, #tpu.memory_space<vmem_shared>> -> memref<10240x128xf32, #tpu.memory_space<vmem_shared>>
    tpu.wait_indirect_dma semaphore(%arg18 : memref<!tpu.dma_semaphore, #tpu.memory_space<semaphore_mem>>) src(%arg11 : memref<80x128xf32, #tpu.memory_space<vmem>>) dst(%dma_wait3A_115 : memref<10240x128xf32, #tpu.memory_space<vmem_shared>>)
    %dma_wait3A_116 = arith.constant 63 : i32
    %dma_wait3A_117 = arith.constant 0 : i32
    %dma_wait3A_118 = tpu.memref_slice %arg8[%dma_wait3A_116, %dma_wait3A_117] : memref<64x80xi32, #tpu.memory_space<vmem>> -> memref<1x80xi32, #tpu.memory_space<vmem>>
    %dma_wait3A_119 = tpu.memref_squeeze %dma_wait3A_118 : memref<1x80xi32, #tpu.memory_space<vmem>> -> memref<80xi32, #tpu.memory_space<vmem>>
    %dma_wait3A_120 = arith.constant 0 : i32
    %dma_wait3A_121 = arith.constant 0 : i32
    %dma_wait3A_122 = tpu.memref_slice %arg12[%dma_wait3A_120, %dma_wait3A_121] : memref<10240x128xf32, #tpu.memory_space<vmem_shared>> -> memref<10240x128xf32, #tpu.memory_space<vmem_shared>>
    tpu.wait_indirect_dma semaphore(%arg16 : memref<!tpu.dma_semaphore, #tpu.memory_space<semaphore_mem>>) src(%arg9 : memref<80x128xf32, #tpu.memory_space<vmem>>) dst(%dma_wait3A_122 : memref<10240x128xf32, #tpu.memory_space<vmem_shared>>)
    %mul3A_123 = arith.constant 128 : i32
    %mul3A_124 = arith.muli %add3A, %mul3A_123 : i32
    %add3A_125 = arith.constant 64 : i32
    %add3A_126 = arith.addi %mul3A_124, %add3A_125 : i32
    "tpu.region"() ({
      %run_scoped3A = tpu.sem_alloc : memref<!tpu.dma_semaphore, #tpu.memory_space<semaphore_mem>>
      %dma_start3A_251 = arith.constant 0 : i32
      %dma_start3A_252 = tpu.memref_slice %arg3[%add3A_126, %dma_start3A_251] : memref<4096x80xi32, #tpu.memory_space<hbm>> -> memref<64x80xi32, #tpu.memory_space<hbm>>
      %dma_start3A_253 = arith.constant 0 : i32
      %dma_start3A_254 = tpu.memref_slice %arg3[%add3A_126, %dma_start3A_253] : memref<4096x80xi32, #tpu.memory_space<hbm>> -> memref<64x80xi32, #tpu.memory_space<hbm>>
      tpu.enqueue_dma source(%dma_start3A_254 : memref<64x80xi32, #tpu.memory_space<hbm>>) target(%arg7 : memref<64x80xi32, #tpu.memory_space<vmem>>) target_semaphore(%run_scoped3A : memref<!tpu.dma_semaphore, #tpu.memory_space<semaphore_mem>>)
      %dma_wait3A_255 = arith.constant 0 : i32
      %dma_wait3A_256 = tpu.memref_slice %arg3[%add3A_126, %dma_wait3A_255] : memref<4096x80xi32, #tpu.memory_space<hbm>> -> memref<64x80xi32, #tpu.memory_space<hbm>>
      %dma_wait3A_257 = arith.constant 0 : i32
      %dma_wait3A_258 = tpu.memref_slice %arg3[%add3A_126, %dma_wait3A_257] : memref<4096x80xi32, #tpu.memory_space<hbm>> -> memref<64x80xi32, #tpu.memory_space<hbm>>
      tpu.wait_dma2 semaphore(%run_scoped3A : memref<!tpu.dma_semaphore, #tpu.memory_space<semaphore_mem>>) src(%dma_wait3A_258 : memref<64x80xi32, #tpu.memory_space<hbm>>) dst(%arg7 : memref<64x80xi32, #tpu.memory_space<vmem>>)
      tpu.yield
    }) : () -> ()
    "tpu.region"() ({
      %run_scoped3A = tpu.sem_alloc : memref<!tpu.dma_semaphore, #tpu.memory_space<semaphore_mem>>
      %dma_start3A_251 = arith.constant 0 : i32
      %dma_start3A_252 = tpu.memref_slice %arg4[%add3A_126, %dma_start3A_251] : memref<4096x80xi32, #tpu.memory_space<hbm>> -> memref<64x80xi32, #tpu.memory_space<hbm>>
      %dma_start3A_253 = arith.constant 0 : i32
      %dma_start3A_254 = tpu.memref_slice %arg4[%add3A_126, %dma_start3A_253] : memref<4096x80xi32, #tpu.memory_space<hbm>> -> memref<64x80xi32, #tpu.memory_space<hbm>>
      tpu.enqueue_dma source(%dma_start3A_254 : memref<64x80xi32, #tpu.memory_space<hbm>>) target(%arg8 : memref<64x80xi32, #tpu.memory_space<vmem>>) target_semaphore(%run_scoped3A : memref<!tpu.dma_semaphore, #tpu.memory_space<semaphore_mem>>)
      %dma_wait3A_255 = arith.constant 0 : i32
      %dma_wait3A_256 = tpu.memref_slice %arg4[%add3A_126, %dma_wait3A_255] : memref<4096x80xi32, #tpu.memory_space<hbm>> -> memref<64x80xi32, #tpu.memory_space<hbm>>
      %dma_wait3A_257 = arith.constant 0 : i32
      %dma_wait3A_258 = tpu.memref_slice %arg4[%add3A_126, %dma_wait3A_257] : memref<4096x80xi32, #tpu.memory_space<hbm>> -> memref<64x80xi32, #tpu.memory_space<hbm>>
      tpu.wait_dma2 semaphore(%run_scoped3A : memref<!tpu.dma_semaphore, #tpu.memory_space<semaphore_mem>>) src(%dma_wait3A_258 : memref<64x80xi32, #tpu.memory_space<hbm>>) dst(%arg8 : memref<64x80xi32, #tpu.memory_space<vmem>>)
      tpu.yield
    }) : () -> ()
    %dma_start3A_127 = arith.constant 0 : i32
    %dma_start3A_128 = arith.constant 0 : i32
    %dma_start3A_129 = tpu.memref_slice %arg7[%dma_start3A_127, %dma_start3A_128] : memref<64x80xi32, #tpu.memory_space<vmem>> -> memref<1x80xi32, #tpu.memory_space<vmem>>
    %dma_start3A_130 = tpu.memref_squeeze %dma_start3A_129 : memref<1x80xi32, #tpu.memory_space<vmem>> -> memref<80xi32, #tpu.memory_space<vmem>>
    %dma_start3A_131 = arith.constant 0 : i32
    %dma_start3A_132 = arith.constant 0 : i32
    %dma_start3A_133 = tpu.memref_slice %arg2[%dma_start3A_131, %dma_start3A_132] : memref<10240x128xf32, #tpu.memory_space<hbm>> -> memref<10240x128xf32, #tpu.memory_space<hbm>>
    tpu.enqueue_indirect_dma source(%dma_start3A_133 : memref<10240x128xf32, #tpu.memory_space<hbm>>) target(%arg9 : memref<80x128xf32, #tpu.memory_space<vmem>>) offsets(%dma_start3A_130 : memref<80xi32, #tpu.memory_space<vmem>>) semaphore(%arg13 : memref<!tpu.dma_semaphore, #tpu.memory_space<semaphore_mem>>)
    %dma_start3A_134 = arith.constant 1 : i32
    %dma_start3A_135 = arith.constant 0 : i32
    %dma_start3A_136 = tpu.memref_slice %arg7[%dma_start3A_134, %dma_start3A_135] : memref<64x80xi32, #tpu.memory_space<vmem>> -> memref<1x80xi32, #tpu.memory_space<vmem>>
    %dma_start3A_137 = tpu.memref_squeeze %dma_start3A_136 : memref<1x80xi32, #tpu.memory_space<vmem>> -> memref<80xi32, #tpu.memory_space<vmem>>
    %dma_start3A_138 = arith.constant 0 : i32
    %dma_start3A_139 = arith.constant 0 : i32
    %dma_start3A_140 = tpu.memref_slice %arg2[%dma_start3A_138, %dma_start3A_139] : memref<10240x128xf32, #tpu.memory_space<hbm>> -> memref<10240x128xf32, #tpu.memory_space<hbm>>
    tpu.enqueue_indirect_dma source(%dma_start3A_140 : memref<10240x128xf32, #tpu.memory_space<hbm>>) target(%arg10 : memref<80x128xf32, #tpu.memory_space<vmem>>) offsets(%dma_start3A_137 : memref<80xi32, #tpu.memory_space<vmem>>) semaphore(%arg14 : memref<!tpu.dma_semaphore, #tpu.memory_space<semaphore_mem>>)
    %dma_wait3A_141 = arith.constant 0 : i32
    %dma_wait3A_142 = arith.constant 0 : i32
    %dma_wait3A_143 = tpu.memref_slice %arg7[%dma_wait3A_141, %dma_wait3A_142] : memref<64x80xi32, #tpu.memory_space<vmem>> -> memref<1x80xi32, #tpu.memory_space<vmem>>
    %dma_wait3A_144 = tpu.memref_squeeze %dma_wait3A_143 : memref<1x80xi32, #tpu.memory_space<vmem>> -> memref<80xi32, #tpu.memory_space<vmem>>
    %dma_wait3A_145 = arith.constant 0 : i32
    %dma_wait3A_146 = arith.constant 0 : i32
    %dma_wait3A_147 = tpu.memref_slice %arg2[%dma_wait3A_145, %dma_wait3A_146] : memref<10240x128xf32, #tpu.memory_space<hbm>> -> memref<10240x128xf32, #tpu.memory_space<hbm>>
    tpu.wait_indirect_dma semaphore(%arg13 : memref<!tpu.dma_semaphore, #tpu.memory_space<semaphore_mem>>) src(%dma_wait3A_147 : memref<10240x128xf32, #tpu.memory_space<hbm>>) dst(%arg9 : memref<80x128xf32, #tpu.memory_space<vmem>>)
    %dma_start3A_148 = arith.constant 0 : i32
    %dma_start3A_149 = arith.constant 0 : i32
    %dma_start3A_150 = tpu.memref_slice %arg8[%dma_start3A_148, %dma_start3A_149] : memref<64x80xi32, #tpu.memory_space<vmem>> -> memref<1x80xi32, #tpu.memory_space<vmem>>
    %dma_start3A_151 = tpu.memref_squeeze %dma_start3A_150 : memref<1x80xi32, #tpu.memory_space<vmem>> -> memref<80xi32, #tpu.memory_space<vmem>>
    %dma_start3A_152 = arith.constant 0 : i32
    %dma_start3A_153 = arith.constant 0 : i32
    %dma_start3A_154 = tpu.memref_slice %arg12[%dma_start3A_152, %dma_start3A_153] : memref<10240x128xf32, #tpu.memory_space<vmem_shared>> -> memref<10240x128xf32, #tpu.memory_space<vmem_shared>>
    tpu.enqueue_indirect_dma source(%arg9 : memref<80x128xf32, #tpu.memory_space<vmem>>) target(%dma_start3A_154 : memref<10240x128xf32, #tpu.memory_space<vmem_shared>>) offsets(%dma_start3A_151 : memref<80xi32, #tpu.memory_space<vmem>>) semaphore(%arg16 : memref<!tpu.dma_semaphore, #tpu.memory_space<semaphore_mem>>) {add = true}
    %dma_start3A_155 = arith.constant 2 : i32
    %dma_start3A_156 = arith.constant 0 : i32
    %dma_start3A_157 = tpu.memref_slice %arg7[%dma_start3A_155, %dma_start3A_156] : memref<64x80xi32, #tpu.memory_space<vmem>> -> memref<1x80xi32, #tpu.memory_space<vmem>>
    %dma_start3A_158 = tpu.memref_squeeze %dma_start3A_157 : memref<1x80xi32, #tpu.memory_space<vmem>> -> memref<80xi32, #tpu.memory_space<vmem>>
    %dma_start3A_159 = arith.constant 0 : i32
    %dma_start3A_160 = arith.constant 0 : i32
    %dma_start3A_161 = tpu.memref_slice %arg2[%dma_start3A_159, %dma_start3A_160] : memref<10240x128xf32, #tpu.memory_space<hbm>> -> memref<10240x128xf32, #tpu.memory_space<hbm>>
    tpu.enqueue_indirect_dma source(%dma_start3A_161 : memref<10240x128xf32, #tpu.memory_space<hbm>>) target(%arg11 : memref<80x128xf32, #tpu.memory_space<vmem>>) offsets(%dma_start3A_158 : memref<80xi32, #tpu.memory_space<vmem>>) semaphore(%arg15 : memref<!tpu.dma_semaphore, #tpu.memory_space<semaphore_mem>>)
    %scan3A_162 = arith.constant 0 : i32
    %scan3A_163 = arith.constant 0 : i32
    %scan3A_164 = arith.constant 20 : i32
    %scan3A_165 = arith.addi %scan3A_163, %scan3A_164 : i32
    %scan3A_166 = arith.constant 1 : i32
    %scan3A_167 = scf.for %scan3A_251 = %scan3A_163 to %scan3A_165 step %scan3A_166 iter_args(%scan3A_252 = %scan3A_162) -> (i32)  : i32 {
      %mul3A_253 = arith.constant 3 : i32
      %mul3A_254 = arith.muli %mul3A_253, %scan3A_251 : i32
      %add3A_255 = arith.constant 1 : i32
      %add3A_256 = arith.addi %mul3A_254, %add3A_255 : i32
      %dma_wait3A_257 = arith.constant 0 : i32
      %dma_wait3A_258 = tpu.memref_slice %arg7[%add3A_256, %dma_wait3A_257] : memref<64x80xi32, #tpu.memory_space<vmem>> -> memref<1x80xi32, #tpu.memory_space<vmem>>
      %dma_wait3A_259 = tpu.memref_squeeze %dma_wait3A_258 : memref<1x80xi32, #tpu.memory_space<vmem>> -> memref<80xi32, #tpu.memory_space<vmem>>
      %dma_wait3A_260 = arith.constant 0 : i32
      %dma_wait3A_261 = arith.constant 0 : i32
      %dma_wait3A_262 = tpu.memref_slice %arg2[%dma_wait3A_260, %dma_wait3A_261] : memref<10240x128xf32, #tpu.memory_space<hbm>> -> memref<10240x128xf32, #tpu.memory_space<hbm>>
      tpu.wait_indirect_dma semaphore(%arg14 : memref<!tpu.dma_semaphore, #tpu.memory_space<semaphore_mem>>) src(%dma_wait3A_262 : memref<10240x128xf32, #tpu.memory_space<hbm>>) dst(%arg10 : memref<80x128xf32, #tpu.memory_space<vmem>>)
      %dma_start3A_263 = arith.constant 0 : i32
      %dma_start3A_264 = tpu.memref_slice %arg8[%add3A_256, %dma_start3A_263] : memref<64x80xi32, #tpu.memory_space<vmem>> -> memref<1x80xi32, #tpu.memory_space<vmem>>
      %dma_start3A_265 = tpu.memref_squeeze %dma_start3A_264 : memref<1x80xi32, #tpu.memory_space<vmem>> -> memref<80xi32, #tpu.memory_space<vmem>>
      %dma_start3A_266 = arith.constant 0 : i32
      %dma_start3A_267 = arith.constant 0 : i32
      %dma_start3A_268 = tpu.memref_slice %arg12[%dma_start3A_266, %dma_start3A_267] : memref<10240x128xf32, #tpu.memory_space<vmem_shared>> -> memref<10240x128xf32, #tpu.memory_space<vmem_shared>>
      tpu.enqueue_indirect_dma source(%arg10 : memref<80x128xf32, #tpu.memory_space<vmem>>) target(%dma_start3A_268 : memref<10240x128xf32, #tpu.memory_space<vmem_shared>>) offsets(%dma_start3A_265 : memref<80xi32, #tpu.memory_space<vmem>>) semaphore(%arg17 : memref<!tpu.dma_semaphore, #tpu.memory_space<semaphore_mem>>) {add = true}
      %sub3A = arith.constant 1 : i32
      %sub3A_269 = arith.subi %add3A_256, %sub3A : i32
      %dma_wait3A_270 = arith.constant 0 : i32
      %dma_wait3A_271 = tpu.memref_slice %arg8[%sub3A_269, %dma_wait3A_270] : memref<64x80xi32, #tpu.memory_space<vmem>> -> memref<1x80xi32, #tpu.memory_space<vmem>>
      %dma_wait3A_272 = tpu.memref_squeeze %dma_wait3A_271 : memref<1x80xi32, #tpu.memory_space<vmem>> -> memref<80xi32, #tpu.memory_space<vmem>>
      %dma_wait3A_273 = arith.constant 0 : i32
      %dma_wait3A_274 = arith.constant 0 : i32
      %dma_wait3A_275 = tpu.memref_slice %arg12[%dma_wait3A_273, %dma_wait3A_274] : memref<10240x128xf32, #tpu.memory_space<vmem_shared>> -> memref<10240x128xf32, #tpu.memory_space<vmem_shared>>
      tpu.wait_indirect_dma semaphore(%arg16 : memref<!tpu.dma_semaphore, #tpu.memory_space<semaphore_mem>>) src(%arg9 : memref<80x128xf32, #tpu.memory_space<vmem>>) dst(%dma_wait3A_275 : memref<10240x128xf32, #tpu.memory_space<vmem_shared>>)
      %add3A_276 = arith.constant 2 : i32
      %add3A_277 = arith.addi %add3A_256, %add3A_276 : i32
      %dma_start3A_278 = arith.constant 0 : i32
      %dma_start3A_279 = tpu.memref_slice %arg7[%add3A_277, %dma_start3A_278] : memref<64x80xi32, #tpu.memory_space<vmem>> -> memref<1x80xi32, #tpu.memory_space<vmem>>
      %dma_start3A_280 = tpu.memref_squeeze %dma_start3A_279 : memref<1x80xi32, #tpu.memory_space<vmem>> -> memref<80xi32, #tpu.memory_space<vmem>>
      %dma_start3A_281 = arith.constant 0 : i32
      %dma_start3A_282 = arith.constant 0 : i32
      %dma_start3A_283 = tpu.memref_slice %arg2[%dma_start3A_281, %dma_start3A_282] : memref<10240x128xf32, #tpu.memory_space<hbm>> -> memref<10240x128xf32, #tpu.memory_space<hbm>>
      tpu.enqueue_indirect_dma source(%dma_start3A_283 : memref<10240x128xf32, #tpu.memory_space<hbm>>) target(%arg9 : memref<80x128xf32, #tpu.memory_space<vmem>>) offsets(%dma_start3A_280 : memref<80xi32, #tpu.memory_space<vmem>>) semaphore(%arg13 : memref<!tpu.dma_semaphore, #tpu.memory_space<semaphore_mem>>)
      %add3A_284 = arith.constant 1 : i32
      %add3A_285 = arith.addi %add3A_256, %add3A_284 : i32
      %dma_wait3A_286 = arith.constant 0 : i32
      %dma_wait3A_287 = tpu.memref_slice %arg7[%add3A_285, %dma_wait3A_286] : memref<64x80xi32, #tpu.memory_space<vmem>> -> memref<1x80xi32, #tpu.memory_space<vmem>>
      %dma_wait3A_288 = tpu.memref_squeeze %dma_wait3A_287 : memref<1x80xi32, #tpu.memory_space<vmem>> -> memref<80xi32, #tpu.memory_space<vmem>>
      %dma_wait3A_289 = arith.constant 0 : i32
      %dma_wait3A_290 = arith.constant 0 : i32
      %dma_wait3A_291 = tpu.memref_slice %arg2[%dma_wait3A_289, %dma_wait3A_290] : memref<10240x128xf32, #tpu.memory_space<hbm>> -> memref<10240x128xf32, #tpu.memory_space<hbm>>
      tpu.wait_indirect_dma semaphore(%arg15 : memref<!tpu.dma_semaphore, #tpu.memory_space<semaphore_mem>>) src(%dma_wait3A_291 : memref<10240x128xf32, #tpu.memory_space<hbm>>) dst(%arg11 : memref<80x128xf32, #tpu.memory_space<vmem>>)
      %dma_start3A_292 = arith.constant 0 : i32
      %dma_start3A_293 = tpu.memref_slice %arg8[%add3A_285, %dma_start3A_292] : memref<64x80xi32, #tpu.memory_space<vmem>> -> memref<1x80xi32, #tpu.memory_space<vmem>>
      %dma_start3A_294 = tpu.memref_squeeze %dma_start3A_293 : memref<1x80xi32, #tpu.memory_space<vmem>> -> memref<80xi32, #tpu.memory_space<vmem>>
      %dma_start3A_295 = arith.constant 0 : i32
      %dma_start3A_296 = arith.constant 0 : i32
      %dma_start3A_297 = tpu.memref_slice %arg12[%dma_start3A_295, %dma_start3A_296] : memref<10240x128xf32, #tpu.memory_space<vmem_shared>> -> memref<10240x128xf32, #tpu.memory_space<vmem_shared>>
      tpu.enqueue_indirect_dma source(%arg11 : memref<80x128xf32, #tpu.memory_space<vmem>>) target(%dma_start3A_297 : memref<10240x128xf32, #tpu.memory_space<vmem_shared>>) offsets(%dma_start3A_294 : memref<80xi32, #tpu.memory_space<vmem>>) semaphore(%arg18 : memref<!tpu.dma_semaphore, #tpu.memory_space<semaphore_mem>>) {add = true}
      %sub3A_298 = arith.constant 1 : i32
      %sub3A_299 = arith.subi %add3A_285, %sub3A_298 : i32
      %dma_wait3A_300 = arith.constant 0 : i32
      %dma_wait3A_301 = tpu.memref_slice %arg8[%sub3A_299, %dma_wait3A_300] : memref<64x80xi32, #tpu.memory_space<vmem>> -> memref<1x80xi32, #tpu.memory_space<vmem>>
      %dma_wait3A_302 = tpu.memref_squeeze %dma_wait3A_301 : memref<1x80xi32, #tpu.memory_space<vmem>> -> memref<80xi32, #tpu.memory_space<vmem>>
      %dma_wait3A_303 = arith.constant 0 : i32
      %dma_wait3A_304 = arith.constant 0 : i32
      %dma_wait3A_305 = tpu.memref_slice %arg12[%dma_wait3A_303, %dma_wait3A_304] : memref<10240x128xf32, #tpu.memory_space<vmem_shared>> -> memref<10240x128xf32, #tpu.memory_space<vmem_shared>>
      tpu.wait_indirect_dma semaphore(%arg17 : memref<!tpu.dma_semaphore, #tpu.memory_space<semaphore_mem>>) src(%arg10 : memref<80x128xf32, #tpu.memory_space<vmem>>) dst(%dma_wait3A_305 : memref<10240x128xf32, #tpu.memory_space<vmem_shared>>)
      %add3A_306 = arith.constant 2 : i32
      %add3A_307 = arith.addi %add3A_285, %add3A_306 : i32
      %dma_start3A_308 = arith.constant 0 : i32
      %dma_start3A_309 = tpu.memref_slice %arg7[%add3A_307, %dma_start3A_308] : memref<64x80xi32, #tpu.memory_space<vmem>> -> memref<1x80xi32, #tpu.memory_space<vmem>>
      %dma_start3A_310 = tpu.memref_squeeze %dma_start3A_309 : memref<1x80xi32, #tpu.memory_space<vmem>> -> memref<80xi32, #tpu.memory_space<vmem>>
      %dma_start3A_311 = arith.constant 0 : i32
      %dma_start3A_312 = arith.constant 0 : i32
      %dma_start3A_313 = tpu.memref_slice %arg2[%dma_start3A_311, %dma_start3A_312] : memref<10240x128xf32, #tpu.memory_space<hbm>> -> memref<10240x128xf32, #tpu.memory_space<hbm>>
      tpu.enqueue_indirect_dma source(%dma_start3A_313 : memref<10240x128xf32, #tpu.memory_space<hbm>>) target(%arg10 : memref<80x128xf32, #tpu.memory_space<vmem>>) offsets(%dma_start3A_310 : memref<80xi32, #tpu.memory_space<vmem>>) semaphore(%arg14 : memref<!tpu.dma_semaphore, #tpu.memory_space<semaphore_mem>>)
      %add3A_314 = arith.constant 2 : i32
      %add3A_315 = arith.addi %add3A_256, %add3A_314 : i32
      %dma_wait3A_316 = arith.constant 0 : i32
      %dma_wait3A_317 = tpu.memref_slice %arg7[%add3A_315, %dma_wait3A_316] : memref<64x80xi32, #tpu.memory_space<vmem>> -> memref<1x80xi32, #tpu.memory_space<vmem>>
      %dma_wait3A_318 = tpu.memref_squeeze %dma_wait3A_317 : memref<1x80xi32, #tpu.memory_space<vmem>> -> memref<80xi32, #tpu.memory_space<vmem>>
      %dma_wait3A_319 = arith.constant 0 : i32
      %dma_wait3A_320 = arith.constant 0 : i32
      %dma_wait3A_321 = tpu.memref_slice %arg2[%dma_wait3A_319, %dma_wait3A_320] : memref<10240x128xf32, #tpu.memory_space<hbm>> -> memref<10240x128xf32, #tpu.memory_space<hbm>>
      tpu.wait_indirect_dma semaphore(%arg13 : memref<!tpu.dma_semaphore, #tpu.memory_space<semaphore_mem>>) src(%dma_wait3A_321 : memref<10240x128xf32, #tpu.memory_space<hbm>>) dst(%arg9 : memref<80x128xf32, #tpu.memory_space<vmem>>)
      %dma_start3A_322 = arith.constant 0 : i32
      %dma_start3A_323 = tpu.memref_slice %arg8[%add3A_315, %dma_start3A_322] : memref<64x80xi32, #tpu.memory_space<vmem>> -> memref<1x80xi32, #tpu.memory_space<vmem>>
      %dma_start3A_324 = tpu.memref_squeeze %dma_start3A_323 : memref<1x80xi32, #tpu.memory_space<vmem>> -> memref<80xi32, #tpu.memory_space<vmem>>
      %dma_start3A_325 = arith.constant 0 : i32
      %dma_start3A_326 = arith.constant 0 : i32
      %dma_start3A_327 = tpu.memref_slice %arg12[%dma_start3A_325, %dma_start3A_326] : memref<10240x128xf32, #tpu.memory_space<vmem_shared>> -> memref<10240x128xf32, #tpu.memory_space<vmem_shared>>
      tpu.enqueue_indirect_dma source(%arg9 : memref<80x128xf32, #tpu.memory_space<vmem>>) target(%dma_start3A_327 : memref<10240x128xf32, #tpu.memory_space<vmem_shared>>) offsets(%dma_start3A_324 : memref<80xi32, #tpu.memory_space<vmem>>) semaphore(%arg16 : memref<!tpu.dma_semaphore, #tpu.memory_space<semaphore_mem>>) {add = true}
      %sub3A_328 = arith.constant 1 : i32
      %sub3A_329 = arith.subi %add3A_315, %sub3A_328 : i32
      %dma_wait3A_330 = arith.constant 0 : i32
      %dma_wait3A_331 = tpu.memref_slice %arg8[%sub3A_329, %dma_wait3A_330] : memref<64x80xi32, #tpu.memory_space<vmem>> -> memref<1x80xi32, #tpu.memory_space<vmem>>
      %dma_wait3A_332 = tpu.memref_squeeze %dma_wait3A_331 : memref<1x80xi32, #tpu.memory_space<vmem>> -> memref<80xi32, #tpu.memory_space<vmem>>
      %dma_wait3A_333 = arith.constant 0 : i32
      %dma_wait3A_334 = arith.constant 0 : i32
      %dma_wait3A_335 = tpu.memref_slice %arg12[%dma_wait3A_333, %dma_wait3A_334] : memref<10240x128xf32, #tpu.memory_space<vmem_shared>> -> memref<10240x128xf32, #tpu.memory_space<vmem_shared>>
      tpu.wait_indirect_dma semaphore(%arg18 : memref<!tpu.dma_semaphore, #tpu.memory_space<semaphore_mem>>) src(%arg11 : memref<80x128xf32, #tpu.memory_space<vmem>>) dst(%dma_wait3A_335 : memref<10240x128xf32, #tpu.memory_space<vmem_shared>>)
      %add3A_336 = arith.constant 2 : i32
      %add3A_337 = arith.addi %add3A_315, %add3A_336 : i32
      %dma_start3A_338 = arith.constant 0 : i32
      %dma_start3A_339 = tpu.memref_slice %arg7[%add3A_337, %dma_start3A_338] : memref<64x80xi32, #tpu.memory_space<vmem>> -> memref<1x80xi32, #tpu.memory_space<vmem>>
      %dma_start3A_340 = tpu.memref_squeeze %dma_start3A_339 : memref<1x80xi32, #tpu.memory_space<vmem>> -> memref<80xi32, #tpu.memory_space<vmem>>
      %dma_start3A_341 = arith.constant 0 : i32
      %dma_start3A_342 = arith.constant 0 : i32
      %dma_start3A_343 = tpu.memref_slice %arg2[%dma_start3A_341, %dma_start3A_342] : memref<10240x128xf32, #tpu.memory_space<hbm>> -> memref<10240x128xf32, #tpu.memory_space<hbm>>
      tpu.enqueue_indirect_dma source(%dma_start3A_343 : memref<10240x128xf32, #tpu.memory_space<hbm>>) target(%arg11 : memref<80x128xf32, #tpu.memory_space<vmem>>) offsets(%dma_start3A_340 : memref<80xi32, #tpu.memory_space<vmem>>) semaphore(%arg15 : memref<!tpu.dma_semaphore, #tpu.memory_space<semaphore_mem>>)
      %scan3A_344 = arith.constant 0 : i32
      scf.yield %scan3A_344 : i32
    }
    %scan3A_168 = arith.constant 20 : i32
    %dma_wait3A_169 = arith.constant 61 : i32
    %dma_wait3A_170 = arith.constant 0 : i32
    %dma_wait3A_171 = tpu.memref_slice %arg7[%dma_wait3A_169, %dma_wait3A_170] : memref<64x80xi32, #tpu.memory_space<vmem>> -> memref<1x80xi32, #tpu.memory_space<vmem>>
    %dma_wait3A_172 = tpu.memref_squeeze %dma_wait3A_171 : memref<1x80xi32, #tpu.memory_space<vmem>> -> memref<80xi32, #tpu.memory_space<vmem>>
    %dma_wait3A_173 = arith.constant 0 : i32
    %dma_wait3A_174 = arith.constant 0 : i32
    %dma_wait3A_175 = tpu.memref_slice %arg2[%dma_wait3A_173, %dma_wait3A_174] : memref<10240x128xf32, #tpu.memory_space<hbm>> -> memref<10240x128xf32, #tpu.memory_space<hbm>>
    tpu.wait_indirect_dma semaphore(%arg14 : memref<!tpu.dma_semaphore, #tpu.memory_space<semaphore_mem>>) src(%dma_wait3A_175 : memref<10240x128xf32, #tpu.memory_space<hbm>>) dst(%arg10 : memref<80x128xf32, #tpu.memory_space<vmem>>)
    %dma_start3A_176 = arith.constant 61 : i32
    %dma_start3A_177 = arith.constant 0 : i32
    %dma_start3A_178 = tpu.memref_slice %arg8[%dma_start3A_176, %dma_start3A_177] : memref<64x80xi32, #tpu.memory_space<vmem>> -> memref<1x80xi32, #tpu.memory_space<vmem>>
    %dma_start3A_179 = tpu.memref_squeeze %dma_start3A_178 : memref<1x80xi32, #tpu.memory_space<vmem>> -> memref<80xi32, #tpu.memory_space<vmem>>
    %dma_start3A_180 = arith.constant 0 : i32
    %dma_start3A_181 = arith.constant 0 : i32
    %dma_start3A_182 = tpu.memref_slice %arg12[%dma_start3A_180, %dma_start3A_181] : memref<10240x128xf32, #tpu.memory_space<vmem_shared>> -> memref<10240x128xf32, #tpu.memory_space<vmem_shared>>
    tpu.enqueue_indirect_dma source(%arg10 : memref<80x128xf32, #tpu.memory_space<vmem>>) target(%dma_start3A_182 : memref<10240x128xf32, #tpu.memory_space<vmem_shared>>) offsets(%dma_start3A_179 : memref<80xi32, #tpu.memory_space<vmem>>) semaphore(%arg17 : memref<!tpu.dma_semaphore, #tpu.memory_space<semaphore_mem>>) {add = true}
    %dma_wait3A_183 = arith.constant 60 : i32
    %dma_wait3A_184 = arith.constant 0 : i32
    %dma_wait3A_185 = tpu.memref_slice %arg8[%dma_wait3A_183, %dma_wait3A_184] : memref<64x80xi32, #tpu.memory_space<vmem>> -> memref<1x80xi32, #tpu.memory_space<vmem>>
    %dma_wait3A_186 = tpu.memref_squeeze %dma_wait3A_185 : memref<1x80xi32, #tpu.memory_space<vmem>> -> memref<80xi32, #tpu.memory_space<vmem>>
    %dma_wait3A_187 = arith.constant 0 : i32
    %dma_wait3A_188 = arith.constant 0 : i32
    %dma_wait3A_189 = tpu.memref_slice %arg12[%dma_wait3A_187, %dma_wait3A_188] : memref<10240x128xf32, #tpu.memory_space<vmem_shared>> -> memref<10240x128xf32, #tpu.memory_space<vmem_shared>>
    tpu.wait_indirect_dma semaphore(%arg16 : memref<!tpu.dma_semaphore, #tpu.memory_space<semaphore_mem>>) src(%arg9 : memref<80x128xf32, #tpu.memory_space<vmem>>) dst(%dma_wait3A_189 : memref<10240x128xf32, #tpu.memory_space<vmem_shared>>)
    %dma_start3A_190 = arith.constant 63 : i32
    %dma_start3A_191 = arith.constant 0 : i32
    %dma_start3A_192 = tpu.memref_slice %arg7[%dma_start3A_190, %dma_start3A_191] : memref<64x80xi32, #tpu.memory_space<vmem>> -> memref<1x80xi32, #tpu.memory_space<vmem>>
    %dma_start3A_193 = tpu.memref_squeeze %dma_start3A_192 : memref<1x80xi32, #tpu.memory_space<vmem>> -> memref<80xi32, #tpu.memory_space<vmem>>
    %dma_start3A_194 = arith.constant 0 : i32
    %dma_start3A_195 = arith.constant 0 : i32
    %dma_start3A_196 = tpu.memref_slice %arg2[%dma_start3A_194, %dma_start3A_195] : memref<10240x128xf32, #tpu.memory_space<hbm>> -> memref<10240x128xf32, #tpu.memory_space<hbm>>
    tpu.enqueue_indirect_dma source(%dma_start3A_196 : memref<10240x128xf32, #tpu.memory_space<hbm>>) target(%arg9 : memref<80x128xf32, #tpu.memory_space<vmem>>) offsets(%dma_start3A_193 : memref<80xi32, #tpu.memory_space<vmem>>) semaphore(%arg13 : memref<!tpu.dma_semaphore, #tpu.memory_space<semaphore_mem>>)
    %dma_wait3A_197 = arith.constant 62 : i32
    %dma_wait3A_198 = arith.constant 0 : i32
    %dma_wait3A_199 = tpu.memref_slice %arg7[%dma_wait3A_197, %dma_wait3A_198] : memref<64x80xi32, #tpu.memory_space<vmem>> -> memref<1x80xi32, #tpu.memory_space<vmem>>
    %dma_wait3A_200 = tpu.memref_squeeze %dma_wait3A_199 : memref<1x80xi32, #tpu.memory_space<vmem>> -> memref<80xi32, #tpu.memory_space<vmem>>
    %dma_wait3A_201 = arith.constant 0 : i32
    %dma_wait3A_202 = arith.constant 0 : i32
    %dma_wait3A_203 = tpu.memref_slice %arg2[%dma_wait3A_201, %dma_wait3A_202] : memref<10240x128xf32, #tpu.memory_space<hbm>> -> memref<10240x128xf32, #tpu.memory_space<hbm>>
    tpu.wait_indirect_dma semaphore(%arg15 : memref<!tpu.dma_semaphore, #tpu.memory_space<semaphore_mem>>) src(%dma_wait3A_203 : memref<10240x128xf32, #tpu.memory_space<hbm>>) dst(%arg11 : memref<80x128xf32, #tpu.memory_space<vmem>>)
    %dma_start3A_204 = arith.constant 62 : i32
    %dma_start3A_205 = arith.constant 0 : i32
    %dma_start3A_206 = tpu.memref_slice %arg8[%dma_start3A_204, %dma_start3A_205] : memref<64x80xi32, #tpu.memory_space<vmem>> -> memref<1x80xi32, #tpu.memory_space<vmem>>
    %dma_start3A_207 = tpu.memref_squeeze %dma_start3A_206 : memref<1x80xi32, #tpu.memory_space<vmem>> -> memref<80xi32, #tpu.memory_space<vmem>>
    %dma_start3A_208 = arith.constant 0 : i32
    %dma_start3A_209 = arith.constant 0 : i32
    %dma_start3A_210 = tpu.memref_slice %arg12[%dma_start3A_208, %dma_start3A_209] : memref<10240x128xf32, #tpu.memory_space<vmem_shared>> -> memref<10240x128xf32, #tpu.memory_space<vmem_shared>>
    tpu.enqueue_indirect_dma source(%arg11 : memref<80x128xf32, #tpu.memory_space<vmem>>) target(%dma_start3A_210 : memref<10240x128xf32, #tpu.memory_space<vmem_shared>>) offsets(%dma_start3A_207 : memref<80xi32, #tpu.memory_space<vmem>>) semaphore(%arg18 : memref<!tpu.dma_semaphore, #tpu.memory_space<semaphore_mem>>) {add = true}
    %dma_wait3A_211 = arith.constant 61 : i32
    %dma_wait3A_212 = arith.constant 0 : i32
    %dma_wait3A_213 = tpu.memref_slice %arg8[%dma_wait3A_211, %dma_wait3A_212] : memref<64x80xi32, #tpu.memory_space<vmem>> -> memref<1x80xi32, #tpu.memory_space<vmem>>
    %dma_wait3A_214 = tpu.memref_squeeze %dma_wait3A_213 : memref<1x80xi32, #tpu.memory_space<vmem>> -> memref<80xi32, #tpu.memory_space<vmem>>
    %dma_wait3A_215 = arith.constant 0 : i32
    %dma_wait3A_216 = arith.constant 0 : i32
    %dma_wait3A_217 = tpu.memref_slice %arg12[%dma_wait3A_215, %dma_wait3A_216] : memref<10240x128xf32, #tpu.memory_space<vmem_shared>> -> memref<10240x128xf32, #tpu.memory_space<vmem_shared>>
    tpu.wait_indirect_dma semaphore(%arg17 : memref<!tpu.dma_semaphore, #tpu.memory_space<semaphore_mem>>) src(%arg10 : memref<80x128xf32, #tpu.memory_space<vmem>>) dst(%dma_wait3A_217 : memref<10240x128xf32, #tpu.memory_space<vmem_shared>>)
    %dma_wait3A_218 = arith.constant 63 : i32
    %dma_wait3A_219 = arith.constant 0 : i32
    %dma_wait3A_220 = tpu.memref_slice %arg7[%dma_wait3A_218, %dma_wait3A_219] : memref<64x80xi32, #tpu.memory_space<vmem>> -> memref<1x80xi32, #tpu.memory_space<vmem>>
    %dma_wait3A_221 = tpu.memref_squeeze %dma_wait3A_220 : memref<1x80xi32, #tpu.memory_space<vmem>> -> memref<80xi32, #tpu.memory_space<vmem>>
    %dma_wait3A_222 = arith.constant 0 : i32
    %dma_wait3A_223 = arith.constant 0 : i32
    %dma_wait3A_224 = tpu.memref_slice %arg2[%dma_wait3A_222, %dma_wait3A_223] : memref<10240x128xf32, #tpu.memory_space<hbm>> -> memref<10240x128xf32, #tpu.memory_space<hbm>>
    tpu.wait_indirect_dma semaphore(%arg13 : memref<!tpu.dma_semaphore, #tpu.memory_space<semaphore_mem>>) src(%dma_wait3A_224 : memref<10240x128xf32, #tpu.memory_space<hbm>>) dst(%arg9 : memref<80x128xf32, #tpu.memory_space<vmem>>)
    %dma_start3A_225 = arith.constant 63 : i32
    %dma_start3A_226 = arith.constant 0 : i32
    %dma_start3A_227 = tpu.memref_slice %arg8[%dma_start3A_225, %dma_start3A_226] : memref<64x80xi32, #tpu.memory_space<vmem>> -> memref<1x80xi32, #tpu.memory_space<vmem>>
    %dma_start3A_228 = tpu.memref_squeeze %dma_start3A_227 : memref<1x80xi32, #tpu.memory_space<vmem>> -> memref<80xi32, #tpu.memory_space<vmem>>
    %dma_start3A_229 = arith.constant 0 : i32
    %dma_start3A_230 = arith.constant 0 : i32
    %dma_start3A_231 = tpu.memref_slice %arg12[%dma_start3A_229, %dma_start3A_230] : memref<10240x128xf32, #tpu.memory_space<vmem_shared>> -> memref<10240x128xf32, #tpu.memory_space<vmem_shared>>
    tpu.enqueue_indirect_dma source(%arg9 : memref<80x128xf32, #tpu.memory_space<vmem>>) target(%dma_start3A_231 : memref<10240x128xf32, #tpu.memory_space<vmem_shared>>) offsets(%dma_start3A_228 : memref<80xi32, #tpu.memory_space<vmem>>) semaphore(%arg16 : memref<!tpu.dma_semaphore, #tpu.memory_space<semaphore_mem>>) {add = true}
    %dma_wait3A_232 = arith.constant 62 : i32
    %dma_wait3A_233 = arith.constant 0 : i32
    %dma_wait3A_234 = tpu.memref_slice %arg8[%dma_wait3A_232, %dma_wait3A_233] : memref<64x80xi32, #tpu.memory_space<vmem>> -> memref<1x80xi32, #tpu.memory_space<vmem>>
    %dma_wait3A_235 = tpu.memref_squeeze %dma_wait3A_234 : memref<1x80xi32, #tpu.memory_space<vmem>> -> memref<80xi32, #tpu.memory_space<vmem>>
    %dma_wait3A_236 = arith.constant 0 : i32
    %dma_wait3A_237 = arith.constant 0 : i32
    %dma_wait3A_238 = tpu.memref_slice %arg12[%dma_wait3A_236, %dma_wait3A_237] : memref<10240x128xf32, #tpu.memory_space<vmem_shared>> -> memref<10240x128xf32, #tpu.memory_space<vmem_shared>>
    tpu.wait_indirect_dma semaphore(%arg18 : memref<!tpu.dma_semaphore, #tpu.memory_space<semaphore_mem>>) src(%arg11 : memref<80x128xf32, #tpu.memory_space<vmem>>) dst(%dma_wait3A_238 : memref<10240x128xf32, #tpu.memory_space<vmem_shared>>)
    %dma_wait3A_239 = arith.constant 63 : i32
    %dma_wait3A_240 = arith.constant 0 : i32
    %dma_wait3A_241 = tpu.memref_slice %arg8[%dma_wait3A_239, %dma_wait3A_240] : memref<64x80xi32, #tpu.memory_space<vmem>> -> memref<1x80xi32, #tpu.memory_space<vmem>>
    %dma_wait3A_242 = tpu.memref_squeeze %dma_wait3A_241 : memref<1x80xi32, #tpu.memory_space<vmem>> -> memref<80xi32, #tpu.memory_space<vmem>>
    %dma_wait3A_243 = arith.constant 0 : i32
    %dma_wait3A_244 = arith.constant 0 : i32
    %dma_wait3A_245 = tpu.memref_slice %arg12[%dma_wait3A_243, %dma_wait3A_244] : memref<10240x128xf32, #tpu.memory_space<vmem_shared>> -> memref<10240x128xf32, #tpu.memory_space<vmem_shared>>
    tpu.wait_indirect_dma semaphore(%arg16 : memref<!tpu.dma_semaphore, #tpu.memory_space<semaphore_mem>>) src(%arg9 : memref<80x128xf32, #tpu.memory_space<vmem>>) dst(%dma_wait3A_245 : memref<10240x128xf32, #tpu.memory_space<vmem_shared>>)
    %barrier3A_246 = arith.constant 0 : index
    tpu.barrier barrier_id(%barrier3A_246)
    %mul3A_247 = arith.constant 640 : i32
    %mul3A_248 = arith.muli %arg1, %mul3A_247 : i32
    %mul3A_249 = arith.constant 640 : i32
    %mul3A_250 = arith.muli %arg1, %mul3A_249 : i32
    "tpu.region"() ({
      %run_scoped3A = tpu.sem_alloc : memref<!tpu.dma_semaphore, #tpu.memory_space<semaphore_mem>>
      %dma_start3A_251 = arith.constant 0 : i32
      %dma_start3A_252 = tpu.memref_slice %arg6[%arg0, %mul3A_250, %dma_start3A_251] : memref<2x10240x128xf32, #tpu.memory_space<hbm>> -> memref<1x640x128xf32, #tpu.memory_space<hbm>>
      %dma_start3A_253 = tpu.memref_squeeze %dma_start3A_252 : memref<1x640x128xf32, #tpu.memory_space<hbm>> -> memref<640x128xf32, #tpu.memory_space<hbm>>
      %dma_start3A_254 = arith.constant 0 : i32
      %dma_start3A_255 = tpu.memref_slice %arg12[%mul3A_248, %dma_start3A_254] : memref<10240x128xf32, #tpu.memory_space<vmem_shared>> -> memref<640x128xf32, #tpu.memory_space<vmem_shared>>
      tpu.enqueue_dma source(%dma_start3A_255 : memref<640x128xf32, #tpu.memory_space<vmem_shared>>) target(%dma_start3A_253 : memref<640x128xf32, #tpu.memory_space<hbm>>) target_semaphore(%run_scoped3A : memref<!tpu.dma_semaphore, #tpu.memory_space<semaphore_mem>>)
      %dma_wait3A_256 = arith.constant 0 : i32
      %dma_wait3A_257 = tpu.memref_slice %arg6[%arg0, %mul3A_250, %dma_wait3A_256] : memref<2x10240x128xf32, #tpu.memory_space<hbm>> -> memref<1x640x128xf32, #tpu.memory_space<hbm>>
      %dma_wait3A_258 = tpu.memref_squeeze %dma_wait3A_257 : memref<1x640x128xf32, #tpu.memory_space<hbm>> -> memref<640x128xf32, #tpu.memory_space<hbm>>
      %dma_wait3A_259 = arith.constant 0 : i32
      %dma_wait3A_260 = tpu.memref_slice %arg12[%mul3A_248, %dma_wait3A_259] : memref<10240x128xf32, #tpu.memory_space<vmem_shared>> -> memref<640x128xf32, #tpu.memory_space<vmem_shared>>
      tpu.wait_dma2 semaphore(%run_scoped3A : memref<!tpu.dma_semaphore, #tpu.memory_space<semaphore_mem>>) src(%dma_wait3A_260 : memref<640x128xf32, #tpu.memory_space<vmem_shared>>) dst(%dma_wait3A_258 : memref<640x128xf32, #tpu.memory_space<hbm>>)
      tpu.yield
    }) : () -> ()
    return
  }
}

module attributes {stable_mosaic.version = 14 : i64} {
  func.func @_mm_p_kernel(%arg0: i32, %arg1: memref<128x128xf32, #tpu.memory_space<vmem>>, %arg2: memref<128x128xf32, #tpu.memory_space<vmem>>, %arg3: memref<128x128xf32, #tpu.memory_space<vmem>>) attributes {dimension_semantics = [#tpu.dimension_semantics<arbitrary>], iteration_bounds = array<i64: 80>, scalar_prefetch = 0 : i64, scratch_operands = 0 : i64, tpu.core_type = #tpu.core_type<tc>, window_params = [{transform_indices = @transform_0, window_bounds = array<i64: 128, 128>}, {pipeline_mode = #tpu.pipeline_mode<synchronous>, transform_indices = @transform_1, window_bounds = array<i64: 128, 128>}, {transform_indices = @transform_2, window_bounds = array<i64: 128, 128>}]} {
    %get3A = arith.constant 0 : index
    %get3A_0 = arith.constant 0 : index
    %get3A_1 = vector.load %arg1[%get3A, %get3A_0] : memref<128x128xf32, #tpu.memory_space<vmem>>, vector<128x128xf32>
    %get3A_2 = arith.constant 0 : index
    %get3A_3 = arith.constant 0 : index
    %get3A_4 = vector.load %arg2[%get3A_2, %get3A_3] : memref<128x128xf32, #tpu.memory_space<vmem>>, vector<128x128xf32>
    %dot_general3A = arith.constant dense<0.000000e+00> : vector<128x128xf32>
    %dot_general3A_5 = tpu.matmul %get3A_1, %get3A_4, %dot_general3A {dimension_numbers = #tpu.dot_dimension_numbers<[1], [0], [0], [1], [0, 0, 1, 1], [], []>, transpose_lhs_hint = false} : vector<128x128xf32>, vector<128x128xf32>, vector<128x128xf32> -> vector<128x128xf32>
    %swap3A = arith.constant 0 : index
    %swap3A_6 = arith.constant 0 : index
    %swap3A_7 = vector.load %arg3[%swap3A, %swap3A_6] : memref<128x128xf32, #tpu.memory_space<vmem>>, vector<128x128xf32>
    tpu.vector_store %arg3[%swap3A, %swap3A_6], %dot_general3A_5 {strides = array<i32>} : memref<128x128xf32, #tpu.memory_space<vmem>>, vector<128x128xf32>,
    return
  }
  func.func @transform_0(%arg0: i32) -> (i32, i32) {
    %c0_i32 = arith.constant 0 : i32
    %c0_i32_0 = arith.constant 0 : i32
    return %arg0, %c0_i32 : i32, i32
  }
  func.func @transform_1(%arg0: i32) -> (i32, i32) {
    %c0_i32 = arith.constant 0 : i32
    %c0_i32_0 = arith.constant 0 : i32
    %c0_i32_1 = arith.constant 0 : i32
    return %c0_i32, %c0_i32_0 : i32, i32
  }
  func.func @transform_2(%arg0: i32) -> (i32, i32) {
    %c0_i32 = arith.constant 0 : i32
    %c0_i32_0 = arith.constant 0 : i32
    return %arg0, %c0_i32 : i32, i32
  }
}

module attributes {stable_mosaic.version = 14 : i64} {
  func.func @_combine_proj_kernel(%arg0: i32, %arg1: memref<128x128xf32, #tpu.memory_space<vmem>>, %arg2: memref<128x128xf32, #tpu.memory_space<vmem>>, %arg3: memref<128x128xf32, #tpu.memory_space<vmem>>, %arg4: memref<128x128xf32, #tpu.memory_space<vmem>>, %arg5: memref<128x128xf32, #tpu.memory_space<vmem>>, %arg6: memref<128x128xf32, #tpu.memory_space<vmem>>, %arg7: memref<1x128xf32, #tpu.memory_space<vmem>>, %arg8: memref<128x128xf32, #tpu.memory_space<vmem>>, %arg9: memref<128x128xf32, #tpu.memory_space<vmem>>, %arg10: memref<128x128xf32, #tpu.memory_space<vmem>>) attributes {dimension_semantics = [#tpu.dimension_semantics<arbitrary>], iteration_bounds = array<i64: 80>, scalar_prefetch = 0 : i64, scratch_operands = 0 : i64, tpu.core_type = #tpu.core_type<tc>, window_params = [{transform_indices = @transform_0, window_bounds = array<i64: 128, 128>}, {transform_indices = @transform_1, window_bounds = array<i64: 128, 128>}, {transform_indices = @transform_2, window_bounds = array<i64: 128, 128>}, {transform_indices = @transform_3, window_bounds = array<i64: 128, 128>}, {transform_indices = @transform_4, window_bounds = array<i64: 128, 128>}, {pipeline_mode = #tpu.pipeline_mode<synchronous>, transform_indices = @transform_5, window_bounds = array<i64: 128, 128>}, {pipeline_mode = #tpu.pipeline_mode<synchronous>, transform_indices = @transform_6, window_bounds = array<i64: 1, 128>}, {pipeline_mode = #tpu.pipeline_mode<synchronous>, transform_indices = @transform_7, window_bounds = array<i64: 128, 128>}, {transform_indices = @transform_8, window_bounds = array<i64: 128, 128>}, {transform_indices = @transform_9, window_bounds = array<i64: 128, 128>}]} {
    %get3A = arith.constant 0 : index
    %get3A_0 = arith.constant 0 : index
    %get3A_1 = vector.load %arg3[%get3A, %get3A_0] : memref<128x128xf32, #tpu.memory_space<vmem>>, vector<128x1xf32>
    %get3A_2 = arith.constant 0 : index
    %get3A_3 = arith.constant 0 : index
    %get3A_4 = vector.load %arg4[%get3A_2, %get3A_3] : memref<128x128xf32, #tpu.memory_space<vmem>>, vector<128x1xf32>
    %add3A = arith.addf %get3A_1, %get3A_4 : vector<128x1xf32>
    %max3A = arith.constant 1.000000e+00 : f32
    %max3A_5 = vector.broadcast %max3A : f32 to vector<128x1xf32>
    %max3A_6 = arith.maximumf %add3A, %max3A_5 : vector<128x1xf32>
    %div3A = arith.constant 1.000000e+00 : f32
    %div3A_7 = vector.broadcast %div3A : f32 to vector<128x1xf32>
    %div3A_8 = arith.divf %div3A_7, %max3A_6 : vector<128x1xf32>
    %get3A_9 = arith.constant 0 : index
    %get3A_10 = arith.constant 0 : index
    %get3A_11 = vector.load %arg1[%get3A_9, %get3A_10] : memref<128x128xf32, #tpu.memory_space<vmem>>, vector<128x128xf32>
    %get3A_12 = arith.constant 0 : index
    %get3A_13 = arith.constant 0 : index
    %get3A_14 = vector.load %arg2[%get3A_12, %get3A_13] : memref<128x128xf32, #tpu.memory_space<vmem>>, vector<128x128xf32>
    %add3A_15 = arith.addf %get3A_11, %get3A_14 : vector<128x128xf32>
    %mul3A = vector.broadcast %div3A_8 : vector<128x1xf32> to vector<128x128xf32>
    %mul3A_16 = arith.mulf %add3A_15, %mul3A : vector<128x128xf32>
    %get3A_17 = arith.constant 0 : index
    %get3A_18 = arith.constant 0 : index
    %get3A_19 = vector.load %arg5[%get3A_17, %get3A_18] : memref<128x128xf32, #tpu.memory_space<vmem>>, vector<128x128xf32>
    %get3A_20 = arith.constant 0 : index
    %get3A_21 = arith.constant 0 : index
    %get3A_22 = vector.load %arg6[%get3A_20, %get3A_21] : memref<128x128xf32, #tpu.memory_space<vmem>>, vector<128x128xf32>
    %dot_general3A = arith.constant dense<0.000000e+00> : vector<128x128xf32>
    %dot_general3A_23 = tpu.matmul %get3A_19, %get3A_22, %dot_general3A {dimension_numbers = #tpu.dot_dimension_numbers<[1], [0], [0], [1], [0, 0, 1, 1], [], []>, transpose_lhs_hint = false} : vector<128x128xf32>, vector<128x128xf32>, vector<128x128xf32> -> vector<128x128xf32>
    %add3A_24 = arith.addf %mul3A_16, %dot_general3A_23 : vector<128x128xf32>
    %get3A_25 = arith.constant 0 : index
    %get3A_26 = arith.constant 0 : index
    %get3A_27 = vector.load %arg7[%get3A_25, %get3A_26] : memref<1x128xf32, #tpu.memory_space<vmem>>, vector<1x128xf32>
    %add3A_28 = vector.broadcast %get3A_27 : vector<1x128xf32> to vector<128x128xf32>
    %add3A_29 = arith.addf %add3A_24, %add3A_28 : vector<128x128xf32>
    %max3A_30 = arith.constant 0.000000e+00 : f32
    %max3A_31 = vector.broadcast %max3A_30 : f32 to vector<128x128xf32>
    %max3A_32 = arith.maximumf %add3A_29, %max3A_31 : vector<128x128xf32>
    %swap3A = arith.constant 0 : index
    %swap3A_33 = arith.constant 0 : index
    %swap3A_34 = vector.load %arg9[%swap3A, %swap3A_33] : memref<128x128xf32, #tpu.memory_space<vmem>>, vector<128x128xf32>
    tpu.vector_store %arg9[%swap3A, %swap3A_33], %max3A_32 {strides = array<i32>} : memref<128x128xf32, #tpu.memory_space<vmem>>, vector<128x128xf32>,
    %get3A_35 = arith.constant 0 : index
    %get3A_36 = arith.constant 0 : index
    %get3A_37 = vector.load %arg8[%get3A_35, %get3A_36] : memref<128x128xf32, #tpu.memory_space<vmem>>, vector<128x128xf32>
    %dot_general3A_38 = arith.constant dense<0.000000e+00> : vector<128x128xf32>
    %dot_general3A_39 = tpu.matmul %max3A_32, %get3A_37, %dot_general3A_38 {dimension_numbers = #tpu.dot_dimension_numbers<[1], [0], [0], [1], [0, 0, 1, 1], [], []>, transpose_lhs_hint = false} : vector<128x128xf32>, vector<128x128xf32>, vector<128x128xf32> -> vector<128x128xf32>
    %swap3A_40 = arith.constant 0 : index
    %swap3A_41 = arith.constant 0 : index
    %swap3A_42 = vector.load %arg10[%swap3A_40, %swap3A_41] : memref<128x128xf32, #tpu.memory_space<vmem>>, vector<128x128xf32>
    tpu.vector_store %arg10[%swap3A_40, %swap3A_41], %dot_general3A_39 {strides = array<i32>} : memref<128x128xf32, #tpu.memory_space<vmem>>, vector<128x128xf32>,
    return
  }
  func.func @transform_0(%arg0: i32) -> (i32, i32) {
    %c0_i32 = arith.constant 0 : i32
    %c0_i32_0 = arith.constant 0 : i32
    return %arg0, %c0_i32 : i32, i32
  }
  func.func @transform_1(%arg0: i32) -> (i32, i32) {
    %c0_i32 = arith.constant 0 : i32
    %c0_i32_0 = arith.constant 0 : i32
    return %arg0, %c0_i32 : i32, i32
  }
  func.func @transform_2(%arg0: i32) -> (i32, i32) {
    %c0_i32 = arith.constant 0 : i32
    %c0_i32_0 = arith.constant 0 : i32
    return %arg0, %c0_i32 : i32, i32
  }
  func.func @transform_3(%arg0: i32) -> (i32, i32) {
    %c0_i32 = arith.constant 0 : i32
    %c0_i32_0 = arith.constant 0 : i32
    return %arg0, %c0_i32 : i32, i32
  }
  func.func @transform_4(%arg0: i32) -> (i32, i32) {
    %c0_i32 = arith.constant 0 : i32
    %c0_i32_0 = arith.constant 0 : i32
    return %arg0, %c0_i32 : i32, i32
  }
  func.func @transform_5(%arg0: i32) -> (i32, i32) {
    %c0_i32 = arith.constant 0 : i32
    %c0_i32_0 = arith.constant 0 : i32
    %c0_i32_1 = arith.constant 0 : i32
    return %c0_i32, %c0_i32_0 : i32, i32
  }
  func.func @transform_6(%arg0: i32) -> (i32, i32) {
    %c0_i32 = arith.constant 0 : i32
    %c0_i32_0 = arith.constant 0 : i32
    %c0_i32_1 = arith.constant 0 : i32
    return %c0_i32, %c0_i32_0 : i32, i32
  }
  func.func @transform_7(%arg0: i32) -> (i32, i32) {
    %c0_i32 = arith.constant 0 : i32
    %c0_i32_0 = arith.constant 0 : i32
    %c0_i32_1 = arith.constant 0 : i32
    return %c0_i32, %c0_i32_0 : i32, i32
  }
  func.func @transform_8(%arg0: i32) -> (i32, i32) {
    %c0_i32 = arith.constant 0 : i32
    %c0_i32_0 = arith.constant 0 : i32
    return %arg0, %c0_i32 : i32, i32
  }
  func.func @transform_9(%arg0: i32) -> (i32, i32) {
    %c0_i32 = arith.constant 0 : i32
    %c0_i32_0 = arith.constant 0 : i32
    return %arg0, %c0_i32 : i32, i32
  }
}

module attributes {stable_mosaic.version = 14 : i64} {
  func.func @_combine_fc_kernel(%arg0: i32, %arg1: memref<128x128xf32, #tpu.memory_space<vmem>>, %arg2: memref<128x128xf32, #tpu.memory_space<vmem>>, %arg3: memref<128x128xf32, #tpu.memory_space<vmem>>, %arg4: memref<128x128xf32, #tpu.memory_space<vmem>>, %arg5: memref<128x128xf32, #tpu.memory_space<vmem>>, %arg6: memref<128x128xf32, #tpu.memory_space<vmem>>, %arg7: memref<1x128xf32, #tpu.memory_space<vmem>>, %arg8: memref<128x128xf32, #tpu.memory_space<vmem>>, %arg9: memref<128x128xf32, #tpu.memory_space<vmem>>, %arg10: memref<128x64xf32, #tpu.memory_space<vmem>>, %arg11: memref<128x64xf32, #tpu.memory_space<vmem>>, %arg12: memref<128x64xf32, #tpu.memory_space<vmem>>, %arg13: memref<1x64xf32, #tpu.memory_space<vmem>>, %arg14: memref<128x64xf32, #tpu.memory_space<vmem>>) attributes {dimension_semantics = [#tpu.dimension_semantics<arbitrary>], iteration_bounds = array<i64: 80>, scalar_prefetch = 0 : i64, scratch_operands = 0 : i64, tpu.core_type = #tpu.core_type<tc>, window_params = [{transform_indices = @transform_0, window_bounds = array<i64: 128, 128>}, {transform_indices = @transform_1, window_bounds = array<i64: 128, 128>}, {transform_indices = @transform_2, window_bounds = array<i64: 128, 128>}, {transform_indices = @transform_3, window_bounds = array<i64: 128, 128>}, {transform_indices = @transform_4, window_bounds = array<i64: 128, 128>}, {pipeline_mode = #tpu.pipeline_mode<synchronous>, transform_indices = @transform_5, window_bounds = array<i64: 128, 128>}, {pipeline_mode = #tpu.pipeline_mode<synchronous>, transform_indices = @transform_6, window_bounds = array<i64: 1, 128>}, {transform_indices = @transform_7, window_bounds = array<i64: 128, 128>}, {transform_indices = @transform_8, window_bounds = array<i64: 128, 128>}, {pipeline_mode = #tpu.pipeline_mode<synchronous>, transform_indices = @transform_9, window_bounds = array<i64: 128, 64>}, {pipeline_mode = #tpu.pipeline_mode<synchronous>, transform_indices = @transform_10, window_bounds = array<i64: 128, 64>}, {pipeline_mode = #tpu.pipeline_mode<synchronous>, transform_indices = @transform_11, window_bounds = array<i64: 128, 64>}, {pipeline_mode = #tpu.pipeline_mode<synchronous>, transform_indices = @transform_12, window_bounds = array<i64: 1, 64>}, {transform_indices = @transform_13, window_bounds = array<i64: 128, 64>}]} {
    %get3A = arith.constant 0 : index
    %get3A_0 = arith.constant 0 : index
    %get3A_1 = vector.load %arg3[%get3A, %get3A_0] : memref<128x128xf32, #tpu.memory_space<vmem>>, vector<128x1xf32>
    %get3A_2 = arith.constant 0 : index
    %get3A_3 = arith.constant 0 : index
    %get3A_4 = vector.load %arg4[%get3A_2, %get3A_3] : memref<128x128xf32, #tpu.memory_space<vmem>>, vector<128x1xf32>
    %add3A = arith.addf %get3A_1, %get3A_4 : vector<128x1xf32>
    %max3A = arith.constant 1.000000e+00 : f32
    %max3A_5 = vector.broadcast %max3A : f32 to vector<128x1xf32>
    %max3A_6 = arith.maximumf %add3A, %max3A_5 : vector<128x1xf32>
    %div3A = arith.constant 1.000000e+00 : f32
    %div3A_7 = vector.broadcast %div3A : f32 to vector<128x1xf32>
    %div3A_8 = arith.divf %div3A_7, %max3A_6 : vector<128x1xf32>
    %get3A_9 = arith.constant 0 : index
    %get3A_10 = arith.constant 0 : index
    %get3A_11 = vector.load %arg1[%get3A_9, %get3A_10] : memref<128x128xf32, #tpu.memory_space<vmem>>, vector<128x128xf32>
    %get3A_12 = arith.constant 0 : index
    %get3A_13 = arith.constant 0 : index
    %get3A_14 = vector.load %arg2[%get3A_12, %get3A_13] : memref<128x128xf32, #tpu.memory_space<vmem>>, vector<128x128xf32>
    %add3A_15 = arith.addf %get3A_11, %get3A_14 : vector<128x128xf32>
    %mul3A = vector.broadcast %div3A_8 : vector<128x1xf32> to vector<128x128xf32>
    %mul3A_16 = arith.mulf %add3A_15, %mul3A : vector<128x128xf32>
    %get3A_17 = arith.constant 0 : index
    %get3A_18 = arith.constant 0 : index
    %get3A_19 = vector.load %arg5[%get3A_17, %get3A_18] : memref<128x128xf32, #tpu.memory_space<vmem>>, vector<128x128xf32>
    %get3A_20 = arith.constant 0 : index
    %get3A_21 = arith.constant 0 : index
    %get3A_22 = vector.load %arg6[%get3A_20, %get3A_21] : memref<128x128xf32, #tpu.memory_space<vmem>>, vector<128x128xf32>
    %dot_general3A = arith.constant dense<0.000000e+00> : vector<128x128xf32>
    %dot_general3A_23 = tpu.matmul %get3A_19, %get3A_22, %dot_general3A {dimension_numbers = #tpu.dot_dimension_numbers<[1], [0], [0], [1], [0, 0, 1, 1], [], []>, transpose_lhs_hint = false} : vector<128x128xf32>, vector<128x128xf32>, vector<128x128xf32> -> vector<128x128xf32>
    %add3A_24 = arith.addf %mul3A_16, %dot_general3A_23 : vector<128x128xf32>
    %get3A_25 = arith.constant 0 : index
    %get3A_26 = arith.constant 0 : index
    %get3A_27 = vector.load %arg7[%get3A_25, %get3A_26] : memref<1x128xf32, #tpu.memory_space<vmem>>, vector<1x128xf32>
    %add3A_28 = vector.broadcast %get3A_27 : vector<1x128xf32> to vector<128x128xf32>
    %add3A_29 = arith.addf %add3A_24, %add3A_28 : vector<128x128xf32>
    %max3A_30 = arith.constant 0.000000e+00 : f32
    %max3A_31 = vector.broadcast %max3A_30 : f32 to vector<128x128xf32>
    %max3A_32 = arith.maximumf %add3A_29, %max3A_31 : vector<128x128xf32>
    %get3A_33 = arith.constant 0 : index
    %get3A_34 = arith.constant 0 : index
    %get3A_35 = vector.load %arg8[%get3A_33, %get3A_34] : memref<128x128xf32, #tpu.memory_space<vmem>>, vector<128x128xf32>
    %get3A_36 = arith.constant 0 : index
    %get3A_37 = arith.constant 0 : index
    %get3A_38 = vector.load %arg10[%get3A_36, %get3A_37] : memref<128x64xf32, #tpu.memory_space<vmem>>, vector<128x64xf32>
    %dot_general3A_39 = arith.constant dense<0.000000e+00> : vector<128x64xf32>
    %dot_general3A_40 = tpu.matmul %get3A_35, %get3A_38, %dot_general3A_39 {dimension_numbers = #tpu.dot_dimension_numbers<[1], [0], [0], [1], [0, 0, 1, 1], [], []>, transpose_lhs_hint = false} : vector<128x128xf32>, vector<128x64xf32>, vector<128x64xf32> -> vector<128x64xf32>
    %get3A_41 = arith.constant 0 : index
    %get3A_42 = arith.constant 0 : index
    %get3A_43 = vector.load %arg9[%get3A_41, %get3A_42] : memref<128x128xf32, #tpu.memory_space<vmem>>, vector<128x128xf32>
    %get3A_44 = arith.constant 0 : index
    %get3A_45 = arith.constant 0 : index
    %get3A_46 = vector.load %arg11[%get3A_44, %get3A_45] : memref<128x64xf32, #tpu.memory_space<vmem>>, vector<128x64xf32>
    %dot_general3A_47 = arith.constant dense<0.000000e+00> : vector<128x64xf32>
    %dot_general3A_48 = tpu.matmul %get3A_43, %get3A_46, %dot_general3A_47 {dimension_numbers = #tpu.dot_dimension_numbers<[1], [0], [0], [1], [0, 0, 1, 1], [], []>, transpose_lhs_hint = false} : vector<128x128xf32>, vector<128x64xf32>, vector<128x64xf32> -> vector<128x64xf32>
    %add3A_49 = arith.addf %dot_general3A_40, %dot_general3A_48 : vector<128x64xf32>
    %get3A_50 = arith.constant 0 : index
    %get3A_51 = arith.constant 0 : index
    %get3A_52 = vector.load %arg12[%get3A_50, %get3A_51] : memref<128x64xf32, #tpu.memory_space<vmem>>, vector<128x64xf32>
    %dot_general3A_53 = arith.constant dense<0.000000e+00> : vector<128x64xf32>
    %dot_general3A_54 = tpu.matmul %max3A_32, %get3A_52, %dot_general3A_53 {dimension_numbers = #tpu.dot_dimension_numbers<[1], [0], [0], [1], [0, 0, 1, 1], [], []>, transpose_lhs_hint = false} : vector<128x128xf32>, vector<128x64xf32>, vector<128x64xf32> -> vector<128x64xf32>
    %add3A_55 = arith.addf %add3A_49, %dot_general3A_54 : vector<128x64xf32>
    %get3A_56 = arith.constant 0 : index
    %get3A_57 = arith.constant 0 : index
    %get3A_58 = vector.load %arg13[%get3A_56, %get3A_57] : memref<1x64xf32, #tpu.memory_space<vmem>>, vector<1x64xf32>
    %add3A_59 = vector.broadcast %get3A_58 : vector<1x64xf32> to vector<128x64xf32>
    %add3A_60 = arith.addf %add3A_55, %add3A_59 : vector<128x64xf32>
    %swap3A = arith.constant 0 : index
    %swap3A_61 = arith.constant 0 : index
    %swap3A_62 = vector.load %arg14[%swap3A, %swap3A_61] : memref<128x64xf32, #tpu.memory_space<vmem>>, vector<128x64xf32>
    tpu.vector_store %arg14[%swap3A, %swap3A_61], %add3A_60 {strides = array<i32>} : memref<128x64xf32, #tpu.memory_space<vmem>>, vector<128x64xf32>,
    return
  }
  func.func @transform_0(%arg0: i32) -> (i32, i32) {
    %c0_i32 = arith.constant 0 : i32
    %c0_i32_0 = arith.constant 0 : i32
    return %arg0, %c0_i32 : i32, i32
  }
  func.func @transform_1(%arg0: i32) -> (i32, i32) {
    %c0_i32 = arith.constant 0 : i32
    %c0_i32_0 = arith.constant 0 : i32
    return %arg0, %c0_i32 : i32, i32
  }
  func.func @transform_2(%arg0: i32) -> (i32, i32) {
    %c0_i32 = arith.constant 0 : i32
    %c0_i32_0 = arith.constant 0 : i32
    return %arg0, %c0_i32 : i32, i32
  }
  func.func @transform_3(%arg0: i32) -> (i32, i32) {
    %c0_i32 = arith.constant 0 : i32
    %c0_i32_0 = arith.constant 0 : i32
    return %arg0, %c0_i32 : i32, i32
  }
  func.func @transform_4(%arg0: i32) -> (i32, i32) {
    %c0_i32 = arith.constant 0 : i32
    %c0_i32_0 = arith.constant 0 : i32
    return %arg0, %c0_i32 : i32, i32
  }
  func.func @transform_5(%arg0: i32) -> (i32, i32) {
    %c0_i32 = arith.constant 0 : i32
    %c0_i32_0 = arith.constant 0 : i32
    %c0_i32_1 = arith.constant 0 : i32
    return %c0_i32, %c0_i32_0 : i32, i32
  }
  func.func @transform_6(%arg0: i32) -> (i32, i32) {
    %c0_i32 = arith.constant 0 : i32
    %c0_i32_0 = arith.constant 0 : i32
    %c0_i32_1 = arith.constant 0 : i32
    return %c0_i32, %c0_i32_0 : i32, i32
  }
  func.func @transform_7(%arg0: i32) -> (i32, i32) {
    %c0_i32 = arith.constant 0 : i32
    %c0_i32_0 = arith.constant 0 : i32
    return %arg0, %c0_i32 : i32, i32
  }
  func.func @transform_8(%arg0: i32) -> (i32, i32) {
    %c0_i32 = arith.constant 0 : i32
    %c0_i32_0 = arith.constant 0 : i32
    return %arg0, %c0_i32 : i32, i32
  }
  func.func @transform_9(%arg0: i32) -> (i32, i32) {
    %c0_i32 = arith.constant 0 : i32
    %c0_i32_0 = arith.constant 0 : i32
    %c0_i32_1 = arith.constant 0 : i32
    return %c0_i32, %c0_i32_0 : i32, i32
  }
  func.func @transform_10(%arg0: i32) -> (i32, i32) {
    %c0_i32 = arith.constant 0 : i32
    %c0_i32_0 = arith.constant 0 : i32
    %c0_i32_1 = arith.constant 0 : i32
    return %c0_i32, %c0_i32_0 : i32, i32
  }
  func.func @transform_11(%arg0: i32) -> (i32, i32) {
    %c0_i32 = arith.constant 0 : i32
    %c0_i32_0 = arith.constant 0 : i32
    %c0_i32_1 = arith.constant 0 : i32
    return %c0_i32, %c0_i32_0 : i32, i32
  }
  func.func @transform_12(%arg0: i32) -> (i32, i32) {
    %c0_i32 = arith.constant 0 : i32
    %c0_i32_0 = arith.constant 0 : i32
    %c0_i32_1 = arith.constant 0 : i32
    return %c0_i32, %c0_i32_0 : i32, i32
  }
  func.func @transform_13(%arg0: i32) -> (i32, i32) {
    %c0_i32 = arith.constant 0 : i32
    %c0_i32_0 = arith.constant 0 : i32
    return %arg0, %c0_i32 : i32, i32
  }
}

</mosaic_0001>

<sc_bundles>
// kernel: kernel.10.cloned.1.call-start
scs
__scs_entry_jumppad:
0x0: {  	(pc) =	sbr.rel $0x88, $3  }
0x1: {  	(tag) =	ssettag $0x0;
	lr =	simm.s32 $0x1  }
0x2: {  	[smem:$0x3F94] =	sst lr;
	_ =	strace $0xD0000000  }
0x3: {  	_ = 	snop  }
0x4: {  	_ = 	snop  }
0x5: {  	_ = 	snop  }
0x6: {  	_ = 	snop  }
0x7: {  	_ = 	snop  }
__scs_overlays_trampoline_lowered:
0x8: {  	[smem:$0x3FA3] =	sst s0  }
0x9: {  	[smem:$0x3FA4] =	sst s1  }
0xa: {  	[smem:$0x3FA5] =	sst s2  }
0xb: {  	[smem:$0x3FA6] =	sst s3  }
0xc: {  	[smem:$0x3FA7] =	sst s4  }
0xd: {  	[smem:$0x3FA8] =	sst s5  }
0xe: {  	[smem:$0x3FA9] =	sst s6  }
0xf: {  	[smem:$0x3FAA] =	sst s7  }
0x10: {  	[smem:$0x3FAB] =	sst s8  }
0x11: {  	[smem:$0x3FAC] =	sst s9;
	s0 =	simm.s32 @!p0 $0x0  }
0x12: {  	s1 =	sld [smem:$0x3F92];
	s0 =	simm.s32 @p0 $0x1  }
0x13: {  	[smem:$0x3FAD] =	sst s0;
	s0 =	simm.s32 @!p1 $0x0  }
0x14: {  	s2 =	sld [smem:$0x3F91];
	s0 =	simm.s32 @p1 $0x1  }
0x15: {  	[smem:$0x3FAE] =	sst s0;
	s0 =	simm.s32 @!p2 $0x0  }
0x16: {  	s3 =	sld [smem:$0x3FDB];
	s0 =	simm.s32 @p2 $0x1  }
0x17: {  	s4 =	simm.s32 $0x1BF5;
	[smem:$0x3FB0] =	sst s0  }
0x18: {  	s0 =	sld [smem:$0x3F93];
	_ =	swait.ge [sflag:s4], $0x0  }
0x19: {  	s7 =	sld [smem:$0x3F94]  }
0x1a: {  	s8 =	sadd.s32 $0xFFFFE003, lr  }
0x1b: {  	s9 =	sadd.s32 $0xFFFFFEF7, lr;
	s5 =	simm.s32 $0xFFFFFFFF;
	p2 =	slt.u32 s8, $0xFFFFF086  }
0x1c: {  	p1 =	slt.u32 s9, $0xF7A;
	s5 =	simm.s32 @!p2 $0x0  }
0x1d: {  	s5 =	simm.s32 @p1 $0x1;
	p0 =	seq.s32 s7, s2  }
0x1e: {  	s7 =	smul.u32 @!p0 $0xF7A, s2;
	p2 =	seq.s32 @!p0 s5, $0x0  }
0x1f: {  	s9 =	smul.u32 $0xF7A, s1;
	s8 =	simm.s32 @!p0 $0x1BF5;
	p2 =	por !p2, p0  }
0x20: {  	[sflag:s8] =	ssyncset.s32 @!p0 $0xFFFFF086;
	s6 =	sadd.s32 @!p0 s3, s7;
	s7 =	simm.s32 @!p0 $0x108  }
0x21: {  	s3 =	sadd.s32 s3, s9;
	s6 =	sadd.s32 @!p0 $0x88, s6;
	s7 =	simm.s32 @p2 $0x1082  }
0x22: {  	[simem:s7], [sflag:s8] =	dma.local @!p0 [hbm:s6], $0xF7A  }
0x23: {  	s9 =	sor.u32 $0xD0000000, s2;
	s6 =	simm.s32 $0x108;
	_ =	swait.ge @!p0 [sflag:s8], $0x0  }
0x24: {  	s3 =	sadd.s32 $0x88, s3;
	s6 =	simm.s32 @!p1 $0x1082;
	[sflag:s4] =	ssyncset.s32 $0xFFFFF086  }
0x25: {  	[simem:s6], [sflag:s4] =	dma.local [hbm:s3], $0xF7A  }
0x26: {  	[smem:$0x3F94] =	sst s1;
	(tag) =	ssettag s2;
	_ =	strace s9  }
0x27: {  	s1 =	sld [smem:$0x3FA4]  }
0x28: {  	s2 =	sld [smem:$0x3FA5]  }
0x29: {  	s4 =	sld [smem:$0x3FA7]  }
0x2a: {  	p0 =	seq.s32 s5, $0x0;
	s5 =	sld [smem:$0x3FA8]  }
0x2b: {  	s6 =	sld [smem:$0x3FA9]  }
0x2c: {  	s7 =	sld [smem:$0x3FAA]  }
0x2d: {  	s3 =	simm.s32 $0x108;
	s8 =	sld [smem:$0x3FAB]  }
0x2e: {  	s3 =	simm.s32 @!p0 $0x1082;
	s9 =	sld [smem:$0x3FAC]  }
0x2f: {  	lr =	sadd.s32 s0, s3;
	s0 =	sld [smem:$0x3FA3]  }
0x30: {  	s3 =	sld [smem:$0x3FA6]  }
0x31: {  	[smem:$0x3FAF] =	sst s10  }
0x32: {  	s10 =	sld [smem:$0x3FAD];
	_ =	sdelay $0x3  }
0x33: {  	p0 =	seq.s32 s10, $0x1;
	s10 =	sld [smem:$0x3FAF];
	_ =	sdelay $0x3  }
0x34: {  	[smem:$0x3FAF] =	sst s10  }
0x35: {  	s10 =	sld [smem:$0x3FAE];
	_ =	sdelay $0x3  }
0x36: {  	p1 =	seq.s32 s10, $0x1;
	s10 =	sld [smem:$0x3FAF];
	_ =	sdelay $0x3  }
0x37: {  	[smem:$0x3FAF] =	sst s10  }
0x38: {  	s10 =	sld [smem:$0x3FB0]  }
0x39: {  	_ = 	snop;
	(pc) =	sbr.ind lr, $3  }
0x3a: {  	_ = 	snop  }
0x3b: {  	_ = 	snop  }
0x3c: {  	p2 =	seq.s32 s10, $0x1;
	s10 =	sld [smem:$0x3FAF]  }
0x3d: {  	_ =	shalt  }
0x3e: {  	_ =	shalt  }
0x3f: {  	_ =	shalt  }
0x40: {  	_ =	shalt  }
0x41: {  	_ =	shalt  }
0x42: {  	_ =	shalt  }
0x43: {  	_ =	shalt  }
0x44: {  	_ =	shalt  }
0x45: {  	_ =	shalt  }
0x46: {  	_ =	shalt  }
0x47: {  	_ =	shalt  }
0x48: {  	_ =	shalt  }
0x49: {  	_ =	shalt  }
0x4a: {  	_ =	shalt  }
0x4b: {  	_ =	shalt  }
0x4c: {  	_ =	shalt  }
0x4d: {  	_ =	shalt  }
0x4e: {  	_ =	shalt  }
0x4f: {  	_ =	shalt  }
0x50: {  	_ =	shalt  }
0x51: {  	_ =	shalt  }
0x52: {  	_ =	shalt  }
0x53: {  	_ =	shalt  }
0x54: {  	_ =	shalt  }
0x55: {  	_ =	shalt  }
0x56: {  	_ =	shalt  }
0x57: {  	_ =	shalt  }
0x58: {  	_ =	shalt  }
0x59: {  	_ =	shalt  }
0x5a: {  	_ =	shalt  }
0x5b: {  	_ =	shalt  }
0x5c: {  	_ =	shalt  }
0x5d: {  	_ =	shalt  }
0x5e: {  	_ =	shalt  }
0x5f: {  	_ =	shalt  }
0x60: {  	_ =	shalt  }
0x61: {  	_ =	shalt  }
0x62: {  	_ =	shalt  }
0x63: {  	_ =	shalt  }
0x64: {  	_ =	shalt  }
0x65: {  	_ =	shalt  }
0x66: {  	_ =	shalt  }
0x67: {  	_ =	shalt  }
0x68: {  	_ =	shalt  }
0x69: {  	_ =	shalt  }
0x6a: {  	_ =	shalt  }
0x6b: {  	_ =	shalt  }
0x6c: {  	_ =	shalt  }
0x6d: {  	_ =	shalt  }
0x6e: {  	_ =	shalt  }
0x6f: {  	_ =	shalt  }
0x70: {  	_ =	shalt  }
0x71: {  	_ =	shalt  }
0x72: {  	_ =	shalt  }
0x73: {  	_ =	shalt  }
0x74: {  	_ =	shalt  }
0x75: {  	_ =	shalt  }
0x76: {  	_ =	shalt  }
0x77: {  	_ =	shalt  }
0x78: {  	_ =	shalt  }
0x79: {  	_ =	shalt  }
0x7a: {  	_ =	shalt  }
0x7b: {  	_ =	shalt  }
0x7c: {  	_ =	shalt  }
0x7d: {  	_ =	shalt  }
0x7e: {  	_ =	shalt  }
0x7f: {  	_ =	shalt  }
0x80: {  	_ =	shalt  }
0x81: {  	_ =	shalt  }
0x82: {  	_ =	shalt  }
0x83: {  	_ =	shalt  }
0x84: {  	_ =	shalt  }
0x85: {  	_ =	shalt  }
0x86: {  	_ =	shalt  }
0x87: {  	_ =	shalt  }
.Lfunc_end0:
.L_simem_size_0:
called_computation_lowered:
.L_overlay_start_0:
0x88: {  	s2 =	sld [smem:$0x3FD9]  }
0x89: {  	s3 =	sld [smem:$0x3FFE];
	_ =	sdelay $0x1  }
0x8a: {  	s1 =	srdreg.scid  }
0x8b: {  	s0 =	sand.u32 $0x1, s1  }
0x8c: {  	s17 =	sshll.u32 s0, $0xA;
	s2 =	sadd.s32 s3, s2  }
0x8d: {  	s2 =	sadd.s32 s2, s17  }
0x8e: {  	[smem:$0x3FBB] =	sst s2  }
0x8f: {  	_ = 	snop  }
0x90: {  	s18 =	sld [smem:$0x3FD0];
	(tm) =	ssettm $0x1  }
0x91: {  	s19 =	sld [smem:$0x3FFB];
	_ =	sdelay $0x3  }
0x92: {  	_ =	strace s19  }
0x93: {  	s2 =	sld [smem:$0x3FFC];
	_ =	sdelay $0x3  }
0x94: {  	_ =	strace s2  }
0x95: {  	s2 =	sld [smem:$0x3FFD];
	_ =	sdelay $0x3  }
0x96: {  	_ =	strace s2  }
0x97: {  	_ =	strace $0x8FFFFFFF  }
0x98: {  	s20 =	sld [smem:$0x3FDB];
	_ =	sdelay $0x1  }
0x99: {  	s4 =	simm.s32 $_scs_section_size  }
0x9a: {  	s5 =	simm.s32 $_size__tile_overlayer_lowered;
	s6 =	simm.s32 $_tile_overlayer_lowered  }
0x9b: {  	s7 =	simm.s32 $0x1BFF;
	s21 =	sshll.u32 s6, $0x1;
	s4 =	sadd.s32 s4, s20  }
0x9c: {  	s22 =	simm.s32 $0x0;
	s5 =	sshll.u32 s5, $0x1;
	s6 =	sadd.s32 s21, s4  }
0x9d: {  	[timem:s22], [sflag:s7] =	dma.local [hbm:s6], s5  }
0x9e: {  	_ =	swait.ge [sflag:s7], s5  }
0x9f: {  	s5 =	ssub.s32 $0x0, s5;
	[sflag:s7] =	ssyncset.done $0x0  }
0xa0: {  	[sflag:s7] =	ssyncadd.s32 s5;
	_ =	sdelay $0x1  }
0xa1: {  	s23 =	simm.s32 $0x1B8B  }
0xa2: {  	_ =	swait.ge [sflag:s23], $0x1  }
0xa3: {  	[sflag:s23] =	ssyncset.done $0x0  }
0xa4: {  	[sflag:s23] =	ssyncadd.s32 $0xFFFFFFFF  }
0xa5: {  	s5 =	sld [smem:$0x0]  }
0xa6: {  	s6 =	sand.u32 $0xFFFFFFFE, s1  }
0xa7: {  	p0 =	sne.s32 s1, s6  }
0xa8: {  	s6 =	sshll.u32 @p0 s6, $0xE  }
0xa9: {  	s6 =	sadd.s32 @p0 $0x11B8D, s6;
	s7 =	sshll.u32 @p0 s5, $0x11  }
0xaa: {  	s6 =	sor.u32 @p0 s7, s6  }
0xab: {  	[sflag:s6] =	ssyncadd.remote.s32 @p0 $0x1;
	_ =	sdelay $0x1  }
0xac: {  	s6 =	simm.s32 @p0 $0x1B8D  }
0xad: {  	_ =	swait.eq @p0 [sflag:s6], $0x1  }
0xae: {  	[sflag:s6] =	ssyncadd.s32 @p0 $0xFFFFFFFF  }
0xaf: {  	s7 =	sshll.u32 @!p0 s1, $0xE  }
0xb0: {  	s7 =	sor.u32 @!p0 $0x4000, s7;
	s6 =	simm.s32 @!p0 $0x1B8D  }
0xb1: {  	s5 =	sshll.u32 @!p0 s5, $0x11;
	s7 =	sadd.s32 @!p0 $0x11B8D, s7;
	_ =	swait.eq @!p0 [sflag:s6], $0x1  }
0xb2: {  	s5 =	sor.u32 @!p0 s5, s7;
	[sflag:s6] =	ssyncadd.s32 @!p0 $0xFFFFFFFF  }
0xb3: {  	s25 =	simm.s32 $0x1B8E;
	s24 =	sld [smem:$0x3FFE];
	[sflag:s5] =	ssyncadd.remote.s32 @!p0 $0x1  }
0xb4: {  	s26 =	simm.s32 $execute0_lowered;
	[smem:$0x3FD2] =	sst s25  }
0xb5: {  	s6 =	sshll.u32 s26, $0x1;
	_ =	strace $0x80000049;
	[dreg:$0x1] =	wrdreg $0xFFFFFFFF  }
0xb6: {  	s28 =	simm.s32 $_size_execute0_lowered;
	s4 =	sadd.s32 s4, s6;
	[dreg:$0x0] =	wrdreg $0x0  }
0xb7: {  	s6 =	sshll.u32 s28, $0x1;
	[dreg:$0x2] =	wrdreg s4  }
0xb8: {  	[dreg:$0x3] =	wrdreg s6  }
0xb9: {  	[dreg:$0x4] =	wrdreg $0xC0  }
0xba: {  	_ =	task [dreg:s22], $0x5FFFF  }
0xbb: {  	[dreg:$0x1] =	wrdreg $0xFFFFFFFF  }
0xbc: {  	[dreg:$0x0] =	wrdreg $0x60  }
0xbd: {  	[dreg:$0x2] =	wrdreg s18  }
0xbe: {  	[dreg:$0x3] =	wrdreg s24  }
0xbf: {  	[dreg:$0x4] =	wrdreg $0x68000  }
0xc0: {  	[dreg:$0x5] =	wrdreg $0x9  }
0xc1: {  	_ =	task.clear_ibuf [dreg:s22], $0x6FFFF;
	_ =	strace $0x90000049  }
0xc2: {  	s29 =	simm.s32 $0x9;
	_ =	strace $0x8000004B  }
0xc3: {  	_ =	swait.ge [sflag:s29], $0x1  }
0xc4: {  	[sflag:s29] =	ssyncadd.s32 $0xFFFFFFFF  }
0xc5: {  	_ =	strace $0x9000004B  }
0xc6: {  	_ =	sfence  }
0xc7: {  	s30 =	sld [smem:$0x0];
	_ =	sdelay $0x2  }
0xc8: {  	s31 =	sshll.u32 s1, $0xD;
	s1 =	sshrl.u32 s1, $0x2  }
0xc9: {  	s4 =	sand.u32 $0x4000, s31;
	s1 =	sadd.s32 s1, s30  }
0xca: {  	s0 =	sor.u32 s4, s0;
	s1 =	sshll.u32 s1, $0x11  }
0xcb: {  	s0 =	sor.u32 s1, s0  }
0xcc: {  	s0 =	sadd.s32 $0x8F2B, s0  }
0xcd: {  	[sflag:s0] =	ssyncadd.remote.s32 $0x1  }
0xce: {  	_ =	sfence.sel $0xFFFF  }
0xcf: {  	[dreg:$0x0] =	wrdreg $0xFFFFFFFF;
	(pc) =	sbr.abs _section_cstart, $3  }
0xd0: {  	[dreg:$0x1] =	wrdreg $0xFFFFFFFF  }
0xd1: {  	_ =	task.clear_ibuf [dreg:s22], $0x2FFFF;
	_ =	strace $0x9FFFFFFF  }
0xd2: {  	(tm) =	ssettm $0x7FFFFFFF  }
0xd3: {  	_ =	shalt  }
tec
execute0_lowered:
.L_overlay_start_1:
0x0: {  	(tag) =	ssettag $0x1  }
0x1: {  	s6 =	rddreg [dreg:$0x0]  }
0x2: {  	s7 =	rddreg [dreg:$0x1]  }
0x3: {  	s1 =	rddreg [dreg:$0x2];
	s2 =	srdreg.scid  }
0x4: {  	s0 =	rddreg [dreg:$0x3];
	s3 =	simm.s32 $0x0;
	s13 =	simm.s32 $0x50  }
0x5: {  	s14 =	simm.s32 $0x1;
	s8 =	sand.u32 $0x1, s2;
	s2 =	stileid.u32  }
0x6: {  	s15 =	simm.s32 $0x0;
	[smem:$0x7FF] =	sst s3;
	s9 =	smul.u32 $0x140000, s8  }
0x7: {  	s4 =	sadd.s32 $0xB7000, s7;
	s5 =	sadd.s32 $0x64800, s7;
	s10 =	smul.u32 $0x14000, s2  }
0x8: {  	_ =	strace $0x8000004A;
	s26 =	ssub.s32 $0x2, s8;
	s12 =	smul.u32 $0x50000, s2  }
0x9: {  	s29 =	sshll.u32 s2, $0xB;
	s8 =	sshll.u32 s8, $0xF;
	s31 =	sshll.u32 s2, $0x6  }
0xa: {  	s11 =	sshrl.u32 s26, $0x1;
	s6 =	sadd.s32 s6, s29;
	s9 =	sadd.s32 s10, s9  }
0xb: {  	s28 =	ssub.s32 s26, s11;
	s30 =	sshrl.u32 s12, $0x2;
	s6 =	sadd.s32 s8, s6  }
0xc: {  	s10 =	simm.s32 $0x2;
	s11 =	sor.u32 $0x1C02, s31;
	s9 =	sshrl.u32 s9, $0x3  }
0xd: {  	s12 =	sadd.s32 s30, s1;
	s8 =	smax.u32 s28, $0x1;
	s7 =	sadd.s32 s9, s7  }
0xe: {  	s9 =	simm.s32 $0x4000;
	s12 =	sshrl.u32 s12, $0x3;
	s7 =	sadd.s32 $0xB7600, s7  }
.LBB2_1:
0xf: {  	[tilespmem:s9], [sflag:$0x2] =	stream.linear.gather [hbm4b:s4+s3], $0x2800, $0x38;
	[tilespmem:$0x1A800] =	vst v63  }
0x10: {  	_ =	swait.ge [sflag:s10], $0x2800  }
0x11: {  	[sflag:s10] =	ssyncset.done $0x0  }
0x12: {  	[sflag:s10] =	ssyncadd.s32 $0xFFFFD800  }
0x13: {  	[spmem:s12], [sflag:s11] =	dma.local [hbm:s5], $0x2800  }
0x14: {  	_ =	swait.ge [sflag:s10], $0x2800  }
0x15: {  	[sflag:s10] =	ssyncset.done $0x0  }
0x16: {  	[sflag:s10] =	ssyncadd.s32 $0xFFFFD800  }
0x17: {  	[tilespmem:s3], [sflag:$0x2] =	stream.linear.gather [hbm4b:s6+s3], $0x4000, $0x38;
	[tilespmem:$0x1A800] =	vst v63  }
0x18: {  	_ =	swait.ge [sflag:s10], $0x4000  }
0x19: {  	[sflag:s10] =	ssyncset.done $0x0  }
0x1a: {  	[sflag:s10] =	ssyncadd.s32 $0xFFFFC000  }
0x1b: {  	s16 =	simm.s32 $0x0;
	[bflag:$0x0] =	sbarrier.arrive $0xFFFF  }
0x1c: {  	[spmem:s1] =	stream.indirect.scatter.add.f32 [tilespmem:s9], [sflag:$0x1], $0x80, s16, s13, $0xb8;
	[tilespmem:$0x1A800] =	vst v63  }
0x1d: {  	s24 =	simm.s32 $0x80  }
0x1e: {  	[spmem:s1] =	stream.indirect.scatter.add.f32 [tilespmem:s9], [sflag:$0x1], $0x80, s24, s13, $0xb8;
	[tilespmem:$0x1A800] =	vst v63  }
0x1f: {  	s25 =	simm.s32 $0x100  }
0x20: {  	[spmem:s1] =	stream.indirect.scatter.add.f32 [tilespmem:s9], [sflag:$0x1], $0x80, s25, s13, $0xb8;
	[tilespmem:$0x1A800] =	vst v63  }
0x21: {  	s26 =	simm.s32 $0x180  }
0x22: {  	[spmem:s1] =	stream.indirect.scatter.add.f32 [tilespmem:s9], [sflag:$0x1], $0x80, s26, s13, $0xb8;
	[tilespmem:$0x1A800] =	vst v63  }
0x23: {  	s28 =	simm.s32 $0x200  }
0x24: {  	[spmem:s1] =	stream.indirect.scatter.add.f32 [tilespmem:s9], [sflag:$0x1], $0x80, s28, s13, $0xb8;
	[tilespmem:$0x1A800] =	vst v63  }
0x25: {  	s29 =	simm.s32 $0x280  }
0x26: {  	[spmem:s1] =	stream.indirect.scatter.add.f32 [tilespmem:s9], [sflag:$0x1], $0x80, s29, s13, $0xb8;
	[tilespmem:$0x1A800] =	vst v63  }
0x27: {  	s30 =	simm.s32 $0x300  }
0x28: {  	[spmem:s1] =	stream.indirect.scatter.add.f32 [tilespmem:s9], [sflag:$0x1], $0x80, s30, s13, $0xb8;
	[tilespmem:$0x1A800] =	vst v63  }
0x29: {  	s31 =	simm.s32 $0x380  }
0x2a: {  	[spmem:s1] =	stream.indirect.scatter.add.f32 [tilespmem:s9], [sflag:$0x1], $0x80, s31, s13, $0xb8;
	[tilespmem:$0x1A800] =	vst v63  }
0x2b: {  	_ =	swait.ge [sflag:s14], $0x2800  }
0x2c: {  	[sflag:s14] =	ssyncset.done $0x0  }
0x2d: {  	[sflag:s14] =	ssyncadd.s32 $0xFFFFD800  }
0x2e: {  	_ =	swait.ge [sflag:s14], $0x2800  }
0x2f: {  	[sflag:s14] =	ssyncset.done $0x0  }
0x30: {  	[sflag:s14] =	ssyncadd.s32 $0xFFFFD800  }
0x31: {  	_ =	swait.ge [sflag:s14], $0x2800  }
0x32: {  	[sflag:s14] =	ssyncset.done $0x0  }
0x33: {  	[sflag:s14] =	ssyncadd.s32 $0xFFFFD800  }
0x34: {  	_ =	swait.ge [sflag:s14], $0x2800  }
0x35: {  	[sflag:s14] =	ssyncset.done $0x0  }
0x36: {  	[sflag:s14] =	ssyncadd.s32 $0xFFFFD800  }
0x37: {  	_ =	swait.ge [sflag:s14], $0x2800  }
0x38: {  	[sflag:s14] =	ssyncset.done $0x0  }
0x39: {  	[sflag:s14] =	ssyncadd.s32 $0xFFFFD800  }
0x3a: {  	_ =	swait.ge [sflag:s14], $0x2800  }
0x3b: {  	[sflag:s14] =	ssyncset.done $0x0  }
0x3c: {  	[sflag:s14] =	ssyncadd.s32 $0xFFFFD800  }
0x3d: {  	_ =	swait.ge [sflag:s14], $0x2800  }
0x3e: {  	[sflag:s14] =	ssyncset.done $0x0  }
0x3f: {  	[sflag:s14] =	ssyncadd.s32 $0xFFFFD800  }
0x40: {  	_ =	swait.ge [sflag:s14], $0x2800  }
0x41: {  	s18 =	simm.s32 $0x2000;
	s16 =	simm.s32 $0x1000;
	[sflag:s14] =	ssyncset.done $0x0  }
.LBB2_2:
0x42: {  	s19 =	sshra.s32 s16, $0x2  }
0x43: {  	[sflag:s14] =	ssyncadd.s32 $0xFFFFD800;
	s16 =	smov.u32 s18;
	s17 =	sadd.s32 $0x1000, s18  }
0x44: {  	[spmem:s1] =	stream.indirect.scatter.add.f32 [tilespmem:s9], [sflag:$0x1], $0x80, s19, s13, $0xb8;
	[tilespmem:$0x1A800] =	vst v63  }
0x45: {  	p0 =	sne.s32 s18, $0xF000;
	s18 =	sadd.s32 $0x80, s19  }
0x46: {  	[spmem:s1] =	stream.indirect.scatter.add.f32 [tilespmem:s9], [sflag:$0x1], $0x80, s18, s13, $0xb8;
	[tilespmem:$0x1A800] =	vst v63  }
0x47: {  	s18 =	sadd.s32 $0x100, s19  }
0x48: {  	[spmem:s1] =	stream.indirect.scatter.add.f32 [tilespmem:s9], [sflag:$0x1], $0x80, s18, s13, $0xb8;
	[tilespmem:$0x1A800] =	vst v63  }
0x49: {  	s18 =	sadd.s32 $0x180, s19  }
0x4a: {  	[spmem:s1] =	stream.indirect.scatter.add.f32 [tilespmem:s9], [sflag:$0x1], $0x80, s18, s13, $0xb8;
	[tilespmem:$0x1A800] =	vst v63  }
0x4b: {  	s18 =	sadd.s32 $0x200, s19  }
0x4c: {  	[spmem:s1] =	stream.indirect.scatter.add.f32 [tilespmem:s9], [sflag:$0x1], $0x80, s18, s13, $0xb8;
	[tilespmem:$0x1A800] =	vst v63  }
0x4d: {  	s18 =	sadd.s32 $0x280, s19  }
0x4e: {  	[spmem:s1] =	stream.indirect.scatter.add.f32 [tilespmem:s9], [sflag:$0x1], $0x80, s18, s13, $0xb8;
	[tilespmem:$0x1A800] =	vst v63  }
0x4f: {  	s18 =	sadd.s32 $0x300, s19  }
0x50: {  	[spmem:s1] =	stream.indirect.scatter.add.f32 [tilespmem:s9], [sflag:$0x1], $0x80, s18, s13, $0xb8;
	[tilespmem:$0x1A800] =	vst v63  }
0x51: {  	s18 =	sadd.s32 $0x380, s19  }
0x52: {  	[spmem:s1] =	stream.indirect.scatter.add.f32 [tilespmem:s9], [sflag:$0x1], $0x80, s18, s13, $0xb8;
	[tilespmem:$0x1A800] =	vst v63  }
0x53: {  	_ =	swait.ge [sflag:s14], $0x2800  }
0x54: {  	[sflag:s14] =	ssyncset.done $0x0  }
0x55: {  	[sflag:s14] =	ssyncadd.s32 $0xFFFFD800  }
0x56: {  	_ =	swait.ge [sflag:s14], $0x2800  }
0x57: {  	[sflag:s14] =	ssyncset.done $0x0  }
0x58: {  	[sflag:s14] =	ssyncadd.s32 $0xFFFFD800  }
0x59: {  	_ =	swait.ge [sflag:s14], $0x2800  }
0x5a: {  	[sflag:s14] =	ssyncset.done $0x0  }
0x5b: {  	[sflag:s14] =	ssyncadd.s32 $0xFFFFD800  }
0x5c: {  	_ =	swait.ge [sflag:s14], $0x2800  }
0x5d: {  	[sflag:s14] =	ssyncset.done $0x0  }
0x5e: {  	[sflag:s14] =	ssyncadd.s32 $0xFFFFD800  }
0x5f: {  	_ =	swait.ge [sflag:s14], $0x2800  }
0x60: {  	[sflag:s14] =	ssyncset.done $0x0  }
0x61: {  	[sflag:s14] =	ssyncadd.s32 $0xFFFFD800  }
0x62: {  	_ =	swait.ge [sflag:s14], $0x2800  }
0x63: {  	[sflag:s14] =	ssyncset.done $0x0  }
0x64: {  	[sflag:s14] =	ssyncadd.s32 $0xFFFFD800  }
.Ltmp0:
0x65: {  	_ =	swait.ge [sflag:s14], $0x2800;
	(pc) =	sbr.rel @p0 .LBB2_2-.Ltmp0, $4  }
0x66: {  	[sflag:s14] =	ssyncset.done $0x0  }
0x67: {  	[sflag:s14] =	ssyncadd.s32 $0xFFFFD800  }
0x68: {  	_ =	swait.ge [sflag:s14], $0x2800  }
0x69: {  	s18 =	smov.u32 s17;
	[sflag:s14] =	ssyncset.done $0x0  }
0x6a: {  	s16 =	sshra.s32 s16, $0x2;
	[sflag:s14] =	ssyncadd.s32 $0xFFFFD800  }
0x6b: {  	[spmem:s1] =	stream.indirect.scatter.add.f32 [tilespmem:s9], [sflag:$0x1], $0x80, s16, s13, $0xb8;
	[tilespmem:$0x1A800] =	vst v63  }
0x6c: {  	s17 =	sadd.s32 $0x80, s16  }
0x6d: {  	[spmem:s1] =	stream.indirect.scatter.add.f32 [tilespmem:s9], [sflag:$0x1], $0x80, s17, s13, $0xb8;
	[tilespmem:$0x1A800] =	vst v63  }
0x6e: {  	s26 =	sadd.s32 $0x100, s16  }
0x6f: {  	[spmem:s1] =	stream.indirect.scatter.add.f32 [tilespmem:s9], [sflag:$0x1], $0x80, s26, s13, $0xb8;
	[tilespmem:$0x1A800] =	vst v63  }
0x70: {  	s28 =	sadd.s32 $0x180, s16  }
0x71: {  	[spmem:s1] =	stream.indirect.scatter.add.f32 [tilespmem:s9], [sflag:$0x1], $0x80, s28, s13, $0xb8;
	[tilespmem:$0x1A800] =	vst v63  }
0x72: {  	s29 =	sadd.s32 $0x200, s16  }
0x73: {  	[spmem:s1] =	stream.indirect.scatter.add.f32 [tilespmem:s9], [sflag:$0x1], $0x80, s29, s13, $0xb8;
	[tilespmem:$0x1A800] =	vst v63  }
0x74: {  	s30 =	sadd.s32 $0x280, s16  }
0x75: {  	[spmem:s1] =	stream.indirect.scatter.add.f32 [tilespmem:s9], [sflag:$0x1], $0x80, s30, s13, $0xb8;
	[tilespmem:$0x1A800] =	vst v63  }
0x76: {  	s31 =	sadd.s32 $0x300, s16  }
0x77: {  	[spmem:s1] =	stream.indirect.scatter.add.f32 [tilespmem:s9], [sflag:$0x1], $0x80, s31, s13, $0xb8;
	[tilespmem:$0x1A800] =	vst v63  }
0x78: {  	s16 =	sadd.s32 $0x380, s16  }
0x79: {  	[spmem:s1] =	stream.indirect.scatter.add.f32 [tilespmem:s9], [sflag:$0x1], $0x80, s16, s13, $0xb8;
	[tilespmem:$0x1A800] =	vst v63  }
0x7a: {  	_ =	swait.ge [sflag:s14], $0x2800  }
0x7b: {  	[sflag:s14] =	ssyncset.done $0x0  }
0x7c: {  	[sflag:s14] =	ssyncadd.s32 $0xFFFFD800  }
0x7d: {  	_ =	swait.ge [sflag:s14], $0x2800  }
0x7e: {  	[sflag:s14] =	ssyncset.done $0x0  }
0x7f: {  	[sflag:s14] =	ssyncadd.s32 $0xFFFFD800  }
0x80: {  	_ =	swait.ge [sflag:s14], $0x2800  }
0x81: {  	[sflag:s14] =	ssyncset.done $0x0  }
0x82: {  	[sflag:s14] =	ssyncadd.s32 $0xFFFFD800  }
0x83: {  	_ =	swait.ge [sflag:s14], $0x2800  }
0x84: {  	[sflag:s14] =	ssyncset.done $0x0  }
0x85: {  	[sflag:s14] =	ssyncadd.s32 $0xFFFFD800  }
0x86: {  	_ =	swait.ge [sflag:s14], $0x2800  }
0x87: {  	[sflag:s14] =	ssyncset.done $0x0  }
0x88: {  	[sflag:s14] =	ssyncadd.s32 $0xFFFFD800  }
0x89: {  	_ =	swait.ge [sflag:s14], $0x2800  }
0x8a: {  	[sflag:s14] =	ssyncset.done $0x0  }
0x8b: {  	[sflag:s14] =	ssyncadd.s32 $0xFFFFD800  }
0x8c: {  	_ =	swait.ge [sflag:s14], $0x2800  }
0x8d: {  	[sflag:s14] =	ssyncset.done $0x0  }
0x8e: {  	[sflag:s14] =	ssyncadd.s32 $0xFFFFD800  }
0x8f: {  	_ =	swait.ge [sflag:s14], $0x2800  }
0x90: {  	s15 =	sadd.s32 $0x1, s15;
	[sflag:s14] =	ssyncset.done $0x0  }
0x91: {  	p0 =	sne.s32 s15, s8;
	[sflag:s14] =	ssyncadd.s32 $0xFFFFD800  }
.Ltmp1:
0x92: {  	[bflag:$0x0] =	sbarrier.arrive $0xFFFF;
	(pc) =	sbr.rel @p0 .LBB2_1-.Ltmp1, $4  }
0x93: {  	[hbm:s7], [sflag:s11] =	dma.local [spmem:s12], $0x2800  }
0x94: {  	_ =	swait.ge [sflag:s10], $0x2800  }
0x95: {  	[sflag:s10] =	ssyncset.done $0x0  }
0x96: {  	[sflag:s10] =	ssyncadd.s32 $0xFFFFD800  }
0x97: {  	_ =	sfence.sel $0x180000  }
0x98: {  	[bflag:$0x0] =	sbarrier.arrive $0xFFFF  }
0x99: {  	p0 =	sne.s32 s2, $0x0;
	_ =	strace $0x9000004A  }
0x9a: {  	s0 =	sadd.s32 @!p0 $0x100000, s0;
	[bflag:$0x2] =	sbarrier.arrive $0xFFFF  }
0x9b: {  	[sflag:s0] =	ssyncadd.tile.s32 @!p0 $0x1;
	_ =	shalt  }
.Lfunc_end2:
_tile_overlayer_lowered:
.L_overlay_start_2:
0x9c: {  	(tag) =	ssettag $0x2  }
0x9d: {  	s0 =	rddreg [dreg:$0x0];
	s2 =	stileid.u32  }
0x9e: {  	s1 =	rddreg [dreg:$0x1];
	p0 =	sne.s32 s2, $0x0  }
0x9f: {  	s3 =	rddreg [dreg:$0x2];
	[bflag:$0x3] =	sbarrier.arrive $0xFFFF;
	s2 =	simm.s32 @!p0 $0x1C02  }
0xa0: {  	[timem:s3], [sflag:s2] =	dma.local @!p0 [hbm:s0], s1  }
0xa1: {  	s0 =	simm.s32 @!p0 $0x2  }
0xa2: {  	_ =	swait.ge @!p0 [sflag:s0], s1  }
0xa3: {  	s1 =	ssub.s32 @!p0 $0x0, s1;
	[sflag:s0] =	ssyncset.done @!p0 $0x0  }
0xa4: {  	[sflag:s0] =	ssyncadd.s32 @!p0 s1  }
0xa5: {  	[bflag:$0x3] =	sbarrier.arrive $0xFFFF  }
0xa6: {  	_ =	shalt  }

// kernel: kernel.13.cloned.1.call-start
scs
__scs_entry_jumppad:
0x0: {  	(pc) =	sbr.rel $0x88, $3  }
0x1: {  	(tag) =	ssettag $0x0;
	lr =	simm.s32 $0x1  }
0x2: {  	[smem:$0x3F94] =	sst lr;
	_ =	strace $0xD0000000  }
0x3: {  	_ = 	snop  }
0x4: {  	_ = 	snop  }
0x5: {  	_ = 	snop  }
0x6: {  	_ = 	snop  }
0x7: {  	_ = 	snop  }
__scs_overlays_trampoline_lowered:
0x8: {  	[smem:$0x3FA3] =	sst s0  }
0x9: {  	[smem:$0x3FA4] =	sst s1  }
0xa: {  	[smem:$0x3FA5] =	sst s2  }
0xb: {  	[smem:$0x3FA6] =	sst s3  }
0xc: {  	[smem:$0x3FA7] =	sst s4  }
0xd: {  	[smem:$0x3FA8] =	sst s5  }
0xe: {  	[smem:$0x3FA9] =	sst s6  }
0xf: {  	[smem:$0x3FAA] =	sst s7  }
0x10: {  	[smem:$0x3FAB] =	sst s8  }
0x11: {  	[smem:$0x3FAC] =	sst s9;
	s0 =	simm.s32 @!p0 $0x0  }
0x12: {  	s1 =	sld [smem:$0x3F92];
	s0 =	simm.s32 @p0 $0x1  }
0x13: {  	[smem:$0x3FAD] =	sst s0;
	s0 =	simm.s32 @!p1 $0x0  }
0x14: {  	s2 =	sld [smem:$0x3F91];
	s0 =	simm.s32 @p1 $0x1  }
0x15: {  	[smem:$0x3FAE] =	sst s0;
	s0 =	simm.s32 @!p2 $0x0  }
0x16: {  	s3 =	sld [smem:$0x3FDB];
	s0 =	simm.s32 @p2 $0x1  }
0x17: {  	s4 =	simm.s32 $0x1BF5;
	[smem:$0x3FB0] =	sst s0  }
0x18: {  	s0 =	sld [smem:$0x3F93];
	_ =	swait.ge [sflag:s4], $0x0  }
0x19: {  	s7 =	sld [smem:$0x3F94]  }
0x1a: {  	s8 =	sadd.s32 $0xFFFFE003, lr  }
0x1b: {  	s9 =	sadd.s32 $0xFFFFFEF7, lr;
	s5 =	simm.s32 $0xFFFFFFFF;
	p2 =	slt.u32 s8, $0xFFFFF086  }
0x1c: {  	p1 =	slt.u32 s9, $0xF7A;
	s5 =	simm.s32 @!p2 $0x0  }
0x1d: {  	s5 =	simm.s32 @p1 $0x1;
	p0 =	seq.s32 s7, s2  }
0x1e: {  	s7 =	smul.u32 @!p0 $0xF7A, s2;
	p2 =	seq.s32 @!p0 s5, $0x0  }
0x1f: {  	s9 =	smul.u32 $0xF7A, s1;
	s8 =	simm.s32 @!p0 $0x1BF5;
	p2 =	por !p2, p0  }
0x20: {  	[sflag:s8] =	ssyncset.s32 @!p0 $0xFFFFF086;
	s6 =	sadd.s32 @!p0 s3, s7;
	s7 =	simm.s32 @!p0 $0x108  }
0x21: {  	s3 =	sadd.s32 s3, s9;
	s6 =	sadd.s32 @!p0 $0x88, s6;
	s7 =	simm.s32 @p2 $0x1082  }
0x22: {  	[simem:s7], [sflag:s8] =	dma.local @!p0 [hbm:s6], $0xF7A  }
0x23: {  	s9 =	sor.u32 $0xD0000000, s2;
	s6 =	simm.s32 $0x108;
	_ =	swait.ge @!p0 [sflag:s8], $0x0  }
0x24: {  	s3 =	sadd.s32 $0x88, s3;
	s6 =	simm.s32 @!p1 $0x1082;
	[sflag:s4] =	ssyncset.s32 $0xFFFFF086  }
0x25: {  	[simem:s6], [sflag:s4] =	dma.local [hbm:s3], $0xF7A  }
0x26: {  	[smem:$0x3F94] =	sst s1;
	(tag) =	ssettag s2;
	_ =	strace s9  }
0x27: {  	s1 =	sld [smem:$0x3FA4]  }
0x28: {  	s2 =	sld [smem:$0x3FA5]  }
0x29: {  	s4 =	sld [smem:$0x3FA7]  }
0x2a: {  	p0 =	seq.s32 s5, $0x0;
	s5 =	sld [smem:$0x3FA8]  }
0x2b: {  	s6 =	sld [smem:$0x3FA9]  }
0x2c: {  	s7 =	sld [smem:$0x3FAA]  }
0x2d: {  	s3 =	simm.s32 $0x108;
	s8 =	sld [smem:$0x3FAB]  }
0x2e: {  	s3 =	simm.s32 @!p0 $0x1082;
	s9 =	sld [smem:$0x3FAC]  }
0x2f: {  	lr =	sadd.s32 s0, s3;
	s0 =	sld [smem:$0x3FA3]  }
0x30: {  	s3 =	sld [smem:$0x3FA6]  }
0x31: {  	[smem:$0x3FAF] =	sst s10  }
0x32: {  	s10 =	sld [smem:$0x3FAD];
	_ =	sdelay $0x3  }
0x33: {  	p0 =	seq.s32 s10, $0x1;
	s10 =	sld [smem:$0x3FAF];
	_ =	sdelay $0x3  }
0x34: {  	[smem:$0x3FAF] =	sst s10  }
0x35: {  	s10 =	sld [smem:$0x3FAE];
	_ =	sdelay $0x3  }
0x36: {  	p1 =	seq.s32 s10, $0x1;
	s10 =	sld [smem:$0x3FAF];
	_ =	sdelay $0x3  }
0x37: {  	[smem:$0x3FAF] =	sst s10  }
0x38: {  	s10 =	sld [smem:$0x3FB0]  }
0x39: {  	_ = 	snop;
	(pc) =	sbr.ind lr, $3  }
0x3a: {  	_ = 	snop  }
0x3b: {  	_ = 	snop  }
0x3c: {  	p2 =	seq.s32 s10, $0x1;
	s10 =	sld [smem:$0x3FAF]  }
0x3d: {  	_ =	shalt  }
0x3e: {  	_ =	shalt  }
0x3f: {  	_ =	shalt  }
0x40: {  	_ =	shalt  }
0x41: {  	_ =	shalt  }
0x42: {  	_ =	shalt  }
0x43: {  	_ =	shalt  }
0x44: {  	_ =	shalt  }
0x45: {  	_ =	shalt  }
0x46: {  	_ =	shalt  }
0x47: {  	_ =	shalt  }
0x48: {  	_ =	shalt  }
0x49: {  	_ =	shalt  }
0x4a: {  	_ =	shalt  }
0x4b: {  	_ =	shalt  }
0x4c: {  	_ =	shalt  }
0x4d: {  	_ =	shalt  }
0x4e: {  	_ =	shalt  }
0x4f: {  	_ =	shalt  }
0x50: {  	_ =	shalt  }
0x51: {  	_ =	shalt  }
0x52: {  	_ =	shalt  }
0x53: {  	_ =	shalt  }
0x54: {  	_ =	shalt  }
0x55: {  	_ =	shalt  }
0x56: {  	_ =	shalt  }
0x57: {  	_ =	shalt  }
0x58: {  	_ =	shalt  }
0x59: {  	_ =	shalt  }
0x5a: {  	_ =	shalt  }
0x5b: {  	_ =	shalt  }
0x5c: {  	_ =	shalt  }
0x5d: {  	_ =	shalt  }
0x5e: {  	_ =	shalt  }
0x5f: {  	_ =	shalt  }
0x60: {  	_ =	shalt  }
0x61: {  	_ =	shalt  }
0x62: {  	_ =	shalt  }
0x63: {  	_ =	shalt  }
0x64: {  	_ =	shalt  }
0x65: {  	_ =	shalt  }
0x66: {  	_ =	shalt  }
0x67: {  	_ =	shalt  }
0x68: {  	_ =	shalt  }
0x69: {  	_ =	shalt  }
0x6a: {  	_ =	shalt  }
0x6b: {  	_ =	shalt  }
0x6c: {  	_ =	shalt  }
0x6d: {  	_ =	shalt  }
0x6e: {  	_ =	shalt  }
0x6f: {  	_ =	shalt  }
0x70: {  	_ =	shalt  }
0x71: {  	_ =	shalt  }
0x72: {  	_ =	shalt  }
0x73: {  	_ =	shalt  }
0x74: {  	_ =	shalt  }
0x75: {  	_ =	shalt  }
0x76: {  	_ =	shalt  }
0x77: {  	_ =	shalt  }
0x78: {  	_ =	shalt  }
0x79: {  	_ =	shalt  }
0x7a: {  	_ =	shalt  }
0x7b: {  	_ =	shalt  }
0x7c: {  	_ =	shalt  }
0x7d: {  	_ =	shalt  }
0x7e: {  	_ =	shalt  }
0x7f: {  	_ =	shalt  }
0x80: {  	_ =	shalt  }
0x81: {  	_ =	shalt  }
0x82: {  	_ =	shalt  }
0x83: {  	_ =	shalt  }
0x84: {  	_ =	shalt  }
0x85: {  	_ =	shalt  }
0x86: {  	_ =	shalt  }
0x87: {  	_ =	shalt  }
.Lfunc_end0:
.L_simem_size_0:
called_computation.1_lowered:
.L_overlay_start_0:
0x88: {  	s2 =	sld [smem:$0x3FD9]  }
0x89: {  	s3 =	sld [smem:$0x3FFE];
	_ =	sdelay $0x1  }
0x8a: {  	s1 =	srdreg.scid  }
0x8b: {  	s0 =	sand.u32 $0x1, s1  }
0x8c: {  	s17 =	sshll.u32 s0, $0xA;
	s2 =	sadd.s32 s3, s2  }
0x8d: {  	s2 =	sadd.s32 s2, s17  }
0x8e: {  	[smem:$0x3FBB] =	sst s2  }
0x8f: {  	_ = 	snop  }
0x90: {  	s2 =	sld [smem:$0x3FD0];
	(tm) =	ssettm $0x1  }
0x91: {  	s18 =	sld [smem:$0x3FFB];
	_ =	sdelay $0x3  }
0x92: {  	_ =	strace s18  }
0x93: {  	s3 =	sld [smem:$0x3FFC];
	_ =	sdelay $0x3  }
0x94: {  	_ =	strace s3  }
0x95: {  	s3 =	sld [smem:$0x3FFD];
	_ =	sdelay $0x3  }
0x96: {  	_ =	strace s3  }
0x97: {  	_ =	strace $0x8FFFFFFF  }
0x98: {  	s19 =	sld [smem:$0x3FDB];
	_ =	sdelay $0x1  }
0x99: {  	s4 =	simm.s32 $_scs_section_size  }
0x9a: {  	s5 =	simm.s32 $_size__tile_overlayer_lowered;
	s6 =	simm.s32 $_tile_overlayer_lowered  }
0x9b: {  	s22 =	simm.s32 $0x1BFF;
	s21 =	sshll.u32 s6, $0x1;
	s3 =	sadd.s32 s4, s19  }
0x9c: {  	s7 =	simm.s32 $0x0;
	s20 =	sshll.u32 s5, $0x1;
	s5 =	sadd.s32 s21, s3  }
0x9d: {  	[timem:s7], [sflag:s22] =	dma.local [hbm:s5], s20  }
0x9e: {  	_ =	swait.ge [sflag:s22], s20  }
0x9f: {  	s4 =	ssub.s32 $0x0, s20;
	[sflag:s22] =	ssyncset.done $0x0  }
0xa0: {  	[sflag:s22] =	ssyncadd.s32 s4;
	_ =	sdelay $0x1  }
0xa1: {  	s23 =	simm.s32 $0x1B8B  }
0xa2: {  	_ =	swait.ge [sflag:s23], $0x1  }
0xa3: {  	[sflag:s23] =	ssyncset.done $0x0  }
0xa4: {  	s25 =	simm.s32 $0x1B8E;
	s24 =	sld [smem:$0x3FFE];
	[sflag:s23] =	ssyncadd.s32 $0xFFFFFFFF  }
0xa5: {  	s26 =	simm.s32 $execute0_lowered;
	[smem:$0x3FD2] =	sst s25  }
0xa6: {  	s5 =	sshll.u32 s26, $0x1;
	_ =	strace $0x80000046;
	[dreg:$0x1] =	wrdreg $0xFFFFFFFF  }
0xa7: {  	s28 =	simm.s32 $_size_execute0_lowered;
	s3 =	sadd.s32 s3, s5;
	[dreg:$0x0] =	wrdreg $0x0  }
0xa8: {  	s5 =	sshll.u32 s28, $0x1;
	[dreg:$0x2] =	wrdreg s3  }
0xa9: {  	[dreg:$0x3] =	wrdreg s5  }
0xaa: {  	[dreg:$0x4] =	wrdreg $0xC0  }
0xab: {  	_ =	task [dreg:s7], $0x5FFFF  }
0xac: {  	[dreg:$0x1] =	wrdreg $0xFFFFFFFF  }
0xad: {  	[dreg:$0x0] =	wrdreg $0x60  }
0xae: {  	[dreg:$0x2] =	wrdreg s24  }
0xaf: {  	[dreg:$0x3] =	wrdreg s2  }
0xb0: {  	[dreg:$0x4] =	wrdreg $0xB8000  }
0xb1: {  	[dreg:$0x5] =	wrdreg $0xA  }
0xb2: {  	_ =	task.clear_ibuf [dreg:s7], $0x6FFFF;
	_ =	strace $0x90000046  }
0xb3: {  	s29 =	simm.s32 $0xA;
	_ =	strace $0x80000048  }
0xb4: {  	_ =	swait.ge [sflag:s29], $0x1  }
0xb5: {  	[sflag:s29] =	ssyncadd.s32 $0xFFFFFFFF  }
0xb6: {  	_ =	strace $0x90000048  }
0xb7: {  	_ =	sfence  }
0xb8: {  	s30 =	sld [smem:$0x0];
	_ =	sdelay $0x2  }
0xb9: {  	s31 =	sshll.u32 s1, $0xD;
	s1 =	sshrl.u32 s1, $0x2  }
0xba: {  	s3 =	sand.u32 $0x4000, s31;
	s1 =	sadd.s32 s1, s30  }
0xbb: {  	s0 =	sor.u32 s3, s0;
	s1 =	sshll.u32 s1, $0x11  }
0xbc: {  	s0 =	sor.u32 s1, s0  }
0xbd: {  	s0 =	sadd.s32 $0x8F2B, s0  }
0xbe: {  	[sflag:s0] =	ssyncadd.remote.s32 $0x1  }
0xbf: {  	_ =	sfence.sel $0xFFFF  }
0xc0: {  	[dreg:$0x0] =	wrdreg $0xFFFFFFFF;
	(pc) =	sbr.abs _section_cstart, $3  }
0xc1: {  	[dreg:$0x1] =	wrdreg $0xFFFFFFFF  }
0xc2: {  	_ =	task.clear_ibuf [dreg:s7], $0x2FFFF;
	_ =	strace $0x9FFFFFFF  }
0xc3: {  	(tm) =	ssettm $0x7FFFFFFF  }
tec
execute0_lowered:
.L_overlay_start_1:
0x0: {  	(tag) =	ssettag $0x1  }
0x1: {  	s0 =	rddreg [dreg:$0x0]  }
0x2: {  	s2 =	rddreg [dreg:$0x1]  }
0x3: {  	s1 =	rddreg [dreg:$0x2];
	s3 =	srdreg.scid  }
0x4: {  	s11 =	stileid.u32;
	s14 =	simm.s32 $0x7;
	s15 =	simm.s32 $0x2000  }
0x5: {  	s16 =	simm.s32 $0x50;
	s17 =	simm.s32 $0x4000;
	s18 =	simm.s32 $0x80  }
0x6: {  	s19 =	simm.s32 $0x6800;
	s28 =	simm.s32 $0x6;
	s29 =	simm.s32 $0x3E80  }
0x7: {  	s30 =	simm.s32 $0x1F80;
	s31 =	simm.s32 $0x3F00;
	s5 =	sand.u32 $0x1, s3  }
0x8: {  	s3 =	simm.s32 $0x0;
	s7 =	smul.u32 $0x14000, s11;
	s4 =	sadd.s32 $0x3C800, s0  }
0x9: {  	s9 =	sadd.s32 $0x4800, s0;
	s8 =	smul.u32 $0x50000, s11;
	s10 =	sadd.s32 $0x64800, s0  }
0xa: {  	s23 =	sshll.u32 s11, $0x6;
	s24 =	sshll.u32 s11, $0xB;
	s6 =	smul.u32 $0x140000, s5  }
0xb: {  	[smem:$0x7FF] =	sst s3;
	s20 =	ssub.s32 $0x2, s5;
	s5 =	sshll.u32 s5, $0xF  }
0xc: {  	_ =	strace $0x80000047;
	[dreg:$0x4] =	wrdreg s10;
	s21 =	sshrl.u32 s20, $0x1  }
0xd: {  	s22 =	sshrl.u32 s8, $0x2;
	s5 =	sor.u32 s24, s5;
	s24 =	simm.s32 $0x4  }
0xe: {  	s6 =	sadd.s32 s7, s6;
	s7 =	ssub.s32 s20, s21;
	s13 =	sadd.s32 s22, s1  }
0xf: {  	s25 =	sadd.s32 s9, s5;
	s26 =	sadd.s32 s2, s5;
	s5 =	sor.u32 $0x400, s5  }
0x10: {  	s20 =	simm.s32 $0x1;
	s21 =	simm.s32 $0x100;
	[dreg:$0x5] =	wrdreg s25  }
0x11: {  	s22 =	simm.s32 $0x9000;
	s6 =	sshrl.u32 s6, $0x3;
	[dreg:$0x6] =	wrdreg s26  }
0x12: {  	s9 =	sadd.s32 s9, s5;
	s10 =	sadd.s32 s2, s5;
	s12 =	smax.u32 s7, $0x1  }
0x13: {  	s13 =	sshrl.u32 s13, $0x3;
	s25 =	simm.s32 $0x3;
	s26 =	simm.s32 $0x5  }
0x14: {  	s2 =	simm.s32 $0x0;
	s0 =	sadd.s32 s6, s0;
	s6 =	sor.u32 $0x1C07, s23  }
0x15: {  	s23 =	simm.s32 $0x2;
	s11 =	sadd.s32 $0x67000, s0;
	s0 =	simm.s32 $0x3F80  }
.LBB2_1:
0x16: {  	s5 =	rddreg [dreg:$0x4]  }
0x17: {  	[spmem:s13], [sflag:s6] =	dma.local [hbm:s5], $0x2800  }
0x18: {  	_ =	swait.ge [sflag:s14], $0x2800  }
0x19: {  	[sflag:s14] =	ssyncset.done $0x0  }
0x1a: {  	[sflag:s14] =	ssyncadd.s32 $0xFFFFD800  }
0x1b: {  	[bflag:$0x0] =	sbarrier.arrive $0xFFFF  }
0x1c: {  	s8 =	rddreg [dreg:$0x5]  }
0x1d: {  	[tilespmem:s3], [sflag:$0x7] =	stream.linear.gather [hbm4b:s8+s3], $0x2000, $0x38;
	[tilespmem:$0x1F800] =	vst v63  }
0x1e: {  	_ =	swait.ge [sflag:s14], $0x2000  }
0x1f: {  	[sflag:s14] =	ssyncset.done $0x0  }
0x20: {  	s7 =	rddreg [dreg:$0x6];
	[sflag:s14] =	ssyncadd.s32 $0xFFFFE000  }
0x21: {  	[tilespmem:s15], [sflag:$0x7] =	stream.linear.gather [hbm4b:s7+s3], $0x2000, $0x38;
	[tilespmem:$0x1F800] =	vst v63  }
0x22: {  	_ =	swait.ge [sflag:s14], $0x2000  }
0x23: {  	[sflag:s14] =	ssyncset.done $0x0  }
0x24: {  	[sflag:s14] =	ssyncadd.s32 $0xFFFFE000  }
0x25: {  	[tilespmem:s17], [sflag:$0x1] =	stream.indirect.gather [hbm4b:s4+s16], $0x80, s3, s16, $0xb8;
	[tilespmem:$0x1F800] =	vst v63  }
0x26: {  	_ = 	snop  }
0x27: {  	[tilespmem:s19], [sflag:$0x2] =	stream.indirect.gather [hbm4b:s4+s16], $0x80, s18, s16, $0xb8;
	[tilespmem:$0x1F800] =	vst v63  }
0x28: {  	_ =	swait.ge [sflag:s20], $0x2800  }
0x29: {  	[sflag:s20] =	ssyncset.done $0x0  }
0x2a: {  	[sflag:s20] =	ssyncadd.s32 $0xFFFFD800  }
0x2b: {  	[spmem:s1] =	stream.indirect.scatter.add.f32 [tilespmem:s17], [sflag:$0x4], $0x80, s15, s16, $0xb8;
	[tilespmem:$0x1F800] =	vst v63  }
0x2c: {  	_ = 	snop  }
0x2d: {  	[tilespmem:s22], [sflag:$0x3] =	stream.indirect.gather [hbm4b:s4+s16], $0x80, s21, s16, $0xb8;
	[tilespmem:$0x1F800] =	vst v63  }
0x2e: {  	_ =	swait.ge [sflag:s23], $0x2800  }
0x2f: {  	[sflag:s23] =	ssyncset.done $0x0  }
0x30: {  	s8 =	simm.s32 $0x2080;
	[sflag:s23] =	ssyncadd.s32 $0xFFFFD800  }
0x31: {  	[spmem:s1] =	stream.indirect.scatter.add.f32 [tilespmem:s19], [sflag:$0x5], $0x80, s8, s16, $0xb8;
	[tilespmem:$0x1F800] =	vst v63  }
0x32: {  	_ =	swait.ge [sflag:s24], $0x2800  }
0x33: {  	[sflag:s24] =	ssyncset.done $0x0  }
0x34: {  	s7 =	simm.s32 $0x180;
	[sflag:s24] =	ssyncadd.s32 $0xFFFFD800  }
0x35: {  	[tilespmem:s17], [sflag:$0x1] =	stream.indirect.gather [hbm4b:s4+s16], $0x80, s7, s16, $0xb8;
	[tilespmem:$0x1F800] =	vst v63  }
0x36: {  	_ =	swait.ge [sflag:s25], $0x2800  }
0x37: {  	[sflag:s25] =	ssyncset.done $0x0  }
0x38: {  	s8 =	simm.s32 $0x2100;
	[sflag:s25] =	ssyncadd.s32 $0xFFFFD800  }
0x39: {  	[spmem:s1] =	stream.indirect.scatter.add.f32 [tilespmem:s22], [sflag:$0x6], $0x80, s8, s16, $0xb8;
	[tilespmem:$0x1F800] =	vst v63  }
0x3a: {  	_ =	swait.ge [sflag:s26], $0x2800  }
0x3b: {  	[sflag:s26] =	ssyncset.done $0x0  }
0x3c: {  	s7 =	simm.s32 $0x200;
	[sflag:s26] =	ssyncadd.s32 $0xFFFFD800  }
0x3d: {  	[tilespmem:s19], [sflag:$0x2] =	stream.indirect.gather [hbm4b:s4+s16], $0x80, s7, s16, $0xb8;
	[tilespmem:$0x1F800] =	vst v63  }
0x3e: {  	_ =	swait.ge [sflag:s20], $0x2800  }
0x3f: {  	[sflag:s20] =	ssyncset.done $0x0  }
0x40: {  	s8 =	simm.s32 $0x2180;
	[sflag:s20] =	ssyncadd.s32 $0xFFFFD800  }
0x41: {  	[spmem:s1] =	stream.indirect.scatter.add.f32 [tilespmem:s17], [sflag:$0x4], $0x80, s8, s16, $0xb8;
	[tilespmem:$0x1F800] =	vst v63  }
0x42: {  	_ =	swait.ge [sflag:s28], $0x2800  }
0x43: {  	[sflag:s28] =	ssyncset.done $0x0  }
0x44: {  	s5 =	simm.s32 $0x600;
	s7 =	simm.s32 $0x280;
	[sflag:s28] =	ssyncadd.s32 $0xFFFFD800  }
.LBB2_2:
0x45: {  	[tilespmem:s22], [sflag:$0x3] =	stream.indirect.gather [hbm4b:s4+s16], $0x80, s7, s16, $0xb8;
	[tilespmem:$0x1F800] =	vst v63  }
0x46: {  	s7 =	smov.u32 s5  }
0x47: {  	p0 =	sne.s32 s5, $0x7200;
	s5 =	sadd.s32 $0x600, s5;
	_ =	swait.ge [sflag:s23], $0x2800  }
0x48: {  	s7 =	sshra.s32 s7, $0x2;
	[sflag:s23] =	ssyncset.done $0x0  }
0x49: {  	s8 =	sadd.s32 $0x2080, s7;
	[sflag:s23] =	ssyncadd.s32 $0xFFFFD800  }
0x4a: {  	[spmem:s1] =	stream.indirect.scatter.add.f32 [tilespmem:s19], [sflag:$0x5], $0x80, s8, s16, $0xb8;
	[tilespmem:$0x1F800] =	vst v63  }
0x4b: {  	_ =	swait.ge [sflag:s24], $0x2800  }
0x4c: {  	[sflag:s24] =	ssyncset.done $0x0  }
0x4d: {  	s8 =	sadd.s32 $0x180, s7;
	[sflag:s24] =	ssyncadd.s32 $0xFFFFD800  }
0x4e: {  	[tilespmem:s17], [sflag:$0x1] =	stream.indirect.gather [hbm4b:s4+s16], $0x80, s8, s16, $0xb8;
	[tilespmem:$0x1F800] =	vst v63  }
0x4f: {  	_ =	swait.ge [sflag:s25], $0x2800  }
0x50: {  	[sflag:s25] =	ssyncset.done $0x0  }
0x51: {  	s8 =	sadd.s32 $0x2100, s7;
	[sflag:s25] =	ssyncadd.s32 $0xFFFFD800  }
0x52: {  	[spmem:s1] =	stream.indirect.scatter.add.f32 [tilespmem:s22], [sflag:$0x6], $0x80, s8, s16, $0xb8;
	[tilespmem:$0x1F800] =	vst v63  }
0x53: {  	_ =	swait.ge [sflag:s26], $0x2800  }
0x54: {  	[sflag:s26] =	ssyncset.done $0x0  }
0x55: {  	s8 =	sadd.s32 $0x200, s7;
	[sflag:s26] =	ssyncadd.s32 $0xFFFFD800  }
0x56: {  	[tilespmem:s19], [sflag:$0x2] =	stream.indirect.gather [hbm4b:s4+s16], $0x80, s8, s16, $0xb8;
	[tilespmem:$0x1F800] =	vst v63  }
0x57: {  	_ =	swait.ge [sflag:s20], $0x2800  }
0x58: {  	[sflag:s20] =	ssyncset.done $0x0  }
.Ltmp0:
0x59: {  	s8 =	sadd.s32 $0x2180, s7;
	[sflag:s20] =	ssyncadd.s32 $0xFFFFD800;
	(pc) =	sbr.rel @p0 .LBB2_2-.Ltmp0, $4  }
0x5a: {  	[spmem:s1] =	stream.indirect.scatter.add.f32 [tilespmem:s17], [sflag:$0x4], $0x80, s8, s16, $0xb8;
	[tilespmem:$0x1F800] =	vst v63  }
0x5b: {  	_ =	swait.ge [sflag:s28], $0x2800  }
0x5c: {  	[sflag:s28] =	ssyncset.done $0x0  }
0x5d: {  	s7 =	sadd.s32 $0x280, s7;
	[sflag:s28] =	ssyncadd.s32 $0xFFFFD800  }
0x5e: {  	[tilespmem:s22], [sflag:$0x3] =	stream.indirect.gather [hbm4b:s4+s16], $0x80, s7, s16, $0xb8;
	[tilespmem:$0x1F800] =	vst v63  }
0x5f: {  	_ =	swait.ge [sflag:s23], $0x2800  }
0x60: {  	[sflag:s23] =	ssyncset.done $0x0  }
0x61: {  	[sflag:s23] =	ssyncadd.s32 $0xFFFFD800  }
0x62: {  	[spmem:s1] =	stream.indirect.scatter.add.f32 [tilespmem:s19], [sflag:$0x5], $0x80, s29, s16, $0xb8;
	[tilespmem:$0x1F800] =	vst v63  }
0x63: {  	_ =	swait.ge [sflag:s24], $0x2800  }
0x64: {  	[sflag:s24] =	ssyncset.done $0x0  }
0x65: {  	[sflag:s24] =	ssyncadd.s32 $0xFFFFD800  }
0x66: {  	[tilespmem:s17], [sflag:$0x1] =	stream.indirect.gather [hbm4b:s4+s16], $0x80, s30, s16, $0xb8;
	[tilespmem:$0x1F800] =	vst v63  }
0x67: {  	_ =	swait.ge [sflag:s25], $0x2800  }
0x68: {  	[sflag:s25] =	ssyncset.done $0x0  }
0x69: {  	[sflag:s25] =	ssyncadd.s32 $0xFFFFD800  }
0x6a: {  	[spmem:s1] =	stream.indirect.scatter.add.f32 [tilespmem:s22], [sflag:$0x6], $0x80, s31, s16, $0xb8;
	[tilespmem:$0x1F800] =	vst v63  }
0x6b: {  	_ =	swait.ge [sflag:s26], $0x2800  }
0x6c: {  	[sflag:s26] =	ssyncset.done $0x0  }
0x6d: {  	[sflag:s26] =	ssyncadd.s32 $0xFFFFD800  }
0x6e: {  	_ =	swait.ge [sflag:s20], $0x2800  }
0x6f: {  	[sflag:s20] =	ssyncset.done $0x0  }
0x70: {  	[sflag:s20] =	ssyncadd.s32 $0xFFFFD800  }
0x71: {  	[spmem:s1] =	stream.indirect.scatter.add.f32 [tilespmem:s17], [sflag:$0x4], $0x80, s0, s16, $0xb8;
	[tilespmem:$0x1F800] =	vst v63  }
0x72: {  	_ =	swait.ge [sflag:s28], $0x2800  }
0x73: {  	[sflag:s28] =	ssyncset.done $0x0  }
0x74: {  	[sflag:s28] =	ssyncadd.s32 $0xFFFFD800  }
0x75: {  	_ =	swait.ge [sflag:s24], $0x2800  }
0x76: {  	[sflag:s24] =	ssyncset.done $0x0  }
0x77: {  	s5 =	simm.s32 $0x0;
	[sflag:s24] =	ssyncadd.s32 $0xFFFFD800  }
0x78: {  	[tilespmem:s5], [sflag:$0x7] =	stream.linear.gather [hbm4b:s9+s5], $0x2000, $0x38;
	[tilespmem:$0x1F800] =	vst v63  }
0x79: {  	_ =	swait.ge [sflag:s14], $0x2000  }
0x7a: {  	[sflag:s14] =	ssyncset.done $0x0  }
0x7b: {  	[sflag:s14] =	ssyncadd.s32 $0xFFFFE000  }
0x7c: {  	[tilespmem:s15], [sflag:$0x7] =	stream.linear.gather [hbm4b:s10+s5], $0x2000, $0x38;
	[tilespmem:$0x1F800] =	vst v63  }
0x7d: {  	_ =	swait.ge [sflag:s14], $0x2000  }
0x7e: {  	[sflag:s14] =	ssyncset.done $0x0  }
0x7f: {  	[sflag:s14] =	ssyncadd.s32 $0xFFFFE000  }
0x80: {  	[tilespmem:s17], [sflag:$0x1] =	stream.indirect.gather [hbm4b:s4+s16], $0x80, s5, s16, $0xb8;
	[tilespmem:$0x1F800] =	vst v63  }
0x81: {  	_ = 	snop  }
0x82: {  	[tilespmem:s19], [sflag:$0x2] =	stream.indirect.gather [hbm4b:s4+s16], $0x80, s18, s16, $0xb8;
	[tilespmem:$0x1F800] =	vst v63  }
0x83: {  	_ =	swait.ge [sflag:s20], $0x2800  }
0x84: {  	[sflag:s20] =	ssyncset.done $0x0  }
0x85: {  	[sflag:s20] =	ssyncadd.s32 $0xFFFFD800  }
0x86: {  	[spmem:s1] =	stream.indirect.scatter.add.f32 [tilespmem:s17], [sflag:$0x4], $0x80, s15, s16, $0xb8;
	[tilespmem:$0x1F800] =	vst v63  }
0x87: {  	_ = 	snop  }
0x88: {  	[tilespmem:s22], [sflag:$0x3] =	stream.indirect.gather [hbm4b:s4+s16], $0x80, s21, s16, $0xb8;
	[tilespmem:$0x1F800] =	vst v63  }
0x89: {  	_ =	swait.ge [sflag:s23], $0x2800  }
0x8a: {  	[sflag:s23] =	ssyncset.done $0x0  }
0x8b: {  	s8 =	simm.s32 $0x2080;
	[sflag:s23] =	ssyncadd.s32 $0xFFFFD800  }
0x8c: {  	[spmem:s1] =	stream.indirect.scatter.add.f32 [tilespmem:s19], [sflag:$0x5], $0x80, s8, s16, $0xb8;
	[tilespmem:$0x1F800] =	vst v63  }
0x8d: {  	_ =	swait.ge [sflag:s24], $0x2800  }
0x8e: {  	[sflag:s24] =	ssyncset.done $0x0  }
0x8f: {  	s7 =	simm.s32 $0x180;
	[sflag:s24] =	ssyncadd.s32 $0xFFFFD800  }
0x90: {  	[tilespmem:s17], [sflag:$0x1] =	stream.indirect.gather [hbm4b:s4+s16], $0x80, s7, s16, $0xb8;
	[tilespmem:$0x1F800] =	vst v63  }
0x91: {  	_ =	swait.ge [sflag:s25], $0x2800  }
0x92: {  	[sflag:s25] =	ssyncset.done $0x0  }
0x93: {  	s8 =	simm.s32 $0x2100;
	[sflag:s25] =	ssyncadd.s32 $0xFFFFD800  }
0x94: {  	[spmem:s1] =	stream.indirect.scatter.add.f32 [tilespmem:s22], [sflag:$0x6], $0x80, s8, s16, $0xb8;
	[tilespmem:$0x1F800] =	vst v63  }
0x95: {  	_ =	swait.ge [sflag:s26], $0x2800  }
0x96: {  	[sflag:s26] =	ssyncset.done $0x0  }
0x97: {  	s7 =	simm.s32 $0x200;
	[sflag:s26] =	ssyncadd.s32 $0xFFFFD800  }
0x98: {  	[tilespmem:s19], [sflag:$0x2] =	stream.indirect.gather [hbm4b:s4+s16], $0x80, s7, s16, $0xb8;
	[tilespmem:$0x1F800] =	vst v63  }
0x99: {  	_ =	swait.ge [sflag:s20], $0x2800  }
0x9a: {  	[sflag:s20] =	ssyncset.done $0x0  }
0x9b: {  	s8 =	simm.s32 $0x2180;
	[sflag:s20] =	ssyncadd.s32 $0xFFFFD800  }
0x9c: {  	[spmem:s1] =	stream.indirect.scatter.add.f32 [tilespmem:s17], [sflag:$0x4], $0x80, s8, s16, $0xb8;
	[tilespmem:$0x1F800] =	vst v63  }
0x9d: {  	_ =	swait.ge [sflag:s28], $0x2800  }
0x9e: {  	[sflag:s28] =	ssyncset.done $0x0  }
0x9f: {  	s5 =	simm.s32 $0x600;
	s7 =	simm.s32 $0x280;
	[sflag:s28] =	ssyncadd.s32 $0xFFFFD800  }
.LBB2_4:
0xa0: {  	[tilespmem:s22], [sflag:$0x3] =	stream.indirect.gather [hbm4b:s4+s16], $0x80, s7, s16, $0xb8;
	[tilespmem:$0x1F800] =	vst v63  }
0xa1: {  	s7 =	smov.u32 s5  }
0xa2: {  	p0 =	sne.s32 s5, $0x7200;
	s5 =	sadd.s32 $0x600, s5;
	_ =	swait.ge [sflag:s23], $0x2800  }
0xa3: {  	s7 =	sshra.s32 s7, $0x2;
	[sflag:s23] =	ssyncset.done $0x0  }
0xa4: {  	s8 =	sadd.s32 $0x2080, s7;
	[sflag:s23] =	ssyncadd.s32 $0xFFFFD800  }
0xa5: {  	[spmem:s1] =	stream.indirect.scatter.add.f32 [tilespmem:s19], [sflag:$0x5], $0x80, s8, s16, $0xb8;
	[tilespmem:$0x1F800] =	vst v63  }
0xa6: {  	_ =	swait.ge [sflag:s24], $0x2800  }
0xa7: {  	[sflag:s24] =	ssyncset.done $0x0  }
0xa8: {  	s8 =	sadd.s32 $0x180, s7;
	[sflag:s24] =	ssyncadd.s32 $0xFFFFD800  }
0xa9: {  	[tilespmem:s17], [sflag:$0x1] =	stream.indirect.gather [hbm4b:s4+s16], $0x80, s8, s16, $0xb8;
	[tilespmem:$0x1F800] =	vst v63  }
0xaa: {  	_ =	swait.ge [sflag:s25], $0x2800  }
0xab: {  	[sflag:s25] =	ssyncset.done $0x0  }
0xac: {  	s8 =	sadd.s32 $0x2100, s7;
	[sflag:s25] =	ssyncadd.s32 $0xFFFFD800  }
0xad: {  	[spmem:s1] =	stream.indirect.scatter.add.f32 [tilespmem:s22], [sflag:$0x6], $0x80, s8, s16, $0xb8;
	[tilespmem:$0x1F800] =	vst v63  }
0xae: {  	_ =	swait.ge [sflag:s26], $0x2800  }
0xaf: {  	[sflag:s26] =	ssyncset.done $0x0  }
0xb0: {  	s8 =	sadd.s32 $0x200, s7;
	[sflag:s26] =	ssyncadd.s32 $0xFFFFD800  }
0xb1: {  	[tilespmem:s19], [sflag:$0x2] =	stream.indirect.gather [hbm4b:s4+s16], $0x80, s8, s16, $0xb8;
	[tilespmem:$0x1F800] =	vst v63  }
0xb2: {  	_ =	swait.ge [sflag:s20], $0x2800  }
0xb3: {  	[sflag:s20] =	ssyncset.done $0x0  }
.Ltmp1:
0xb4: {  	s8 =	sadd.s32 $0x2180, s7;
	[sflag:s20] =	ssyncadd.s32 $0xFFFFD800;
	(pc) =	sbr.rel @p0 .LBB2_4-.Ltmp1, $4  }
0xb5: {  	[spmem:s1] =	stream.indirect.scatter.add.f32 [tilespmem:s17], [sflag:$0x4], $0x80, s8, s16, $0xb8;
	[tilespmem:$0x1F800] =	vst v63  }
0xb6: {  	_ =	swait.ge [sflag:s28], $0x2800  }
0xb7: {  	[sflag:s28] =	ssyncset.done $0x0  }
0xb8: {  	s7 =	sadd.s32 $0x280, s7;
	[sflag:s28] =	ssyncadd.s32 $0xFFFFD800  }
0xb9: {  	[tilespmem:s22], [sflag:$0x3] =	stream.indirect.gather [hbm4b:s4+s16], $0x80, s7, s16, $0xb8;
	[tilespmem:$0x1F800] =	vst v63  }
0xba: {  	_ =	swait.ge [sflag:s23], $0x2800  }
0xbb: {  	[sflag:s23] =	ssyncset.done $0x0  }
0xbc: {  	[sflag:s23] =	ssyncadd.s32 $0xFFFFD800  }
0xbd: {  	[spmem:s1] =	stream.indirect.scatter.add.f32 [tilespmem:s19], [sflag:$0x5], $0x80, s29, s16, $0xb8;
	[tilespmem:$0x1F800] =	vst v63  }
0xbe: {  	_ =	swait.ge [sflag:s24], $0x2800  }
0xbf: {  	[sflag:s24] =	ssyncset.done $0x0  }
0xc0: {  	[sflag:s24] =	ssyncadd.s32 $0xFFFFD800  }
0xc1: {  	[tilespmem:s17], [sflag:$0x1] =	stream.indirect.gather [hbm4b:s4+s16], $0x80, s30, s16, $0xb8;
	[tilespmem:$0x1F800] =	vst v63  }
0xc2: {  	_ =	swait.ge [sflag:s25], $0x2800  }
0xc3: {  	[sflag:s25] =	ssyncset.done $0x0  }
0xc4: {  	[sflag:s25] =	ssyncadd.s32 $0xFFFFD800  }
0xc5: {  	[spmem:s1] =	stream.indirect.scatter.add.f32 [tilespmem:s22], [sflag:$0x6], $0x80, s31, s16, $0xb8;
	[tilespmem:$0x1F800] =	vst v63  }
0xc6: {  	_ =	swait.ge [sflag:s26], $0x2800  }
0xc7: {  	[sflag:s26] =	ssyncset.done $0x0  }
0xc8: {  	[sflag:s26] =	ssyncadd.s32 $0xFFFFD800  }
0xc9: {  	_ =	swait.ge [sflag:s20], $0x2800  }
0xca: {  	[sflag:s20] =	ssyncset.done $0x0  }
0xcb: {  	[sflag:s20] =	ssyncadd.s32 $0xFFFFD800  }
0xcc: {  	[spmem:s1] =	stream.indirect.scatter.add.f32 [tilespmem:s17], [sflag:$0x4], $0x80, s0, s16, $0xb8;
	[tilespmem:$0x1F800] =	vst v63  }
0xcd: {  	_ =	swait.ge [sflag:s28], $0x2800  }
0xce: {  	[sflag:s28] =	ssyncset.done $0x0  }
0xcf: {  	[sflag:s28] =	ssyncadd.s32 $0xFFFFD800  }
0xd0: {  	_ =	swait.ge [sflag:s24], $0x2800  }
0xd1: {  	s2 =	sadd.s32 $0x1, s2;
	[sflag:s24] =	ssyncset.done $0x0  }
0xd2: {  	p0 =	sne.s32 s2, s12;
	[sflag:s24] =	ssyncadd.s32 $0xFFFFD800  }
.Ltmp2:
0xd3: {  	[bflag:$0x0] =	sbarrier.arrive $0xFFFF;
	(pc) =	sbr.rel @p0 .LBB2_1-.Ltmp2, $4  }
0xd4: {  	[hbm:s11], [sflag:s6] =	dma.local [spmem:s13], $0x2800  }
0xd5: {  	_ =	swait.ge [sflag:s14], $0x2800  }
0xd6: {  	[sflag:s14] =	ssyncset.done $0x0  }
0xd7: {  	[sflag:s14] =	ssyncadd.s32 $0xFFFFD800  }
0xd8: {  	_ =	sfence.sel $0x180000  }
0xd9: {  	[bflag:$0x0] =	sbarrier.arrive $0xFFFF  }
0xda: {  	_ =	strace $0x90000047  }
0xdb: {  	s0 =	stileid.u32;
	[bflag:$0x2] =	sbarrier.arrive $0xFFFF  }
0xdc: {  	p0 =	sne.s32 s0, $0x0;
	s0 =	rddreg [dreg:$0x3]  }
0xdd: {  	s0 =	sadd.s32 @!p0 $0x100000, s0  }
0xde: {  	[sflag:s0] =	ssyncadd.tile.s32 @!p0 $0x1;
	_ =	shalt  }
.Lfunc_end2:
_tile_overlayer_lowered:
.L_overlay_start_2:
0xdf: {  	(tag) =	ssettag $0x2  }
0xe0: {  	s0 =	rddreg [dreg:$0x0];
	s2 =	stileid.u32  }
0xe1: {  	s1 =	rddreg [dreg:$0x1];
	p0 =	sne.s32 s2, $0x0  }
0xe2: {  	s3 =	rddreg [dreg:$0x2];
	[bflag:$0x3] =	sbarrier.arrive $0xFFFF;
	s2 =	simm.s32 @!p0 $0x1C07  }
0xe3: {  	[timem:s3], [sflag:s2] =	dma.local @!p0 [hbm:s0], s1  }
0xe4: {  	s0 =	simm.s32 @!p0 $0x7  }
0xe5: {  	_ =	swait.ge @!p0 [sflag:s0], s1  }
0xe6: {  	s1 =	ssub.s32 @!p0 $0x0, s1;
	[sflag:s0] =	ssyncset.done @!p0 $0x0  }
0xe7: {  	[sflag:s0] =	ssyncadd.s32 @!p0 s1  }
0xe8: {  	[bflag:$0x3] =	sbarrier.arrive $0xFFFF  }
0xe9: {  	_ =	shalt  }

// kernel: kernel.16.cloned.1.call-start
scs
__scs_entry_jumppad:
0x0: {  	(pc) =	sbr.rel $0x88, $3  }
0x1: {  	(tag) =	ssettag $0x0;
	lr =	simm.s32 $0x1  }
0x2: {  	[smem:$0x3F94] =	sst lr;
	_ =	strace $0xD0000000  }
0x3: {  	_ = 	snop  }
0x4: {  	_ = 	snop  }
0x5: {  	_ = 	snop  }
0x6: {  	_ = 	snop  }
0x7: {  	_ = 	snop  }
__scs_overlays_trampoline_lowered:
0x8: {  	[smem:$0x3FA3] =	sst s0  }
0x9: {  	[smem:$0x3FA4] =	sst s1  }
0xa: {  	[smem:$0x3FA5] =	sst s2  }
0xb: {  	[smem:$0x3FA6] =	sst s3  }
0xc: {  	[smem:$0x3FA7] =	sst s4  }
0xd: {  	[smem:$0x3FA8] =	sst s5  }
0xe: {  	[smem:$0x3FA9] =	sst s6  }
0xf: {  	[smem:$0x3FAA] =	sst s7  }
0x10: {  	[smem:$0x3FAB] =	sst s8  }
0x11: {  	[smem:$0x3FAC] =	sst s9;
	s0 =	simm.s32 @!p0 $0x0  }
0x12: {  	s1 =	sld [smem:$0x3F92];
	s0 =	simm.s32 @p0 $0x1  }
0x13: {  	[smem:$0x3FAD] =	sst s0;
	s0 =	simm.s32 @!p1 $0x0  }
0x14: {  	s2 =	sld [smem:$0x3F91];
	s0 =	simm.s32 @p1 $0x1  }
0x15: {  	[smem:$0x3FAE] =	sst s0;
	s0 =	simm.s32 @!p2 $0x0  }
0x16: {  	s3 =	sld [smem:$0x3FDB];
	s0 =	simm.s32 @p2 $0x1  }
0x17: {  	s4 =	simm.s32 $0x1BF5;
	[smem:$0x3FB0] =	sst s0  }
0x18: {  	s0 =	sld [smem:$0x3F93];
	_ =	swait.ge [sflag:s4], $0x0  }
0x19: {  	s7 =	sld [smem:$0x3F94]  }
0x1a: {  	s8 =	sadd.s32 $0xFFFFE003, lr  }
0x1b: {  	s9 =	sadd.s32 $0xFFFFFEF7, lr;
	s5 =	simm.s32 $0xFFFFFFFF;
	p2 =	slt.u32 s8, $0xFFFFF086  }
0x1c: {  	p1 =	slt.u32 s9, $0xF7A;
	s5 =	simm.s32 @!p2 $0x0  }
0x1d: {  	s5 =	simm.s32 @p1 $0x1;
	p0 =	seq.s32 s7, s2  }
0x1e: {  	s7 =	smul.u32 @!p0 $0xF7A, s2;
	p2 =	seq.s32 @!p0 s5, $0x0  }
0x1f: {  	s9 =	smul.u32 $0xF7A, s1;
	s8 =	simm.s32 @!p0 $0x1BF5;
	p2 =	por !p2, p0  }
0x20: {  	[sflag:s8] =	ssyncset.s32 @!p0 $0xFFFFF086;
	s6 =	sadd.s32 @!p0 s3, s7;
	s7 =	simm.s32 @!p0 $0x108  }
0x21: {  	s3 =	sadd.s32 s3, s9;
	s6 =	sadd.s32 @!p0 $0x88, s6;
	s7 =	simm.s32 @p2 $0x1082  }
0x22: {  	[simem:s7], [sflag:s8] =	dma.local @!p0 [hbm:s6], $0xF7A  }
0x23: {  	s9 =	sor.u32 $0xD0000000, s2;
	s6 =	simm.s32 $0x108;
	_ =	swait.ge @!p0 [sflag:s8], $0x0  }
0x24: {  	s3 =	sadd.s32 $0x88, s3;
	s6 =	simm.s32 @!p1 $0x1082;
	[sflag:s4] =	ssyncset.s32 $0xFFFFF086  }
0x25: {  	[simem:s6], [sflag:s4] =	dma.local [hbm:s3], $0xF7A  }
0x26: {  	[smem:$0x3F94] =	sst s1;
	(tag) =	ssettag s2;
	_ =	strace s9  }
0x27: {  	s1 =	sld [smem:$0x3FA4]  }
0x28: {  	s2 =	sld [smem:$0x3FA5]  }
0x29: {  	s4 =	sld [smem:$0x3FA7]  }
0x2a: {  	p0 =	seq.s32 s5, $0x0;
	s5 =	sld [smem:$0x3FA8]  }
0x2b: {  	s6 =	sld [smem:$0x3FA9]  }
0x2c: {  	s7 =	sld [smem:$0x3FAA]  }
0x2d: {  	s3 =	simm.s32 $0x108;
	s8 =	sld [smem:$0x3FAB]  }
0x2e: {  	s3 =	simm.s32 @!p0 $0x1082;
	s9 =	sld [smem:$0x3FAC]  }
0x2f: {  	lr =	sadd.s32 s0, s3;
	s0 =	sld [smem:$0x3FA3]  }
0x30: {  	s3 =	sld [smem:$0x3FA6]  }
0x31: {  	[smem:$0x3FAF] =	sst s10  }
0x32: {  	s10 =	sld [smem:$0x3FAD];
	_ =	sdelay $0x3  }
0x33: {  	p0 =	seq.s32 s10, $0x1;
	s10 =	sld [smem:$0x3FAF];
	_ =	sdelay $0x3  }
0x34: {  	[smem:$0x3FAF] =	sst s10  }
0x35: {  	s10 =	sld [smem:$0x3FAE];
	_ =	sdelay $0x3  }
0x36: {  	p1 =	seq.s32 s10, $0x1;
	s10 =	sld [smem:$0x3FAF];
	_ =	sdelay $0x3  }
0x37: {  	[smem:$0x3FAF] =	sst s10  }
0x38: {  	s10 =	sld [smem:$0x3FB0]  }
0x39: {  	_ = 	snop;
	(pc) =	sbr.ind lr, $3  }
0x3a: {  	_ = 	snop  }
0x3b: {  	_ = 	snop  }
0x3c: {  	p2 =	seq.s32 s10, $0x1;
	s10 =	sld [smem:$0x3FAF]  }
0x3d: {  	_ =	shalt  }
0x3e: {  	_ =	shalt  }
0x3f: {  	_ =	shalt  }
0x40: {  	_ =	shalt  }
0x41: {  	_ =	shalt  }
0x42: {  	_ =	shalt  }
0x43: {  	_ =	shalt  }
0x44: {  	_ =	shalt  }
0x45: {  	_ =	shalt  }
0x46: {  	_ =	shalt  }
0x47: {  	_ =	shalt  }
0x48: {  	_ =	shalt  }
0x49: {  	_ =	shalt  }
0x4a: {  	_ =	shalt  }
0x4b: {  	_ =	shalt  }
0x4c: {  	_ =	shalt  }
0x4d: {  	_ =	shalt  }
0x4e: {  	_ =	shalt  }
0x4f: {  	_ =	shalt  }
0x50: {  	_ =	shalt  }
0x51: {  	_ =	shalt  }
0x52: {  	_ =	shalt  }
0x53: {  	_ =	shalt  }
0x54: {  	_ =	shalt  }
0x55: {  	_ =	shalt  }
0x56: {  	_ =	shalt  }
0x57: {  	_ =	shalt  }
0x58: {  	_ =	shalt  }
0x59: {  	_ =	shalt  }
0x5a: {  	_ =	shalt  }
0x5b: {  	_ =	shalt  }
0x5c: {  	_ =	shalt  }
0x5d: {  	_ =	shalt  }
0x5e: {  	_ =	shalt  }
0x5f: {  	_ =	shalt  }
0x60: {  	_ =	shalt  }
0x61: {  	_ =	shalt  }
0x62: {  	_ =	shalt  }
0x63: {  	_ =	shalt  }
0x64: {  	_ =	shalt  }
0x65: {  	_ =	shalt  }
0x66: {  	_ =	shalt  }
0x67: {  	_ =	shalt  }
0x68: {  	_ =	shalt  }
0x69: {  	_ =	shalt  }
0x6a: {  	_ =	shalt  }
0x6b: {  	_ =	shalt  }
0x6c: {  	_ =	shalt  }
0x6d: {  	_ =	shalt  }
0x6e: {  	_ =	shalt  }
0x6f: {  	_ =	shalt  }
0x70: {  	_ =	shalt  }
0x71: {  	_ =	shalt  }
0x72: {  	_ =	shalt  }
0x73: {  	_ =	shalt  }
0x74: {  	_ =	shalt  }
0x75: {  	_ =	shalt  }
0x76: {  	_ =	shalt  }
0x77: {  	_ =	shalt  }
0x78: {  	_ =	shalt  }
0x79: {  	_ =	shalt  }
0x7a: {  	_ =	shalt  }
0x7b: {  	_ =	shalt  }
0x7c: {  	_ =	shalt  }
0x7d: {  	_ =	shalt  }
0x7e: {  	_ =	shalt  }
0x7f: {  	_ =	shalt  }
0x80: {  	_ =	shalt  }
0x81: {  	_ =	shalt  }
0x82: {  	_ =	shalt  }
0x83: {  	_ =	shalt  }
0x84: {  	_ =	shalt  }
0x85: {  	_ =	shalt  }
0x86: {  	_ =	shalt  }
0x87: {  	_ =	shalt  }
.Lfunc_end0:
.L_simem_size_0:
called_computation.2_lowered:
.L_overlay_start_0:
0x88: {  	s2 =	sld [smem:$0x3FD9]  }
0x89: {  	s3 =	sld [smem:$0x3FFE];
	_ =	sdelay $0x1  }
0x8a: {  	s1 =	srdreg.scid  }
0x8b: {  	s0 =	sand.u32 $0x1, s1  }
0x8c: {  	s17 =	sshll.u32 s0, $0xA;
	s2 =	sadd.s32 s3, s2  }
0x8d: {  	s2 =	sadd.s32 s2, s17  }
0x8e: {  	[smem:$0x3FBB] =	sst s2  }
0x8f: {  	_ = 	snop  }
0x90: {  	s2 =	sld [smem:$0x3FD0];
	(tm) =	ssettm $0x1  }
0x91: {  	s18 =	sld [smem:$0x3FFB];
	_ =	sdelay $0x3  }
0x92: {  	_ =	strace s18  }
0x93: {  	s3 =	sld [smem:$0x3FFC];
	_ =	sdelay $0x3  }
0x94: {  	_ =	strace s3  }
0x95: {  	s3 =	sld [smem:$0x3FFD];
	_ =	sdelay $0x3  }
0x96: {  	_ =	strace s3  }
0x97: {  	_ =	strace $0x8FFFFFFF  }
0x98: {  	s19 =	sld [smem:$0x3FDB];
	_ =	sdelay $0x1  }
0x99: {  	s4 =	simm.s32 $_scs_section_size  }
0x9a: {  	s5 =	simm.s32 $_size__tile_overlayer_lowered;
	s6 =	simm.s32 $_tile_overlayer_lowered  }
0x9b: {  	s22 =	simm.s32 $0x1BFF;
	s21 =	sshll.u32 s6, $0x1;
	s3 =	sadd.s32 s4, s19  }
0x9c: {  	s7 =	simm.s32 $0x0;
	s20 =	sshll.u32 s5, $0x1;
	s5 =	sadd.s32 s21, s3  }
0x9d: {  	[timem:s7], [sflag:s22] =	dma.local [hbm:s5], s20  }
0x9e: {  	_ =	swait.ge [sflag:s22], s20  }
0x9f: {  	s4 =	ssub.s32 $0x0, s20;
	[sflag:s22] =	ssyncset.done $0x0  }
0xa0: {  	[sflag:s22] =	ssyncadd.s32 s4;
	_ =	sdelay $0x1  }
0xa1: {  	s23 =	simm.s32 $0x1B8B  }
0xa2: {  	_ =	swait.ge [sflag:s23], $0x1  }
0xa3: {  	[sflag:s23] =	ssyncset.done $0x0  }
0xa4: {  	s25 =	simm.s32 $0x1B8E;
	s24 =	sld [smem:$0x3FFE];
	[sflag:s23] =	ssyncadd.s32 $0xFFFFFFFF  }
0xa5: {  	s26 =	simm.s32 $execute0_lowered;
	[smem:$0x3FD2] =	sst s25  }
0xa6: {  	s5 =	sshll.u32 s26, $0x1;
	_ =	strace $0x8000004C;
	[dreg:$0x1] =	wrdreg $0xFFFFFFFF  }
0xa7: {  	s28 =	simm.s32 $_size_execute0_lowered;
	s3 =	sadd.s32 s3, s5;
	[dreg:$0x0] =	wrdreg $0x0  }
0xa8: {  	s5 =	sshll.u32 s28, $0x1;
	[dreg:$0x2] =	wrdreg s3  }
0xa9: {  	[dreg:$0x3] =	wrdreg s5  }
0xaa: {  	[dreg:$0x4] =	wrdreg $0xC0  }
0xab: {  	_ =	task [dreg:s7], $0x5FFFF  }
0xac: {  	[dreg:$0x1] =	wrdreg $0xFFFFFFFF  }
0xad: {  	[dreg:$0x0] =	wrdreg $0x60  }
0xae: {  	[dreg:$0x2] =	wrdreg s24  }
0xaf: {  	[dreg:$0x3] =	wrdreg s2  }
0xb0: {  	[dreg:$0x4] =	wrdreg $0xB8000  }
0xb1: {  	[dreg:$0x5] =	wrdreg $0x9  }
0xb2: {  	_ =	task.clear_ibuf [dreg:s7], $0x6FFFF;
	_ =	strace $0x9000004C  }
0xb3: {  	s29 =	simm.s32 $0x9;
	_ =	strace $0x8000004E  }
0xb4: {  	_ =	swait.ge [sflag:s29], $0x1  }
0xb5: {  	[sflag:s29] =	ssyncadd.s32 $0xFFFFFFFF  }
0xb6: {  	_ =	strace $0x9000004E  }
0xb7: {  	_ =	sfence  }
0xb8: {  	s30 =	sld [smem:$0x0];
	_ =	sdelay $0x2  }
0xb9: {  	s31 =	sshll.u32 s1, $0xD;
	s1 =	sshrl.u32 s1, $0x2  }
0xba: {  	s3 =	sand.u32 $0x4000, s31;
	s1 =	sadd.s32 s1, s30  }
0xbb: {  	s0 =	sor.u32 s3, s0;
	s1 =	sshll.u32 s1, $0x11  }
0xbc: {  	s0 =	sor.u32 s1, s0  }
0xbd: {  	s0 =	sadd.s32 $0x8F2B, s0  }
0xbe: {  	[sflag:s0] =	ssyncadd.remote.s32 $0x1  }
0xbf: {  	_ =	sfence.sel $0xFFFF  }
0xc0: {  	[dreg:$0x0] =	wrdreg $0xFFFFFFFF;
	(pc) =	sbr.abs _section_cstart, $3  }
0xc1: {  	[dreg:$0x1] =	wrdreg $0xFFFFFFFF  }
0xc2: {  	_ =	task.clear_ibuf [dreg:s7], $0x2FFFF;
	_ =	strace $0x9FFFFFFF  }
0xc3: {  	(tm) =	ssettm $0x7FFFFFFF  }
tec
execute0_lowered:
.L_overlay_start_1:
0x0: {  	(tag) =	ssettag $0x1  }
0x1: {  	s0 =	rddreg [dreg:$0x0]  }
0x2: {  	s2 =	rddreg [dreg:$0x1]  }
0x3: {  	s1 =	rddreg [dreg:$0x2];
	s3 =	srdreg.scid  }
0x4: {  	s11 =	stileid.u32;
	s14 =	simm.s32 $0x7;
	s15 =	simm.s32 $0x2000  }
0x5: {  	s16 =	simm.s32 $0x50;
	s17 =	simm.s32 $0x4000;
	s18 =	simm.s32 $0x80  }
0x6: {  	s19 =	simm.s32 $0x6800;
	s28 =	simm.s32 $0x6;
	s29 =	simm.s32 $0x3E80  }
0x7: {  	s30 =	simm.s32 $0x1F80;
	s31 =	simm.s32 $0x3F00;
	s5 =	sand.u32 $0x1, s3  }
0x8: {  	s3 =	simm.s32 $0x0;
	s7 =	smul.u32 $0x14000, s11;
	s4 =	sadd.s32 $0x14800, s0  }
0x9: {  	s9 =	sadd.s32 $0x4800, s0;
	s8 =	smul.u32 $0x50000, s11;
	s10 =	sadd.s32 $0x64800, s0  }
0xa: {  	s23 =	sshll.u32 s11, $0x6;
	s24 =	sshll.u32 s11, $0xB;
	s6 =	smul.u32 $0x140000, s5  }
0xb: {  	[smem:$0x7FF] =	sst s3;
	s20 =	ssub.s32 $0x2, s5;
	s5 =	sshll.u32 s5, $0xF  }
0xc: {  	_ =	strace $0x8000004D;
	[dreg:$0x4] =	wrdreg s10;
	s21 =	sshrl.u32 s20, $0x1  }
0xd: {  	s22 =	sshrl.u32 s8, $0x2;
	s5 =	sor.u32 s24, s5;
	s24 =	simm.s32 $0x4  }
0xe: {  	s6 =	sadd.s32 s7, s6;
	s7 =	ssub.s32 s20, s21;
	s13 =	sadd.s32 s22, s1  }
0xf: {  	s25 =	sadd.s32 s9, s5;
	s26 =	sadd.s32 s2, s5;
	s5 =	sor.u32 $0x400, s5  }
0x10: {  	s20 =	simm.s32 $0x1;
	s21 =	simm.s32 $0x100;
	[dreg:$0x5] =	wrdreg s25  }
0x11: {  	s22 =	simm.s32 $0x9000;
	s6 =	sshrl.u32 s6, $0x3;
	[dreg:$0x6] =	wrdreg s26  }
0x12: {  	s9 =	sadd.s32 s9, s5;
	s10 =	sadd.s32 s2, s5;
	s12 =	smax.u32 s7, $0x1  }
0x13: {  	s13 =	sshrl.u32 s13, $0x3;
	s25 =	simm.s32 $0x3;
	s26 =	simm.s32 $0x5  }
0x14: {  	s2 =	simm.s32 $0x0;
	s0 =	sadd.s32 s6, s0;
	s6 =	sor.u32 $0x1C07, s23  }
0x15: {  	s23 =	simm.s32 $0x2;
	s11 =	sadd.s32 $0x8F000, s0;
	s0 =	simm.s32 $0x3F80  }
.LBB2_1:
0x16: {  	s5 =	rddreg [dreg:$0x4]  }
0x17: {  	[spmem:s13], [sflag:s6] =	dma.local [hbm:s5], $0x2800  }
0x18: {  	_ =	swait.ge [sflag:s14], $0x2800  }
0x19: {  	[sflag:s14] =	ssyncset.done $0x0  }
0x1a: {  	[sflag:s14] =	ssyncadd.s32 $0xFFFFD800  }
0x1b: {  	[bflag:$0x0] =	sbarrier.arrive $0xFFFF  }
0x1c: {  	s8 =	rddreg [dreg:$0x5]  }
0x1d: {  	[tilespmem:s3], [sflag:$0x7] =	stream.linear.gather [hbm4b:s8+s3], $0x2000, $0x38;
	[tilespmem:$0x1F800] =	vst v63  }
0x1e: {  	_ =	swait.ge [sflag:s14], $0x2000  }
0x1f: {  	[sflag:s14] =	ssyncset.done $0x0  }
0x20: {  	s7 =	rddreg [dreg:$0x6];
	[sflag:s14] =	ssyncadd.s32 $0xFFFFE000  }
0x21: {  	[tilespmem:s15], [sflag:$0x7] =	stream.linear.gather [hbm4b:s7+s3], $0x2000, $0x38;
	[tilespmem:$0x1F800] =	vst v63  }
0x22: {  	_ =	swait.ge [sflag:s14], $0x2000  }
0x23: {  	[sflag:s14] =	ssyncset.done $0x0  }
0x24: {  	[sflag:s14] =	ssyncadd.s32 $0xFFFFE000  }
0x25: {  	[tilespmem:s17], [sflag:$0x1] =	stream.indirect.gather [hbm4b:s4+s16], $0x80, s3, s16, $0xb8;
	[tilespmem:$0x1F800] =	vst v63  }
0x26: {  	_ = 	snop  }
0x27: {  	[tilespmem:s19], [sflag:$0x2] =	stream.indirect.gather [hbm4b:s4+s16], $0x80, s18, s16, $0xb8;
	[tilespmem:$0x1F800] =	vst v63  }
0x28: {  	_ =	swait.ge [sflag:s20], $0x2800  }
0x29: {  	[sflag:s20] =	ssyncset.done $0x0  }
0x2a: {  	[sflag:s20] =	ssyncadd.s32 $0xFFFFD800  }
0x2b: {  	[spmem:s1] =	stream.indirect.scatter.add.f32 [tilespmem:s17], [sflag:$0x4], $0x80, s15, s16, $0xb8;
	[tilespmem:$0x1F800] =	vst v63  }
0x2c: {  	_ = 	snop  }
0x2d: {  	[tilespmem:s22], [sflag:$0x3] =	stream.indirect.gather [hbm4b:s4+s16], $0x80, s21, s16, $0xb8;
	[tilespmem:$0x1F800] =	vst v63  }
0x2e: {  	_ =	swait.ge [sflag:s23], $0x2800  }
0x2f: {  	[sflag:s23] =	ssyncset.done $0x0  }
0x30: {  	s8 =	simm.s32 $0x2080;
	[sflag:s23] =	ssyncadd.s32 $0xFFFFD800  }
0x31: {  	[spmem:s1] =	stream.indirect.scatter.add.f32 [tilespmem:s19], [sflag:$0x5], $0x80, s8, s16, $0xb8;
	[tilespmem:$0x1F800] =	vst v63  }
0x32: {  	_ =	swait.ge [sflag:s24], $0x2800  }
0x33: {  	[sflag:s24] =	ssyncset.done $0x0  }
0x34: {  	s7 =	simm.s32 $0x180;
	[sflag:s24] =	ssyncadd.s32 $0xFFFFD800  }
0x35: {  	[tilespmem:s17], [sflag:$0x1] =	stream.indirect.gather [hbm4b:s4+s16], $0x80, s7, s16, $0xb8;
	[tilespmem:$0x1F800] =	vst v63  }
0x36: {  	_ =	swait.ge [sflag:s25], $0x2800  }
0x37: {  	[sflag:s25] =	ssyncset.done $0x0  }
0x38: {  	s8 =	simm.s32 $0x2100;
	[sflag:s25] =	ssyncadd.s32 $0xFFFFD800  }
0x39: {  	[spmem:s1] =	stream.indirect.scatter.add.f32 [tilespmem:s22], [sflag:$0x6], $0x80, s8, s16, $0xb8;
	[tilespmem:$0x1F800] =	vst v63  }
0x3a: {  	_ =	swait.ge [sflag:s26], $0x2800  }
0x3b: {  	[sflag:s26] =	ssyncset.done $0x0  }
0x3c: {  	s7 =	simm.s32 $0x200;
	[sflag:s26] =	ssyncadd.s32 $0xFFFFD800  }
0x3d: {  	[tilespmem:s19], [sflag:$0x2] =	stream.indirect.gather [hbm4b:s4+s16], $0x80, s7, s16, $0xb8;
	[tilespmem:$0x1F800] =	vst v63  }
0x3e: {  	_ =	swait.ge [sflag:s20], $0x2800  }
0x3f: {  	[sflag:s20] =	ssyncset.done $0x0  }
0x40: {  	s8 =	simm.s32 $0x2180;
	[sflag:s20] =	ssyncadd.s32 $0xFFFFD800  }
0x41: {  	[spmem:s1] =	stream.indirect.scatter.add.f32 [tilespmem:s17], [sflag:$0x4], $0x80, s8, s16, $0xb8;
	[tilespmem:$0x1F800] =	vst v63  }
0x42: {  	_ =	swait.ge [sflag:s28], $0x2800  }
0x43: {  	[sflag:s28] =	ssyncset.done $0x0  }
0x44: {  	s5 =	simm.s32 $0x600;
	s7 =	simm.s32 $0x280;
	[sflag:s28] =	ssyncadd.s32 $0xFFFFD800  }
.LBB2_2:
0x45: {  	[tilespmem:s22], [sflag:$0x3] =	stream.indirect.gather [hbm4b:s4+s16], $0x80, s7, s16, $0xb8;
	[tilespmem:$0x1F800] =	vst v63  }
0x46: {  	s7 =	smov.u32 s5  }
0x47: {  	p0 =	sne.s32 s5, $0x7200;
	s5 =	sadd.s32 $0x600, s5;
	_ =	swait.ge [sflag:s23], $0x2800  }
0x48: {  	s7 =	sshra.s32 s7, $0x2;
	[sflag:s23] =	ssyncset.done $0x0  }
0x49: {  	s8 =	sadd.s32 $0x2080, s7;
	[sflag:s23] =	ssyncadd.s32 $0xFFFFD800  }
0x4a: {  	[spmem:s1] =	stream.indirect.scatter.add.f32 [tilespmem:s19], [sflag:$0x5], $0x80, s8, s16, $0xb8;
	[tilespmem:$0x1F800] =	vst v63  }
0x4b: {  	_ =	swait.ge [sflag:s24], $0x2800  }
0x4c: {  	[sflag:s24] =	ssyncset.done $0x0  }
0x4d: {  	s8 =	sadd.s32 $0x180, s7;
	[sflag:s24] =	ssyncadd.s32 $0xFFFFD800  }
0x4e: {  	[tilespmem:s17], [sflag:$0x1] =	stream.indirect.gather [hbm4b:s4+s16], $0x80, s8, s16, $0xb8;
	[tilespmem:$0x1F800] =	vst v63  }
0x4f: {  	_ =	swait.ge [sflag:s25], $0x2800  }
0x50: {  	[sflag:s25] =	ssyncset.done $0x0  }
0x51: {  	s8 =	sadd.s32 $0x2100, s7;
	[sflag:s25] =	ssyncadd.s32 $0xFFFFD800  }
0x52: {  	[spmem:s1] =	stream.indirect.scatter.add.f32 [tilespmem:s22], [sflag:$0x6], $0x80, s8, s16, $0xb8;
	[tilespmem:$0x1F800] =	vst v63  }
0x53: {  	_ =	swait.ge [sflag:s26], $0x2800  }
0x54: {  	[sflag:s26] =	ssyncset.done $0x0  }
0x55: {  	s8 =	sadd.s32 $0x200, s7;
	[sflag:s26] =	ssyncadd.s32 $0xFFFFD800  }
0x56: {  	[tilespmem:s19], [sflag:$0x2] =	stream.indirect.gather [hbm4b:s4+s16], $0x80, s8, s16, $0xb8;
	[tilespmem:$0x1F800] =	vst v63  }
0x57: {  	_ =	swait.ge [sflag:s20], $0x2800  }
0x58: {  	[sflag:s20] =	ssyncset.done $0x0  }
.Ltmp0:
0x59: {  	s8 =	sadd.s32 $0x2180, s7;
	[sflag:s20] =	ssyncadd.s32 $0xFFFFD800;
	(pc) =	sbr.rel @p0 .LBB2_2-.Ltmp0, $4  }
0x5a: {  	[spmem:s1] =	stream.indirect.scatter.add.f32 [tilespmem:s17], [sflag:$0x4], $0x80, s8, s16, $0xb8;
	[tilespmem:$0x1F800] =	vst v63  }
0x5b: {  	_ =	swait.ge [sflag:s28], $0x2800  }
0x5c: {  	[sflag:s28] =	ssyncset.done $0x0  }
0x5d: {  	s7 =	sadd.s32 $0x280, s7;
	[sflag:s28] =	ssyncadd.s32 $0xFFFFD800  }
0x5e: {  	[tilespmem:s22], [sflag:$0x3] =	stream.indirect.gather [hbm4b:s4+s16], $0x80, s7, s16, $0xb8;
	[tilespmem:$0x1F800] =	vst v63  }
0x5f: {  	_ =	swait.ge [sflag:s23], $0x2800  }
0x60: {  	[sflag:s23] =	ssyncset.done $0x0  }
0x61: {  	[sflag:s23] =	ssyncadd.s32 $0xFFFFD800  }
0x62: {  	[spmem:s1] =	stream.indirect.scatter.add.f32 [tilespmem:s19], [sflag:$0x5], $0x80, s29, s16, $0xb8;
	[tilespmem:$0x1F800] =	vst v63  }
0x63: {  	_ =	swait.ge [sflag:s24], $0x2800  }
0x64: {  	[sflag:s24] =	ssyncset.done $0x0  }
0x65: {  	[sflag:s24] =	ssyncadd.s32 $0xFFFFD800  }
0x66: {  	[tilespmem:s17], [sflag:$0x1] =	stream.indirect.gather [hbm4b:s4+s16], $0x80, s30, s16, $0xb8;
	[tilespmem:$0x1F800] =	vst v63  }
0x67: {  	_ =	swait.ge [sflag:s25], $0x2800  }
0x68: {  	[sflag:s25] =	ssyncset.done $0x0  }
0x69: {  	[sflag:s25] =	ssyncadd.s32 $0xFFFFD800  }
0x6a: {  	[spmem:s1] =	stream.indirect.scatter.add.f32 [tilespmem:s22], [sflag:$0x6], $0x80, s31, s16, $0xb8;
	[tilespmem:$0x1F800] =	vst v63  }
0x6b: {  	_ =	swait.ge [sflag:s26], $0x2800  }
0x6c: {  	[sflag:s26] =	ssyncset.done $0x0  }
0x6d: {  	[sflag:s26] =	ssyncadd.s32 $0xFFFFD800  }
0x6e: {  	_ =	swait.ge [sflag:s20], $0x2800  }
0x6f: {  	[sflag:s20] =	ssyncset.done $0x0  }
0x70: {  	[sflag:s20] =	ssyncadd.s32 $0xFFFFD800  }
0x71: {  	[spmem:s1] =	stream.indirect.scatter.add.f32 [tilespmem:s17], [sflag:$0x4], $0x80, s0, s16, $0xb8;
	[tilespmem:$0x1F800] =	vst v63  }
0x72: {  	_ =	swait.ge [sflag:s28], $0x2800  }
0x73: {  	[sflag:s28] =	ssyncset.done $0x0  }
0x74: {  	[sflag:s28] =	ssyncadd.s32 $0xFFFFD800  }
0x75: {  	_ =	swait.ge [sflag:s24], $0x2800  }
0x76: {  	[sflag:s24] =	ssyncset.done $0x0  }
0x77: {  	s5 =	simm.s32 $0x0;
	[sflag:s24] =	ssyncadd.s32 $0xFFFFD800  }
0x78: {  	[tilespmem:s5], [sflag:$0x7] =	stream.linear.gather [hbm4b:s9+s5], $0x2000, $0x38;
	[tilespmem:$0x1F800] =	vst v63  }
0x79: {  	_ =	swait.ge [sflag:s14], $0x2000  }
0x7a: {  	[sflag:s14] =	ssyncset.done $0x0  }
0x7b: {  	[sflag:s14] =	ssyncadd.s32 $0xFFFFE000  }
0x7c: {  	[tilespmem:s15], [sflag:$0x7] =	stream.linear.gather [hbm4b:s10+s5], $0x2000, $0x38;
	[tilespmem:$0x1F800] =	vst v63  }
0x7d: {  	_ =	swait.ge [sflag:s14], $0x2000  }
0x7e: {  	[sflag:s14] =	ssyncset.done $0x0  }
0x7f: {  	[sflag:s14] =	ssyncadd.s32 $0xFFFFE000  }
0x80: {  	[tilespmem:s17], [sflag:$0x1] =	stream.indirect.gather [hbm4b:s4+s16], $0x80, s5, s16, $0xb8;
	[tilespmem:$0x1F800] =	vst v63  }
0x81: {  	_ = 	snop  }
0x82: {  	[tilespmem:s19], [sflag:$0x2] =	stream.indirect.gather [hbm4b:s4+s16], $0x80, s18, s16, $0xb8;
	[tilespmem:$0x1F800] =	vst v63  }
0x83: {  	_ =	swait.ge [sflag:s20], $0x2800  }
0x84: {  	[sflag:s20] =	ssyncset.done $0x0  }
0x85: {  	[sflag:s20] =	ssyncadd.s32 $0xFFFFD800  }
0x86: {  	[spmem:s1] =	stream.indirect.scatter.add.f32 [tilespmem:s17], [sflag:$0x4], $0x80, s15, s16, $0xb8;
	[tilespmem:$0x1F800] =	vst v63  }
0x87: {  	_ = 	snop  }
0x88: {  	[tilespmem:s22], [sflag:$0x3] =	stream.indirect.gather [hbm4b:s4+s16], $0x80, s21, s16, $0xb8;
	[tilespmem:$0x1F800] =	vst v63  }
0x89: {  	_ =	swait.ge [sflag:s23], $0x2800  }
0x8a: {  	[sflag:s23] =	ssyncset.done $0x0  }
0x8b: {  	s8 =	simm.s32 $0x2080;
	[sflag:s23] =	ssyncadd.s32 $0xFFFFD800  }
0x8c: {  	[spmem:s1] =	stream.indirect.scatter.add.f32 [tilespmem:s19], [sflag:$0x5], $0x80, s8, s16, $0xb8;
	[tilespmem:$0x1F800] =	vst v63  }
0x8d: {  	_ =	swait.ge [sflag:s24], $0x2800  }
0x8e: {  	[sflag:s24] =	ssyncset.done $0x0  }
0x8f: {  	s7 =	simm.s32 $0x180;
	[sflag:s24] =	ssyncadd.s32 $0xFFFFD800  }
0x90: {  	[tilespmem:s17], [sflag:$0x1] =	stream.indirect.gather [hbm4b:s4+s16], $0x80, s7, s16, $0xb8;
	[tilespmem:$0x1F800] =	vst v63  }
0x91: {  	_ =	swait.ge [sflag:s25], $0x2800  }
0x92: {  	[sflag:s25] =	ssyncset.done $0x0  }
0x93: {  	s8 =	simm.s32 $0x2100;
	[sflag:s25] =	ssyncadd.s32 $0xFFFFD800  }
0x94: {  	[spmem:s1] =	stream.indirect.scatter.add.f32 [tilespmem:s22], [sflag:$0x6], $0x80, s8, s16, $0xb8;
	[tilespmem:$0x1F800] =	vst v63  }
0x95: {  	_ =	swait.ge [sflag:s26], $0x2800  }
0x96: {  	[sflag:s26] =	ssyncset.done $0x0  }
0x97: {  	s7 =	simm.s32 $0x200;
	[sflag:s26] =	ssyncadd.s32 $0xFFFFD800  }
0x98: {  	[tilespmem:s19], [sflag:$0x2] =	stream.indirect.gather [hbm4b:s4+s16], $0x80, s7, s16, $0xb8;
	[tilespmem:$0x1F800] =	vst v63  }
0x99: {  	_ =	swait.ge [sflag:s20], $0x2800  }
0x9a: {  	[sflag:s20] =	ssyncset.done $0x0  }
0x9b: {  	s8 =	simm.s32 $0x2180;
	[sflag:s20] =	ssyncadd.s32 $0xFFFFD800  }
0x9c: {  	[spmem:s1] =	stream.indirect.scatter.add.f32 [tilespmem:s17], [sflag:$0x4], $0x80, s8, s16, $0xb8;
	[tilespmem:$0x1F800] =	vst v63  }
0x9d: {  	_ =	swait.ge [sflag:s28], $0x2800  }
0x9e: {  	[sflag:s28] =	ssyncset.done $0x0  }
0x9f: {  	s5 =	simm.s32 $0x600;
	s7 =	simm.s32 $0x280;
	[sflag:s28] =	ssyncadd.s32 $0xFFFFD800  }
.LBB2_4:
0xa0: {  	[tilespmem:s22], [sflag:$0x3] =	stream.indirect.gather [hbm4b:s4+s16], $0x80, s7, s16, $0xb8;
	[tilespmem:$0x1F800] =	vst v63  }
0xa1: {  	s7 =	smov.u32 s5  }
0xa2: {  	p0 =	sne.s32 s5, $0x7200;
	s5 =	sadd.s32 $0x600, s5;
	_ =	swait.ge [sflag:s23], $0x2800  }
0xa3: {  	s7 =	sshra.s32 s7, $0x2;
	[sflag:s23] =	ssyncset.done $0x0  }
0xa4: {  	s8 =	sadd.s32 $0x2080, s7;
	[sflag:s23] =	ssyncadd.s32 $0xFFFFD800  }
0xa5: {  	[spmem:s1] =	stream.indirect.scatter.add.f32 [tilespmem:s19], [sflag:$0x5], $0x80, s8, s16, $0xb8;
	[tilespmem:$0x1F800] =	vst v63  }
0xa6: {  	_ =	swait.ge [sflag:s24], $0x2800  }
0xa7: {  	[sflag:s24] =	ssyncset.done $0x0  }
0xa8: {  	s8 =	sadd.s32 $0x180, s7;
	[sflag:s24] =	ssyncadd.s32 $0xFFFFD800  }
0xa9: {  	[tilespmem:s17], [sflag:$0x1] =	stream.indirect.gather [hbm4b:s4+s16], $0x80, s8, s16, $0xb8;
	[tilespmem:$0x1F800] =	vst v63  }
0xaa: {  	_ =	swait.ge [sflag:s25], $0x2800  }
0xab: {  	[sflag:s25] =	ssyncset.done $0x0  }
0xac: {  	s8 =	sadd.s32 $0x2100, s7;
	[sflag:s25] =	ssyncadd.s32 $0xFFFFD800  }
0xad: {  	[spmem:s1] =	stream.indirect.scatter.add.f32 [tilespmem:s22], [sflag:$0x6], $0x80, s8, s16, $0xb8;
	[tilespmem:$0x1F800] =	vst v63  }
0xae: {  	_ =	swait.ge [sflag:s26], $0x2800  }
0xaf: {  	[sflag:s26] =	ssyncset.done $0x0  }
0xb0: {  	s8 =	sadd.s32 $0x200, s7;
	[sflag:s26] =	ssyncadd.s32 $0xFFFFD800  }
0xb1: {  	[tilespmem:s19], [sflag:$0x2] =	stream.indirect.gather [hbm4b:s4+s16], $0x80, s8, s16, $0xb8;
	[tilespmem:$0x1F800] =	vst v63  }
0xb2: {  	_ =	swait.ge [sflag:s20], $0x2800  }
0xb3: {  	[sflag:s20] =	ssyncset.done $0x0  }
.Ltmp1:
0xb4: {  	s8 =	sadd.s32 $0x2180, s7;
	[sflag:s20] =	ssyncadd.s32 $0xFFFFD800;
	(pc) =	sbr.rel @p0 .LBB2_4-.Ltmp1, $4  }
0xb5: {  	[spmem:s1] =	stream.indirect.scatter.add.f32 [tilespmem:s17], [sflag:$0x4], $0x80, s8, s16, $0xb8;
	[tilespmem:$0x1F800] =	vst v63  }
0xb6: {  	_ =	swait.ge [sflag:s28], $0x2800  }
0xb7: {  	[sflag:s28] =	ssyncset.done $0x0  }
0xb8: {  	s7 =	sadd.s32 $0x280, s7;
	[sflag:s28] =	ssyncadd.s32 $0xFFFFD800  }
0xb9: {  	[tilespmem:s22], [sflag:$0x3] =	stream.indirect.gather [hbm4b:s4+s16], $0x80, s7, s16, $0xb8;
	[tilespmem:$0x1F800] =	vst v63  }
0xba: {  	_ =	swait.ge [sflag:s23], $0x2800  }
0xbb: {  	[sflag:s23] =	ssyncset.done $0x0  }
0xbc: {  	[sflag:s23] =	ssyncadd.s32 $0xFFFFD800  }
0xbd: {  	[spmem:s1] =	stream.indirect.scatter.add.f32 [tilespmem:s19], [sflag:$0x5], $0x80, s29, s16, $0xb8;
	[tilespmem:$0x1F800] =	vst v63  }
0xbe: {  	_ =	swait.ge [sflag:s24], $0x2800  }
0xbf: {  	[sflag:s24] =	ssyncset.done $0x0  }
0xc0: {  	[sflag:s24] =	ssyncadd.s32 $0xFFFFD800  }
0xc1: {  	[tilespmem:s17], [sflag:$0x1] =	stream.indirect.gather [hbm4b:s4+s16], $0x80, s30, s16, $0xb8;
	[tilespmem:$0x1F800] =	vst v63  }
0xc2: {  	_ =	swait.ge [sflag:s25], $0x2800  }
0xc3: {  	[sflag:s25] =	ssyncset.done $0x0  }
0xc4: {  	[sflag:s25] =	ssyncadd.s32 $0xFFFFD800  }
0xc5: {  	[spmem:s1] =	stream.indirect.scatter.add.f32 [tilespmem:s22], [sflag:$0x6], $0x80, s31, s16, $0xb8;
	[tilespmem:$0x1F800] =	vst v63  }
0xc6: {  	_ =	swait.ge [sflag:s26], $0x2800  }
0xc7: {  	[sflag:s26] =	ssyncset.done $0x0  }
0xc8: {  	[sflag:s26] =	ssyncadd.s32 $0xFFFFD800  }
0xc9: {  	_ =	swait.ge [sflag:s20], $0x2800  }
0xca: {  	[sflag:s20] =	ssyncset.done $0x0  }
0xcb: {  	[sflag:s20] =	ssyncadd.s32 $0xFFFFD800  }
0xcc: {  	[spmem:s1] =	stream.indirect.scatter.add.f32 [tilespmem:s17], [sflag:$0x4], $0x80, s0, s16, $0xb8;
	[tilespmem:$0x1F800] =	vst v63  }
0xcd: {  	_ =	swait.ge [sflag:s28], $0x2800  }
0xce: {  	[sflag:s28] =	ssyncset.done $0x0  }
0xcf: {  	[sflag:s28] =	ssyncadd.s32 $0xFFFFD800  }
0xd0: {  	_ =	swait.ge [sflag:s24], $0x2800  }
0xd1: {  	s2 =	sadd.s32 $0x1, s2;
	[sflag:s24] =	ssyncset.done $0x0  }
0xd2: {  	p0 =	sne.s32 s2, s12;
	[sflag:s24] =	ssyncadd.s32 $0xFFFFD800  }
.Ltmp2:
0xd3: {  	[bflag:$0x0] =	sbarrier.arrive $0xFFFF;
	(pc) =	sbr.rel @p0 .LBB2_1-.Ltmp2, $4  }
0xd4: {  	[hbm:s11], [sflag:s6] =	dma.local [spmem:s13], $0x2800  }
0xd5: {  	_ =	swait.ge [sflag:s14], $0x2800  }
0xd6: {  	[sflag:s14] =	ssyncset.done $0x0  }
0xd7: {  	[sflag:s14] =	ssyncadd.s32 $0xFFFFD800  }
0xd8: {  	_ =	sfence.sel $0x180000  }
0xd9: {  	[bflag:$0x0] =	sbarrier.arrive $0xFFFF  }
0xda: {  	_ =	strace $0x9000004D  }
0xdb: {  	s0 =	stileid.u32;
	[bflag:$0x2] =	sbarrier.arrive $0xFFFF  }
0xdc: {  	p0 =	sne.s32 s0, $0x0;
	s0 =	rddreg [dreg:$0x3]  }
0xdd: {  	s0 =	sadd.s32 @!p0 $0x100000, s0  }
0xde: {  	[sflag:s0] =	ssyncadd.tile.s32 @!p0 $0x1;
	_ =	shalt  }
.Lfunc_end2:
_tile_overlayer_lowered:
.L_overlay_start_2:
0xdf: {  	(tag) =	ssettag $0x2  }
0xe0: {  	s0 =	rddreg [dreg:$0x0];
	s2 =	stileid.u32  }
0xe1: {  	s1 =	rddreg [dreg:$0x1];
	p0 =	sne.s32 s2, $0x0  }
0xe2: {  	s3 =	rddreg [dreg:$0x2];
	[bflag:$0x3] =	sbarrier.arrive $0xFFFF;
	s2 =	simm.s32 @!p0 $0x1C07  }
0xe3: {  	[timem:s3], [sflag:s2] =	dma.local @!p0 [hbm:s0], s1  }
0xe4: {  	s0 =	simm.s32 @!p0 $0x7  }
0xe5: {  	_ =	swait.ge @!p0 [sflag:s0], s1  }
0xe6: {  	s1 =	ssub.s32 @!p0 $0x0, s1;
	[sflag:s0] =	ssyncset.done @!p0 $0x0  }
0xe7: {  	[sflag:s0] =	ssyncadd.s32 @!p0 s1  }
0xe8: {  	[bflag:$0x3] =	sbarrier.arrive $0xFFFF  }
0xe9: {  	_ =	shalt  }

// kernel: kernel.19.cloned.1.call-start
scs
__scs_entry_jumppad:
0x0: {  	(pc) =	sbr.rel $0x88, $3  }
0x1: {  	(tag) =	ssettag $0x0;
	lr =	simm.s32 $0x1  }
0x2: {  	[smem:$0x3F94] =	sst lr;
	_ =	strace $0xD0000000  }
0x3: {  	_ = 	snop  }
0x4: {  	_ = 	snop  }
0x5: {  	_ = 	snop  }
0x6: {  	_ = 	snop  }
0x7: {  	_ = 	snop  }
__scs_overlays_trampoline_lowered:
0x8: {  	[smem:$0x3FA3] =	sst s0  }
0x9: {  	[smem:$0x3FA4] =	sst s1  }
0xa: {  	[smem:$0x3FA5] =	sst s2  }
0xb: {  	[smem:$0x3FA6] =	sst s3  }
0xc: {  	[smem:$0x3FA7] =	sst s4  }
0xd: {  	[smem:$0x3FA8] =	sst s5  }
0xe: {  	[smem:$0x3FA9] =	sst s6  }
0xf: {  	[smem:$0x3FAA] =	sst s7  }
0x10: {  	[smem:$0x3FAB] =	sst s8  }
0x11: {  	[smem:$0x3FAC] =	sst s9;
	s0 =	simm.s32 @!p0 $0x0  }
0x12: {  	s1 =	sld [smem:$0x3F92];
	s0 =	simm.s32 @p0 $0x1  }
0x13: {  	[smem:$0x3FAD] =	sst s0;
	s0 =	simm.s32 @!p1 $0x0  }
0x14: {  	s2 =	sld [smem:$0x3F91];
	s0 =	simm.s32 @p1 $0x1  }
0x15: {  	[smem:$0x3FAE] =	sst s0;
	s0 =	simm.s32 @!p2 $0x0  }
0x16: {  	s3 =	sld [smem:$0x3FDB];
	s0 =	simm.s32 @p2 $0x1  }
0x17: {  	s4 =	simm.s32 $0x1BF5;
	[smem:$0x3FB0] =	sst s0  }
0x18: {  	s0 =	sld [smem:$0x3F93];
	_ =	swait.ge [sflag:s4], $0x0  }
0x19: {  	s7 =	sld [smem:$0x3F94]  }
0x1a: {  	s8 =	sadd.s32 $0xFFFFE003, lr  }
0x1b: {  	s9 =	sadd.s32 $0xFFFFFEF7, lr;
	s5 =	simm.s32 $0xFFFFFFFF;
	p2 =	slt.u32 s8, $0xFFFFF086  }
0x1c: {  	p1 =	slt.u32 s9, $0xF7A;
	s5 =	simm.s32 @!p2 $0x0  }
0x1d: {  	s5 =	simm.s32 @p1 $0x1;
	p0 =	seq.s32 s7, s2  }
0x1e: {  	s7 =	smul.u32 @!p0 $0xF7A, s2;
	p2 =	seq.s32 @!p0 s5, $0x0  }
0x1f: {  	s9 =	smul.u32 $0xF7A, s1;
	s8 =	simm.s32 @!p0 $0x1BF5;
	p2 =	por !p2, p0  }
0x20: {  	[sflag:s8] =	ssyncset.s32 @!p0 $0xFFFFF086;
	s6 =	sadd.s32 @!p0 s3, s7;
	s7 =	simm.s32 @!p0 $0x108  }
0x21: {  	s3 =	sadd.s32 s3, s9;
	s6 =	sadd.s32 @!p0 $0x88, s6;
	s7 =	simm.s32 @p2 $0x1082  }
0x22: {  	[simem:s7], [sflag:s8] =	dma.local @!p0 [hbm:s6], $0xF7A  }
0x23: {  	s9 =	sor.u32 $0xD0000000, s2;
	s6 =	simm.s32 $0x108;
	_ =	swait.ge @!p0 [sflag:s8], $0x0  }
0x24: {  	s3 =	sadd.s32 $0x88, s3;
	s6 =	simm.s32 @!p1 $0x1082;
	[sflag:s4] =	ssyncset.s32 $0xFFFFF086  }
0x25: {  	[simem:s6], [sflag:s4] =	dma.local [hbm:s3], $0xF7A  }
0x26: {  	[smem:$0x3F94] =	sst s1;
	(tag) =	ssettag s2;
	_ =	strace s9  }
0x27: {  	s1 =	sld [smem:$0x3FA4]  }
0x28: {  	s2 =	sld [smem:$0x3FA5]  }
0x29: {  	s4 =	sld [smem:$0x3FA7]  }
0x2a: {  	p0 =	seq.s32 s5, $0x0;
	s5 =	sld [smem:$0x3FA8]  }
0x2b: {  	s6 =	sld [smem:$0x3FA9]  }
0x2c: {  	s7 =	sld [smem:$0x3FAA]  }
0x2d: {  	s3 =	simm.s32 $0x108;
	s8 =	sld [smem:$0x3FAB]  }
0x2e: {  	s3 =	simm.s32 @!p0 $0x1082;
	s9 =	sld [smem:$0x3FAC]  }
0x2f: {  	lr =	sadd.s32 s0, s3;
	s0 =	sld [smem:$0x3FA3]  }
0x30: {  	s3 =	sld [smem:$0x3FA6]  }
0x31: {  	[smem:$0x3FAF] =	sst s10  }
0x32: {  	s10 =	sld [smem:$0x3FAD];
	_ =	sdelay $0x3  }
0x33: {  	p0 =	seq.s32 s10, $0x1;
	s10 =	sld [smem:$0x3FAF];
	_ =	sdelay $0x3  }
0x34: {  	[smem:$0x3FAF] =	sst s10  }
0x35: {  	s10 =	sld [smem:$0x3FAE];
	_ =	sdelay $0x3  }
0x36: {  	p1 =	seq.s32 s10, $0x1;
	s10 =	sld [smem:$0x3FAF];
	_ =	sdelay $0x3  }
0x37: {  	[smem:$0x3FAF] =	sst s10  }
0x38: {  	s10 =	sld [smem:$0x3FB0]  }
0x39: {  	_ = 	snop;
	(pc) =	sbr.ind lr, $3  }
0x3a: {  	_ = 	snop  }
0x3b: {  	_ = 	snop  }
0x3c: {  	p2 =	seq.s32 s10, $0x1;
	s10 =	sld [smem:$0x3FAF]  }
0x3d: {  	_ =	shalt  }
0x3e: {  	_ =	shalt  }
0x3f: {  	_ =	shalt  }
0x40: {  	_ =	shalt  }
0x41: {  	_ =	shalt  }
0x42: {  	_ =	shalt  }
0x43: {  	_ =	shalt  }
0x44: {  	_ =	shalt  }
0x45: {  	_ =	shalt  }
0x46: {  	_ =	shalt  }
0x47: {  	_ =	shalt  }
0x48: {  	_ =	shalt  }
0x49: {  	_ =	shalt  }
0x4a: {  	_ =	shalt  }
0x4b: {  	_ =	shalt  }
0x4c: {  	_ =	shalt  }
0x4d: {  	_ =	shalt  }
0x4e: {  	_ =	shalt  }
0x4f: {  	_ =	shalt  }
0x50: {  	_ =	shalt  }
0x51: {  	_ =	shalt  }
0x52: {  	_ =	shalt  }
0x53: {  	_ =	shalt  }
0x54: {  	_ =	shalt  }
0x55: {  	_ =	shalt  }
0x56: {  	_ =	shalt  }
0x57: {  	_ =	shalt  }
0x58: {  	_ =	shalt  }
0x59: {  	_ =	shalt  }
0x5a: {  	_ =	shalt  }
0x5b: {  	_ =	shalt  }
0x5c: {  	_ =	shalt  }
0x5d: {  	_ =	shalt  }
0x5e: {  	_ =	shalt  }
0x5f: {  	_ =	shalt  }
0x60: {  	_ =	shalt  }
0x61: {  	_ =	shalt  }
0x62: {  	_ =	shalt  }
0x63: {  	_ =	shalt  }
0x64: {  	_ =	shalt  }
0x65: {  	_ =	shalt  }
0x66: {  	_ =	shalt  }
0x67: {  	_ =	shalt  }
0x68: {  	_ =	shalt  }
0x69: {  	_ =	shalt  }
0x6a: {  	_ =	shalt  }
0x6b: {  	_ =	shalt  }
0x6c: {  	_ =	shalt  }
0x6d: {  	_ =	shalt  }
0x6e: {  	_ =	shalt  }
0x6f: {  	_ =	shalt  }
0x70: {  	_ =	shalt  }
0x71: {  	_ =	shalt  }
0x72: {  	_ =	shalt  }
0x73: {  	_ =	shalt  }
0x74: {  	_ =	shalt  }
0x75: {  	_ =	shalt  }
0x76: {  	_ =	shalt  }
0x77: {  	_ =	shalt  }
0x78: {  	_ =	shalt  }
0x79: {  	_ =	shalt  }
0x7a: {  	_ =	shalt  }
0x7b: {  	_ =	shalt  }
0x7c: {  	_ =	shalt  }
0x7d: {  	_ =	shalt  }
0x7e: {  	_ =	shalt  }
0x7f: {  	_ =	shalt  }
0x80: {  	_ =	shalt  }
0x81: {  	_ =	shalt  }
0x82: {  	_ =	shalt  }
0x83: {  	_ =	shalt  }
0x84: {  	_ =	shalt  }
0x85: {  	_ =	shalt  }
0x86: {  	_ =	shalt  }
0x87: {  	_ =	shalt  }
.Lfunc_end0:
.L_simem_size_0:
called_computation.3_lowered:
.L_overlay_start_0:
0x88: {  	s2 =	sld [smem:$0x3FD9]  }
0x89: {  	s3 =	sld [smem:$0x3FFE];
	_ =	sdelay $0x1  }
0x8a: {  	s1 =	srdreg.scid  }
0x8b: {  	s0 =	sand.u32 $0x1, s1  }
0x8c: {  	s17 =	sshll.u32 s0, $0xA;
	s2 =	sadd.s32 s3, s2  }
0x8d: {  	s2 =	sadd.s32 s2, s17  }
0x8e: {  	[smem:$0x3FBB] =	sst s2  }
0x8f: {  	_ = 	snop  }
0x90: {  	s2 =	sld [smem:$0x3FD0];
	(tm) =	ssettm $0x1  }
0x91: {  	s18 =	sld [smem:$0x3FFB];
	_ =	sdelay $0x3  }
0x92: {  	_ =	strace s18  }
0x93: {  	s3 =	sld [smem:$0x3FFC];
	_ =	sdelay $0x3  }
0x94: {  	_ =	strace s3  }
0x95: {  	s3 =	sld [smem:$0x3FFD];
	_ =	sdelay $0x3  }
0x96: {  	_ =	strace s3  }
0x97: {  	_ =	strace $0x8FFFFFFF  }
0x98: {  	s19 =	sld [smem:$0x3FDB];
	_ =	sdelay $0x1  }
0x99: {  	s4 =	simm.s32 $_scs_section_size  }
0x9a: {  	s5 =	simm.s32 $_size__tile_overlayer_lowered;
	s6 =	simm.s32 $_tile_overlayer_lowered  }
0x9b: {  	s22 =	simm.s32 $0x1BFF;
	s21 =	sshll.u32 s6, $0x1;
	s3 =	sadd.s32 s4, s19  }
0x9c: {  	s7 =	simm.s32 $0x0;
	s20 =	sshll.u32 s5, $0x1;
	s5 =	sadd.s32 s21, s3  }
0x9d: {  	[timem:s7], [sflag:s22] =	dma.local [hbm:s5], s20  }
0x9e: {  	_ =	swait.ge [sflag:s22], s20  }
0x9f: {  	s4 =	ssub.s32 $0x0, s20;
	[sflag:s22] =	ssyncset.done $0x0  }
0xa0: {  	[sflag:s22] =	ssyncadd.s32 s4;
	_ =	sdelay $0x1  }
0xa1: {  	s23 =	simm.s32 $0x1B8B  }
0xa2: {  	_ =	swait.ge [sflag:s23], $0x1  }
0xa3: {  	[sflag:s23] =	ssyncset.done $0x0  }
0xa4: {  	s25 =	simm.s32 $0x1B8E;
	s24 =	sld [smem:$0x3FFE];
	[sflag:s23] =	ssyncadd.s32 $0xFFFFFFFF  }
0xa5: {  	s26 =	simm.s32 $execute0_lowered;
	[smem:$0x3FD2] =	sst s25  }
0xa6: {  	s5 =	sshll.u32 s26, $0x1;
	_ =	strace $0x8000004F;
	[dreg:$0x1] =	wrdreg $0xFFFFFFFF  }
0xa7: {  	s28 =	simm.s32 $_size_execute0_lowered;
	s3 =	sadd.s32 s3, s5;
	[dreg:$0x0] =	wrdreg $0x0  }
0xa8: {  	s5 =	sshll.u32 s28, $0x1;
	[dreg:$0x2] =	wrdreg s3  }
0xa9: {  	[dreg:$0x3] =	wrdreg s5  }
0xaa: {  	[dreg:$0x4] =	wrdreg $0xC0  }
0xab: {  	_ =	task [dreg:s7], $0x5FFFF  }
0xac: {  	[dreg:$0x1] =	wrdreg $0xFFFFFFFF  }
0xad: {  	[dreg:$0x0] =	wrdreg $0x60  }
0xae: {  	[dreg:$0x2] =	wrdreg s24  }
0xaf: {  	[dreg:$0x3] =	wrdreg s2  }
0xb0: {  	[dreg:$0x4] =	wrdreg $0xB8000  }
0xb1: {  	[dreg:$0x5] =	wrdreg $0x9  }
0xb2: {  	_ =	task.clear_ibuf [dreg:s7], $0x6FFFF;
	_ =	strace $0x9000004F  }
0xb3: {  	s29 =	simm.s32 $0x9;
	_ =	strace $0x80000051  }
0xb4: {  	_ =	swait.ge [sflag:s29], $0x1  }
0xb5: {  	[sflag:s29] =	ssyncadd.s32 $0xFFFFFFFF  }
0xb6: {  	_ =	strace $0x90000051  }
0xb7: {  	_ =	sfence  }
0xb8: {  	s30 =	sld [smem:$0x0];
	_ =	sdelay $0x2  }
0xb9: {  	s31 =	sshll.u32 s1, $0xD;
	s1 =	sshrl.u32 s1, $0x2  }
0xba: {  	s3 =	sand.u32 $0x4000, s31;
	s1 =	sadd.s32 s1, s30  }
0xbb: {  	s0 =	sor.u32 s3, s0;
	s1 =	sshll.u32 s1, $0x11  }
0xbc: {  	s0 =	sor.u32 s1, s0  }
0xbd: {  	s0 =	sadd.s32 $0x8F2B, s0  }
0xbe: {  	[sflag:s0] =	ssyncadd.remote.s32 $0x1  }
0xbf: {  	_ =	sfence.sel $0xFFFF  }
0xc0: {  	[dreg:$0x0] =	wrdreg $0xFFFFFFFF;
	(pc) =	sbr.abs _section_cstart, $3  }
0xc1: {  	[dreg:$0x1] =	wrdreg $0xFFFFFFFF  }
0xc2: {  	_ =	task.clear_ibuf [dreg:s7], $0x2FFFF;
	_ =	strace $0x9FFFFFFF  }
0xc3: {  	(tm) =	ssettm $0x7FFFFFFF  }
tec
execute0_lowered:
.L_overlay_start_1:
0x0: {  	(tag) =	ssettag $0x1  }
0x1: {  	s0 =	rddreg [dreg:$0x0]  }
0x2: {  	s2 =	rddreg [dreg:$0x1]  }
0x3: {  	s1 =	rddreg [dreg:$0x2];
	s3 =	srdreg.scid  }
0x4: {  	s11 =	stileid.u32;
	s14 =	simm.s32 $0x7;
	s15 =	simm.s32 $0x2000  }
0x5: {  	s16 =	simm.s32 $0x50;
	s17 =	simm.s32 $0x4000;
	s18 =	simm.s32 $0x80  }
0x6: {  	s19 =	simm.s32 $0x6800;
	s28 =	simm.s32 $0x6;
	s29 =	simm.s32 $0x3E80  }
0x7: {  	s30 =	simm.s32 $0x1F80;
	s31 =	simm.s32 $0x3F00;
	s5 =	sand.u32 $0x1, s3  }
0x8: {  	s3 =	simm.s32 $0x0;
	s7 =	smul.u32 $0x14000, s11;
	s4 =	sadd.s32 $0x14800, s0  }
0x9: {  	s9 =	sadd.s32 $0x4800, s0;
	s8 =	smul.u32 $0x50000, s11;
	s10 =	sadd.s32 $0x64800, s0  }
0xa: {  	s23 =	sshll.u32 s11, $0x6;
	s24 =	sshll.u32 s11, $0xB;
	s6 =	smul.u32 $0x140000, s5  }
0xb: {  	[smem:$0x7FF] =	sst s3;
	s20 =	ssub.s32 $0x2, s5;
	s5 =	sshll.u32 s5, $0xF  }
0xc: {  	_ =	strace $0x80000050;
	[dreg:$0x4] =	wrdreg s10;
	s21 =	sshrl.u32 s20, $0x1  }
0xd: {  	s22 =	sshrl.u32 s8, $0x2;
	s5 =	sor.u32 s24, s5;
	s24 =	simm.s32 $0x4  }
0xe: {  	s6 =	sadd.s32 s7, s6;
	s7 =	ssub.s32 s20, s21;
	s13 =	sadd.s32 s22, s1  }
0xf: {  	s25 =	sadd.s32 s9, s5;
	s26 =	sadd.s32 s2, s5;
	s5 =	sor.u32 $0x400, s5  }
0x10: {  	s20 =	simm.s32 $0x1;
	s21 =	simm.s32 $0x100;
	[dreg:$0x5] =	wrdreg s25  }
0x11: {  	s22 =	simm.s32 $0x9000;
	s6 =	sshrl.u32 s6, $0x3;
	[dreg:$0x6] =	wrdreg s26  }
0x12: {  	s9 =	sadd.s32 s9, s5;
	s10 =	sadd.s32 s2, s5;
	s12 =	smax.u32 s7, $0x1  }
0x13: {  	s13 =	sshrl.u32 s13, $0x3;
	s25 =	simm.s32 $0x3;
	s26 =	simm.s32 $0x5  }
0x14: {  	s2 =	simm.s32 $0x0;
	s0 =	sadd.s32 s6, s0;
	s6 =	sor.u32 $0x1C07, s23  }
0x15: {  	s23 =	simm.s32 $0x2;
	s11 =	sadd.s32 $0xB7000, s0;
	s0 =	simm.s32 $0x3F80  }
.LBB2_1:
0x16: {  	s5 =	rddreg [dreg:$0x4]  }
0x17: {  	[spmem:s13], [sflag:s6] =	dma.local [hbm:s5], $0x2800  }
0x18: {  	_ =	swait.ge [sflag:s14], $0x2800  }
0x19: {  	[sflag:s14] =	ssyncset.done $0x0  }
0x1a: {  	[sflag:s14] =	ssyncadd.s32 $0xFFFFD800  }
0x1b: {  	[bflag:$0x0] =	sbarrier.arrive $0xFFFF  }
0x1c: {  	s8 =	rddreg [dreg:$0x5]  }
0x1d: {  	[tilespmem:s3], [sflag:$0x7] =	stream.linear.gather [hbm4b:s8+s3], $0x2000, $0x38;
	[tilespmem:$0x1F800] =	vst v63  }
0x1e: {  	_ =	swait.ge [sflag:s14], $0x2000  }
0x1f: {  	[sflag:s14] =	ssyncset.done $0x0  }
0x20: {  	s7 =	rddreg [dreg:$0x6];
	[sflag:s14] =	ssyncadd.s32 $0xFFFFE000  }
0x21: {  	[tilespmem:s15], [sflag:$0x7] =	stream.linear.gather [hbm4b:s7+s3], $0x2000, $0x38;
	[tilespmem:$0x1F800] =	vst v63  }
0x22: {  	_ =	swait.ge [sflag:s14], $0x2000  }
0x23: {  	[sflag:s14] =	ssyncset.done $0x0  }
0x24: {  	[sflag:s14] =	ssyncadd.s32 $0xFFFFE000  }
0x25: {  	[tilespmem:s17], [sflag:$0x1] =	stream.indirect.gather [hbm4b:s4+s16], $0x80, s3, s16, $0xb8;
	[tilespmem:$0x1F800] =	vst v63  }
0x26: {  	_ = 	snop  }
0x27: {  	[tilespmem:s19], [sflag:$0x2] =	stream.indirect.gather [hbm4b:s4+s16], $0x80, s18, s16, $0xb8;
	[tilespmem:$0x1F800] =	vst v63  }
0x28: {  	_ =	swait.ge [sflag:s20], $0x2800  }
0x29: {  	[sflag:s20] =	ssyncset.done $0x0  }
0x2a: {  	[sflag:s20] =	ssyncadd.s32 $0xFFFFD800  }
0x2b: {  	[spmem:s1] =	stream.indirect.scatter.add.f32 [tilespmem:s17], [sflag:$0x4], $0x80, s15, s16, $0xb8;
	[tilespmem:$0x1F800] =	vst v63  }
0x2c: {  	_ = 	snop  }
0x2d: {  	[tilespmem:s22], [sflag:$0x3] =	stream.indirect.gather [hbm4b:s4+s16], $0x80, s21, s16, $0xb8;
	[tilespmem:$0x1F800] =	vst v63  }
0x2e: {  	_ =	swait.ge [sflag:s23], $0x2800  }
0x2f: {  	[sflag:s23] =	ssyncset.done $0x0  }
0x30: {  	s8 =	simm.s32 $0x2080;
	[sflag:s23] =	ssyncadd.s32 $0xFFFFD800  }
0x31: {  	[spmem:s1] =	stream.indirect.scatter.add.f32 [tilespmem:s19], [sflag:$0x5], $0x80, s8, s16, $0xb8;
	[tilespmem:$0x1F800] =	vst v63  }
0x32: {  	_ =	swait.ge [sflag:s24], $0x2800  }
0x33: {  	[sflag:s24] =	ssyncset.done $0x0  }
0x34: {  	s7 =	simm.s32 $0x180;
	[sflag:s24] =	ssyncadd.s32 $0xFFFFD800  }
0x35: {  	[tilespmem:s17], [sflag:$0x1] =	stream.indirect.gather [hbm4b:s4+s16], $0x80, s7, s16, $0xb8;
	[tilespmem:$0x1F800] =	vst v63  }
0x36: {  	_ =	swait.ge [sflag:s25], $0x2800  }
0x37: {  	[sflag:s25] =	ssyncset.done $0x0  }
0x38: {  	s8 =	simm.s32 $0x2100;
	[sflag:s25] =	ssyncadd.s32 $0xFFFFD800  }
0x39: {  	[spmem:s1] =	stream.indirect.scatter.add.f32 [tilespmem:s22], [sflag:$0x6], $0x80, s8, s16, $0xb8;
	[tilespmem:$0x1F800] =	vst v63  }
0x3a: {  	_ =	swait.ge [sflag:s26], $0x2800  }
0x3b: {  	[sflag:s26] =	ssyncset.done $0x0  }
0x3c: {  	s7 =	simm.s32 $0x200;
	[sflag:s26] =	ssyncadd.s32 $0xFFFFD800  }
0x3d: {  	[tilespmem:s19], [sflag:$0x2] =	stream.indirect.gather [hbm4b:s4+s16], $0x80, s7, s16, $0xb8;
	[tilespmem:$0x1F800] =	vst v63  }
0x3e: {  	_ =	swait.ge [sflag:s20], $0x2800  }
0x3f: {  	[sflag:s20] =	ssyncset.done $0x0  }
0x40: {  	s8 =	simm.s32 $0x2180;
	[sflag:s20] =	ssyncadd.s32 $0xFFFFD800  }
0x41: {  	[spmem:s1] =	stream.indirect.scatter.add.f32 [tilespmem:s17], [sflag:$0x4], $0x80, s8, s16, $0xb8;
	[tilespmem:$0x1F800] =	vst v63  }
0x42: {  	_ =	swait.ge [sflag:s28], $0x2800  }
0x43: {  	[sflag:s28] =	ssyncset.done $0x0  }
0x44: {  	s5 =	simm.s32 $0x600;
	s7 =	simm.s32 $0x280;
	[sflag:s28] =	ssyncadd.s32 $0xFFFFD800  }
.LBB2_2:
0x45: {  	[tilespmem:s22], [sflag:$0x3] =	stream.indirect.gather [hbm4b:s4+s16], $0x80, s7, s16, $0xb8;
	[tilespmem:$0x1F800] =	vst v63  }
0x46: {  	s7 =	smov.u32 s5  }
0x47: {  	p0 =	sne.s32 s5, $0x7200;
	s5 =	sadd.s32 $0x600, s5;
	_ =	swait.ge [sflag:s23], $0x2800  }
0x48: {  	s7 =	sshra.s32 s7, $0x2;
	[sflag:s23] =	ssyncset.done $0x0  }
0x49: {  	s8 =	sadd.s32 $0x2080, s7;
	[sflag:s23] =	ssyncadd.s32 $0xFFFFD800  }
0x4a: {  	[spmem:s1] =	stream.indirect.scatter.add.f32 [tilespmem:s19], [sflag:$0x5], $0x80, s8, s16, $0xb8;
	[tilespmem:$0x1F800] =	vst v63  }
0x4b: {  	_ =	swait.ge [sflag:s24], $0x2800  }
0x4c: {  	[sflag:s24] =	ssyncset.done $0x0  }
0x4d: {  	s8 =	sadd.s32 $0x180, s7;
	[sflag:s24] =	ssyncadd.s32 $0xFFFFD800  }
0x4e: {  	[tilespmem:s17], [sflag:$0x1] =	stream.indirect.gather [hbm4b:s4+s16], $0x80, s8, s16, $0xb8;
	[tilespmem:$0x1F800] =	vst v63  }
0x4f: {  	_ =	swait.ge [sflag:s25], $0x2800  }
0x50: {  	[sflag:s25] =	ssyncset.done $0x0  }
0x51: {  	s8 =	sadd.s32 $0x2100, s7;
	[sflag:s25] =	ssyncadd.s32 $0xFFFFD800  }
0x52: {  	[spmem:s1] =	stream.indirect.scatter.add.f32 [tilespmem:s22], [sflag:$0x6], $0x80, s8, s16, $0xb8;
	[tilespmem:$0x1F800] =	vst v63  }
0x53: {  	_ =	swait.ge [sflag:s26], $0x2800  }
0x54: {  	[sflag:s26] =	ssyncset.done $0x0  }
0x55: {  	s8 =	sadd.s32 $0x200, s7;
	[sflag:s26] =	ssyncadd.s32 $0xFFFFD800  }
0x56: {  	[tilespmem:s19], [sflag:$0x2] =	stream.indirect.gather [hbm4b:s4+s16], $0x80, s8, s16, $0xb8;
	[tilespmem:$0x1F800] =	vst v63  }
0x57: {  	_ =	swait.ge [sflag:s20], $0x2800  }
0x58: {  	[sflag:s20] =	ssyncset.done $0x0  }
.Ltmp0:
0x59: {  	s8 =	sadd.s32 $0x2180, s7;
	[sflag:s20] =	ssyncadd.s32 $0xFFFFD800;
	(pc) =	sbr.rel @p0 .LBB2_2-.Ltmp0, $4  }
0x5a: {  	[spmem:s1] =	stream.indirect.scatter.add.f32 [tilespmem:s17], [sflag:$0x4], $0x80, s8, s16, $0xb8;
	[tilespmem:$0x1F800] =	vst v63  }
0x5b: {  	_ =	swait.ge [sflag:s28], $0x2800  }
0x5c: {  	[sflag:s28] =	ssyncset.done $0x0  }
0x5d: {  	s7 =	sadd.s32 $0x280, s7;
	[sflag:s28] =	ssyncadd.s32 $0xFFFFD800  }
0x5e: {  	[tilespmem:s22], [sflag:$0x3] =	stream.indirect.gather [hbm4b:s4+s16], $0x80, s7, s16, $0xb8;
	[tilespmem:$0x1F800] =	vst v63  }
0x5f: {  	_ =	swait.ge [sflag:s23], $0x2800  }
0x60: {  	[sflag:s23] =	ssyncset.done $0x0  }
0x61: {  	[sflag:s23] =	ssyncadd.s32 $0xFFFFD800  }
0x62: {  	[spmem:s1] =	stream.indirect.scatter.add.f32 [tilespmem:s19], [sflag:$0x5], $0x80, s29, s16, $0xb8;
	[tilespmem:$0x1F800] =	vst v63  }
0x63: {  	_ =	swait.ge [sflag:s24], $0x2800  }
0x64: {  	[sflag:s24] =	ssyncset.done $0x0  }
0x65: {  	[sflag:s24] =	ssyncadd.s32 $0xFFFFD800  }
0x66: {  	[tilespmem:s17], [sflag:$0x1] =	stream.indirect.gather [hbm4b:s4+s16], $0x80, s30, s16, $0xb8;
	[tilespmem:$0x1F800] =	vst v63  }
0x67: {  	_ =	swait.ge [sflag:s25], $0x2800  }
0x68: {  	[sflag:s25] =	ssyncset.done $0x0  }
0x69: {  	[sflag:s25] =	ssyncadd.s32 $0xFFFFD800  }
0x6a: {  	[spmem:s1] =	stream.indirect.scatter.add.f32 [tilespmem:s22], [sflag:$0x6], $0x80, s31, s16, $0xb8;
	[tilespmem:$0x1F800] =	vst v63  }
0x6b: {  	_ =	swait.ge [sflag:s26], $0x2800  }
0x6c: {  	[sflag:s26] =	ssyncset.done $0x0  }
0x6d: {  	[sflag:s26] =	ssyncadd.s32 $0xFFFFD800  }
0x6e: {  	_ =	swait.ge [sflag:s20], $0x2800  }
0x6f: {  	[sflag:s20] =	ssyncset.done $0x0  }
0x70: {  	[sflag:s20] =	ssyncadd.s32 $0xFFFFD800  }
0x71: {  	[spmem:s1] =	stream.indirect.scatter.add.f32 [tilespmem:s17], [sflag:$0x4], $0x80, s0, s16, $0xb8;
	[tilespmem:$0x1F800] =	vst v63  }
0x72: {  	_ =	swait.ge [sflag:s28], $0x2800  }
0x73: {  	[sflag:s28] =	ssyncset.done $0x0  }
0x74: {  	[sflag:s28] =	ssyncadd.s32 $0xFFFFD800  }
0x75: {  	_ =	swait.ge [sflag:s24], $0x2800  }
0x76: {  	[sflag:s24] =	ssyncset.done $0x0  }
0x77: {  	s5 =	simm.s32 $0x0;
	[sflag:s24] =	ssyncadd.s32 $0xFFFFD800  }
0x78: {  	[tilespmem:s5], [sflag:$0x7] =	stream.linear.gather [hbm4b:s9+s5], $0x2000, $0x38;
	[tilespmem:$0x1F800] =	vst v63  }
0x79: {  	_ =	swait.ge [sflag:s14], $0x2000  }
0x7a: {  	[sflag:s14] =	ssyncset.done $0x0  }
0x7b: {  	[sflag:s14] =	ssyncadd.s32 $0xFFFFE000  }
0x7c: {  	[tilespmem:s15], [sflag:$0x7] =	stream.linear.gather [hbm4b:s10+s5], $0x2000, $0x38;
	[tilespmem:$0x1F800] =	vst v63  }
0x7d: {  	_ =	swait.ge [sflag:s14], $0x2000  }
0x7e: {  	[sflag:s14] =	ssyncset.done $0x0  }
0x7f: {  	[sflag:s14] =	ssyncadd.s32 $0xFFFFE000  }
0x80: {  	[tilespmem:s17], [sflag:$0x1] =	stream.indirect.gather [hbm4b:s4+s16], $0x80, s5, s16, $0xb8;
	[tilespmem:$0x1F800] =	vst v63  }
0x81: {  	_ = 	snop  }
0x82: {  	[tilespmem:s19], [sflag:$0x2] =	stream.indirect.gather [hbm4b:s4+s16], $0x80, s18, s16, $0xb8;
	[tilespmem:$0x1F800] =	vst v63  }
0x83: {  	_ =	swait.ge [sflag:s20], $0x2800  }
0x84: {  	[sflag:s20] =	ssyncset.done $0x0  }
0x85: {  	[sflag:s20] =	ssyncadd.s32 $0xFFFFD800  }
0x86: {  	[spmem:s1] =	stream.indirect.scatter.add.f32 [tilespmem:s17], [sflag:$0x4], $0x80, s15, s16, $0xb8;
	[tilespmem:$0x1F800] =	vst v63  }
0x87: {  	_ = 	snop  }
0x88: {  	[tilespmem:s22], [sflag:$0x3] =	stream.indirect.gather [hbm4b:s4+s16], $0x80, s21, s16, $0xb8;
	[tilespmem:$0x1F800] =	vst v63  }
0x89: {  	_ =	swait.ge [sflag:s23], $0x2800  }
0x8a: {  	[sflag:s23] =	ssyncset.done $0x0  }
0x8b: {  	s8 =	simm.s32 $0x2080;
	[sflag:s23] =	ssyncadd.s32 $0xFFFFD800  }
0x8c: {  	[spmem:s1] =	stream.indirect.scatter.add.f32 [tilespmem:s19], [sflag:$0x5], $0x80, s8, s16, $0xb8;
	[tilespmem:$0x1F800] =	vst v63  }
0x8d: {  	_ =	swait.ge [sflag:s24], $0x2800  }
0x8e: {  	[sflag:s24] =	ssyncset.done $0x0  }
0x8f: {  	s7 =	simm.s32 $0x180;
	[sflag:s24] =	ssyncadd.s32 $0xFFFFD800  }
0x90: {  	[tilespmem:s17], [sflag:$0x1] =	stream.indirect.gather [hbm4b:s4+s16], $0x80, s7, s16, $0xb8;
	[tilespmem:$0x1F800] =	vst v63  }
0x91: {  	_ =	swait.ge [sflag:s25], $0x2800  }
0x92: {  	[sflag:s25] =	ssyncset.done $0x0  }
0x93: {  	s8 =	simm.s32 $0x2100;
	[sflag:s25] =	ssyncadd.s32 $0xFFFFD800  }
0x94: {  	[spmem:s1] =	stream.indirect.scatter.add.f32 [tilespmem:s22], [sflag:$0x6], $0x80, s8, s16, $0xb8;
	[tilespmem:$0x1F800] =	vst v63  }
0x95: {  	_ =	swait.ge [sflag:s26], $0x2800  }
0x96: {  	[sflag:s26] =	ssyncset.done $0x0  }
0x97: {  	s7 =	simm.s32 $0x200;
	[sflag:s26] =	ssyncadd.s32 $0xFFFFD800  }
0x98: {  	[tilespmem:s19], [sflag:$0x2] =	stream.indirect.gather [hbm4b:s4+s16], $0x80, s7, s16, $0xb8;
	[tilespmem:$0x1F800] =	vst v63  }
0x99: {  	_ =	swait.ge [sflag:s20], $0x2800  }
0x9a: {  	[sflag:s20] =	ssyncset.done $0x0  }
0x9b: {  	s8 =	simm.s32 $0x2180;
	[sflag:s20] =	ssyncadd.s32 $0xFFFFD800  }
0x9c: {  	[spmem:s1] =	stream.indirect.scatter.add.f32 [tilespmem:s17], [sflag:$0x4], $0x80, s8, s16, $0xb8;
	[tilespmem:$0x1F800] =	vst v63  }
0x9d: {  	_ =	swait.ge [sflag:s28], $0x2800  }
0x9e: {  	[sflag:s28] =	ssyncset.done $0x0  }
0x9f: {  	s5 =	simm.s32 $0x600;
	s7 =	simm.s32 $0x280;
	[sflag:s28] =	ssyncadd.s32 $0xFFFFD800  }
.LBB2_4:
0xa0: {  	[tilespmem:s22], [sflag:$0x3] =	stream.indirect.gather [hbm4b:s4+s16], $0x80, s7, s16, $0xb8;
	[tilespmem:$0x1F800] =	vst v63  }
0xa1: {  	s7 =	smov.u32 s5  }
0xa2: {  	p0 =	sne.s32 s5, $0x7200;
	s5 =	sadd.s32 $0x600, s5;
	_ =	swait.ge [sflag:s23], $0x2800  }
0xa3: {  	s7 =	sshra.s32 s7, $0x2;
	[sflag:s23] =	ssyncset.done $0x0  }
0xa4: {  	s8 =	sadd.s32 $0x2080, s7;
	[sflag:s23] =	ssyncadd.s32 $0xFFFFD800  }
0xa5: {  	[spmem:s1] =	stream.indirect.scatter.add.f32 [tilespmem:s19], [sflag:$0x5], $0x80, s8, s16, $0xb8;
	[tilespmem:$0x1F800] =	vst v63  }
0xa6: {  	_ =	swait.ge [sflag:s24], $0x2800  }
0xa7: {  	[sflag:s24] =	ssyncset.done $0x0  }
0xa8: {  	s8 =	sadd.s32 $0x180, s7;
	[sflag:s24] =	ssyncadd.s32 $0xFFFFD800  }
0xa9: {  	[tilespmem:s17], [sflag:$0x1] =	stream.indirect.gather [hbm4b:s4+s16], $0x80, s8, s16, $0xb8;
	[tilespmem:$0x1F800] =	vst v63  }
0xaa: {  	_ =	swait.ge [sflag:s25], $0x2800  }
0xab: {  	[sflag:s25] =	ssyncset.done $0x0  }
0xac: {  	s8 =	sadd.s32 $0x2100, s7;
	[sflag:s25] =	ssyncadd.s32 $0xFFFFD800  }
0xad: {  	[spmem:s1] =	stream.indirect.scatter.add.f32 [tilespmem:s22], [sflag:$0x6], $0x80, s8, s16, $0xb8;
	[tilespmem:$0x1F800] =	vst v63  }
0xae: {  	_ =	swait.ge [sflag:s26], $0x2800  }
0xaf: {  	[sflag:s26] =	ssyncset.done $0x0  }
0xb0: {  	s8 =	sadd.s32 $0x200, s7;
	[sflag:s26] =	ssyncadd.s32 $0xFFFFD800  }
0xb1: {  	[tilespmem:s19], [sflag:$0x2] =	stream.indirect.gather [hbm4b:s4+s16], $0x80, s8, s16, $0xb8;
	[tilespmem:$0x1F800] =	vst v63  }
0xb2: {  	_ =	swait.ge [sflag:s20], $0x2800  }
0xb3: {  	[sflag:s20] =	ssyncset.done $0x0  }
.Ltmp1:
0xb4: {  	s8 =	sadd.s32 $0x2180, s7;
	[sflag:s20] =	ssyncadd.s32 $0xFFFFD800;
	(pc) =	sbr.rel @p0 .LBB2_4-.Ltmp1, $4  }
0xb5: {  	[spmem:s1] =	stream.indirect.scatter.add.f32 [tilespmem:s17], [sflag:$0x4], $0x80, s8, s16, $0xb8;
	[tilespmem:$0x1F800] =	vst v63  }
0xb6: {  	_ =	swait.ge [sflag:s28], $0x2800  }
0xb7: {  	[sflag:s28] =	ssyncset.done $0x0  }
0xb8: {  	s7 =	sadd.s32 $0x280, s7;
	[sflag:s28] =	ssyncadd.s32 $0xFFFFD800  }
0xb9: {  	[tilespmem:s22], [sflag:$0x3] =	stream.indirect.gather [hbm4b:s4+s16], $0x80, s7, s16, $0xb8;
	[tilespmem:$0x1F800] =	vst v63  }
0xba: {  	_ =	swait.ge [sflag:s23], $0x2800  }
0xbb: {  	[sflag:s23] =	ssyncset.done $0x0  }
0xbc: {  	[sflag:s23] =	ssyncadd.s32 $0xFFFFD800  }
0xbd: {  	[spmem:s1] =	stream.indirect.scatter.add.f32 [tilespmem:s19], [sflag:$0x5], $0x80, s29, s16, $0xb8;
	[tilespmem:$0x1F800] =	vst v63  }
0xbe: {  	_ =	swait.ge [sflag:s24], $0x2800  }
0xbf: {  	[sflag:s24] =	ssyncset.done $0x0  }
0xc0: {  	[sflag:s24] =	ssyncadd.s32 $0xFFFFD800  }
0xc1: {  	[tilespmem:s17], [sflag:$0x1] =	stream.indirect.gather [hbm4b:s4+s16], $0x80, s30, s16, $0xb8;
	[tilespmem:$0x1F800] =	vst v63  }
0xc2: {  	_ =	swait.ge [sflag:s25], $0x2800  }
0xc3: {  	[sflag:s25] =	ssyncset.done $0x0  }
0xc4: {  	[sflag:s25] =	ssyncadd.s32 $0xFFFFD800  }
0xc5: {  	[spmem:s1] =	stream.indirect.scatter.add.f32 [tilespmem:s22], [sflag:$0x6], $0x80, s31, s16, $0xb8;
	[tilespmem:$0x1F800] =	vst v63  }
0xc6: {  	_ =	swait.ge [sflag:s26], $0x2800  }
0xc7: {  	[sflag:s26] =	ssyncset.done $0x0  }
0xc8: {  	[sflag:s26] =	ssyncadd.s32 $0xFFFFD800  }
0xc9: {  	_ =	swait.ge [sflag:s20], $0x2800  }
0xca: {  	[sflag:s20] =	ssyncset.done $0x0  }
0xcb: {  	[sflag:s20] =	ssyncadd.s32 $0xFFFFD800  }
0xcc: {  	[spmem:s1] =	stream.indirect.scatter.add.f32 [tilespmem:s17], [sflag:$0x4], $0x80, s0, s16, $0xb8;
	[tilespmem:$0x1F800] =	vst v63  }
0xcd: {  	_ =	swait.ge [sflag:s28], $0x2800  }
0xce: {  	[sflag:s28] =	ssyncset.done $0x0  }
0xcf: {  	[sflag:s28] =	ssyncadd.s32 $0xFFFFD800  }
0xd0: {  	_ =	swait.ge [sflag:s24], $0x2800  }
0xd1: {  	s2 =	sadd.s32 $0x1, s2;
	[sflag:s24] =	ssyncset.done $0x0  }
0xd2: {  	p0 =	sne.s32 s2, s12;
	[sflag:s24] =	ssyncadd.s32 $0xFFFFD800  }
.Ltmp2:
0xd3: {  	[bflag:$0x0] =	sbarrier.arrive $0xFFFF;
	(pc) =	sbr.rel @p0 .LBB2_1-.Ltmp2, $4  }
0xd4: {  	[hbm:s11], [sflag:s6] =	dma.local [spmem:s13], $0x2800  }
0xd5: {  	_ =	swait.ge [sflag:s14], $0x2800  }
0xd6: {  	[sflag:s14] =	ssyncset.done $0x0  }
0xd7: {  	[sflag:s14] =	ssyncadd.s32 $0xFFFFD800  }
0xd8: {  	_ =	sfence.sel $0x180000  }
0xd9: {  	[bflag:$0x0] =	sbarrier.arrive $0xFFFF  }
0xda: {  	_ =	strace $0x90000050  }
0xdb: {  	s0 =	stileid.u32;
	[bflag:$0x2] =	sbarrier.arrive $0xFFFF  }
0xdc: {  	p0 =	sne.s32 s0, $0x0;
	s0 =	rddreg [dreg:$0x3]  }
0xdd: {  	s0 =	sadd.s32 @!p0 $0x100000, s0  }
0xde: {  	[sflag:s0] =	ssyncadd.tile.s32 @!p0 $0x1;
	_ =	shalt  }
.Lfunc_end2:
_tile_overlayer_lowered:
.L_overlay_start_2:
0xdf: {  	(tag) =	ssettag $0x2  }
0xe0: {  	s0 =	rddreg [dreg:$0x0];
	s2 =	stileid.u32  }
0xe1: {  	s1 =	rddreg [dreg:$0x1];
	p0 =	sne.s32 s2, $0x0  }
0xe2: {  	s3 =	rddreg [dreg:$0x2];
	[bflag:$0x3] =	sbarrier.arrive $0xFFFF;
	s2 =	simm.s32 @!p0 $0x1C07  }
0xe3: {  	[timem:s3], [sflag:s2] =	dma.local @!p0 [hbm:s0], s1  }
0xe4: {  	s0 =	simm.s32 @!p0 $0x7  }
0xe5: {  	_ =	swait.ge @!p0 [sflag:s0], s1  }
0xe6: {  	s1 =	ssub.s32 @!p0 $0x0, s1;
	[sflag:s0] =	ssyncset.done @!p0 $0x0  }
0xe7: {  	[sflag:s0] =	ssyncadd.s32 @!p0 s1  }
0xe8: {  	[bflag:$0x3] =	sbarrier.arrive $0xFFFF  }
0xe9: {  	_ =	shalt  }

</sc_bundles>
